<compile_context>
chip_gen: v7x
topology: tpu7x:2x2x1
jax: 0.10.2.dev20260603
libtpu: 0.0.44.dev20260713+nightly
codegen_flags: <defaults>
</compile_context>

<pallas_src>
import functools

import jax
import jax.numpy as jnp
from jax import lax
from jax.experimental import pallas as pl
from jax.experimental.pallas import tpu as pltpu
from jax.experimental.pallas import tpu_sc as plsc

BATCH = 16384
HIST = 50
EMBED = 32


def _build_sc_gather():
    info = plsc.get_sparse_core_info()
    nw = info.num_cores * info.num_subcores
    rows_per_w = BATCH // nw
    nq = rows_per_w // 128
    mesh = plsc.VectorSubcoreMesh(core_axis_name="c", subcore_axis_name="s")

    @functools.partial(
        pl.kernel,
        mesh=mesh,
        out_type=jax.ShapeDtypeStruct((HIST, EMBED // 8, 128, 8, 128), jnp.float32),
        scratch_types=[
            pltpu.VMEM((HIST, rows_per_w), jnp.int32),
            pltpu.VMEM((2, rows_per_w, EMBED), jnp.float32),
            pltpu.VMEM((2, EMBED // 8, nq, 8, 128), jnp.float32),
            [pltpu.SemaphoreType.DMA] * 2,
            [pltpu.SemaphoreType.DMA] * 2,
        ],
        compiler_params=pltpu.CompilerParams(
            use_tc_tiling_on_sc=False, needs_layout_passes=False
        ),
    )
    def gather_kernel(xt_hbm, table_hbm, out_hbm, idx_t, rows_v, t_v, gsem, ssem):
        wid = lax.axis_index("s") * info.num_cores + lax.axis_index("c")
        base = wid * rows_per_w

        pltpu.sync_copy(xt_hbm.at[pl.ds(0, HIST), pl.ds(base, rows_per_w)], idx_t)

        lanes = lax.iota(jnp.int32, 16)

        def fire_gather(h, p):
            pltpu.async_copy(table_hbm.at[idx_t.at[h]], rows_v.at[p], gsem[p])

        def drain_gather(h, p):
            pltpu.make_async_copy(
                table_hbm.at[idx_t.at[h]], rows_v.at[p], gsem[p]
            ).wait()

        def fire_store(h, p):
            pltpu.async_copy(
                t_v.at[p],
                out_hbm.at[h, pl.ds(0, EMBED // 8), pl.ds(wid * nq, nq)],
                ssem[p],
            )

        def drain_store(h, p):
            pltpu.make_async_copy(
                t_v.at[p],
                out_hbm.at[h, pl.ds(0, EMBED // 8), pl.ds(wid * nq, nq)],
                ssem[p],
            ).wait()

        def transpose_block(p):
            def qbody(i, carry):
                q = i // 8
                j = i % 8
                qv = jnp.full((16,), 0, jnp.int32) + q
                rowv = q * 128 + j * 16 + lanes
                blov = j * 16 + lanes
                for e0 in range(EMBED):
                    ev = (e0 + lanes) & (EMBED - 1)
                    vals = plsc.load_gather(rows_v.at[p], [rowv, ev])
                    plsc.store_scatter(
                        t_v.at[p], [ev >> 3, qv, ev & 7, blov], vals
                    )
                return carry

            lax.fori_loop(0, nq * 8, qbody, 0)

        fire_gather(0, 0)
        fire_gather(1, 1)
        for h in (0, 1):
            drain_gather(h, h)
            transpose_block(h)
            fire_store(h, h)
            fire_gather(h + 2, h)

        def body(rr, carry):
            for q in range(2):
                h = 2 * rr + q
                drain_gather(h, q)
                drain_store(h - 2, q)
                transpose_block(q)
                fire_store(h, q)

                @pl.when(h + 2 < HIST)
                def _():
                    fire_gather(h + 2, q)

            return carry

        lax.fori_loop(1, HIST // 2, body, 0)

        drain_store(HIST - 2, 0)
        drain_store(HIST - 1, 1)

    return gather_kernel


_sc_gather = _build_sc_gather()


def kernel(x, table):
    y = _sc_gather(x.T, table)
    return y.transpose(2, 4, 0, 1, 3).reshape(BATCH, HIST, EMBED)

# --- scband reference (transcript-rebuilt; emitter-appended) ---
"""Pipeline reference for scband-language-embedding-59090160058634 (READ-ONLY COPY).

The authoritative reference and input builder live on the scoring server;
editing this copy changes nothing except your own understanding.
"""

import jax, jax.numpy as jnp
import numpy as np

VOCAB = 1000000
EMBED_DIM = 32
BATCH = 16384
HIST = 50


def setup_inputs(seed: int = 0) -> dict:
    key = jax.random.key(seed)
    k_idx, k_tab = jax.random.split(key)
    x = jax.random.randint(k_idx, (BATCH, HIST), 0, VOCAB, dtype=jnp.int64 if jax.config.jax_enable_x64 else jnp.int32)
    # xavier_uniform init for embedding weight [VOCAB, EMBED_DIM]
    bound = float(np.sqrt(6.0 / (VOCAB + EMBED_DIM)))
    table = jax.random.uniform(k_tab, (VOCAB, EMBED_DIM), minval=-bound, maxval=bound, dtype=jnp.float32)
    return {"x": x, "table": table}


def reference(x, table):
    # embedding lookup: gather rows of table by x
    embedded = jnp.take(table, x, axis=0)
    return embedded

if __name__ == "__main__":
    import jax
    _d = setup_inputs()
    print(jax.jit(kernel)(*tuple(_d.values())))

</pallas_src>

<mosaic_0001>
#map = affine_map<(d0, d1) -> (0, 0)>
#map1 = affine_map<(d0, d1) -> (0, 0, 0, 0, 0)>
module attributes {stable_mosaic.version = 14 : i64} {
  func.func @gather_kernel(%arg0: i32, %arg1: i32, %arg2: memref<50x16384xi32, #tpu.memory_space<hbm>>, %arg3: memref<1000000x32xf32, #tpu.memory_space<hbm>>, %arg4: memref<50x4x128x8x128xf32, #tpu.memory_space<hbm>>, %arg5: memref<50x512xi32, #tpu.memory_space<vmem>>, %arg6: memref<2x512x32xf32, #tpu.memory_space<vmem>>, %arg7: memref<2x4x4x8x128xf32, #tpu.memory_space<vmem>>, %arg8: memref<!tpu.dma_semaphore, #tpu.memory_space<semaphore_mem>>, %arg9: memref<!tpu.dma_semaphore, #tpu.memory_space<semaphore_mem>>, %arg10: memref<!tpu.dma_semaphore, #tpu.memory_space<semaphore_mem>>, %arg11: memref<!tpu.dma_semaphore, #tpu.memory_space<semaphore_mem>>) attributes {dimension_semantics = [#tpu.dimension_semantics<core_parallel>, #tpu.dimension_semantics<subcore_parallel>], iteration_bounds = array<i64: 2, 16>, scalar_prefetch = 0 : i64, scratch_operands = 7 : i64, tpu.core_type = #tpu.core_type<sc_vector_subcore>, window_params = [{transform_indices = #map}, {transform_indices = #map}, {transform_indices = #map1}]} {
    %mul3A = arith.constant 2 : i32
    %mul3A_0 = arith.muli %arg1, %mul3A : i32
    %add3A = arith.addi %mul3A_0, %arg0 : i32
    %mul3A_1 = arith.constant 512 : i32
    %mul3A_2 = arith.muli %add3A, %mul3A_1 : i32
    "tpu.region"() ({
      %run_scoped3A = tpu.sem_alloc : memref<!tpu.dma_semaphore, #tpu.memory_space<semaphore_mem>>
      %dma_start3A_194 = arith.constant 0 : i32
      %dma_start3A_195 = tpu.memref_slice %arg2[%dma_start3A_194, %mul3A_2] : memref<50x16384xi32, #tpu.memory_space<hbm>> -> memref<50x512xi32, #tpu.memory_space<hbm>>
      %dma_start3A_196 = arith.constant 0 : i32
      %dma_start3A_197 = tpu.memref_slice %arg2[%dma_start3A_196, %mul3A_2] : memref<50x16384xi32, #tpu.memory_space<hbm>> -> memref<50x512xi32, #tpu.memory_space<hbm>>
      tpu.enqueue_dma source(%dma_start3A_197 : memref<50x512xi32, #tpu.memory_space<hbm>>) target(%arg5 : memref<50x512xi32, #tpu.memory_space<vmem>>) target_semaphore(%run_scoped3A : memref<!tpu.dma_semaphore, #tpu.memory_space<semaphore_mem>>)
      %dma_wait3A_198 = arith.constant 0 : i32
      %dma_wait3A_199 = tpu.memref_slice %arg2[%dma_wait3A_198, %mul3A_2] : memref<50x16384xi32, #tpu.memory_space<hbm>> -> memref<50x512xi32, #tpu.memory_space<hbm>>
      %dma_wait3A_200 = arith.constant 0 : i32
      %dma_wait3A_201 = tpu.memref_slice %arg2[%dma_wait3A_200, %mul3A_2] : memref<50x16384xi32, #tpu.memory_space<hbm>> -> memref<50x512xi32, #tpu.memory_space<hbm>>
      tpu.wait_dma2 semaphore(%run_scoped3A : memref<!tpu.dma_semaphore, #tpu.memory_space<semaphore_mem>>) src(%dma_wait3A_201 : memref<50x512xi32, #tpu.memory_space<hbm>>) dst(%arg5 : memref<50x512xi32, #tpu.memory_space<vmem>>)
      tpu.yield
    }) : () -> ()
    %iota3A = tpu.iota {dimensions = array<i32: 0>} : vector<16xi32>
    %dma_start3A = arith.constant 0 : i32
    %dma_start3A_3 = arith.constant 0 : i32
    %dma_start3A_4 = arith.constant 0 : i32
    %dma_start3A_5 = arith.constant 0 : i32
    %dma_start3A_6 = tpu.memref_slice %arg6[%dma_start3A_3, %dma_start3A_4, %dma_start3A_5] : memref<2x512x32xf32, #tpu.memory_space<vmem>> -> memref<1x512x32xf32, #tpu.memory_space<vmem>>
    %dma_start3A_7 = tpu.memref_squeeze %dma_start3A_6 : memref<1x512x32xf32, #tpu.memory_space<vmem>> -> memref<512x32xf32, #tpu.memory_space<vmem>>
    %dma_start3A_8 = arith.constant 0 : i32
    %dma_start3A_9 = tpu.memref_slice %arg5[%dma_start3A, %dma_start3A_8] : memref<50x512xi32, #tpu.memory_space<vmem>> -> memref<1x512xi32, #tpu.memory_space<vmem>>
    %dma_start3A_10 = tpu.memref_squeeze %dma_start3A_9 : memref<1x512xi32, #tpu.memory_space<vmem>> -> memref<512xi32, #tpu.memory_space<vmem>>
    %dma_start3A_11 = arith.constant 0 : i32
    %dma_start3A_12 = arith.constant 0 : i32
    %dma_start3A_13 = tpu.memref_slice %arg3[%dma_start3A_11, %dma_start3A_12] : memref<1000000x32xf32, #tpu.memory_space<hbm>> -> memref<1000000x32xf32, #tpu.memory_space<hbm>>
    tpu.enqueue_indirect_dma source(%dma_start3A_13 : memref<1000000x32xf32, #tpu.memory_space<hbm>>) target(%dma_start3A_7 : memref<512x32xf32, #tpu.memory_space<vmem>>) offsets(%dma_start3A_10 : memref<512xi32, #tpu.memory_space<vmem>>) semaphore(%arg8 : memref<!tpu.dma_semaphore, #tpu.memory_space<semaphore_mem>>)
    %dma_start3A_14 = arith.constant 1 : i32
    %dma_start3A_15 = arith.constant 1 : i32
    %dma_start3A_16 = arith.constant 0 : i32
    %dma_start3A_17 = arith.constant 0 : i32
    %dma_start3A_18 = tpu.memref_slice %arg6[%dma_start3A_15, %dma_start3A_16, %dma_start3A_17] : memref<2x512x32xf32, #tpu.memory_space<vmem>> -> memref<1x512x32xf32, #tpu.memory_space<vmem>>
    %dma_start3A_19 = tpu.memref_squeeze %dma_start3A_18 : memref<1x512x32xf32, #tpu.memory_space<vmem>> -> memref<512x32xf32, #tpu.memory_space<vmem>>
    %dma_start3A_20 = arith.constant 0 : i32
    %dma_start3A_21 = tpu.memref_slice %arg5[%dma_start3A_14, %dma_start3A_20] : memref<50x512xi32, #tpu.memory_space<vmem>> -> memref<1x512xi32, #tpu.memory_space<vmem>>
    %dma_start3A_22 = tpu.memref_squeeze %dma_start3A_21 : memref<1x512xi32, #tpu.memory_space<vmem>> -> memref<512xi32, #tpu.memory_space<vmem>>
    %dma_start3A_23 = arith.constant 0 : i32
    %dma_start3A_24 = arith.constant 0 : i32
    %dma_start3A_25 = tpu.memref_slice %arg3[%dma_start3A_23, %dma_start3A_24] : memref<1000000x32xf32, #tpu.memory_space<hbm>> -> memref<1000000x32xf32, #tpu.memory_space<hbm>>
    tpu.enqueue_indirect_dma source(%dma_start3A_25 : memref<1000000x32xf32, #tpu.memory_space<hbm>>) target(%dma_start3A_19 : memref<512x32xf32, #tpu.memory_space<vmem>>) offsets(%dma_start3A_22 : memref<512xi32, #tpu.memory_space<vmem>>) semaphore(%arg9 : memref<!tpu.dma_semaphore, #tpu.memory_space<semaphore_mem>>)
    %dma_wait3A = arith.constant 0 : i32
    %dma_wait3A_26 = arith.constant 0 : i32
    %dma_wait3A_27 = arith.constant 0 : i32
    %dma_wait3A_28 = arith.constant 0 : i32
    %dma_wait3A_29 = tpu.memref_slice %arg6[%dma_wait3A_26, %dma_wait3A_27, %dma_wait3A_28] : memref<2x512x32xf32, #tpu.memory_space<vmem>> -> memref<1x512x32xf32, #tpu.memory_space<vmem>>
    %dma_wait3A_30 = tpu.memref_squeeze %dma_wait3A_29 : memref<1x512x32xf32, #tpu.memory_space<vmem>> -> memref<512x32xf32, #tpu.memory_space<vmem>>
    %dma_wait3A_31 = arith.constant 0 : i32
    %dma_wait3A_32 = tpu.memref_slice %arg5[%dma_wait3A, %dma_wait3A_31] : memref<50x512xi32, #tpu.memory_space<vmem>> -> memref<1x512xi32, #tpu.memory_space<vmem>>
    %dma_wait3A_33 = tpu.memref_squeeze %dma_wait3A_32 : memref<1x512xi32, #tpu.memory_space<vmem>> -> memref<512xi32, #tpu.memory_space<vmem>>
    %dma_wait3A_34 = arith.constant 0 : i32
    %dma_wait3A_35 = arith.constant 0 : i32
    %dma_wait3A_36 = tpu.memref_slice %arg3[%dma_wait3A_34, %dma_wait3A_35] : memref<1000000x32xf32, #tpu.memory_space<hbm>> -> memref<1000000x32xf32, #tpu.memory_space<hbm>>
    tpu.wait_indirect_dma semaphore(%arg8 : memref<!tpu.dma_semaphore, #tpu.memory_space<semaphore_mem>>) src(%dma_wait3A_36 : memref<1000000x32xf32, #tpu.memory_space<hbm>>) dst(%dma_wait3A_30 : memref<512x32xf32, #tpu.memory_space<vmem>>)
    %scan3A = arith.constant 0 : i32
    %scan3A_37 = arith.constant 0 : i32
    %scan3A_38 = arith.constant 32 : i32
    %scan3A_39 = arith.addi %scan3A_37, %scan3A_38 : i32
    %scan3A_40 = arith.constant 1 : i32
    scf.for %scan3A_194 = %scan3A_37 to %scan3A_39 step %scan3A_40  : i32 {
      %jit3A = arith.constant 8 : i32
      %div3A = arith.divsi %scan3A_194, %jit3A : i32
      %sign3A = arith.constant 0 : i32
      %sign3A_195 = arith.cmpi sgt, %scan3A_194, %sign3A : i32
      %sign3A_196 = arith.extui %sign3A_195 : i1 to i32
      %sign3A_197 = arith.constant 0 : i32
      %sign3A_198 = arith.cmpi slt, %scan3A_194, %sign3A_197 : i32
      %sign3A_199 = arith.extui %sign3A_198 : i1 to i32
      %sign3A_200 = arith.subi %sign3A_196, %sign3A_199 : i32
      %sign3A_201 = arith.constant 0 : i32
      %sign3A_202 = arith.cmpi sgt, %jit3A, %sign3A_201 : i32
      %sign3A_203 = arith.extui %sign3A_202 : i1 to i32
      %sign3A_204 = arith.constant 0 : i32
      %sign3A_205 = arith.cmpi slt, %jit3A, %sign3A_204 : i32
      %sign3A_206 = arith.extui %sign3A_205 : i1 to i32
      %sign3A_207 = arith.subi %sign3A_203, %sign3A_206 : i32
      %ne3A = arith.cmpi ne, %sign3A_200, %sign3A_207 : i32
      %rem3A = arith.remsi %scan3A_194, %jit3A : i32
      %ne3A_208 = arith.constant 0 : i32
      %ne3A_209 = arith.cmpi ne, %rem3A, %ne3A_208 : i32
      %and3A = arith.andi %ne3A, %ne3A_209 : i1
      %sub3A = arith.constant 1 : i32
      %sub3A_210 = arith.subi %div3A, %sub3A : i32
      %select_n3A = arith.select %and3A, %sub3A_210, %div3A : i32
      %jit3A_211 = arith.constant 8 : i32
      %eq3A = arith.constant 0 : i32
      %eq3A_212 = arith.cmpi eq, %jit3A_211, %eq3A : i32
      %jit3A_213 = arith.constant 1 : i32
      %select_n3A_214 = arith.select %eq3A_212, %jit3A_213, %jit3A_211 : i32
      %rem3A_215 = arith.remsi %scan3A_194, %select_n3A_214 : i32
      %ne3A_216 = arith.constant 0 : i32
      %ne3A_217 = arith.cmpi ne, %rem3A_215, %ne3A_216 : i32
      %lt3A = arith.constant 0 : i32
      %lt3A_218 = arith.cmpi slt, %rem3A_215, %lt3A : i32
      %lt3A_219 = arith.constant 0 : i32
      %lt3A_220 = arith.cmpi slt, %select_n3A_214, %lt3A_219 : i32
      %ne3A_221 = arith.xori %lt3A_218, %lt3A_220 : i1
      %and3A_222 = arith.andi %ne3A_221, %ne3A_217 : i1
      %add3A_223 = arith.addi %rem3A_215, %select_n3A_214 : i32
      %select_n3A_224 = arith.select %and3A_222, %add3A_223, %rem3A_215 : i32
      %broadcast_in_dim3A = arith.constant 0 : i32
      %broadcast_in_dim3A_225 = vector.broadcast %broadcast_in_dim3A : i32 to vector<16xi32>
      %add3A_226 = vector.broadcast %select_n3A : i32 to vector<16xi32>
      %add3A_227 = arith.addi %broadcast_in_dim3A_225, %add3A_226 : vector<16xi32>
      %mul3A_228 = arith.constant 128 : i32
      %mul3A_229 = arith.muli %select_n3A, %mul3A_228 : i32
      %mul3A_230 = arith.constant 16 : i32
      %mul3A_231 = arith.muli %select_n3A_224, %mul3A_230 : i32
      %add3A_232 = arith.addi %mul3A_229, %mul3A_231 : i32
      %add3A_233 = vector.broadcast %add3A_232 : i32 to vector<16xi32>
      %add3A_234 = arith.addi %add3A_233, %iota3A : vector<16xi32>
      %mul3A_235 = arith.constant 16 : i32
      %mul3A_236 = arith.muli %select_n3A_224, %mul3A_235 : i32
      %add3A_237 = vector.broadcast %mul3A_236 : i32 to vector<16xi32>
      %add3A_238 = arith.addi %add3A_237, %iota3A : vector<16xi32>
      %add3A_239 = arith.constant 0 : i32
      %add3A_240 = vector.broadcast %add3A_239 : i32 to vector<16xi32>
      %add3A_241 = arith.addi %add3A_240, %iota3A : vector<16xi32>
      %and3A_242 = arith.constant 31 : i32
      %and3A_243 = vector.broadcast %and3A_242 : i32 to vector<16xi32>
      %and3A_244 = arith.andi %add3A_241, %and3A_243 : vector<16xi32>
      %gather3A = arith.constant 0 : i32
      %gather3A_245 = arith.constant 0 : i32
      %gather3A_246 = arith.constant 0 : i32
      %gather3A_247 = tpu.memref_slice %arg6[%gather3A, %gather3A_245, %gather3A_246] : memref<2x512x32xf32, #tpu.memory_space<vmem>> -> memref<1x512x32xf32, #tpu.memory_space<vmem>>
      %gather3A_248 = tpu.memref_squeeze %gather3A_247 : memref<1x512x32xf32, #tpu.memory_space<vmem>> -> memref<512x32xf32, #tpu.memory_space<vmem>>
      %gather3A_249 = tpu.vector_load_idx %gather3A_248[%add3A_234, %and3A_244] : memref<512x32xf32, #tpu.memory_space<vmem>>[vector<16xi32>, vector<16xi32>], vector<16xf32>,
      %shift_right_arithmetic3A = arith.constant 3 : i32
      %shift_right_arithmetic3A_250 = vector.broadcast %shift_right_arithmetic3A : i32 to vector<16xi32>
      %shift_right_arithmetic3A_251 = arith.shrsi %and3A_244, %shift_right_arithmetic3A_250 : vector<16xi32>
      %and3A_252 = arith.constant 7 : i32
      %and3A_253 = vector.broadcast %and3A_252 : i32 to vector<16xi32>
      %and3A_254 = arith.andi %and3A_244, %and3A_253 : vector<16xi32>
      %scatter3A = arith.constant 0 : i32
      %scatter3A_255 = arith.constant 0 : i32
      %scatter3A_256 = arith.constant 0 : i32
      %scatter3A_257 = arith.constant 0 : i32
      %scatter3A_258 = arith.constant 0 : i32
      %scatter3A_259 = tpu.memref_slice %arg7[%scatter3A, %scatter3A_255, %scatter3A_256, %scatter3A_257, %scatter3A_258] : memref<2x4x4x8x128xf32, #tpu.memory_space<vmem>> -> memref<1x4x4x8x128xf32, #tpu.memory_space<vmem>>
      %scatter3A_260 = tpu.memref_squeeze %scatter3A_259 : memref<1x4x4x8x128xf32, #tpu.memory_space<vmem>> -> memref<4x4x8x128xf32, #tpu.memory_space<vmem>>
      tpu.vector_store_idx %scatter3A_260[%shift_right_arithmetic3A_251, %add3A_227, %and3A_254, %add3A_238], %gather3A_249 : memref<4x4x8x128xf32, #tpu.memory_space<vmem>>[vector<16xi32>, vector<16xi32>, vector<16xi32>, vector<16xi32>], vector<16xf32>,
      %add3A_261 = arith.constant 1 : i32
      %add3A_262 = vector.broadcast %add3A_261 : i32 to vector<16xi32>
      %add3A_263 = arith.addi %add3A_262, %iota3A : vector<16xi32>
      %and3A_264 = arith.constant 31 : i32
      %and3A_265 = vector.broadcast %and3A_264 : i32 to vector<16xi32>
      %and3A_266 = arith.andi %add3A_263, %and3A_265 : vector<16xi32>
      %gather3A_267 = arith.constant 0 : i32
      %gather3A_268 = arith.constant 0 : i32
      %gather3A_269 = arith.constant 0 : i32
      %gather3A_270 = tpu.memref_slice %arg6[%gather3A_267, %gather3A_268, %gather3A_269] : memref<2x512x32xf32, #tpu.memory_space<vmem>> -> memref<1x512x32xf32, #tpu.memory_space<vmem>>
      %gather3A_271 = tpu.memref_squeeze %gather3A_270 : memref<1x512x32xf32, #tpu.memory_space<vmem>> -> memref<512x32xf32, #tpu.memory_space<vmem>>
      %gather3A_272 = tpu.vector_load_idx %gather3A_271[%add3A_234, %and3A_266] : memref<512x32xf32, #tpu.memory_space<vmem>>[vector<16xi32>, vector<16xi32>], vector<16xf32>,
      %shift_right_arithmetic3A_273 = arith.constant 3 : i32
      %shift_right_arithmetic3A_274 = vector.broadcast %shift_right_arithmetic3A_273 : i32 to vector<16xi32>
      %shift_right_arithmetic3A_275 = arith.shrsi %and3A_266, %shift_right_arithmetic3A_274 : vector<16xi32>
      %and3A_276 = arith.constant 7 : i32
      %and3A_277 = vector.broadcast %and3A_276 : i32 to vector<16xi32>
      %and3A_278 = arith.andi %and3A_266, %and3A_277 : vector<16xi32>
      %scatter3A_279 = arith.constant 0 : i32
      %scatter3A_280 = arith.constant 0 : i32
      %scatter3A_281 = arith.constant 0 : i32
      %scatter3A_282 = arith.constant 0 : i32
      %scatter3A_283 = arith.constant 0 : i32
      %scatter3A_284 = tpu.memref_slice %arg7[%scatter3A_279, %scatter3A_280, %scatter3A_281, %scatter3A_282, %scatter3A_283] : memref<2x4x4x8x128xf32, #tpu.memory_space<vmem>> -> memref<1x4x4x8x128xf32, #tpu.memory_space<vmem>>
      %scatter3A_285 = tpu.memref_squeeze %scatter3A_284 : memref<1x4x4x8x128xf32, #tpu.memory_space<vmem>> -> memref<4x4x8x128xf32, #tpu.memory_space<vmem>>
      tpu.vector_store_idx %scatter3A_285[%shift_right_arithmetic3A_275, %add3A_227, %and3A_278, %add3A_238], %gather3A_272 : memref<4x4x8x128xf32, #tpu.memory_space<vmem>>[vector<16xi32>, vector<16xi32>, vector<16xi32>, vector<16xi32>], vector<16xf32>,
      %add3A_286 = arith.constant 2 : i32
      %add3A_287 = vector.broadcast %add3A_286 : i32 to vector<16xi32>
      %add3A_288 = arith.addi %add3A_287, %iota3A : vector<16xi32>
      %and3A_289 = arith.constant 31 : i32
      %and3A_290 = vector.broadcast %and3A_289 : i32 to vector<16xi32>
      %and3A_291 = arith.andi %add3A_288, %and3A_290 : vector<16xi32>
      %gather3A_292 = arith.constant 0 : i32
      %gather3A_293 = arith.constant 0 : i32
      %gather3A_294 = arith.constant 0 : i32
      %gather3A_295 = tpu.memref_slice %arg6[%gather3A_292, %gather3A_293, %gather3A_294] : memref<2x512x32xf32, #tpu.memory_space<vmem>> -> memref<1x512x32xf32, #tpu.memory_space<vmem>>
      %gather3A_296 = tpu.memref_squeeze %gather3A_295 : memref<1x512x32xf32, #tpu.memory_space<vmem>> -> memref<512x32xf32, #tpu.memory_space<vmem>>
      %gather3A_297 = tpu.vector_load_idx %gather3A_296[%add3A_234, %and3A_291] : memref<512x32xf32, #tpu.memory_space<vmem>>[vector<16xi32>, vector<16xi32>], vector<16xf32>,
      %shift_right_arithmetic3A_298 = arith.constant 3 : i32
      %shift_right_arithmetic3A_299 = vector.broadcast %shift_right_arithmetic3A_298 : i32 to vector<16xi32>
      %shift_right_arithmetic3A_300 = arith.shrsi %and3A_291, %shift_right_arithmetic3A_299 : vector<16xi32>
      %and3A_301 = arith.constant 7 : i32
      %and3A_302 = vector.broadcast %and3A_301 : i32 to vector<16xi32>
      %and3A_303 = arith.andi %and3A_291, %and3A_302 : vector<16xi32>
      %scatter3A_304 = arith.constant 0 : i32
      %scatter3A_305 = arith.constant 0 : i32
      %scatter3A_306 = arith.constant 0 : i32
      %scatter3A_307 = arith.constant 0 : i32
      %scatter3A_308 = arith.constant 0 : i32
      %scatter3A_309 = tpu.memref_slice %arg7[%scatter3A_304, %scatter3A_305, %scatter3A_306, %scatter3A_307, %scatter3A_308] : memref<2x4x4x8x128xf32, #tpu.memory_space<vmem>> -> memref<1x4x4x8x128xf32, #tpu.memory_space<vmem>>
      %scatter3A_310 = tpu.memref_squeeze %scatter3A_309 : memref<1x4x4x8x128xf32, #tpu.memory_space<vmem>> -> memref<4x4x8x128xf32, #tpu.memory_space<vmem>>
      tpu.vector_store_idx %scatter3A_310[%shift_right_arithmetic3A_300, %add3A_227, %and3A_303, %add3A_238], %gather3A_297 : memref<4x4x8x128xf32, #tpu.memory_space<vmem>>[vector<16xi32>, vector<16xi32>, vector<16xi32>, vector<16xi32>], vector<16xf32>,
      %add3A_311 = arith.constant 3 : i32
      %add3A_312 = vector.broadcast %add3A_311 : i32 to vector<16xi32>
      %add3A_313 = arith.addi %add3A_312, %iota3A : vector<16xi32>
      %and3A_314 = arith.constant 31 : i32
      %and3A_315 = vector.broadcast %and3A_314 : i32 to vector<16xi32>
      %and3A_316 = arith.andi %add3A_313, %and3A_315 : vector<16xi32>
      %gather3A_317 = arith.constant 0 : i32
      %gather3A_318 = arith.constant 0 : i32
      %gather3A_319 = arith.constant 0 : i32
      %gather3A_320 = tpu.memref_slice %arg6[%gather3A_317, %gather3A_318, %gather3A_319] : memref<2x512x32xf32, #tpu.memory_space<vmem>> -> memref<1x512x32xf32, #tpu.memory_space<vmem>>
      %gather3A_321 = tpu.memref_squeeze %gather3A_320 : memref<1x512x32xf32, #tpu.memory_space<vmem>> -> memref<512x32xf32, #tpu.memory_space<vmem>>
      %gather3A_322 = tpu.vector_load_idx %gather3A_321[%add3A_234, %and3A_316] : memref<512x32xf32, #tpu.memory_space<vmem>>[vector<16xi32>, vector<16xi32>], vector<16xf32>,
      %shift_right_arithmetic3A_323 = arith.constant 3 : i32
      %shift_right_arithmetic3A_324 = vector.broadcast %shift_right_arithmetic3A_323 : i32 to vector<16xi32>
      %shift_right_arithmetic3A_325 = arith.shrsi %and3A_316, %shift_right_arithmetic3A_324 : vector<16xi32>
      %and3A_326 = arith.constant 7 : i32
      %and3A_327 = vector.broadcast %and3A_326 : i32 to vector<16xi32>
      %and3A_328 = arith.andi %and3A_316, %and3A_327 : vector<16xi32>
      %scatter3A_329 = arith.constant 0 : i32
      %scatter3A_330 = arith.constant 0 : i32
      %scatter3A_331 = arith.constant 0 : i32
      %scatter3A_332 = arith.constant 0 : i32
      %scatter3A_333 = arith.constant 0 : i32
      %scatter3A_334 = tpu.memref_slice %arg7[%scatter3A_329, %scatter3A_330, %scatter3A_331, %scatter3A_332, %scatter3A_333] : memref<2x4x4x8x128xf32, #tpu.memory_space<vmem>> -> memref<1x4x4x8x128xf32, #tpu.memory_space<vmem>>
      %scatter3A_335 = tpu.memref_squeeze %scatter3A_334 : memref<1x4x4x8x128xf32, #tpu.memory_space<vmem>> -> memref<4x4x8x128xf32, #tpu.memory_space<vmem>>
      tpu.vector_store_idx %scatter3A_335[%shift_right_arithmetic3A_325, %add3A_227, %and3A_328, %add3A_238], %gather3A_322 : memref<4x4x8x128xf32, #tpu.memory_space<vmem>>[vector<16xi32>, vector<16xi32>, vector<16xi32>, vector<16xi32>], vector<16xf32>,
      %add3A_336 = arith.constant 4 : i32
      %add3A_337 = vector.broadcast %add3A_336 : i32 to vector<16xi32>
      %add3A_338 = arith.addi %add3A_337, %iota3A : vector<16xi32>
      %and3A_339 = arith.constant 31 : i32
      %and3A_340 = vector.broadcast %and3A_339 : i32 to vector<16xi32>
      %and3A_341 = arith.andi %add3A_338, %and3A_340 : vector<16xi32>
      %gather3A_342 = arith.constant 0 : i32
      %gather3A_343 = arith.constant 0 : i32
      %gather3A_344 = arith.constant 0 : i32
      %gather3A_345 = tpu.memref_slice %arg6[%gather3A_342, %gather3A_343, %gather3A_344] : memref<2x512x32xf32, #tpu.memory_space<vmem>> -> memref<1x512x32xf32, #tpu.memory_space<vmem>>
      %gather3A_346 = tpu.memref_squeeze %gather3A_345 : memref<1x512x32xf32, #tpu.memory_space<vmem>> -> memref<512x32xf32, #tpu.memory_space<vmem>>
      %gather3A_347 = tpu.vector_load_idx %gather3A_346[%add3A_234, %and3A_341] : memref<512x32xf32, #tpu.memory_space<vmem>>[vector<16xi32>, vector<16xi32>], vector<16xf32>,
      %shift_right_arithmetic3A_348 = arith.constant 3 : i32
      %shift_right_arithmetic3A_349 = vector.broadcast %shift_right_arithmetic3A_348 : i32 to vector<16xi32>
      %shift_right_arithmetic3A_350 = arith.shrsi %and3A_341, %shift_right_arithmetic3A_349 : vector<16xi32>
      %and3A_351 = arith.constant 7 : i32
      %and3A_352 = vector.broadcast %and3A_351 : i32 to vector<16xi32>
      %and3A_353 = arith.andi %and3A_341, %and3A_352 : vector<16xi32>
      %scatter3A_354 = arith.constant 0 : i32
      %scatter3A_355 = arith.constant 0 : i32
      %scatter3A_356 = arith.constant 0 : i32
      %scatter3A_357 = arith.constant 0 : i32
      %scatter3A_358 = arith.constant 0 : i32
      %scatter3A_359 = tpu.memref_slice %arg7[%scatter3A_354, %scatter3A_355, %scatter3A_356, %scatter3A_357, %scatter3A_358] : memref<2x4x4x8x128xf32, #tpu.memory_space<vmem>> -> memref<1x4x4x8x128xf32, #tpu.memory_space<vmem>>
      %scatter3A_360 = tpu.memref_squeeze %scatter3A_359 : memref<1x4x4x8x128xf32, #tpu.memory_space<vmem>> -> memref<4x4x8x128xf32, #tpu.memory_space<vmem>>
      tpu.vector_store_idx %scatter3A_360[%shift_right_arithmetic3A_350, %add3A_227, %and3A_353, %add3A_238], %gather3A_347 : memref<4x4x8x128xf32, #tpu.memory_space<vmem>>[vector<16xi32>, vector<16xi32>, vector<16xi32>, vector<16xi32>], vector<16xf32>,
      %add3A_361 = arith.constant 5 : i32
      %add3A_362 = vector.broadcast %add3A_361 : i32 to vector<16xi32>
      %add3A_363 = arith.addi %add3A_362, %iota3A : vector<16xi32>
      %and3A_364 = arith.constant 31 : i32
      %and3A_365 = vector.broadcast %and3A_364 : i32 to vector<16xi32>
      %and3A_366 = arith.andi %add3A_363, %and3A_365 : vector<16xi32>
      %gather3A_367 = arith.constant 0 : i32
      %gather3A_368 = arith.constant 0 : i32
      %gather3A_369 = arith.constant 0 : i32
      %gather3A_370 = tpu.memref_slice %arg6[%gather3A_367, %gather3A_368, %gather3A_369] : memref<2x512x32xf32, #tpu.memory_space<vmem>> -> memref<1x512x32xf32, #tpu.memory_space<vmem>>
      %gather3A_371 = tpu.memref_squeeze %gather3A_370 : memref<1x512x32xf32, #tpu.memory_space<vmem>> -> memref<512x32xf32, #tpu.memory_space<vmem>>
      %gather3A_372 = tpu.vector_load_idx %gather3A_371[%add3A_234, %and3A_366] : memref<512x32xf32, #tpu.memory_space<vmem>>[vector<16xi32>, vector<16xi32>], vector<16xf32>,
      %shift_right_arithmetic3A_373 = arith.constant 3 : i32
      %shift_right_arithmetic3A_374 = vector.broadcast %shift_right_arithmetic3A_373 : i32 to vector<16xi32>
      %shift_right_arithmetic3A_375 = arith.shrsi %and3A_366, %shift_right_arithmetic3A_374 : vector<16xi32>
      %and3A_376 = arith.constant 7 : i32
      %and3A_377 = vector.broadcast %and3A_376 : i32 to vector<16xi32>
      %and3A_378 = arith.andi %and3A_366, %and3A_377 : vector<16xi32>
      %scatter3A_379 = arith.constant 0 : i32
      %scatter3A_380 = arith.constant 0 : i32
      %scatter3A_381 = arith.constant 0 : i32
      %scatter3A_382 = arith.constant 0 : i32
      %scatter3A_383 = arith.constant 0 : i32
      %scatter3A_384 = tpu.memref_slice %arg7[%scatter3A_379, %scatter3A_380, %scatter3A_381, %scatter3A_382, %scatter3A_383] : memref<2x4x4x8x128xf32, #tpu.memory_space<vmem>> -> memref<1x4x4x8x128xf32, #tpu.memory_space<vmem>>
      %scatter3A_385 = tpu.memref_squeeze %scatter3A_384 : memref<1x4x4x8x128xf32, #tpu.memory_space<vmem>> -> memref<4x4x8x128xf32, #tpu.memory_space<vmem>>
      tpu.vector_store_idx %scatter3A_385[%shift_right_arithmetic3A_375, %add3A_227, %and3A_378, %add3A_238], %gather3A_372 : memref<4x4x8x128xf32, #tpu.memory_space<vmem>>[vector<16xi32>, vector<16xi32>, vector<16xi32>, vector<16xi32>], vector<16xf32>,
      %add3A_386 = arith.constant 6 : i32
      %add3A_387 = vector.broadcast %add3A_386 : i32 to vector<16xi32>
      %add3A_388 = arith.addi %add3A_387, %iota3A : vector<16xi32>
      %and3A_389 = arith.constant 31 : i32
      %and3A_390 = vector.broadcast %and3A_389 : i32 to vector<16xi32>
      %and3A_391 = arith.andi %add3A_388, %and3A_390 : vector<16xi32>
      %gather3A_392 = arith.constant 0 : i32
      %gather3A_393 = arith.constant 0 : i32
      %gather3A_394 = arith.constant 0 : i32
      %gather3A_395 = tpu.memref_slice %arg6[%gather3A_392, %gather3A_393, %gather3A_394] : memref<2x512x32xf32, #tpu.memory_space<vmem>> -> memref<1x512x32xf32, #tpu.memory_space<vmem>>
      %gather3A_396 = tpu.memref_squeeze %gather3A_395 : memref<1x512x32xf32, #tpu.memory_space<vmem>> -> memref<512x32xf32, #tpu.memory_space<vmem>>
      %gather3A_397 = tpu.vector_load_idx %gather3A_396[%add3A_234, %and3A_391] : memref<512x32xf32, #tpu.memory_space<vmem>>[vector<16xi32>, vector<16xi32>], vector<16xf32>,
      %shift_right_arithmetic3A_398 = arith.constant 3 : i32
      %shift_right_arithmetic3A_399 = vector.broadcast %shift_right_arithmetic3A_398 : i32 to vector<16xi32>
      %shift_right_arithmetic3A_400 = arith.shrsi %and3A_391, %shift_right_arithmetic3A_399 : vector<16xi32>
      %and3A_401 = arith.constant 7 : i32
      %and3A_402 = vector.broadcast %and3A_401 : i32 to vector<16xi32>
      %and3A_403 = arith.andi %and3A_391, %and3A_402 : vector<16xi32>
      %scatter3A_404 = arith.constant 0 : i32
      %scatter3A_405 = arith.constant 0 : i32
      %scatter3A_406 = arith.constant 0 : i32
      %scatter3A_407 = arith.constant 0 : i32
      %scatter3A_408 = arith.constant 0 : i32
      %scatter3A_409 = tpu.memref_slice %arg7[%scatter3A_404, %scatter3A_405, %scatter3A_406, %scatter3A_407, %scatter3A_408] : memref<2x4x4x8x128xf32, #tpu.memory_space<vmem>> -> memref<1x4x4x8x128xf32, #tpu.memory_space<vmem>>
      %scatter3A_410 = tpu.memref_squeeze %scatter3A_409 : memref<1x4x4x8x128xf32, #tpu.memory_space<vmem>> -> memref<4x4x8x128xf32, #tpu.memory_space<vmem>>
      tpu.vector_store_idx %scatter3A_410[%shift_right_arithmetic3A_400, %add3A_227, %and3A_403, %add3A_238], %gather3A_397 : memref<4x4x8x128xf32, #tpu.memory_space<vmem>>[vector<16xi32>, vector<16xi32>, vector<16xi32>, vector<16xi32>], vector<16xf32>,
      %add3A_411 = arith.constant 7 : i32
      %add3A_412 = vector.broadcast %add3A_411 : i32 to vector<16xi32>
      %add3A_413 = arith.addi %add3A_412, %iota3A : vector<16xi32>
      %and3A_414 = arith.constant 31 : i32
      %and3A_415 = vector.broadcast %and3A_414 : i32 to vector<16xi32>
      %and3A_416 = arith.andi %add3A_413, %and3A_415 : vector<16xi32>
      %gather3A_417 = arith.constant 0 : i32
      %gather3A_418 = arith.constant 0 : i32
      %gather3A_419 = arith.constant 0 : i32
      %gather3A_420 = tpu.memref_slice %arg6[%gather3A_417, %gather3A_418, %gather3A_419] : memref<2x512x32xf32, #tpu.memory_space<vmem>> -> memref<1x512x32xf32, #tpu.memory_space<vmem>>
      %gather3A_421 = tpu.memref_squeeze %gather3A_420 : memref<1x512x32xf32, #tpu.memory_space<vmem>> -> memref<512x32xf32, #tpu.memory_space<vmem>>
      %gather3A_422 = tpu.vector_load_idx %gather3A_421[%add3A_234, %and3A_416] : memref<512x32xf32, #tpu.memory_space<vmem>>[vector<16xi32>, vector<16xi32>], vector<16xf32>,
      %shift_right_arithmetic3A_423 = arith.constant 3 : i32
      %shift_right_arithmetic3A_424 = vector.broadcast %shift_right_arithmetic3A_423 : i32 to vector<16xi32>
      %shift_right_arithmetic3A_425 = arith.shrsi %and3A_416, %shift_right_arithmetic3A_424 : vector<16xi32>
      %and3A_426 = arith.constant 7 : i32
      %and3A_427 = vector.broadcast %and3A_426 : i32 to vector<16xi32>
      %and3A_428 = arith.andi %and3A_416, %and3A_427 : vector<16xi32>
      %scatter3A_429 = arith.constant 0 : i32
      %scatter3A_430 = arith.constant 0 : i32
      %scatter3A_431 = arith.constant 0 : i32
      %scatter3A_432 = arith.constant 0 : i32
      %scatter3A_433 = arith.constant 0 : i32
      %scatter3A_434 = tpu.memref_slice %arg7[%scatter3A_429, %scatter3A_430, %scatter3A_431, %scatter3A_432, %scatter3A_433] : memref<2x4x4x8x128xf32, #tpu.memory_space<vmem>> -> memref<1x4x4x8x128xf32, #tpu.memory_space<vmem>>
      %scatter3A_435 = tpu.memref_squeeze %scatter3A_434 : memref<1x4x4x8x128xf32, #tpu.memory_space<vmem>> -> memref<4x4x8x128xf32, #tpu.memory_space<vmem>>
      tpu.vector_store_idx %scatter3A_435[%shift_right_arithmetic3A_425, %add3A_227, %and3A_428, %add3A_238], %gather3A_422 : memref<4x4x8x128xf32, #tpu.memory_space<vmem>>[vector<16xi32>, vector<16xi32>, vector<16xi32>, vector<16xi32>], vector<16xf32>,
      %add3A_436 = arith.constant 8 : i32
      %add3A_437 = vector.broadcast %add3A_436 : i32 to vector<16xi32>
      %add3A_438 = arith.addi %add3A_437, %iota3A : vector<16xi32>
      %and3A_439 = arith.constant 31 : i32
      %and3A_440 = vector.broadcast %and3A_439 : i32 to vector<16xi32>
      %and3A_441 = arith.andi %add3A_438, %and3A_440 : vector<16xi32>
      %gather3A_442 = arith.constant 0 : i32
      %gather3A_443 = arith.constant 0 : i32
      %gather3A_444 = arith.constant 0 : i32
      %gather3A_445 = tpu.memref_slice %arg6[%gather3A_442, %gather3A_443, %gather3A_444] : memref<2x512x32xf32, #tpu.memory_space<vmem>> -> memref<1x512x32xf32, #tpu.memory_space<vmem>>
      %gather3A_446 = tpu.memref_squeeze %gather3A_445 : memref<1x512x32xf32, #tpu.memory_space<vmem>> -> memref<512x32xf32, #tpu.memory_space<vmem>>
      %gather3A_447 = tpu.vector_load_idx %gather3A_446[%add3A_234, %and3A_441] : memref<512x32xf32, #tpu.memory_space<vmem>>[vector<16xi32>, vector<16xi32>], vector<16xf32>,
      %shift_right_arithmetic3A_448 = arith.constant 3 : i32
      %shift_right_arithmetic3A_449 = vector.broadcast %shift_right_arithmetic3A_448 : i32 to vector<16xi32>
      %shift_right_arithmetic3A_450 = arith.shrsi %and3A_441, %shift_right_arithmetic3A_449 : vector<16xi32>
      %and3A_451 = arith.constant 7 : i32
      %and3A_452 = vector.broadcast %and3A_451 : i32 to vector<16xi32>
      %and3A_453 = arith.andi %and3A_441, %and3A_452 : vector<16xi32>
      %scatter3A_454 = arith.constant 0 : i32
      %scatter3A_455 = arith.constant 0 : i32
      %scatter3A_456 = arith.constant 0 : i32
      %scatter3A_457 = arith.constant 0 : i32
      %scatter3A_458 = arith.constant 0 : i32
      %scatter3A_459 = tpu.memref_slice %arg7[%scatter3A_454, %scatter3A_455, %scatter3A_456, %scatter3A_457, %scatter3A_458] : memref<2x4x4x8x128xf32, #tpu.memory_space<vmem>> -> memref<1x4x4x8x128xf32, #tpu.memory_space<vmem>>
      %scatter3A_460 = tpu.memref_squeeze %scatter3A_459 : memref<1x4x4x8x128xf32, #tpu.memory_space<vmem>> -> memref<4x4x8x128xf32, #tpu.memory_space<vmem>>
      tpu.vector_store_idx %scatter3A_460[%shift_right_arithmetic3A_450, %add3A_227, %and3A_453, %add3A_238], %gather3A_447 : memref<4x4x8x128xf32, #tpu.memory_space<vmem>>[vector<16xi32>, vector<16xi32>, vector<16xi32>, vector<16xi32>], vector<16xf32>,
      %add3A_461 = arith.constant 9 : i32
      %add3A_462 = vector.broadcast %add3A_461 : i32 to vector<16xi32>
      %add3A_463 = arith.addi %add3A_462, %iota3A : vector<16xi32>
      %and3A_464 = arith.constant 31 : i32
      %and3A_465 = vector.broadcast %and3A_464 : i32 to vector<16xi32>
      %and3A_466 = arith.andi %add3A_463, %and3A_465 : vector<16xi32>
      %gather3A_467 = arith.constant 0 : i32
      %gather3A_468 = arith.constant 0 : i32
      %gather3A_469 = arith.constant 0 : i32
      %gather3A_470 = tpu.memref_slice %arg6[%gather3A_467, %gather3A_468, %gather3A_469] : memref<2x512x32xf32, #tpu.memory_space<vmem>> -> memref<1x512x32xf32, #tpu.memory_space<vmem>>
      %gather3A_471 = tpu.memref_squeeze %gather3A_470 : memref<1x512x32xf32, #tpu.memory_space<vmem>> -> memref<512x32xf32, #tpu.memory_space<vmem>>
      %gather3A_472 = tpu.vector_load_idx %gather3A_471[%add3A_234, %and3A_466] : memref<512x32xf32, #tpu.memory_space<vmem>>[vector<16xi32>, vector<16xi32>], vector<16xf32>,
      %shift_right_arithmetic3A_473 = arith.constant 3 : i32
      %shift_right_arithmetic3A_474 = vector.broadcast %shift_right_arithmetic3A_473 : i32 to vector<16xi32>
      %shift_right_arithmetic3A_475 = arith.shrsi %and3A_466, %shift_right_arithmetic3A_474 : vector<16xi32>
      %and3A_476 = arith.constant 7 : i32
      %and3A_477 = vector.broadcast %and3A_476 : i32 to vector<16xi32>
      %and3A_478 = arith.andi %and3A_466, %and3A_477 : vector<16xi32>
      %scatter3A_479 = arith.constant 0 : i32
      %scatter3A_480 = arith.constant 0 : i32
      %scatter3A_481 = arith.constant 0 : i32
      %scatter3A_482 = arith.constant 0 : i32
      %scatter3A_483 = arith.constant 0 : i32
      %scatter3A_484 = tpu.memref_slice %arg7[%scatter3A_479, %scatter3A_480, %scatter3A_481, %scatter3A_482, %scatter3A_483] : memref<2x4x4x8x128xf32, #tpu.memory_space<vmem>> -> memref<1x4x4x8x128xf32, #tpu.memory_space<vmem>>
      %scatter3A_485 = tpu.memref_squeeze %scatter3A_484 : memref<1x4x4x8x128xf32, #tpu.memory_space<vmem>> -> memref<4x4x8x128xf32, #tpu.memory_space<vmem>>
      tpu.vector_store_idx %scatter3A_485[%shift_right_arithmetic3A_475, %add3A_227, %and3A_478, %add3A_238], %gather3A_472 : memref<4x4x8x128xf32, #tpu.memory_space<vmem>>[vector<16xi32>, vector<16xi32>, vector<16xi32>, vector<16xi32>], vector<16xf32>,
      %add3A_486 = arith.constant 10 : i32
      %add3A_487 = vector.broadcast %add3A_486 : i32 to vector<16xi32>
      %add3A_488 = arith.addi %add3A_487, %iota3A : vector<16xi32>
      %and3A_489 = arith.constant 31 : i32
      %and3A_490 = vector.broadcast %and3A_489 : i32 to vector<16xi32>
      %and3A_491 = arith.andi %add3A_488, %and3A_490 : vector<16xi32>
      %gather3A_492 = arith.constant 0 : i32
      %gather3A_493 = arith.constant 0 : i32
      %gather3A_494 = arith.constant 0 : i32
      %gather3A_495 = tpu.memref_slice %arg6[%gather3A_492, %gather3A_493, %gather3A_494] : memref<2x512x32xf32, #tpu.memory_space<vmem>> -> memref<1x512x32xf32, #tpu.memory_space<vmem>>
      %gather3A_496 = tpu.memref_squeeze %gather3A_495 : memref<1x512x32xf32, #tpu.memory_space<vmem>> -> memref<512x32xf32, #tpu.memory_space<vmem>>
      %gather3A_497 = tpu.vector_load_idx %gather3A_496[%add3A_234, %and3A_491] : memref<512x32xf32, #tpu.memory_space<vmem>>[vector<16xi32>, vector<16xi32>], vector<16xf32>,
      %shift_right_arithmetic3A_498 = arith.constant 3 : i32
      %shift_right_arithmetic3A_499 = vector.broadcast %shift_right_arithmetic3A_498 : i32 to vector<16xi32>
      %shift_right_arithmetic3A_500 = arith.shrsi %and3A_491, %shift_right_arithmetic3A_499 : vector<16xi32>
      %and3A_501 = arith.constant 7 : i32
      %and3A_502 = vector.broadcast %and3A_501 : i32 to vector<16xi32>
      %and3A_503 = arith.andi %and3A_491, %and3A_502 : vector<16xi32>
      %scatter3A_504 = arith.constant 0 : i32
      %scatter3A_505 = arith.constant 0 : i32
      %scatter3A_506 = arith.constant 0 : i32
      %scatter3A_507 = arith.constant 0 : i32
      %scatter3A_508 = arith.constant 0 : i32
      %scatter3A_509 = tpu.memref_slice %arg7[%scatter3A_504, %scatter3A_505, %scatter3A_506, %scatter3A_507, %scatter3A_508] : memref<2x4x4x8x128xf32, #tpu.memory_space<vmem>> -> memref<1x4x4x8x128xf32, #tpu.memory_space<vmem>>
      %scatter3A_510 = tpu.memref_squeeze %scatter3A_509 : memref<1x4x4x8x128xf32, #tpu.memory_space<vmem>> -> memref<4x4x8x128xf32, #tpu.memory_space<vmem>>
      tpu.vector_store_idx %scatter3A_510[%shift_right_arithmetic3A_500, %add3A_227, %and3A_503, %add3A_238], %gather3A_497 : memref<4x4x8x128xf32, #tpu.memory_space<vmem>>[vector<16xi32>, vector<16xi32>, vector<16xi32>, vector<16xi32>], vector<16xf32>,
      %add3A_511 = arith.constant 11 : i32
      %add3A_512 = vector.broadcast %add3A_511 : i32 to vector<16xi32>
      %add3A_513 = arith.addi %add3A_512, %iota3A : vector<16xi32>
      %and3A_514 = arith.constant 31 : i32
      %and3A_515 = vector.broadcast %and3A_514 : i32 to vector<16xi32>
      %and3A_516 = arith.andi %add3A_513, %and3A_515 : vector<16xi32>
      %gather3A_517 = arith.constant 0 : i32
      %gather3A_518 = arith.constant 0 : i32
      %gather3A_519 = arith.constant 0 : i32
      %gather3A_520 = tpu.memref_slice %arg6[%gather3A_517, %gather3A_518, %gather3A_519] : memref<2x512x32xf32, #tpu.memory_space<vmem>> -> memref<1x512x32xf32, #tpu.memory_space<vmem>>
      %gather3A_521 = tpu.memref_squeeze %gather3A_520 : memref<1x512x32xf32, #tpu.memory_space<vmem>> -> memref<512x32xf32, #tpu.memory_space<vmem>>
      %gather3A_522 = tpu.vector_load_idx %gather3A_521[%add3A_234, %and3A_516] : memref<512x32xf32, #tpu.memory_space<vmem>>[vector<16xi32>, vector<16xi32>], vector<16xf32>,
      %shift_right_arithmetic3A_523 = arith.constant 3 : i32
      %shift_right_arithmetic3A_524 = vector.broadcast %shift_right_arithmetic3A_523 : i32 to vector<16xi32>
      %shift_right_arithmetic3A_525 = arith.shrsi %and3A_516, %shift_right_arithmetic3A_524 : vector<16xi32>
      %and3A_526 = arith.constant 7 : i32
      %and3A_527 = vector.broadcast %and3A_526 : i32 to vector<16xi32>
      %and3A_528 = arith.andi %and3A_516, %and3A_527 : vector<16xi32>
      %scatter3A_529 = arith.constant 0 : i32
      %scatter3A_530 = arith.constant 0 : i32
      %scatter3A_531 = arith.constant 0 : i32
      %scatter3A_532 = arith.constant 0 : i32
      %scatter3A_533 = arith.constant 0 : i32
      %scatter3A_534 = tpu.memref_slice %arg7[%scatter3A_529, %scatter3A_530, %scatter3A_531, %scatter3A_532, %scatter3A_533] : memref<2x4x4x8x128xf32, #tpu.memory_space<vmem>> -> memref<1x4x4x8x128xf32, #tpu.memory_space<vmem>>
      %scatter3A_535 = tpu.memref_squeeze %scatter3A_534 : memref<1x4x4x8x128xf32, #tpu.memory_space<vmem>> -> memref<4x4x8x128xf32, #tpu.memory_space<vmem>>
      tpu.vector_store_idx %scatter3A_535[%shift_right_arithmetic3A_525, %add3A_227, %and3A_528, %add3A_238], %gather3A_522 : memref<4x4x8x128xf32, #tpu.memory_space<vmem>>[vector<16xi32>, vector<16xi32>, vector<16xi32>, vector<16xi32>], vector<16xf32>,
      %add3A_536 = arith.constant 12 : i32
      %add3A_537 = vector.broadcast %add3A_536 : i32 to vector<16xi32>
      %add3A_538 = arith.addi %add3A_537, %iota3A : vector<16xi32>
      %and3A_539 = arith.constant 31 : i32
      %and3A_540 = vector.broadcast %and3A_539 : i32 to vector<16xi32>
      %and3A_541 = arith.andi %add3A_538, %and3A_540 : vector<16xi32>
      %gather3A_542 = arith.constant 0 : i32
      %gather3A_543 = arith.constant 0 : i32
      %gather3A_544 = arith.constant 0 : i32
      %gather3A_545 = tpu.memref_slice %arg6[%gather3A_542, %gather3A_543, %gather3A_544] : memref<2x512x32xf32, #tpu.memory_space<vmem>> -> memref<1x512x32xf32, #tpu.memory_space<vmem>>
      %gather3A_546 = tpu.memref_squeeze %gather3A_545 : memref<1x512x32xf32, #tpu.memory_space<vmem>> -> memref<512x32xf32, #tpu.memory_space<vmem>>
      %gather3A_547 = tpu.vector_load_idx %gather3A_546[%add3A_234, %and3A_541] : memref<512x32xf32, #tpu.memory_space<vmem>>[vector<16xi32>, vector<16xi32>], vector<16xf32>,
      %shift_right_arithmetic3A_548 = arith.constant 3 : i32
      %shift_right_arithmetic3A_549 = vector.broadcast %shift_right_arithmetic3A_548 : i32 to vector<16xi32>
      %shift_right_arithmetic3A_550 = arith.shrsi %and3A_541, %shift_right_arithmetic3A_549 : vector<16xi32>
      %and3A_551 = arith.constant 7 : i32
      %and3A_552 = vector.broadcast %and3A_551 : i32 to vector<16xi32>
      %and3A_553 = arith.andi %and3A_541, %and3A_552 : vector<16xi32>
      %scatter3A_554 = arith.constant 0 : i32
      %scatter3A_555 = arith.constant 0 : i32
      %scatter3A_556 = arith.constant 0 : i32
      %scatter3A_557 = arith.constant 0 : i32
      %scatter3A_558 = arith.constant 0 : i32
      %scatter3A_559 = tpu.memref_slice %arg7[%scatter3A_554, %scatter3A_555, %scatter3A_556, %scatter3A_557, %scatter3A_558] : memref<2x4x4x8x128xf32, #tpu.memory_space<vmem>> -> memref<1x4x4x8x128xf32, #tpu.memory_space<vmem>>
      %scatter3A_560 = tpu.memref_squeeze %scatter3A_559 : memref<1x4x4x8x128xf32, #tpu.memory_space<vmem>> -> memref<4x4x8x128xf32, #tpu.memory_space<vmem>>
      tpu.vector_store_idx %scatter3A_560[%shift_right_arithmetic3A_550, %add3A_227, %and3A_553, %add3A_238], %gather3A_547 : memref<4x4x8x128xf32, #tpu.memory_space<vmem>>[vector<16xi32>, vector<16xi32>, vector<16xi32>, vector<16xi32>], vector<16xf32>,
      %add3A_561 = arith.constant 13 : i32
      %add3A_562 = vector.broadcast %add3A_561 : i32 to vector<16xi32>
      %add3A_563 = arith.addi %add3A_562, %iota3A : vector<16xi32>
      %and3A_564 = arith.constant 31 : i32
      %and3A_565 = vector.broadcast %and3A_564 : i32 to vector<16xi32>
      %and3A_566 = arith.andi %add3A_563, %and3A_565 : vector<16xi32>
      %gather3A_567 = arith.constant 0 : i32
      %gather3A_568 = arith.constant 0 : i32
      %gather3A_569 = arith.constant 0 : i32
      %gather3A_570 = tpu.memref_slice %arg6[%gather3A_567, %gather3A_568, %gather3A_569] : memref<2x512x32xf32, #tpu.memory_space<vmem>> -> memref<1x512x32xf32, #tpu.memory_space<vmem>>
      %gather3A_571 = tpu.memref_squeeze %gather3A_570 : memref<1x512x32xf32, #tpu.memory_space<vmem>> -> memref<512x32xf32, #tpu.memory_space<vmem>>
      %gather3A_572 = tpu.vector_load_idx %gather3A_571[%add3A_234, %and3A_566] : memref<512x32xf32, #tpu.memory_space<vmem>>[vector<16xi32>, vector<16xi32>], vector<16xf32>,
      %shift_right_arithmetic3A_573 = arith.constant 3 : i32
      %shift_right_arithmetic3A_574 = vector.broadcast %shift_right_arithmetic3A_573 : i32 to vector<16xi32>
      %shift_right_arithmetic3A_575 = arith.shrsi %and3A_566, %shift_right_arithmetic3A_574 : vector<16xi32>
      %and3A_576 = arith.constant 7 : i32
      %and3A_577 = vector.broadcast %and3A_576 : i32 to vector<16xi32>
      %and3A_578 = arith.andi %and3A_566, %and3A_577 : vector<16xi32>
      %scatter3A_579 = arith.constant 0 : i32
      %scatter3A_580 = arith.constant 0 : i32
      %scatter3A_581 = arith.constant 0 : i32
      %scatter3A_582 = arith.constant 0 : i32
      %scatter3A_583 = arith.constant 0 : i32
      %scatter3A_584 = tpu.memref_slice %arg7[%scatter3A_579, %scatter3A_580, %scatter3A_581, %scatter3A_582, %scatter3A_583] : memref<2x4x4x8x128xf32, #tpu.memory_space<vmem>> -> memref<1x4x4x8x128xf32, #tpu.memory_space<vmem>>
      %scatter3A_585 = tpu.memref_squeeze %scatter3A_584 : memref<1x4x4x8x128xf32, #tpu.memory_space<vmem>> -> memref<4x4x8x128xf32, #tpu.memory_space<vmem>>
      tpu.vector_store_idx %scatter3A_585[%shift_right_arithmetic3A_575, %add3A_227, %and3A_578, %add3A_238], %gather3A_572 : memref<4x4x8x128xf32, #tpu.memory_space<vmem>>[vector<16xi32>, vector<16xi32>, vector<16xi32>, vector<16xi32>], vector<16xf32>,
      %add3A_586 = arith.constant 14 : i32
      %add3A_587 = vector.broadcast %add3A_586 : i32 to vector<16xi32>
      %add3A_588 = arith.addi %add3A_587, %iota3A : vector<16xi32>
      %and3A_589 = arith.constant 31 : i32
      %and3A_590 = vector.broadcast %and3A_589 : i32 to vector<16xi32>
      %and3A_591 = arith.andi %add3A_588, %and3A_590 : vector<16xi32>
      %gather3A_592 = arith.constant 0 : i32
      %gather3A_593 = arith.constant 0 : i32
      %gather3A_594 = arith.constant 0 : i32
      %gather3A_595 = tpu.memref_slice %arg6[%gather3A_592, %gather3A_593, %gather3A_594] : memref<2x512x32xf32, #tpu.memory_space<vmem>> -> memref<1x512x32xf32, #tpu.memory_space<vmem>>
      %gather3A_596 = tpu.memref_squeeze %gather3A_595 : memref<1x512x32xf32, #tpu.memory_space<vmem>> -> memref<512x32xf32, #tpu.memory_space<vmem>>
      %gather3A_597 = tpu.vector_load_idx %gather3A_596[%add3A_234, %and3A_591] : memref<512x32xf32, #tpu.memory_space<vmem>>[vector<16xi32>, vector<16xi32>], vector<16xf32>,
      %shift_right_arithmetic3A_598 = arith.constant 3 : i32
      %shift_right_arithmetic3A_599 = vector.broadcast %shift_right_arithmetic3A_598 : i32 to vector<16xi32>
      %shift_right_arithmetic3A_600 = arith.shrsi %and3A_591, %shift_right_arithmetic3A_599 : vector<16xi32>
      %and3A_601 = arith.constant 7 : i32
      %and3A_602 = vector.broadcast %and3A_601 : i32 to vector<16xi32>
      %and3A_603 = arith.andi %and3A_591, %and3A_602 : vector<16xi32>
      %scatter3A_604 = arith.constant 0 : i32
      %scatter3A_605 = arith.constant 0 : i32
      %scatter3A_606 = arith.constant 0 : i32
      %scatter3A_607 = arith.constant 0 : i32
      %scatter3A_608 = arith.constant 0 : i32
      %scatter3A_609 = tpu.memref_slice %arg7[%scatter3A_604, %scatter3A_605, %scatter3A_606, %scatter3A_607, %scatter3A_608] : memref<2x4x4x8x128xf32, #tpu.memory_space<vmem>> -> memref<1x4x4x8x128xf32, #tpu.memory_space<vmem>>
      %scatter3A_610 = tpu.memref_squeeze %scatter3A_609 : memref<1x4x4x8x128xf32, #tpu.memory_space<vmem>> -> memref<4x4x8x128xf32, #tpu.memory_space<vmem>>
      tpu.vector_store_idx %scatter3A_610[%shift_right_arithmetic3A_600, %add3A_227, %and3A_603, %add3A_238], %gather3A_597 : memref<4x4x8x128xf32, #tpu.memory_space<vmem>>[vector<16xi32>, vector<16xi32>, vector<16xi32>, vector<16xi32>], vector<16xf32>,
      %add3A_611 = arith.constant 15 : i32
      %add3A_612 = vector.broadcast %add3A_611 : i32 to vector<16xi32>
      %add3A_613 = arith.addi %add3A_612, %iota3A : vector<16xi32>
      %and3A_614 = arith.constant 31 : i32
      %and3A_615 = vector.broadcast %and3A_614 : i32 to vector<16xi32>
      %and3A_616 = arith.andi %add3A_613, %and3A_615 : vector<16xi32>
      %gather3A_617 = arith.constant 0 : i32
      %gather3A_618 = arith.constant 0 : i32
      %gather3A_619 = arith.constant 0 : i32
      %gather3A_620 = tpu.memref_slice %arg6[%gather3A_617, %gather3A_618, %gather3A_619] : memref<2x512x32xf32, #tpu.memory_space<vmem>> -> memref<1x512x32xf32, #tpu.memory_space<vmem>>
      %gather3A_621 = tpu.memref_squeeze %gather3A_620 : memref<1x512x32xf32, #tpu.memory_space<vmem>> -> memref<512x32xf32, #tpu.memory_space<vmem>>
      %gather3A_622 = tpu.vector_load_idx %gather3A_621[%add3A_234, %and3A_616] : memref<512x32xf32, #tpu.memory_space<vmem>>[vector<16xi32>, vector<16xi32>], vector<16xf32>,
      %shift_right_arithmetic3A_623 = arith.constant 3 : i32
      %shift_right_arithmetic3A_624 = vector.broadcast %shift_right_arithmetic3A_623 : i32 to vector<16xi32>
      %shift_right_arithmetic3A_625 = arith.shrsi %and3A_616, %shift_right_arithmetic3A_624 : vector<16xi32>
      %and3A_626 = arith.constant 7 : i32
      %and3A_627 = vector.broadcast %and3A_626 : i32 to vector<16xi32>
      %and3A_628 = arith.andi %and3A_616, %and3A_627 : vector<16xi32>
      %scatter3A_629 = arith.constant 0 : i32
      %scatter3A_630 = arith.constant 0 : i32
      %scatter3A_631 = arith.constant 0 : i32
      %scatter3A_632 = arith.constant 0 : i32
      %scatter3A_633 = arith.constant 0 : i32
      %scatter3A_634 = tpu.memref_slice %arg7[%scatter3A_629, %scatter3A_630, %scatter3A_631, %scatter3A_632, %scatter3A_633] : memref<2x4x4x8x128xf32, #tpu.memory_space<vmem>> -> memref<1x4x4x8x128xf32, #tpu.memory_space<vmem>>
      %scatter3A_635 = tpu.memref_squeeze %scatter3A_634 : memref<1x4x4x8x128xf32, #tpu.memory_space<vmem>> -> memref<4x4x8x128xf32, #tpu.memory_space<vmem>>
      tpu.vector_store_idx %scatter3A_635[%shift_right_arithmetic3A_625, %add3A_227, %and3A_628, %add3A_238], %gather3A_622 : memref<4x4x8x128xf32, #tpu.memory_space<vmem>>[vector<16xi32>, vector<16xi32>, vector<16xi32>, vector<16xi32>], vector<16xf32>,
      %add3A_636 = arith.constant 16 : i32
      %add3A_637 = vector.broadcast %add3A_636 : i32 to vector<16xi32>
      %add3A_638 = arith.addi %add3A_637, %iota3A : vector<16xi32>
      %and3A_639 = arith.constant 31 : i32
      %and3A_640 = vector.broadcast %and3A_639 : i32 to vector<16xi32>
      %and3A_641 = arith.andi %add3A_638, %and3A_640 : vector<16xi32>
      %gather3A_642 = arith.constant 0 : i32
      %gather3A_643 = arith.constant 0 : i32
      %gather3A_644 = arith.constant 0 : i32
      %gather3A_645 = tpu.memref_slice %arg6[%gather3A_642, %gather3A_643, %gather3A_644] : memref<2x512x32xf32, #tpu.memory_space<vmem>> -> memref<1x512x32xf32, #tpu.memory_space<vmem>>
      %gather3A_646 = tpu.memref_squeeze %gather3A_645 : memref<1x512x32xf32, #tpu.memory_space<vmem>> -> memref<512x32xf32, #tpu.memory_space<vmem>>
      %gather3A_647 = tpu.vector_load_idx %gather3A_646[%add3A_234, %and3A_641] : memref<512x32xf32, #tpu.memory_space<vmem>>[vector<16xi32>, vector<16xi32>], vector<16xf32>,
      %shift_right_arithmetic3A_648 = arith.constant 3 : i32
      %shift_right_arithmetic3A_649 = vector.broadcast %shift_right_arithmetic3A_648 : i32 to vector<16xi32>
      %shift_right_arithmetic3A_650 = arith.shrsi %and3A_641, %shift_right_arithmetic3A_649 : vector<16xi32>
      %and3A_651 = arith.constant 7 : i32
      %and3A_652 = vector.broadcast %and3A_651 : i32 to vector<16xi32>
      %and3A_653 = arith.andi %and3A_641, %and3A_652 : vector<16xi32>
      %scatter3A_654 = arith.constant 0 : i32
      %scatter3A_655 = arith.constant 0 : i32
      %scatter3A_656 = arith.constant 0 : i32
      %scatter3A_657 = arith.constant 0 : i32
      %scatter3A_658 = arith.constant 0 : i32
      %scatter3A_659 = tpu.memref_slice %arg7[%scatter3A_654, %scatter3A_655, %scatter3A_656, %scatter3A_657, %scatter3A_658] : memref<2x4x4x8x128xf32, #tpu.memory_space<vmem>> -> memref<1x4x4x8x128xf32, #tpu.memory_space<vmem>>
      %scatter3A_660 = tpu.memref_squeeze %scatter3A_659 : memref<1x4x4x8x128xf32, #tpu.memory_space<vmem>> -> memref<4x4x8x128xf32, #tpu.memory_space<vmem>>
      tpu.vector_store_idx %scatter3A_660[%shift_right_arithmetic3A_650, %add3A_227, %and3A_653, %add3A_238], %gather3A_647 : memref<4x4x8x128xf32, #tpu.memory_space<vmem>>[vector<16xi32>, vector<16xi32>, vector<16xi32>, vector<16xi32>], vector<16xf32>,
      %add3A_661 = arith.constant 17 : i32
      %add3A_662 = vector.broadcast %add3A_661 : i32 to vector<16xi32>
      %add3A_663 = arith.addi %add3A_662, %iota3A : vector<16xi32>
      %and3A_664 = arith.constant 31 : i32
      %and3A_665 = vector.broadcast %and3A_664 : i32 to vector<16xi32>
      %and3A_666 = arith.andi %add3A_663, %and3A_665 : vector<16xi32>
      %gather3A_667 = arith.constant 0 : i32
      %gather3A_668 = arith.constant 0 : i32
      %gather3A_669 = arith.constant 0 : i32
      %gather3A_670 = tpu.memref_slice %arg6[%gather3A_667, %gather3A_668, %gather3A_669] : memref<2x512x32xf32, #tpu.memory_space<vmem>> -> memref<1x512x32xf32, #tpu.memory_space<vmem>>
      %gather3A_671 = tpu.memref_squeeze %gather3A_670 : memref<1x512x32xf32, #tpu.memory_space<vmem>> -> memref<512x32xf32, #tpu.memory_space<vmem>>
      %gather3A_672 = tpu.vector_load_idx %gather3A_671[%add3A_234, %and3A_666] : memref<512x32xf32, #tpu.memory_space<vmem>>[vector<16xi32>, vector<16xi32>], vector<16xf32>,
      %shift_right_arithmetic3A_673 = arith.constant 3 : i32
      %shift_right_arithmetic3A_674 = vector.broadcast %shift_right_arithmetic3A_673 : i32 to vector<16xi32>
      %shift_right_arithmetic3A_675 = arith.shrsi %and3A_666, %shift_right_arithmetic3A_674 : vector<16xi32>
      %and3A_676 = arith.constant 7 : i32
      %and3A_677 = vector.broadcast %and3A_676 : i32 to vector<16xi32>
      %and3A_678 = arith.andi %and3A_666, %and3A_677 : vector<16xi32>
      %scatter3A_679 = arith.constant 0 : i32
      %scatter3A_680 = arith.constant 0 : i32
      %scatter3A_681 = arith.constant 0 : i32
      %scatter3A_682 = arith.constant 0 : i32
      %scatter3A_683 = arith.constant 0 : i32
      %scatter3A_684 = tpu.memref_slice %arg7[%scatter3A_679, %scatter3A_680, %scatter3A_681, %scatter3A_682, %scatter3A_683] : memref<2x4x4x8x128xf32, #tpu.memory_space<vmem>> -> memref<1x4x4x8x128xf32, #tpu.memory_space<vmem>>
      %scatter3A_685 = tpu.memref_squeeze %scatter3A_684 : memref<1x4x4x8x128xf32, #tpu.memory_space<vmem>> -> memref<4x4x8x128xf32, #tpu.memory_space<vmem>>
      tpu.vector_store_idx %scatter3A_685[%shift_right_arithmetic3A_675, %add3A_227, %and3A_678, %add3A_238], %gather3A_672 : memref<4x4x8x128xf32, #tpu.memory_space<vmem>>[vector<16xi32>, vector<16xi32>, vector<16xi32>, vector<16xi32>], vector<16xf32>,
      %add3A_686 = arith.constant 18 : i32
      %add3A_687 = vector.broadcast %add3A_686 : i32 to vector<16xi32>
      %add3A_688 = arith.addi %add3A_687, %iota3A : vector<16xi32>
      %and3A_689 = arith.constant 31 : i32
      %and3A_690 = vector.broadcast %and3A_689 : i32 to vector<16xi32>
      %and3A_691 = arith.andi %add3A_688, %and3A_690 : vector<16xi32>
      %gather3A_692 = arith.constant 0 : i32
      %gather3A_693 = arith.constant 0 : i32
      %gather3A_694 = arith.constant 0 : i32
      %gather3A_695 = tpu.memref_slice %arg6[%gather3A_692, %gather3A_693, %gather3A_694] : memref<2x512x32xf32, #tpu.memory_space<vmem>> -> memref<1x512x32xf32, #tpu.memory_space<vmem>>
      %gather3A_696 = tpu.memref_squeeze %gather3A_695 : memref<1x512x32xf32, #tpu.memory_space<vmem>> -> memref<512x32xf32, #tpu.memory_space<vmem>>
      %gather3A_697 = tpu.vector_load_idx %gather3A_696[%add3A_234, %and3A_691] : memref<512x32xf32, #tpu.memory_space<vmem>>[vector<16xi32>, vector<16xi32>], vector<16xf32>,
      %shift_right_arithmetic3A_698 = arith.constant 3 : i32
      %shift_right_arithmetic3A_699 = vector.broadcast %shift_right_arithmetic3A_698 : i32 to vector<16xi32>
      %shift_right_arithmetic3A_700 = arith.shrsi %and3A_691, %shift_right_arithmetic3A_699 : vector<16xi32>
      %and3A_701 = arith.constant 7 : i32
      %and3A_702 = vector.broadcast %and3A_701 : i32 to vector<16xi32>
      %and3A_703 = arith.andi %and3A_691, %and3A_702 : vector<16xi32>
      %scatter3A_704 = arith.constant 0 : i32
      %scatter3A_705 = arith.constant 0 : i32
      %scatter3A_706 = arith.constant 0 : i32
      %scatter3A_707 = arith.constant 0 : i32
      %scatter3A_708 = arith.constant 0 : i32
      %scatter3A_709 = tpu.memref_slice %arg7[%scatter3A_704, %scatter3A_705, %scatter3A_706, %scatter3A_707, %scatter3A_708] : memref<2x4x4x8x128xf32, #tpu.memory_space<vmem>> -> memref<1x4x4x8x128xf32, #tpu.memory_space<vmem>>
      %scatter3A_710 = tpu.memref_squeeze %scatter3A_709 : memref<1x4x4x8x128xf32, #tpu.memory_space<vmem>> -> memref<4x4x8x128xf32, #tpu.memory_space<vmem>>
      tpu.vector_store_idx %scatter3A_710[%shift_right_arithmetic3A_700, %add3A_227, %and3A_703, %add3A_238], %gather3A_697 : memref<4x4x8x128xf32, #tpu.memory_space<vmem>>[vector<16xi32>, vector<16xi32>, vector<16xi32>, vector<16xi32>], vector<16xf32>,
      %add3A_711 = arith.constant 19 : i32
      %add3A_712 = vector.broadcast %add3A_711 : i32 to vector<16xi32>
      %add3A_713 = arith.addi %add3A_712, %iota3A : vector<16xi32>
      %and3A_714 = arith.constant 31 : i32
      %and3A_715 = vector.broadcast %and3A_714 : i32 to vector<16xi32>
      %and3A_716 = arith.andi %add3A_713, %and3A_715 : vector<16xi32>
      %gather3A_717 = arith.constant 0 : i32
      %gather3A_718 = arith.constant 0 : i32
      %gather3A_719 = arith.constant 0 : i32
      %gather3A_720 = tpu.memref_slice %arg6[%gather3A_717, %gather3A_718, %gather3A_719] : memref<2x512x32xf32, #tpu.memory_space<vmem>> -> memref<1x512x32xf32, #tpu.memory_space<vmem>>
      %gather3A_721 = tpu.memref_squeeze %gather3A_720 : memref<1x512x32xf32, #tpu.memory_space<vmem>> -> memref<512x32xf32, #tpu.memory_space<vmem>>
      %gather3A_722 = tpu.vector_load_idx %gather3A_721[%add3A_234, %and3A_716] : memref<512x32xf32, #tpu.memory_space<vmem>>[vector<16xi32>, vector<16xi32>], vector<16xf32>,
      %shift_right_arithmetic3A_723 = arith.constant 3 : i32
      %shift_right_arithmetic3A_724 = vector.broadcast %shift_right_arithmetic3A_723 : i32 to vector<16xi32>
      %shift_right_arithmetic3A_725 = arith.shrsi %and3A_716, %shift_right_arithmetic3A_724 : vector<16xi32>
      %and3A_726 = arith.constant 7 : i32
      %and3A_727 = vector.broadcast %and3A_726 : i32 to vector<16xi32>
      %and3A_728 = arith.andi %and3A_716, %and3A_727 : vector<16xi32>
      %scatter3A_729 = arith.constant 0 : i32
      %scatter3A_730 = arith.constant 0 : i32
      %scatter3A_731 = arith.constant 0 : i32
      %scatter3A_732 = arith.constant 0 : i32
      %scatter3A_733 = arith.constant 0 : i32
      %scatter3A_734 = tpu.memref_slice %arg7[%scatter3A_729, %scatter3A_730, %scatter3A_731, %scatter3A_732, %scatter3A_733] : memref<2x4x4x8x128xf32, #tpu.memory_space<vmem>> -> memref<1x4x4x8x128xf32, #tpu.memory_space<vmem>>
      %scatter3A_735 = tpu.memref_squeeze %scatter3A_734 : memref<1x4x4x8x128xf32, #tpu.memory_space<vmem>> -> memref<4x4x8x128xf32, #tpu.memory_space<vmem>>
      tpu.vector_store_idx %scatter3A_735[%shift_right_arithmetic3A_725, %add3A_227, %and3A_728, %add3A_238], %gather3A_722 : memref<4x4x8x128xf32, #tpu.memory_space<vmem>>[vector<16xi32>, vector<16xi32>, vector<16xi32>, vector<16xi32>], vector<16xf32>,
      %add3A_736 = arith.constant 20 : i32
      %add3A_737 = vector.broadcast %add3A_736 : i32 to vector<16xi32>
      %add3A_738 = arith.addi %add3A_737, %iota3A : vector<16xi32>
      %and3A_739 = arith.constant 31 : i32
      %and3A_740 = vector.broadcast %and3A_739 : i32 to vector<16xi32>
      %and3A_741 = arith.andi %add3A_738, %and3A_740 : vector<16xi32>
      %gather3A_742 = arith.constant 0 : i32
      %gather3A_743 = arith.constant 0 : i32
      %gather3A_744 = arith.constant 0 : i32
      %gather3A_745 = tpu.memref_slice %arg6[%gather3A_742, %gather3A_743, %gather3A_744] : memref<2x512x32xf32, #tpu.memory_space<vmem>> -> memref<1x512x32xf32, #tpu.memory_space<vmem>>
      %gather3A_746 = tpu.memref_squeeze %gather3A_745 : memref<1x512x32xf32, #tpu.memory_space<vmem>> -> memref<512x32xf32, #tpu.memory_space<vmem>>
      %gather3A_747 = tpu.vector_load_idx %gather3A_746[%add3A_234, %and3A_741] : memref<512x32xf32, #tpu.memory_space<vmem>>[vector<16xi32>, vector<16xi32>], vector<16xf32>,
      %shift_right_arithmetic3A_748 = arith.constant 3 : i32
      %shift_right_arithmetic3A_749 = vector.broadcast %shift_right_arithmetic3A_748 : i32 to vector<16xi32>
      %shift_right_arithmetic3A_750 = arith.shrsi %and3A_741, %shift_right_arithmetic3A_749 : vector<16xi32>
      %and3A_751 = arith.constant 7 : i32
      %and3A_752 = vector.broadcast %and3A_751 : i32 to vector<16xi32>
      %and3A_753 = arith.andi %and3A_741, %and3A_752 : vector<16xi32>
      %scatter3A_754 = arith.constant 0 : i32
      %scatter3A_755 = arith.constant 0 : i32
      %scatter3A_756 = arith.constant 0 : i32
      %scatter3A_757 = arith.constant 0 : i32
      %scatter3A_758 = arith.constant 0 : i32
      %scatter3A_759 = tpu.memref_slice %arg7[%scatter3A_754, %scatter3A_755, %scatter3A_756, %scatter3A_757, %scatter3A_758] : memref<2x4x4x8x128xf32, #tpu.memory_space<vmem>> -> memref<1x4x4x8x128xf32, #tpu.memory_space<vmem>>
      %scatter3A_760 = tpu.memref_squeeze %scatter3A_759 : memref<1x4x4x8x128xf32, #tpu.memory_space<vmem>> -> memref<4x4x8x128xf32, #tpu.memory_space<vmem>>
      tpu.vector_store_idx %scatter3A_760[%shift_right_arithmetic3A_750, %add3A_227, %and3A_753, %add3A_238], %gather3A_747 : memref<4x4x8x128xf32, #tpu.memory_space<vmem>>[vector<16xi32>, vector<16xi32>, vector<16xi32>, vector<16xi32>], vector<16xf32>,
      %add3A_761 = arith.constant 21 : i32
      %add3A_762 = vector.broadcast %add3A_761 : i32 to vector<16xi32>
      %add3A_763 = arith.addi %add3A_762, %iota3A : vector<16xi32>
      %and3A_764 = arith.constant 31 : i32
      %and3A_765 = vector.broadcast %and3A_764 : i32 to vector<16xi32>
      %and3A_766 = arith.andi %add3A_763, %and3A_765 : vector<16xi32>
      %gather3A_767 = arith.constant 0 : i32
      %gather3A_768 = arith.constant 0 : i32
      %gather3A_769 = arith.constant 0 : i32
      %gather3A_770 = tpu.memref_slice %arg6[%gather3A_767, %gather3A_768, %gather3A_769] : memref<2x512x32xf32, #tpu.memory_space<vmem>> -> memref<1x512x32xf32, #tpu.memory_space<vmem>>
      %gather3A_771 = tpu.memref_squeeze %gather3A_770 : memref<1x512x32xf32, #tpu.memory_space<vmem>> -> memref<512x32xf32, #tpu.memory_space<vmem>>
      %gather3A_772 = tpu.vector_load_idx %gather3A_771[%add3A_234, %and3A_766] : memref<512x32xf32, #tpu.memory_space<vmem>>[vector<16xi32>, vector<16xi32>], vector<16xf32>,
      %shift_right_arithmetic3A_773 = arith.constant 3 : i32
      %shift_right_arithmetic3A_774 = vector.broadcast %shift_right_arithmetic3A_773 : i32 to vector<16xi32>
      %shift_right_arithmetic3A_775 = arith.shrsi %and3A_766, %shift_right_arithmetic3A_774 : vector<16xi32>
      %and3A_776 = arith.constant 7 : i32
      %and3A_777 = vector.broadcast %and3A_776 : i32 to vector<16xi32>
      %and3A_778 = arith.andi %and3A_766, %and3A_777 : vector<16xi32>
      %scatter3A_779 = arith.constant 0 : i32
      %scatter3A_780 = arith.constant 0 : i32
      %scatter3A_781 = arith.constant 0 : i32
      %scatter3A_782 = arith.constant 0 : i32
      %scatter3A_783 = arith.constant 0 : i32
      %scatter3A_784 = tpu.memref_slice %arg7[%scatter3A_779, %scatter3A_780, %scatter3A_781, %scatter3A_782, %scatter3A_783] : memref<2x4x4x8x128xf32, #tpu.memory_space<vmem>> -> memref<1x4x4x8x128xf32, #tpu.memory_space<vmem>>
      %scatter3A_785 = tpu.memref_squeeze %scatter3A_784 : memref<1x4x4x8x128xf32, #tpu.memory_space<vmem>> -> memref<4x4x8x128xf32, #tpu.memory_space<vmem>>
      tpu.vector_store_idx %scatter3A_785[%shift_right_arithmetic3A_775, %add3A_227, %and3A_778, %add3A_238], %gather3A_772 : memref<4x4x8x128xf32, #tpu.memory_space<vmem>>[vector<16xi32>, vector<16xi32>, vector<16xi32>, vector<16xi32>], vector<16xf32>,
      %add3A_786 = arith.constant 22 : i32
      %add3A_787 = vector.broadcast %add3A_786 : i32 to vector<16xi32>
      %add3A_788 = arith.addi %add3A_787, %iota3A : vector<16xi32>
      %and3A_789 = arith.constant 31 : i32
      %and3A_790 = vector.broadcast %and3A_789 : i32 to vector<16xi32>
      %and3A_791 = arith.andi %add3A_788, %and3A_790 : vector<16xi32>
      %gather3A_792 = arith.constant 0 : i32
      %gather3A_793 = arith.constant 0 : i32
      %gather3A_794 = arith.constant 0 : i32
      %gather3A_795 = tpu.memref_slice %arg6[%gather3A_792, %gather3A_793, %gather3A_794] : memref<2x512x32xf32, #tpu.memory_space<vmem>> -> memref<1x512x32xf32, #tpu.memory_space<vmem>>
      %gather3A_796 = tpu.memref_squeeze %gather3A_795 : memref<1x512x32xf32, #tpu.memory_space<vmem>> -> memref<512x32xf32, #tpu.memory_space<vmem>>
      %gather3A_797 = tpu.vector_load_idx %gather3A_796[%add3A_234, %and3A_791] : memref<512x32xf32, #tpu.memory_space<vmem>>[vector<16xi32>, vector<16xi32>], vector<16xf32>,
      %shift_right_arithmetic3A_798 = arith.constant 3 : i32
      %shift_right_arithmetic3A_799 = vector.broadcast %shift_right_arithmetic3A_798 : i32 to vector<16xi32>
      %shift_right_arithmetic3A_800 = arith.shrsi %and3A_791, %shift_right_arithmetic3A_799 : vector<16xi32>
      %and3A_801 = arith.constant 7 : i32
      %and3A_802 = vector.broadcast %and3A_801 : i32 to vector<16xi32>
      %and3A_803 = arith.andi %and3A_791, %and3A_802 : vector<16xi32>
      %scatter3A_804 = arith.constant 0 : i32
      %scatter3A_805 = arith.constant 0 : i32
      %scatter3A_806 = arith.constant 0 : i32
      %scatter3A_807 = arith.constant 0 : i32
      %scatter3A_808 = arith.constant 0 : i32
      %scatter3A_809 = tpu.memref_slice %arg7[%scatter3A_804, %scatter3A_805, %scatter3A_806, %scatter3A_807, %scatter3A_808] : memref<2x4x4x8x128xf32, #tpu.memory_space<vmem>> -> memref<1x4x4x8x128xf32, #tpu.memory_space<vmem>>
      %scatter3A_810 = tpu.memref_squeeze %scatter3A_809 : memref<1x4x4x8x128xf32, #tpu.memory_space<vmem>> -> memref<4x4x8x128xf32, #tpu.memory_space<vmem>>
      tpu.vector_store_idx %scatter3A_810[%shift_right_arithmetic3A_800, %add3A_227, %and3A_803, %add3A_238], %gather3A_797 : memref<4x4x8x128xf32, #tpu.memory_space<vmem>>[vector<16xi32>, vector<16xi32>, vector<16xi32>, vector<16xi32>], vector<16xf32>,
      %add3A_811 = arith.constant 23 : i32
      %add3A_812 = vector.broadcast %add3A_811 : i32 to vector<16xi32>
      %add3A_813 = arith.addi %add3A_812, %iota3A : vector<16xi32>
      %and3A_814 = arith.constant 31 : i32
      %and3A_815 = vector.broadcast %and3A_814 : i32 to vector<16xi32>
      %and3A_816 = arith.andi %add3A_813, %and3A_815 : vector<16xi32>
      %gather3A_817 = arith.constant 0 : i32
      %gather3A_818 = arith.constant 0 : i32
      %gather3A_819 = arith.constant 0 : i32
      %gather3A_820 = tpu.memref_slice %arg6[%gather3A_817, %gather3A_818, %gather3A_819] : memref<2x512x32xf32, #tpu.memory_space<vmem>> -> memref<1x512x32xf32, #tpu.memory_space<vmem>>
      %gather3A_821 = tpu.memref_squeeze %gather3A_820 : memref<1x512x32xf32, #tpu.memory_space<vmem>> -> memref<512x32xf32, #tpu.memory_space<vmem>>
      %gather3A_822 = tpu.vector_load_idx %gather3A_821[%add3A_234, %and3A_816] : memref<512x32xf32, #tpu.memory_space<vmem>>[vector<16xi32>, vector<16xi32>], vector<16xf32>,
      %shift_right_arithmetic3A_823 = arith.constant 3 : i32
      %shift_right_arithmetic3A_824 = vector.broadcast %shift_right_arithmetic3A_823 : i32 to vector<16xi32>
      %shift_right_arithmetic3A_825 = arith.shrsi %and3A_816, %shift_right_arithmetic3A_824 : vector<16xi32>
      %and3A_826 = arith.constant 7 : i32
      %and3A_827 = vector.broadcast %and3A_826 : i32 to vector<16xi32>
      %and3A_828 = arith.andi %and3A_816, %and3A_827 : vector<16xi32>
      %scatter3A_829 = arith.constant 0 : i32
      %scatter3A_830 = arith.constant 0 : i32
      %scatter3A_831 = arith.constant 0 : i32
      %scatter3A_832 = arith.constant 0 : i32
      %scatter3A_833 = arith.constant 0 : i32
      %scatter3A_834 = tpu.memref_slice %arg7[%scatter3A_829, %scatter3A_830, %scatter3A_831, %scatter3A_832, %scatter3A_833] : memref<2x4x4x8x128xf32, #tpu.memory_space<vmem>> -> memref<1x4x4x8x128xf32, #tpu.memory_space<vmem>>
      %scatter3A_835 = tpu.memref_squeeze %scatter3A_834 : memref<1x4x4x8x128xf32, #tpu.memory_space<vmem>> -> memref<4x4x8x128xf32, #tpu.memory_space<vmem>>
      tpu.vector_store_idx %scatter3A_835[%shift_right_arithmetic3A_825, %add3A_227, %and3A_828, %add3A_238], %gather3A_822 : memref<4x4x8x128xf32, #tpu.memory_space<vmem>>[vector<16xi32>, vector<16xi32>, vector<16xi32>, vector<16xi32>], vector<16xf32>,
      %add3A_836 = arith.constant 24 : i32
      %add3A_837 = vector.broadcast %add3A_836 : i32 to vector<16xi32>
      %add3A_838 = arith.addi %add3A_837, %iota3A : vector<16xi32>
      %and3A_839 = arith.constant 31 : i32
      %and3A_840 = vector.broadcast %and3A_839 : i32 to vector<16xi32>
      %and3A_841 = arith.andi %add3A_838, %and3A_840 : vector<16xi32>
      %gather3A_842 = arith.constant 0 : i32
      %gather3A_843 = arith.constant 0 : i32
      %gather3A_844 = arith.constant 0 : i32
      %gather3A_845 = tpu.memref_slice %arg6[%gather3A_842, %gather3A_843, %gather3A_844] : memref<2x512x32xf32, #tpu.memory_space<vmem>> -> memref<1x512x32xf32, #tpu.memory_space<vmem>>
      %gather3A_846 = tpu.memref_squeeze %gather3A_845 : memref<1x512x32xf32, #tpu.memory_space<vmem>> -> memref<512x32xf32, #tpu.memory_space<vmem>>
      %gather3A_847 = tpu.vector_load_idx %gather3A_846[%add3A_234, %and3A_841] : memref<512x32xf32, #tpu.memory_space<vmem>>[vector<16xi32>, vector<16xi32>], vector<16xf32>,
      %shift_right_arithmetic3A_848 = arith.constant 3 : i32
      %shift_right_arithmetic3A_849 = vector.broadcast %shift_right_arithmetic3A_848 : i32 to vector<16xi32>
      %shift_right_arithmetic3A_850 = arith.shrsi %and3A_841, %shift_right_arithmetic3A_849 : vector<16xi32>
      %and3A_851 = arith.constant 7 : i32
      %and3A_852 = vector.broadcast %and3A_851 : i32 to vector<16xi32>
      %and3A_853 = arith.andi %and3A_841, %and3A_852 : vector<16xi32>
      %scatter3A_854 = arith.constant 0 : i32
      %scatter3A_855 = arith.constant 0 : i32
      %scatter3A_856 = arith.constant 0 : i32
      %scatter3A_857 = arith.constant 0 : i32
      %scatter3A_858 = arith.constant 0 : i32
      %scatter3A_859 = tpu.memref_slice %arg7[%scatter3A_854, %scatter3A_855, %scatter3A_856, %scatter3A_857, %scatter3A_858] : memref<2x4x4x8x128xf32, #tpu.memory_space<vmem>> -> memref<1x4x4x8x128xf32, #tpu.memory_space<vmem>>
      %scatter3A_860 = tpu.memref_squeeze %scatter3A_859 : memref<1x4x4x8x128xf32, #tpu.memory_space<vmem>> -> memref<4x4x8x128xf32, #tpu.memory_space<vmem>>
      tpu.vector_store_idx %scatter3A_860[%shift_right_arithmetic3A_850, %add3A_227, %and3A_853, %add3A_238], %gather3A_847 : memref<4x4x8x128xf32, #tpu.memory_space<vmem>>[vector<16xi32>, vector<16xi32>, vector<16xi32>, vector<16xi32>], vector<16xf32>,
      %add3A_861 = arith.constant 25 : i32
      %add3A_862 = vector.broadcast %add3A_861 : i32 to vector<16xi32>
      %add3A_863 = arith.addi %add3A_862, %iota3A : vector<16xi32>
      %and3A_864 = arith.constant 31 : i32
      %and3A_865 = vector.broadcast %and3A_864 : i32 to vector<16xi32>
      %and3A_866 = arith.andi %add3A_863, %and3A_865 : vector<16xi32>
      %gather3A_867 = arith.constant 0 : i32
      %gather3A_868 = arith.constant 0 : i32
      %gather3A_869 = arith.constant 0 : i32
      %gather3A_870 = tpu.memref_slice %arg6[%gather3A_867, %gather3A_868, %gather3A_869] : memref<2x512x32xf32, #tpu.memory_space<vmem>> -> memref<1x512x32xf32, #tpu.memory_space<vmem>>
      %gather3A_871 = tpu.memref_squeeze %gather3A_870 : memref<1x512x32xf32, #tpu.memory_space<vmem>> -> memref<512x32xf32, #tpu.memory_space<vmem>>
      %gather3A_872 = tpu.vector_load_idx %gather3A_871[%add3A_234, %and3A_866] : memref<512x32xf32, #tpu.memory_space<vmem>>[vector<16xi32>, vector<16xi32>], vector<16xf32>,
      %shift_right_arithmetic3A_873 = arith.constant 3 : i32
      %shift_right_arithmetic3A_874 = vector.broadcast %shift_right_arithmetic3A_873 : i32 to vector<16xi32>
      %shift_right_arithmetic3A_875 = arith.shrsi %and3A_866, %shift_right_arithmetic3A_874 : vector<16xi32>
      %and3A_876 = arith.constant 7 : i32
      %and3A_877 = vector.broadcast %and3A_876 : i32 to vector<16xi32>
      %and3A_878 = arith.andi %and3A_866, %and3A_877 : vector<16xi32>
      %scatter3A_879 = arith.constant 0 : i32
      %scatter3A_880 = arith.constant 0 : i32
      %scatter3A_881 = arith.constant 0 : i32
      %scatter3A_882 = arith.constant 0 : i32
      %scatter3A_883 = arith.constant 0 : i32
      %scatter3A_884 = tpu.memref_slice %arg7[%scatter3A_879, %scatter3A_880, %scatter3A_881, %scatter3A_882, %scatter3A_883] : memref<2x4x4x8x128xf32, #tpu.memory_space<vmem>> -> memref<1x4x4x8x128xf32, #tpu.memory_space<vmem>>
      %scatter3A_885 = tpu.memref_squeeze %scatter3A_884 : memref<1x4x4x8x128xf32, #tpu.memory_space<vmem>> -> memref<4x4x8x128xf32, #tpu.memory_space<vmem>>
      tpu.vector_store_idx %scatter3A_885[%shift_right_arithmetic3A_875, %add3A_227, %and3A_878, %add3A_238], %gather3A_872 : memref<4x4x8x128xf32, #tpu.memory_space<vmem>>[vector<16xi32>, vector<16xi32>, vector<16xi32>, vector<16xi32>], vector<16xf32>,
      %add3A_886 = arith.constant 26 : i32
      %add3A_887 = vector.broadcast %add3A_886 : i32 to vector<16xi32>
      %add3A_888 = arith.addi %add3A_887, %iota3A : vector<16xi32>
      %and3A_889 = arith.constant 31 : i32
      %and3A_890 = vector.broadcast %and3A_889 : i32 to vector<16xi32>
      %and3A_891 = arith.andi %add3A_888, %and3A_890 : vector<16xi32>
      %gather3A_892 = arith.constant 0 : i32
      %gather3A_893 = arith.constant 0 : i32
      %gather3A_894 = arith.constant 0 : i32
      %gather3A_895 = tpu.memref_slice %arg6[%gather3A_892, %gather3A_893, %gather3A_894] : memref<2x512x32xf32, #tpu.memory_space<vmem>> -> memref<1x512x32xf32, #tpu.memory_space<vmem>>
      %gather3A_896 = tpu.memref_squeeze %gather3A_895 : memref<1x512x32xf32, #tpu.memory_space<vmem>> -> memref<512x32xf32, #tpu.memory_space<vmem>>
      %gather3A_897 = tpu.vector_load_idx %gather3A_896[%add3A_234, %and3A_891] : memref<512x32xf32, #tpu.memory_space<vmem>>[vector<16xi32>, vector<16xi32>], vector<16xf32>,
      %shift_right_arithmetic3A_898 = arith.constant 3 : i32
      %shift_right_arithmetic3A_899 = vector.broadcast %shift_right_arithmetic3A_898 : i32 to vector<16xi32>
      %shift_right_arithmetic3A_900 = arith.shrsi %and3A_891, %shift_right_arithmetic3A_899 : vector<16xi32>
      %and3A_901 = arith.constant 7 : i32
      %and3A_902 = vector.broadcast %and3A_901 : i32 to vector<16xi32>
      %and3A_903 = arith.andi %and3A_891, %and3A_902 : vector<16xi32>
      %scatter3A_904 = arith.constant 0 : i32
      %scatter3A_905 = arith.constant 0 : i32
      %scatter3A_906 = arith.constant 0 : i32
      %scatter3A_907 = arith.constant 0 : i32
      %scatter3A_908 = arith.constant 0 : i32
      %scatter3A_909 = tpu.memref_slice %arg7[%scatter3A_904, %scatter3A_905, %scatter3A_906, %scatter3A_907, %scatter3A_908] : memref<2x4x4x8x128xf32, #tpu.memory_space<vmem>> -> memref<1x4x4x8x128xf32, #tpu.memory_space<vmem>>
      %scatter3A_910 = tpu.memref_squeeze %scatter3A_909 : memref<1x4x4x8x128xf32, #tpu.memory_space<vmem>> -> memref<4x4x8x128xf32, #tpu.memory_space<vmem>>
      tpu.vector_store_idx %scatter3A_910[%shift_right_arithmetic3A_900, %add3A_227, %and3A_903, %add3A_238], %gather3A_897 : memref<4x4x8x128xf32, #tpu.memory_space<vmem>>[vector<16xi32>, vector<16xi32>, vector<16xi32>, vector<16xi32>], vector<16xf32>,
      %add3A_911 = arith.constant 27 : i32
      %add3A_912 = vector.broadcast %add3A_911 : i32 to vector<16xi32>
      %add3A_913 = arith.addi %add3A_912, %iota3A : vector<16xi32>
      %and3A_914 = arith.constant 31 : i32
      %and3A_915 = vector.broadcast %and3A_914 : i32 to vector<16xi32>
      %and3A_916 = arith.andi %add3A_913, %and3A_915 : vector<16xi32>
      %gather3A_917 = arith.constant 0 : i32
      %gather3A_918 = arith.constant 0 : i32
      %gather3A_919 = arith.constant 0 : i32
      %gather3A_920 = tpu.memref_slice %arg6[%gather3A_917, %gather3A_918, %gather3A_919] : memref<2x512x32xf32, #tpu.memory_space<vmem>> -> memref<1x512x32xf32, #tpu.memory_space<vmem>>
      %gather3A_921 = tpu.memref_squeeze %gather3A_920 : memref<1x512x32xf32, #tpu.memory_space<vmem>> -> memref<512x32xf32, #tpu.memory_space<vmem>>
      %gather3A_922 = tpu.vector_load_idx %gather3A_921[%add3A_234, %and3A_916] : memref<512x32xf32, #tpu.memory_space<vmem>>[vector<16xi32>, vector<16xi32>], vector<16xf32>,
      %shift_right_arithmetic3A_923 = arith.constant 3 : i32
      %shift_right_arithmetic3A_924 = vector.broadcast %shift_right_arithmetic3A_923 : i32 to vector<16xi32>
      %shift_right_arithmetic3A_925 = arith.shrsi %and3A_916, %shift_right_arithmetic3A_924 : vector<16xi32>
      %and3A_926 = arith.constant 7 : i32
      %and3A_927 = vector.broadcast %and3A_926 : i32 to vector<16xi32>
      %and3A_928 = arith.andi %and3A_916, %and3A_927 : vector<16xi32>
      %scatter3A_929 = arith.constant 0 : i32
      %scatter3A_930 = arith.constant 0 : i32
      %scatter3A_931 = arith.constant 0 : i32
      %scatter3A_932 = arith.constant 0 : i32
      %scatter3A_933 = arith.constant 0 : i32
      %scatter3A_934 = tpu.memref_slice %arg7[%scatter3A_929, %scatter3A_930, %scatter3A_931, %scatter3A_932, %scatter3A_933] : memref<2x4x4x8x128xf32, #tpu.memory_space<vmem>> -> memref<1x4x4x8x128xf32, #tpu.memory_space<vmem>>
      %scatter3A_935 = tpu.memref_squeeze %scatter3A_934 : memref<1x4x4x8x128xf32, #tpu.memory_space<vmem>> -> memref<4x4x8x128xf32, #tpu.memory_space<vmem>>
      tpu.vector_store_idx %scatter3A_935[%shift_right_arithmetic3A_925, %add3A_227, %and3A_928, %add3A_238], %gather3A_922 : memref<4x4x8x128xf32, #tpu.memory_space<vmem>>[vector<16xi32>, vector<16xi32>, vector<16xi32>, vector<16xi32>], vector<16xf32>,
      %add3A_936 = arith.constant 28 : i32
      %add3A_937 = vector.broadcast %add3A_936 : i32 to vector<16xi32>
      %add3A_938 = arith.addi %add3A_937, %iota3A : vector<16xi32>
      %and3A_939 = arith.constant 31 : i32
      %and3A_940 = vector.broadcast %and3A_939 : i32 to vector<16xi32>
      %and3A_941 = arith.andi %add3A_938, %and3A_940 : vector<16xi32>
      %gather3A_942 = arith.constant 0 : i32
      %gather3A_943 = arith.constant 0 : i32
      %gather3A_944 = arith.constant 0 : i32
      %gather3A_945 = tpu.memref_slice %arg6[%gather3A_942, %gather3A_943, %gather3A_944] : memref<2x512x32xf32, #tpu.memory_space<vmem>> -> memref<1x512x32xf32, #tpu.memory_space<vmem>>
      %gather3A_946 = tpu.memref_squeeze %gather3A_945 : memref<1x512x32xf32, #tpu.memory_space<vmem>> -> memref<512x32xf32, #tpu.memory_space<vmem>>
      %gather3A_947 = tpu.vector_load_idx %gather3A_946[%add3A_234, %and3A_941] : memref<512x32xf32, #tpu.memory_space<vmem>>[vector<16xi32>, vector<16xi32>], vector<16xf32>,
      %shift_right_arithmetic3A_948 = arith.constant 3 : i32
      %shift_right_arithmetic3A_949 = vector.broadcast %shift_right_arithmetic3A_948 : i32 to vector<16xi32>
      %shift_right_arithmetic3A_950 = arith.shrsi %and3A_941, %shift_right_arithmetic3A_949 : vector<16xi32>
      %and3A_951 = arith.constant 7 : i32
      %and3A_952 = vector.broadcast %and3A_951 : i32 to vector<16xi32>
      %and3A_953 = arith.andi %and3A_941, %and3A_952 : vector<16xi32>
      %scatter3A_954 = arith.constant 0 : i32
      %scatter3A_955 = arith.constant 0 : i32
      %scatter3A_956 = arith.constant 0 : i32
      %scatter3A_957 = arith.constant 0 : i32
      %scatter3A_958 = arith.constant 0 : i32
      %scatter3A_959 = tpu.memref_slice %arg7[%scatter3A_954, %scatter3A_955, %scatter3A_956, %scatter3A_957, %scatter3A_958] : memref<2x4x4x8x128xf32, #tpu.memory_space<vmem>> -> memref<1x4x4x8x128xf32, #tpu.memory_space<vmem>>
      %scatter3A_960 = tpu.memref_squeeze %scatter3A_959 : memref<1x4x4x8x128xf32, #tpu.memory_space<vmem>> -> memref<4x4x8x128xf32, #tpu.memory_space<vmem>>
      tpu.vector_store_idx %scatter3A_960[%shift_right_arithmetic3A_950, %add3A_227, %and3A_953, %add3A_238], %gather3A_947 : memref<4x4x8x128xf32, #tpu.memory_space<vmem>>[vector<16xi32>, vector<16xi32>, vector<16xi32>, vector<16xi32>], vector<16xf32>,
      %add3A_961 = arith.constant 29 : i32
      %add3A_962 = vector.broadcast %add3A_961 : i32 to vector<16xi32>
      %add3A_963 = arith.addi %add3A_962, %iota3A : vector<16xi32>
      %and3A_964 = arith.constant 31 : i32
      %and3A_965 = vector.broadcast %and3A_964 : i32 to vector<16xi32>
      %and3A_966 = arith.andi %add3A_963, %and3A_965 : vector<16xi32>
      %gather3A_967 = arith.constant 0 : i32
      %gather3A_968 = arith.constant 0 : i32
      %gather3A_969 = arith.constant 0 : i32
      %gather3A_970 = tpu.memref_slice %arg6[%gather3A_967, %gather3A_968, %gather3A_969] : memref<2x512x32xf32, #tpu.memory_space<vmem>> -> memref<1x512x32xf32, #tpu.memory_space<vmem>>
      %gather3A_971 = tpu.memref_squeeze %gather3A_970 : memref<1x512x32xf32, #tpu.memory_space<vmem>> -> memref<512x32xf32, #tpu.memory_space<vmem>>
      %gather3A_972 = tpu.vector_load_idx %gather3A_971[%add3A_234, %and3A_966] : memref<512x32xf32, #tpu.memory_space<vmem>>[vector<16xi32>, vector<16xi32>], vector<16xf32>,
      %shift_right_arithmetic3A_973 = arith.constant 3 : i32
      %shift_right_arithmetic3A_974 = vector.broadcast %shift_right_arithmetic3A_973 : i32 to vector<16xi32>
      %shift_right_arithmetic3A_975 = arith.shrsi %and3A_966, %shift_right_arithmetic3A_974 : vector<16xi32>
      %and3A_976 = arith.constant 7 : i32
      %and3A_977 = vector.broadcast %and3A_976 : i32 to vector<16xi32>
      %and3A_978 = arith.andi %and3A_966, %and3A_977 : vector<16xi32>
      %scatter3A_979 = arith.constant 0 : i32
      %scatter3A_980 = arith.constant 0 : i32
      %scatter3A_981 = arith.constant 0 : i32
      %scatter3A_982 = arith.constant 0 : i32
      %scatter3A_983 = arith.constant 0 : i32
      %scatter3A_984 = tpu.memref_slice %arg7[%scatter3A_979, %scatter3A_980, %scatter3A_981, %scatter3A_982, %scatter3A_983] : memref<2x4x4x8x128xf32, #tpu.memory_space<vmem>> -> memref<1x4x4x8x128xf32, #tpu.memory_space<vmem>>
      %scatter3A_985 = tpu.memref_squeeze %scatter3A_984 : memref<1x4x4x8x128xf32, #tpu.memory_space<vmem>> -> memref<4x4x8x128xf32, #tpu.memory_space<vmem>>
      tpu.vector_store_idx %scatter3A_985[%shift_right_arithmetic3A_975, %add3A_227, %and3A_978, %add3A_238], %gather3A_972 : memref<4x4x8x128xf32, #tpu.memory_space<vmem>>[vector<16xi32>, vector<16xi32>, vector<16xi32>, vector<16xi32>], vector<16xf32>,
      %add3A_986 = arith.constant 30 : i32
      %add3A_987 = vector.broadcast %add3A_986 : i32 to vector<16xi32>
      %add3A_988 = arith.addi %add3A_987, %iota3A : vector<16xi32>
      %and3A_989 = arith.constant 31 : i32
      %and3A_990 = vector.broadcast %and3A_989 : i32 to vector<16xi32>
      %and3A_991 = arith.andi %add3A_988, %and3A_990 : vector<16xi32>
      %gather3A_992 = arith.constant 0 : i32
      %gather3A_993 = arith.constant 0 : i32
      %gather3A_994 = arith.constant 0 : i32
      %gather3A_995 = tpu.memref_slice %arg6[%gather3A_992, %gather3A_993, %gather3A_994] : memref<2x512x32xf32, #tpu.memory_space<vmem>> -> memref<1x512x32xf32, #tpu.memory_space<vmem>>
      %gather3A_996 = tpu.memref_squeeze %gather3A_995 : memref<1x512x32xf32, #tpu.memory_space<vmem>> -> memref<512x32xf32, #tpu.memory_space<vmem>>
      %gather3A_997 = tpu.vector_load_idx %gather3A_996[%add3A_234, %and3A_991] : memref<512x32xf32, #tpu.memory_space<vmem>>[vector<16xi32>, vector<16xi32>], vector<16xf32>,
      %shift_right_arithmetic3A_998 = arith.constant 3 : i32
      %shift_right_arithmetic3A_999 = vector.broadcast %shift_right_arithmetic3A_998 : i32 to vector<16xi32>
      %shift_right_arithmetic3A_1000 = arith.shrsi %and3A_991, %shift_right_arithmetic3A_999 : vector<16xi32>
      %and3A_1001 = arith.constant 7 : i32
      %and3A_1002 = vector.broadcast %and3A_1001 : i32 to vector<16xi32>
      %and3A_1003 = arith.andi %and3A_991, %and3A_1002 : vector<16xi32>
      %scatter3A_1004 = arith.constant 0 : i32
      %scatter3A_1005 = arith.constant 0 : i32
      %scatter3A_1006 = arith.constant 0 : i32
      %scatter3A_1007 = arith.constant 0 : i32
      %scatter3A_1008 = arith.constant 0 : i32
      %scatter3A_1009 = tpu.memref_slice %arg7[%scatter3A_1004, %scatter3A_1005, %scatter3A_1006, %scatter3A_1007, %scatter3A_1008] : memref<2x4x4x8x128xf32, #tpu.memory_space<vmem>> -> memref<1x4x4x8x128xf32, #tpu.memory_space<vmem>>
      %scatter3A_1010 = tpu.memref_squeeze %scatter3A_1009 : memref<1x4x4x8x128xf32, #tpu.memory_space<vmem>> -> memref<4x4x8x128xf32, #tpu.memory_space<vmem>>
      tpu.vector_store_idx %scatter3A_1010[%shift_right_arithmetic3A_1000, %add3A_227, %and3A_1003, %add3A_238], %gather3A_997 : memref<4x4x8x128xf32, #tpu.memory_space<vmem>>[vector<16xi32>, vector<16xi32>, vector<16xi32>, vector<16xi32>], vector<16xf32>,
      %add3A_1011 = arith.constant 31 : i32
      %add3A_1012 = vector.broadcast %add3A_1011 : i32 to vector<16xi32>
      %add3A_1013 = arith.addi %add3A_1012, %iota3A : vector<16xi32>
      %and3A_1014 = arith.constant 31 : i32
      %and3A_1015 = vector.broadcast %and3A_1014 : i32 to vector<16xi32>
      %and3A_1016 = arith.andi %add3A_1013, %and3A_1015 : vector<16xi32>
      %gather3A_1017 = arith.constant 0 : i32
      %gather3A_1018 = arith.constant 0 : i32
      %gather3A_1019 = arith.constant 0 : i32
      %gather3A_1020 = tpu.memref_slice %arg6[%gather3A_1017, %gather3A_1018, %gather3A_1019] : memref<2x512x32xf32, #tpu.memory_space<vmem>> -> memref<1x512x32xf32, #tpu.memory_space<vmem>>
      %gather3A_1021 = tpu.memref_squeeze %gather3A_1020 : memref<1x512x32xf32, #tpu.memory_space<vmem>> -> memref<512x32xf32, #tpu.memory_space<vmem>>
      %gather3A_1022 = tpu.vector_load_idx %gather3A_1021[%add3A_234, %and3A_1016] : memref<512x32xf32, #tpu.memory_space<vmem>>[vector<16xi32>, vector<16xi32>], vector<16xf32>,
      %shift_right_arithmetic3A_1023 = arith.constant 3 : i32
      %shift_right_arithmetic3A_1024 = vector.broadcast %shift_right_arithmetic3A_1023 : i32 to vector<16xi32>
      %shift_right_arithmetic3A_1025 = arith.shrsi %and3A_1016, %shift_right_arithmetic3A_1024 : vector<16xi32>
      %and3A_1026 = arith.constant 7 : i32
      %and3A_1027 = vector.broadcast %and3A_1026 : i32 to vector<16xi32>
      %and3A_1028 = arith.andi %and3A_1016, %and3A_1027 : vector<16xi32>
      %scatter3A_1029 = arith.constant 0 : i32
      %scatter3A_1030 = arith.constant 0 : i32
      %scatter3A_1031 = arith.constant 0 : i32
      %scatter3A_1032 = arith.constant 0 : i32
      %scatter3A_1033 = arith.constant 0 : i32
      %scatter3A_1034 = tpu.memref_slice %arg7[%scatter3A_1029, %scatter3A_1030, %scatter3A_1031, %scatter3A_1032, %scatter3A_1033] : memref<2x4x4x8x128xf32, #tpu.memory_space<vmem>> -> memref<1x4x4x8x128xf32, #tpu.memory_space<vmem>>
      %scatter3A_1035 = tpu.memref_squeeze %scatter3A_1034 : memref<1x4x4x8x128xf32, #tpu.memory_space<vmem>> -> memref<4x4x8x128xf32, #tpu.memory_space<vmem>>
      tpu.vector_store_idx %scatter3A_1035[%shift_right_arithmetic3A_1025, %add3A_227, %and3A_1028, %add3A_238], %gather3A_1022 : memref<4x4x8x128xf32, #tpu.memory_space<vmem>>[vector<16xi32>, vector<16xi32>, vector<16xi32>, vector<16xi32>], vector<16xf32>,
    }
    %scan3A_41 = arith.constant 32 : i32
    %mul3A_42 = arith.constant 4 : i32
    %mul3A_43 = arith.muli %add3A, %mul3A_42 : i32
    %dma_start3A_44 = arith.constant 0 : i32
    %dma_start3A_45 = arith.constant 0 : i32
    %dma_start3A_46 = arith.constant 0 : i32
    %dma_start3A_47 = arith.constant 0 : i32
    %dma_start3A_48 = arith.constant 0 : i32
    %dma_start3A_49 = arith.constant 0 : i32
    %dma_start3A_50 = tpu.memref_slice %arg7[%dma_start3A_44, %dma_start3A_46, %dma_start3A_47, %dma_start3A_48, %dma_start3A_49] : memref<2x4x4x8x128xf32, #tpu.memory_space<vmem>> -> memref<1x4x4x8x128xf32, #tpu.memory_space<vmem>>
    %dma_start3A_51 = tpu.memref_squeeze %dma_start3A_50 : memref<1x4x4x8x128xf32, #tpu.memory_space<vmem>> -> memref<4x4x8x128xf32, #tpu.memory_space<vmem>>
    %dma_start3A_52 = arith.constant 0 : i32
    %dma_start3A_53 = arith.constant 0 : i32
    %dma_start3A_54 = arith.constant 0 : i32
    %dma_start3A_55 = tpu.memref_slice %arg4[%dma_start3A_45, %dma_start3A_52, %mul3A_43, %dma_start3A_53, %dma_start3A_54] : memref<50x4x128x8x128xf32, #tpu.memory_space<hbm>> -> memref<1x4x4x8x128xf32, #tpu.memory_space<hbm>>
    %dma_start3A_56 = tpu.memref_squeeze %dma_start3A_55 : memref<1x4x4x8x128xf32, #tpu.memory_space<hbm>> -> memref<4x4x8x128xf32, #tpu.memory_space<hbm>>
    %dma_start3A_57 = arith.constant 0 : i32
    %dma_start3A_58 = arith.constant 0 : i32
    %dma_start3A_59 = arith.constant 0 : i32
    %dma_start3A_60 = tpu.memref_slice %arg4[%dma_start3A_45, %dma_start3A_57, %mul3A_43, %dma_start3A_58, %dma_start3A_59] : memref<50x4x128x8x128xf32, #tpu.memory_space<hbm>> -> memref<1x4x4x8x128xf32, #tpu.memory_space<hbm>>
    %dma_start3A_61 = tpu.memref_squeeze %dma_start3A_60 : memref<1x4x4x8x128xf32, #tpu.memory_space<hbm>> -> memref<4x4x8x128xf32, #tpu.memory_space<hbm>>
    %dma_start3A_62 = arith.constant 0 : i32
    %dma_start3A_63 = arith.constant 0 : i32
    %dma_start3A_64 = arith.constant 0 : i32
    %dma_start3A_65 = arith.constant 0 : i32
    %dma_start3A_66 = tpu.memref_slice %arg7[%dma_start3A_44, %dma_start3A_62, %dma_start3A_63, %dma_start3A_64, %dma_start3A_65] : memref<2x4x4x8x128xf32, #tpu.memory_space<vmem>> -> memref<1x4x4x8x128xf32, #tpu.memory_space<vmem>>
    %dma_start3A_67 = tpu.memref_squeeze %dma_start3A_66 : memref<1x4x4x8x128xf32, #tpu.memory_space<vmem>> -> memref<4x4x8x128xf32, #tpu.memory_space<vmem>>
    tpu.enqueue_dma source(%dma_start3A_67 : memref<4x4x8x128xf32, #tpu.memory_space<vmem>>) target(%dma_start3A_61 : memref<4x4x8x128xf32, #tpu.memory_space<hbm>>) target_semaphore(%arg10 : memref<!tpu.dma_semaphore, #tpu.memory_space<semaphore_mem>>)
    %dma_start3A_68 = arith.constant 2 : i32
    %dma_start3A_69 = arith.constant 0 : i32
    %dma_start3A_70 = arith.constant 0 : i32
    %dma_start3A_71 = arith.constant 0 : i32
    %dma_start3A_72 = tpu.memref_slice %arg6[%dma_start3A_69, %dma_start3A_70, %dma_start3A_71] : memref<2x512x32xf32, #tpu.memory_space<vmem>> -> memref<1x512x32xf32, #tpu.memory_space<vmem>>
    %dma_start3A_73 = tpu.memref_squeeze %dma_start3A_72 : memref<1x512x32xf32, #tpu.memory_space<vmem>> -> memref<512x32xf32, #tpu.memory_space<vmem>>
    %dma_start3A_74 = arith.constant 0 : i32
    %dma_start3A_75 = tpu.memref_slice %arg5[%dma_start3A_68, %dma_start3A_74] : memref<50x512xi32, #tpu.memory_space<vmem>> -> memref<1x512xi32, #tpu.memory_space<vmem>>
    %dma_start3A_76 = tpu.memref_squeeze %dma_start3A_75 : memref<1x512xi32, #tpu.memory_space<vmem>> -> memref<512xi32, #tpu.memory_space<vmem>>
    %dma_start3A_77 = arith.constant 0 : i32
    %dma_start3A_78 = arith.constant 0 : i32
    %dma_start3A_79 = tpu.memref_slice %arg3[%dma_start3A_77, %dma_start3A_78] : memref<1000000x32xf32, #tpu.memory_space<hbm>> -> memref<1000000x32xf32, #tpu.memory_space<hbm>>
    tpu.enqueue_indirect_dma source(%dma_start3A_79 : memref<1000000x32xf32, #tpu.memory_space<hbm>>) target(%dma_start3A_73 : memref<512x32xf32, #tpu.memory_space<vmem>>) offsets(%dma_start3A_76 : memref<512xi32, #tpu.memory_space<vmem>>) semaphore(%arg8 : memref<!tpu.dma_semaphore, #tpu.memory_space<semaphore_mem>>)
    %dma_wait3A_80 = arith.constant 1 : i32
    %dma_wait3A_81 = arith.constant 1 : i32
    %dma_wait3A_82 = arith.constant 0 : i32
    %dma_wait3A_83 = arith.constant 0 : i32
    %dma_wait3A_84 = tpu.memref_slice %arg6[%dma_wait3A_81, %dma_wait3A_82, %dma_wait3A_83] : memref<2x512x32xf32, #tpu.memory_space<vmem>> -> memref<1x512x32xf32, #tpu.memory_space<vmem>>
    %dma_wait3A_85 = tpu.memref_squeeze %dma_wait3A_84 : memref<1x512x32xf32, #tpu.memory_space<vmem>> -> memref<512x32xf32, #tpu.memory_space<vmem>>
    %dma_wait3A_86 = arith.constant 0 : i32
    %dma_wait3A_87 = tpu.memref_slice %arg5[%dma_wait3A_80, %dma_wait3A_86] : memref<50x512xi32, #tpu.memory_space<vmem>> -> memref<1x512xi32, #tpu.memory_space<vmem>>
    %dma_wait3A_88 = tpu.memref_squeeze %dma_wait3A_87 : memref<1x512xi32, #tpu.memory_space<vmem>> -> memref<512xi32, #tpu.memory_space<vmem>>
    %dma_wait3A_89 = arith.constant 0 : i32
    %dma_wait3A_90 = arith.constant 0 : i32
    %dma_wait3A_91 = tpu.memref_slice %arg3[%dma_wait3A_89, %dma_wait3A_90] : memref<1000000x32xf32, #tpu.memory_space<hbm>> -> memref<1000000x32xf32, #tpu.memory_space<hbm>>
    tpu.wait_indirect_dma semaphore(%arg9 : memref<!tpu.dma_semaphore, #tpu.memory_space<semaphore_mem>>) src(%dma_wait3A_91 : memref<1000000x32xf32, #tpu.memory_space<hbm>>) dst(%dma_wait3A_85 : memref<512x32xf32, #tpu.memory_space<vmem>>)
    %scan3A_92 = arith.constant 0 : i32
    %scan3A_93 = arith.constant 0 : i32
    %scan3A_94 = arith.constant 32 : i32
    %scan3A_95 = arith.addi %scan3A_93, %scan3A_94 : i32
    %scan3A_96 = arith.constant 1 : i32
    scf.for %scan3A_194 = %scan3A_93 to %scan3A_95 step %scan3A_96  : i32 {
      %jit3A = arith.constant 8 : i32
      %div3A = arith.divsi %scan3A_194, %jit3A : i32
      %sign3A = arith.constant 0 : i32
      %sign3A_195 = arith.cmpi sgt, %scan3A_194, %sign3A : i32
      %sign3A_196 = arith.extui %sign3A_195 : i1 to i32
      %sign3A_197 = arith.constant 0 : i32
      %sign3A_198 = arith.cmpi slt, %scan3A_194, %sign3A_197 : i32
      %sign3A_199 = arith.extui %sign3A_198 : i1 to i32
      %sign3A_200 = arith.subi %sign3A_196, %sign3A_199 : i32
      %sign3A_201 = arith.constant 0 : i32
      %sign3A_202 = arith.cmpi sgt, %jit3A, %sign3A_201 : i32
      %sign3A_203 = arith.extui %sign3A_202 : i1 to i32
      %sign3A_204 = arith.constant 0 : i32
      %sign3A_205 = arith.cmpi slt, %jit3A, %sign3A_204 : i32
      %sign3A_206 = arith.extui %sign3A_205 : i1 to i32
      %sign3A_207 = arith.subi %sign3A_203, %sign3A_206 : i32
      %ne3A = arith.cmpi ne, %sign3A_200, %sign3A_207 : i32
      %rem3A = arith.remsi %scan3A_194, %jit3A : i32
      %ne3A_208 = arith.constant 0 : i32
      %ne3A_209 = arith.cmpi ne, %rem3A, %ne3A_208 : i32
      %and3A = arith.andi %ne3A, %ne3A_209 : i1
      %sub3A = arith.constant 1 : i32
      %sub3A_210 = arith.subi %div3A, %sub3A : i32
      %select_n3A = arith.select %and3A, %sub3A_210, %div3A : i32
      %jit3A_211 = arith.constant 8 : i32
      %eq3A = arith.constant 0 : i32
      %eq3A_212 = arith.cmpi eq, %jit3A_211, %eq3A : i32
      %jit3A_213 = arith.constant 1 : i32
      %select_n3A_214 = arith.select %eq3A_212, %jit3A_213, %jit3A_211 : i32
      %rem3A_215 = arith.remsi %scan3A_194, %select_n3A_214 : i32
      %ne3A_216 = arith.constant 0 : i32
      %ne3A_217 = arith.cmpi ne, %rem3A_215, %ne3A_216 : i32
      %lt3A = arith.constant 0 : i32
      %lt3A_218 = arith.cmpi slt, %rem3A_215, %lt3A : i32
      %lt3A_219 = arith.constant 0 : i32
      %lt3A_220 = arith.cmpi slt, %select_n3A_214, %lt3A_219 : i32
      %ne3A_221 = arith.xori %lt3A_218, %lt3A_220 : i1
      %and3A_222 = arith.andi %ne3A_221, %ne3A_217 : i1
      %add3A_223 = arith.addi %rem3A_215, %select_n3A_214 : i32
      %select_n3A_224 = arith.select %and3A_222, %add3A_223, %rem3A_215 : i32
      %broadcast_in_dim3A = arith.constant 0 : i32
      %broadcast_in_dim3A_225 = vector.broadcast %broadcast_in_dim3A : i32 to vector<16xi32>
      %add3A_226 = vector.broadcast %select_n3A : i32 to vector<16xi32>
      %add3A_227 = arith.addi %broadcast_in_dim3A_225, %add3A_226 : vector<16xi32>
      %mul3A_228 = arith.constant 128 : i32
      %mul3A_229 = arith.muli %select_n3A, %mul3A_228 : i32
      %mul3A_230 = arith.constant 16 : i32
      %mul3A_231 = arith.muli %select_n3A_224, %mul3A_230 : i32
      %add3A_232 = arith.addi %mul3A_229, %mul3A_231 : i32
      %add3A_233 = vector.broadcast %add3A_232 : i32 to vector<16xi32>
      %add3A_234 = arith.addi %add3A_233, %iota3A : vector<16xi32>
      %mul3A_235 = arith.constant 16 : i32
      %mul3A_236 = arith.muli %select_n3A_224, %mul3A_235 : i32
      %add3A_237 = vector.broadcast %mul3A_236 : i32 to vector<16xi32>
      %add3A_238 = arith.addi %add3A_237, %iota3A : vector<16xi32>
      %add3A_239 = arith.constant 0 : i32
      %add3A_240 = vector.broadcast %add3A_239 : i32 to vector<16xi32>
      %add3A_241 = arith.addi %add3A_240, %iota3A : vector<16xi32>
      %and3A_242 = arith.constant 31 : i32
      %and3A_243 = vector.broadcast %and3A_242 : i32 to vector<16xi32>
      %and3A_244 = arith.andi %add3A_241, %and3A_243 : vector<16xi32>
      %gather3A = arith.constant 1 : i32
      %gather3A_245 = arith.constant 0 : i32
      %gather3A_246 = arith.constant 0 : i32
      %gather3A_247 = tpu.memref_slice %arg6[%gather3A, %gather3A_245, %gather3A_246] : memref<2x512x32xf32, #tpu.memory_space<vmem>> -> memref<1x512x32xf32, #tpu.memory_space<vmem>>
      %gather3A_248 = tpu.memref_squeeze %gather3A_247 : memref<1x512x32xf32, #tpu.memory_space<vmem>> -> memref<512x32xf32, #tpu.memory_space<vmem>>
      %gather3A_249 = tpu.vector_load_idx %gather3A_248[%add3A_234, %and3A_244] : memref<512x32xf32, #tpu.memory_space<vmem>>[vector<16xi32>, vector<16xi32>], vector<16xf32>,
      %shift_right_arithmetic3A = arith.constant 3 : i32
      %shift_right_arithmetic3A_250 = vector.broadcast %shift_right_arithmetic3A : i32 to vector<16xi32>
      %shift_right_arithmetic3A_251 = arith.shrsi %and3A_244, %shift_right_arithmetic3A_250 : vector<16xi32>
      %and3A_252 = arith.constant 7 : i32
      %and3A_253 = vector.broadcast %and3A_252 : i32 to vector<16xi32>
      %and3A_254 = arith.andi %and3A_244, %and3A_253 : vector<16xi32>
      %scatter3A = arith.constant 1 : i32
      %scatter3A_255 = arith.constant 0 : i32
      %scatter3A_256 = arith.constant 0 : i32
      %scatter3A_257 = arith.constant 0 : i32
      %scatter3A_258 = arith.constant 0 : i32
      %scatter3A_259 = tpu.memref_slice %arg7[%scatter3A, %scatter3A_255, %scatter3A_256, %scatter3A_257, %scatter3A_258] : memref<2x4x4x8x128xf32, #tpu.memory_space<vmem>> -> memref<1x4x4x8x128xf32, #tpu.memory_space<vmem>>
      %scatter3A_260 = tpu.memref_squeeze %scatter3A_259 : memref<1x4x4x8x128xf32, #tpu.memory_space<vmem>> -> memref<4x4x8x128xf32, #tpu.memory_space<vmem>>
      tpu.vector_store_idx %scatter3A_260[%shift_right_arithmetic3A_251, %add3A_227, %and3A_254, %add3A_238], %gather3A_249 : memref<4x4x8x128xf32, #tpu.memory_space<vmem>>[vector<16xi32>, vector<16xi32>, vector<16xi32>, vector<16xi32>], vector<16xf32>,
      %add3A_261 = arith.constant 1 : i32
      %add3A_262 = vector.broadcast %add3A_261 : i32 to vector<16xi32>
      %add3A_263 = arith.addi %add3A_262, %iota3A : vector<16xi32>
      %and3A_264 = arith.constant 31 : i32
      %and3A_265 = vector.broadcast %and3A_264 : i32 to vector<16xi32>
      %and3A_266 = arith.andi %add3A_263, %and3A_265 : vector<16xi32>
      %gather3A_267 = arith.constant 1 : i32
      %gather3A_268 = arith.constant 0 : i32
      %gather3A_269 = arith.constant 0 : i32
      %gather3A_270 = tpu.memref_slice %arg6[%gather3A_267, %gather3A_268, %gather3A_269] : memref<2x512x32xf32, #tpu.memory_space<vmem>> -> memref<1x512x32xf32, #tpu.memory_space<vmem>>
      %gather3A_271 = tpu.memref_squeeze %gather3A_270 : memref<1x512x32xf32, #tpu.memory_space<vmem>> -> memref<512x32xf32, #tpu.memory_space<vmem>>
      %gather3A_272 = tpu.vector_load_idx %gather3A_271[%add3A_234, %and3A_266] : memref<512x32xf32, #tpu.memory_space<vmem>>[vector<16xi32>, vector<16xi32>], vector<16xf32>,
      %shift_right_arithmetic3A_273 = arith.constant 3 : i32
      %shift_right_arithmetic3A_274 = vector.broadcast %shift_right_arithmetic3A_273 : i32 to vector<16xi32>
      %shift_right_arithmetic3A_275 = arith.shrsi %and3A_266, %shift_right_arithmetic3A_274 : vector<16xi32>
      %and3A_276 = arith.constant 7 : i32
      %and3A_277 = vector.broadcast %and3A_276 : i32 to vector<16xi32>
      %and3A_278 = arith.andi %and3A_266, %and3A_277 : vector<16xi32>
      %scatter3A_279 = arith.constant 1 : i32
      %scatter3A_280 = arith.constant 0 : i32
      %scatter3A_281 = arith.constant 0 : i32
      %scatter3A_282 = arith.constant 0 : i32
      %scatter3A_283 = arith.constant 0 : i32
      %scatter3A_284 = tpu.memref_slice %arg7[%scatter3A_279, %scatter3A_280, %scatter3A_281, %scatter3A_282, %scatter3A_283] : memref<2x4x4x8x128xf32, #tpu.memory_space<vmem>> -> memref<1x4x4x8x128xf32, #tpu.memory_space<vmem>>
      %scatter3A_285 = tpu.memref_squeeze %scatter3A_284 : memref<1x4x4x8x128xf32, #tpu.memory_space<vmem>> -> memref<4x4x8x128xf32, #tpu.memory_space<vmem>>
      tpu.vector_store_idx %scatter3A_285[%shift_right_arithmetic3A_275, %add3A_227, %and3A_278, %add3A_238], %gather3A_272 : memref<4x4x8x128xf32, #tpu.memory_space<vmem>>[vector<16xi32>, vector<16xi32>, vector<16xi32>, vector<16xi32>], vector<16xf32>,
      %add3A_286 = arith.constant 2 : i32
      %add3A_287 = vector.broadcast %add3A_286 : i32 to vector<16xi32>
      %add3A_288 = arith.addi %add3A_287, %iota3A : vector<16xi32>
      %and3A_289 = arith.constant 31 : i32
      %and3A_290 = vector.broadcast %and3A_289 : i32 to vector<16xi32>
      %and3A_291 = arith.andi %add3A_288, %and3A_290 : vector<16xi32>
      %gather3A_292 = arith.constant 1 : i32
      %gather3A_293 = arith.constant 0 : i32
      %gather3A_294 = arith.constant 0 : i32
      %gather3A_295 = tpu.memref_slice %arg6[%gather3A_292, %gather3A_293, %gather3A_294] : memref<2x512x32xf32, #tpu.memory_space<vmem>> -> memref<1x512x32xf32, #tpu.memory_space<vmem>>
      %gather3A_296 = tpu.memref_squeeze %gather3A_295 : memref<1x512x32xf32, #tpu.memory_space<vmem>> -> memref<512x32xf32, #tpu.memory_space<vmem>>
      %gather3A_297 = tpu.vector_load_idx %gather3A_296[%add3A_234, %and3A_291] : memref<512x32xf32, #tpu.memory_space<vmem>>[vector<16xi32>, vector<16xi32>], vector<16xf32>,
      %shift_right_arithmetic3A_298 = arith.constant 3 : i32
      %shift_right_arithmetic3A_299 = vector.broadcast %shift_right_arithmetic3A_298 : i32 to vector<16xi32>
      %shift_right_arithmetic3A_300 = arith.shrsi %and3A_291, %shift_right_arithmetic3A_299 : vector<16xi32>
      %and3A_301 = arith.constant 7 : i32
      %and3A_302 = vector.broadcast %and3A_301 : i32 to vector<16xi32>
      %and3A_303 = arith.andi %and3A_291, %and3A_302 : vector<16xi32>
      %scatter3A_304 = arith.constant 1 : i32
      %scatter3A_305 = arith.constant 0 : i32
      %scatter3A_306 = arith.constant 0 : i32
      %scatter3A_307 = arith.constant 0 : i32
      %scatter3A_308 = arith.constant 0 : i32
      %scatter3A_309 = tpu.memref_slice %arg7[%scatter3A_304, %scatter3A_305, %scatter3A_306, %scatter3A_307, %scatter3A_308] : memref<2x4x4x8x128xf32, #tpu.memory_space<vmem>> -> memref<1x4x4x8x128xf32, #tpu.memory_space<vmem>>
      %scatter3A_310 = tpu.memref_squeeze %scatter3A_309 : memref<1x4x4x8x128xf32, #tpu.memory_space<vmem>> -> memref<4x4x8x128xf32, #tpu.memory_space<vmem>>
      tpu.vector_store_idx %scatter3A_310[%shift_right_arithmetic3A_300, %add3A_227, %and3A_303, %add3A_238], %gather3A_297 : memref<4x4x8x128xf32, #tpu.memory_space<vmem>>[vector<16xi32>, vector<16xi32>, vector<16xi32>, vector<16xi32>], vector<16xf32>,
      %add3A_311 = arith.constant 3 : i32
      %add3A_312 = vector.broadcast %add3A_311 : i32 to vector<16xi32>
      %add3A_313 = arith.addi %add3A_312, %iota3A : vector<16xi32>
      %and3A_314 = arith.constant 31 : i32
      %and3A_315 = vector.broadcast %and3A_314 : i32 to vector<16xi32>
      %and3A_316 = arith.andi %add3A_313, %and3A_315 : vector<16xi32>
      %gather3A_317 = arith.constant 1 : i32
      %gather3A_318 = arith.constant 0 : i32
      %gather3A_319 = arith.constant 0 : i32
      %gather3A_320 = tpu.memref_slice %arg6[%gather3A_317, %gather3A_318, %gather3A_319] : memref<2x512x32xf32, #tpu.memory_space<vmem>> -> memref<1x512x32xf32, #tpu.memory_space<vmem>>
      %gather3A_321 = tpu.memref_squeeze %gather3A_320 : memref<1x512x32xf32, #tpu.memory_space<vmem>> -> memref<512x32xf32, #tpu.memory_space<vmem>>
      %gather3A_322 = tpu.vector_load_idx %gather3A_321[%add3A_234, %and3A_316] : memref<512x32xf32, #tpu.memory_space<vmem>>[vector<16xi32>, vector<16xi32>], vector<16xf32>,
      %shift_right_arithmetic3A_323 = arith.constant 3 : i32
      %shift_right_arithmetic3A_324 = vector.broadcast %shift_right_arithmetic3A_323 : i32 to vector<16xi32>
      %shift_right_arithmetic3A_325 = arith.shrsi %and3A_316, %shift_right_arithmetic3A_324 : vector<16xi32>
      %and3A_326 = arith.constant 7 : i32
      %and3A_327 = vector.broadcast %and3A_326 : i32 to vector<16xi32>
      %and3A_328 = arith.andi %and3A_316, %and3A_327 : vector<16xi32>
      %scatter3A_329 = arith.constant 1 : i32
      %scatter3A_330 = arith.constant 0 : i32
      %scatter3A_331 = arith.constant 0 : i32
      %scatter3A_332 = arith.constant 0 : i32
      %scatter3A_333 = arith.constant 0 : i32
      %scatter3A_334 = tpu.memref_slice %arg7[%scatter3A_329, %scatter3A_330, %scatter3A_331, %scatter3A_332, %scatter3A_333] : memref<2x4x4x8x128xf32, #tpu.memory_space<vmem>> -> memref<1x4x4x8x128xf32, #tpu.memory_space<vmem>>
      %scatter3A_335 = tpu.memref_squeeze %scatter3A_334 : memref<1x4x4x8x128xf32, #tpu.memory_space<vmem>> -> memref<4x4x8x128xf32, #tpu.memory_space<vmem>>
      tpu.vector_store_idx %scatter3A_335[%shift_right_arithmetic3A_325, %add3A_227, %and3A_328, %add3A_238], %gather3A_322 : memref<4x4x8x128xf32, #tpu.memory_space<vmem>>[vector<16xi32>, vector<16xi32>, vector<16xi32>, vector<16xi32>], vector<16xf32>,
      %add3A_336 = arith.constant 4 : i32
      %add3A_337 = vector.broadcast %add3A_336 : i32 to vector<16xi32>
      %add3A_338 = arith.addi %add3A_337, %iota3A : vector<16xi32>
      %and3A_339 = arith.constant 31 : i32
      %and3A_340 = vector.broadcast %and3A_339 : i32 to vector<16xi32>
      %and3A_341 = arith.andi %add3A_338, %and3A_340 : vector<16xi32>
      %gather3A_342 = arith.constant 1 : i32
      %gather3A_343 = arith.constant 0 : i32
      %gather3A_344 = arith.constant 0 : i32
      %gather3A_345 = tpu.memref_slice %arg6[%gather3A_342, %gather3A_343, %gather3A_344] : memref<2x512x32xf32, #tpu.memory_space<vmem>> -> memref<1x512x32xf32, #tpu.memory_space<vmem>>
      %gather3A_346 = tpu.memref_squeeze %gather3A_345 : memref<1x512x32xf32, #tpu.memory_space<vmem>> -> memref<512x32xf32, #tpu.memory_space<vmem>>
      %gather3A_347 = tpu.vector_load_idx %gather3A_346[%add3A_234, %and3A_341] : memref<512x32xf32, #tpu.memory_space<vmem>>[vector<16xi32>, vector<16xi32>], vector<16xf32>,
      %shift_right_arithmetic3A_348 = arith.constant 3 : i32
      %shift_right_arithmetic3A_349 = vector.broadcast %shift_right_arithmetic3A_348 : i32 to vector<16xi32>
      %shift_right_arithmetic3A_350 = arith.shrsi %and3A_341, %shift_right_arithmetic3A_349 : vector<16xi32>
      %and3A_351 = arith.constant 7 : i32
      %and3A_352 = vector.broadcast %and3A_351 : i32 to vector<16xi32>
      %and3A_353 = arith.andi %and3A_341, %and3A_352 : vector<16xi32>
      %scatter3A_354 = arith.constant 1 : i32
      %scatter3A_355 = arith.constant 0 : i32
      %scatter3A_356 = arith.constant 0 : i32
      %scatter3A_357 = arith.constant 0 : i32
      %scatter3A_358 = arith.constant 0 : i32
      %scatter3A_359 = tpu.memref_slice %arg7[%scatter3A_354, %scatter3A_355, %scatter3A_356, %scatter3A_357, %scatter3A_358] : memref<2x4x4x8x128xf32, #tpu.memory_space<vmem>> -> memref<1x4x4x8x128xf32, #tpu.memory_space<vmem>>
      %scatter3A_360 = tpu.memref_squeeze %scatter3A_359 : memref<1x4x4x8x128xf32, #tpu.memory_space<vmem>> -> memref<4x4x8x128xf32, #tpu.memory_space<vmem>>
      tpu.vector_store_idx %scatter3A_360[%shift_right_arithmetic3A_350, %add3A_227, %and3A_353, %add3A_238], %gather3A_347 : memref<4x4x8x128xf32, #tpu.memory_space<vmem>>[vector<16xi32>, vector<16xi32>, vector<16xi32>, vector<16xi32>], vector<16xf32>,
      %add3A_361 = arith.constant 5 : i32
      %add3A_362 = vector.broadcast %add3A_361 : i32 to vector<16xi32>
      %add3A_363 = arith.addi %add3A_362, %iota3A : vector<16xi32>
      %and3A_364 = arith.constant 31 : i32
      %and3A_365 = vector.broadcast %and3A_364 : i32 to vector<16xi32>
      %and3A_366 = arith.andi %add3A_363, %and3A_365 : vector<16xi32>
      %gather3A_367 = arith.constant 1 : i32
      %gather3A_368 = arith.constant 0 : i32
      %gather3A_369 = arith.constant 0 : i32
      %gather3A_370 = tpu.memref_slice %arg6[%gather3A_367, %gather3A_368, %gather3A_369] : memref<2x512x32xf32, #tpu.memory_space<vmem>> -> memref<1x512x32xf32, #tpu.memory_space<vmem>>
      %gather3A_371 = tpu.memref_squeeze %gather3A_370 : memref<1x512x32xf32, #tpu.memory_space<vmem>> -> memref<512x32xf32, #tpu.memory_space<vmem>>
      %gather3A_372 = tpu.vector_load_idx %gather3A_371[%add3A_234, %and3A_366] : memref<512x32xf32, #tpu.memory_space<vmem>>[vector<16xi32>, vector<16xi32>], vector<16xf32>,
      %shift_right_arithmetic3A_373 = arith.constant 3 : i32
      %shift_right_arithmetic3A_374 = vector.broadcast %shift_right_arithmetic3A_373 : i32 to vector<16xi32>
      %shift_right_arithmetic3A_375 = arith.shrsi %and3A_366, %shift_right_arithmetic3A_374 : vector<16xi32>
      %and3A_376 = arith.constant 7 : i32
      %and3A_377 = vector.broadcast %and3A_376 : i32 to vector<16xi32>
      %and3A_378 = arith.andi %and3A_366, %and3A_377 : vector<16xi32>
      %scatter3A_379 = arith.constant 1 : i32
      %scatter3A_380 = arith.constant 0 : i32
      %scatter3A_381 = arith.constant 0 : i32
      %scatter3A_382 = arith.constant 0 : i32
      %scatter3A_383 = arith.constant 0 : i32
      %scatter3A_384 = tpu.memref_slice %arg7[%scatter3A_379, %scatter3A_380, %scatter3A_381, %scatter3A_382, %scatter3A_383] : memref<2x4x4x8x128xf32, #tpu.memory_space<vmem>> -> memref<1x4x4x8x128xf32, #tpu.memory_space<vmem>>
      %scatter3A_385 = tpu.memref_squeeze %scatter3A_384 : memref<1x4x4x8x128xf32, #tpu.memory_space<vmem>> -> memref<4x4x8x128xf32, #tpu.memory_space<vmem>>
      tpu.vector_store_idx %scatter3A_385[%shift_right_arithmetic3A_375, %add3A_227, %and3A_378, %add3A_238], %gather3A_372 : memref<4x4x8x128xf32, #tpu.memory_space<vmem>>[vector<16xi32>, vector<16xi32>, vector<16xi32>, vector<16xi32>], vector<16xf32>,
      %add3A_386 = arith.constant 6 : i32
      %add3A_387 = vector.broadcast %add3A_386 : i32 to vector<16xi32>
      %add3A_388 = arith.addi %add3A_387, %iota3A : vector<16xi32>
      %and3A_389 = arith.constant 31 : i32
      %and3A_390 = vector.broadcast %and3A_389 : i32 to vector<16xi32>
      %and3A_391 = arith.andi %add3A_388, %and3A_390 : vector<16xi32>
      %gather3A_392 = arith.constant 1 : i32
      %gather3A_393 = arith.constant 0 : i32
      %gather3A_394 = arith.constant 0 : i32
      %gather3A_395 = tpu.memref_slice %arg6[%gather3A_392, %gather3A_393, %gather3A_394] : memref<2x512x32xf32, #tpu.memory_space<vmem>> -> memref<1x512x32xf32, #tpu.memory_space<vmem>>
      %gather3A_396 = tpu.memref_squeeze %gather3A_395 : memref<1x512x32xf32, #tpu.memory_space<vmem>> -> memref<512x32xf32, #tpu.memory_space<vmem>>
      %gather3A_397 = tpu.vector_load_idx %gather3A_396[%add3A_234, %and3A_391] : memref<512x32xf32, #tpu.memory_space<vmem>>[vector<16xi32>, vector<16xi32>], vector<16xf32>,
      %shift_right_arithmetic3A_398 = arith.constant 3 : i32
      %shift_right_arithmetic3A_399 = vector.broadcast %shift_right_arithmetic3A_398 : i32 to vector<16xi32>
      %shift_right_arithmetic3A_400 = arith.shrsi %and3A_391, %shift_right_arithmetic3A_399 : vector<16xi32>
      %and3A_401 = arith.constant 7 : i32
      %and3A_402 = vector.broadcast %and3A_401 : i32 to vector<16xi32>
      %and3A_403 = arith.andi %and3A_391, %and3A_402 : vector<16xi32>
      %scatter3A_404 = arith.constant 1 : i32
      %scatter3A_405 = arith.constant 0 : i32
      %scatter3A_406 = arith.constant 0 : i32
      %scatter3A_407 = arith.constant 0 : i32
      %scatter3A_408 = arith.constant 0 : i32
      %scatter3A_409 = tpu.memref_slice %arg7[%scatter3A_404, %scatter3A_405, %scatter3A_406, %scatter3A_407, %scatter3A_408] : memref<2x4x4x8x128xf32, #tpu.memory_space<vmem>> -> memref<1x4x4x8x128xf32, #tpu.memory_space<vmem>>
      %scatter3A_410 = tpu.memref_squeeze %scatter3A_409 : memref<1x4x4x8x128xf32, #tpu.memory_space<vmem>> -> memref<4x4x8x128xf32, #tpu.memory_space<vmem>>
      tpu.vector_store_idx %scatter3A_410[%shift_right_arithmetic3A_400, %add3A_227, %and3A_403, %add3A_238], %gather3A_397 : memref<4x4x8x128xf32, #tpu.memory_space<vmem>>[vector<16xi32>, vector<16xi32>, vector<16xi32>, vector<16xi32>], vector<16xf32>,
      %add3A_411 = arith.constant 7 : i32
      %add3A_412 = vector.broadcast %add3A_411 : i32 to vector<16xi32>
      %add3A_413 = arith.addi %add3A_412, %iota3A : vector<16xi32>
      %and3A_414 = arith.constant 31 : i32
      %and3A_415 = vector.broadcast %and3A_414 : i32 to vector<16xi32>
      %and3A_416 = arith.andi %add3A_413, %and3A_415 : vector<16xi32>
      %gather3A_417 = arith.constant 1 : i32
      %gather3A_418 = arith.constant 0 : i32
      %gather3A_419 = arith.constant 0 : i32
      %gather3A_420 = tpu.memref_slice %arg6[%gather3A_417, %gather3A_418, %gather3A_419] : memref<2x512x32xf32, #tpu.memory_space<vmem>> -> memref<1x512x32xf32, #tpu.memory_space<vmem>>
      %gather3A_421 = tpu.memref_squeeze %gather3A_420 : memref<1x512x32xf32, #tpu.memory_space<vmem>> -> memref<512x32xf32, #tpu.memory_space<vmem>>
      %gather3A_422 = tpu.vector_load_idx %gather3A_421[%add3A_234, %and3A_416] : memref<512x32xf32, #tpu.memory_space<vmem>>[vector<16xi32>, vector<16xi32>], vector<16xf32>,
      %shift_right_arithmetic3A_423 = arith.constant 3 : i32
      %shift_right_arithmetic3A_424 = vector.broadcast %shift_right_arithmetic3A_423 : i32 to vector<16xi32>
      %shift_right_arithmetic3A_425 = arith.shrsi %and3A_416, %shift_right_arithmetic3A_424 : vector<16xi32>
      %and3A_426 = arith.constant 7 : i32
      %and3A_427 = vector.broadcast %and3A_426 : i32 to vector<16xi32>
      %and3A_428 = arith.andi %and3A_416, %and3A_427 : vector<16xi32>
      %scatter3A_429 = arith.constant 1 : i32
      %scatter3A_430 = arith.constant 0 : i32
      %scatter3A_431 = arith.constant 0 : i32
      %scatter3A_432 = arith.constant 0 : i32
      %scatter3A_433 = arith.constant 0 : i32
      %scatter3A_434 = tpu.memref_slice %arg7[%scatter3A_429, %scatter3A_430, %scatter3A_431, %scatter3A_432, %scatter3A_433] : memref<2x4x4x8x128xf32, #tpu.memory_space<vmem>> -> memref<1x4x4x8x128xf32, #tpu.memory_space<vmem>>
      %scatter3A_435 = tpu.memref_squeeze %scatter3A_434 : memref<1x4x4x8x128xf32, #tpu.memory_space<vmem>> -> memref<4x4x8x128xf32, #tpu.memory_space<vmem>>
      tpu.vector_store_idx %scatter3A_435[%shift_right_arithmetic3A_425, %add3A_227, %and3A_428, %add3A_238], %gather3A_422 : memref<4x4x8x128xf32, #tpu.memory_space<vmem>>[vector<16xi32>, vector<16xi32>, vector<16xi32>, vector<16xi32>], vector<16xf32>,
      %add3A_436 = arith.constant 8 : i32
      %add3A_437 = vector.broadcast %add3A_436 : i32 to vector<16xi32>
      %add3A_438 = arith.addi %add3A_437, %iota3A : vector<16xi32>
      %and3A_439 = arith.constant 31 : i32
      %and3A_440 = vector.broadcast %and3A_439 : i32 to vector<16xi32>
      %and3A_441 = arith.andi %add3A_438, %and3A_440 : vector<16xi32>
      %gather3A_442 = arith.constant 1 : i32
      %gather3A_443 = arith.constant 0 : i32
      %gather3A_444 = arith.constant 0 : i32
      %gather3A_445 = tpu.memref_slice %arg6[%gather3A_442, %gather3A_443, %gather3A_444] : memref<2x512x32xf32, #tpu.memory_space<vmem>> -> memref<1x512x32xf32, #tpu.memory_space<vmem>>
      %gather3A_446 = tpu.memref_squeeze %gather3A_445 : memref<1x512x32xf32, #tpu.memory_space<vmem>> -> memref<512x32xf32, #tpu.memory_space<vmem>>
      %gather3A_447 = tpu.vector_load_idx %gather3A_446[%add3A_234, %and3A_441] : memref<512x32xf32, #tpu.memory_space<vmem>>[vector<16xi32>, vector<16xi32>], vector<16xf32>,
      %shift_right_arithmetic3A_448 = arith.constant 3 : i32
      %shift_right_arithmetic3A_449 = vector.broadcast %shift_right_arithmetic3A_448 : i32 to vector<16xi32>
      %shift_right_arithmetic3A_450 = arith.shrsi %and3A_441, %shift_right_arithmetic3A_449 : vector<16xi32>
      %and3A_451 = arith.constant 7 : i32
      %and3A_452 = vector.broadcast %and3A_451 : i32 to vector<16xi32>
      %and3A_453 = arith.andi %and3A_441, %and3A_452 : vector<16xi32>
      %scatter3A_454 = arith.constant 1 : i32
      %scatter3A_455 = arith.constant 0 : i32
      %scatter3A_456 = arith.constant 0 : i32
      %scatter3A_457 = arith.constant 0 : i32
      %scatter3A_458 = arith.constant 0 : i32
      %scatter3A_459 = tpu.memref_slice %arg7[%scatter3A_454, %scatter3A_455, %scatter3A_456, %scatter3A_457, %scatter3A_458] : memref<2x4x4x8x128xf32, #tpu.memory_space<vmem>> -> memref<1x4x4x8x128xf32, #tpu.memory_space<vmem>>
      %scatter3A_460 = tpu.memref_squeeze %scatter3A_459 : memref<1x4x4x8x128xf32, #tpu.memory_space<vmem>> -> memref<4x4x8x128xf32, #tpu.memory_space<vmem>>
      tpu.vector_store_idx %scatter3A_460[%shift_right_arithmetic3A_450, %add3A_227, %and3A_453, %add3A_238], %gather3A_447 : memref<4x4x8x128xf32, #tpu.memory_space<vmem>>[vector<16xi32>, vector<16xi32>, vector<16xi32>, vector<16xi32>], vector<16xf32>,
      %add3A_461 = arith.constant 9 : i32
      %add3A_462 = vector.broadcast %add3A_461 : i32 to vector<16xi32>
      %add3A_463 = arith.addi %add3A_462, %iota3A : vector<16xi32>
      %and3A_464 = arith.constant 31 : i32
      %and3A_465 = vector.broadcast %and3A_464 : i32 to vector<16xi32>
      %and3A_466 = arith.andi %add3A_463, %and3A_465 : vector<16xi32>
      %gather3A_467 = arith.constant 1 : i32
      %gather3A_468 = arith.constant 0 : i32
      %gather3A_469 = arith.constant 0 : i32
      %gather3A_470 = tpu.memref_slice %arg6[%gather3A_467, %gather3A_468, %gather3A_469] : memref<2x512x32xf32, #tpu.memory_space<vmem>> -> memref<1x512x32xf32, #tpu.memory_space<vmem>>
      %gather3A_471 = tpu.memref_squeeze %gather3A_470 : memref<1x512x32xf32, #tpu.memory_space<vmem>> -> memref<512x32xf32, #tpu.memory_space<vmem>>
      %gather3A_472 = tpu.vector_load_idx %gather3A_471[%add3A_234, %and3A_466] : memref<512x32xf32, #tpu.memory_space<vmem>>[vector<16xi32>, vector<16xi32>], vector<16xf32>,
      %shift_right_arithmetic3A_473 = arith.constant 3 : i32
      %shift_right_arithmetic3A_474 = vector.broadcast %shift_right_arithmetic3A_473 : i32 to vector<16xi32>
      %shift_right_arithmetic3A_475 = arith.shrsi %and3A_466, %shift_right_arithmetic3A_474 : vector<16xi32>
      %and3A_476 = arith.constant 7 : i32
      %and3A_477 = vector.broadcast %and3A_476 : i32 to vector<16xi32>
      %and3A_478 = arith.andi %and3A_466, %and3A_477 : vector<16xi32>
      %scatter3A_479 = arith.constant 1 : i32
      %scatter3A_480 = arith.constant 0 : i32
      %scatter3A_481 = arith.constant 0 : i32
      %scatter3A_482 = arith.constant 0 : i32
      %scatter3A_483 = arith.constant 0 : i32
      %scatter3A_484 = tpu.memref_slice %arg7[%scatter3A_479, %scatter3A_480, %scatter3A_481, %scatter3A_482, %scatter3A_483] : memref<2x4x4x8x128xf32, #tpu.memory_space<vmem>> -> memref<1x4x4x8x128xf32, #tpu.memory_space<vmem>>
      %scatter3A_485 = tpu.memref_squeeze %scatter3A_484 : memref<1x4x4x8x128xf32, #tpu.memory_space<vmem>> -> memref<4x4x8x128xf32, #tpu.memory_space<vmem>>
      tpu.vector_store_idx %scatter3A_485[%shift_right_arithmetic3A_475, %add3A_227, %and3A_478, %add3A_238], %gather3A_472 : memref<4x4x8x128xf32, #tpu.memory_space<vmem>>[vector<16xi32>, vector<16xi32>, vector<16xi32>, vector<16xi32>], vector<16xf32>,
      %add3A_486 = arith.constant 10 : i32
      %add3A_487 = vector.broadcast %add3A_486 : i32 to vector<16xi32>
      %add3A_488 = arith.addi %add3A_487, %iota3A : vector<16xi32>
      %and3A_489 = arith.constant 31 : i32
      %and3A_490 = vector.broadcast %and3A_489 : i32 to vector<16xi32>
      %and3A_491 = arith.andi %add3A_488, %and3A_490 : vector<16xi32>
      %gather3A_492 = arith.constant 1 : i32
      %gather3A_493 = arith.constant 0 : i32
      %gather3A_494 = arith.constant 0 : i32
      %gather3A_495 = tpu.memref_slice %arg6[%gather3A_492, %gather3A_493, %gather3A_494] : memref<2x512x32xf32, #tpu.memory_space<vmem>> -> memref<1x512x32xf32, #tpu.memory_space<vmem>>
      %gather3A_496 = tpu.memref_squeeze %gather3A_495 : memref<1x512x32xf32, #tpu.memory_space<vmem>> -> memref<512x32xf32, #tpu.memory_space<vmem>>
      %gather3A_497 = tpu.vector_load_idx %gather3A_496[%add3A_234, %and3A_491] : memref<512x32xf32, #tpu.memory_space<vmem>>[vector<16xi32>, vector<16xi32>], vector<16xf32>,
      %shift_right_arithmetic3A_498 = arith.constant 3 : i32
      %shift_right_arithmetic3A_499 = vector.broadcast %shift_right_arithmetic3A_498 : i32 to vector<16xi32>
      %shift_right_arithmetic3A_500 = arith.shrsi %and3A_491, %shift_right_arithmetic3A_499 : vector<16xi32>
      %and3A_501 = arith.constant 7 : i32
      %and3A_502 = vector.broadcast %and3A_501 : i32 to vector<16xi32>
      %and3A_503 = arith.andi %and3A_491, %and3A_502 : vector<16xi32>
      %scatter3A_504 = arith.constant 1 : i32
      %scatter3A_505 = arith.constant 0 : i32
      %scatter3A_506 = arith.constant 0 : i32
      %scatter3A_507 = arith.constant 0 : i32
      %scatter3A_508 = arith.constant 0 : i32
      %scatter3A_509 = tpu.memref_slice %arg7[%scatter3A_504, %scatter3A_505, %scatter3A_506, %scatter3A_507, %scatter3A_508] : memref<2x4x4x8x128xf32, #tpu.memory_space<vmem>> -> memref<1x4x4x8x128xf32, #tpu.memory_space<vmem>>
      %scatter3A_510 = tpu.memref_squeeze %scatter3A_509 : memref<1x4x4x8x128xf32, #tpu.memory_space<vmem>> -> memref<4x4x8x128xf32, #tpu.memory_space<vmem>>
      tpu.vector_store_idx %scatter3A_510[%shift_right_arithmetic3A_500, %add3A_227, %and3A_503, %add3A_238], %gather3A_497 : memref<4x4x8x128xf32, #tpu.memory_space<vmem>>[vector<16xi32>, vector<16xi32>, vector<16xi32>, vector<16xi32>], vector<16xf32>,
      %add3A_511 = arith.constant 11 : i32
      %add3A_512 = vector.broadcast %add3A_511 : i32 to vector<16xi32>
      %add3A_513 = arith.addi %add3A_512, %iota3A : vector<16xi32>
      %and3A_514 = arith.constant 31 : i32
      %and3A_515 = vector.broadcast %and3A_514 : i32 to vector<16xi32>
      %and3A_516 = arith.andi %add3A_513, %and3A_515 : vector<16xi32>
      %gather3A_517 = arith.constant 1 : i32
      %gather3A_518 = arith.constant 0 : i32
      %gather3A_519 = arith.constant 0 : i32
      %gather3A_520 = tpu.memref_slice %arg6[%gather3A_517, %gather3A_518, %gather3A_519] : memref<2x512x32xf32, #tpu.memory_space<vmem>> -> memref<1x512x32xf32, #tpu.memory_space<vmem>>
      %gather3A_521 = tpu.memref_squeeze %gather3A_520 : memref<1x512x32xf32, #tpu.memory_space<vmem>> -> memref<512x32xf32, #tpu.memory_space<vmem>>
      %gather3A_522 = tpu.vector_load_idx %gather3A_521[%add3A_234, %and3A_516] : memref<512x32xf32, #tpu.memory_space<vmem>>[vector<16xi32>, vector<16xi32>], vector<16xf32>,
      %shift_right_arithmetic3A_523 = arith.constant 3 : i32
      %shift_right_arithmetic3A_524 = vector.broadcast %shift_right_arithmetic3A_523 : i32 to vector<16xi32>
      %shift_right_arithmetic3A_525 = arith.shrsi %and3A_516, %shift_right_arithmetic3A_524 : vector<16xi32>
      %and3A_526 = arith.constant 7 : i32
      %and3A_527 = vector.broadcast %and3A_526 : i32 to vector<16xi32>
      %and3A_528 = arith.andi %and3A_516, %and3A_527 : vector<16xi32>
      %scatter3A_529 = arith.constant 1 : i32
      %scatter3A_530 = arith.constant 0 : i32
      %scatter3A_531 = arith.constant 0 : i32
      %scatter3A_532 = arith.constant 0 : i32
      %scatter3A_533 = arith.constant 0 : i32
      %scatter3A_534 = tpu.memref_slice %arg7[%scatter3A_529, %scatter3A_530, %scatter3A_531, %scatter3A_532, %scatter3A_533] : memref<2x4x4x8x128xf32, #tpu.memory_space<vmem>> -> memref<1x4x4x8x128xf32, #tpu.memory_space<vmem>>
      %scatter3A_535 = tpu.memref_squeeze %scatter3A_534 : memref<1x4x4x8x128xf32, #tpu.memory_space<vmem>> -> memref<4x4x8x128xf32, #tpu.memory_space<vmem>>
      tpu.vector_store_idx %scatter3A_535[%shift_right_arithmetic3A_525, %add3A_227, %and3A_528, %add3A_238], %gather3A_522 : memref<4x4x8x128xf32, #tpu.memory_space<vmem>>[vector<16xi32>, vector<16xi32>, vector<16xi32>, vector<16xi32>], vector<16xf32>,
      %add3A_536 = arith.constant 12 : i32
      %add3A_537 = vector.broadcast %add3A_536 : i32 to vector<16xi32>
      %add3A_538 = arith.addi %add3A_537, %iota3A : vector<16xi32>
      %and3A_539 = arith.constant 31 : i32
      %and3A_540 = vector.broadcast %and3A_539 : i32 to vector<16xi32>
      %and3A_541 = arith.andi %add3A_538, %and3A_540 : vector<16xi32>
      %gather3A_542 = arith.constant 1 : i32
      %gather3A_543 = arith.constant 0 : i32
      %gather3A_544 = arith.constant 0 : i32
      %gather3A_545 = tpu.memref_slice %arg6[%gather3A_542, %gather3A_543, %gather3A_544] : memref<2x512x32xf32, #tpu.memory_space<vmem>> -> memref<1x512x32xf32, #tpu.memory_space<vmem>>
      %gather3A_546 = tpu.memref_squeeze %gather3A_545 : memref<1x512x32xf32, #tpu.memory_space<vmem>> -> memref<512x32xf32, #tpu.memory_space<vmem>>
      %gather3A_547 = tpu.vector_load_idx %gather3A_546[%add3A_234, %and3A_541] : memref<512x32xf32, #tpu.memory_space<vmem>>[vector<16xi32>, vector<16xi32>], vector<16xf32>,
      %shift_right_arithmetic3A_548 = arith.constant 3 : i32
      %shift_right_arithmetic3A_549 = vector.broadcast %shift_right_arithmetic3A_548 : i32 to vector<16xi32>
      %shift_right_arithmetic3A_550 = arith.shrsi %and3A_541, %shift_right_arithmetic3A_549 : vector<16xi32>
      %and3A_551 = arith.constant 7 : i32
      %and3A_552 = vector.broadcast %and3A_551 : i32 to vector<16xi32>
      %and3A_553 = arith.andi %and3A_541, %and3A_552 : vector<16xi32>
      %scatter3A_554 = arith.constant 1 : i32
      %scatter3A_555 = arith.constant 0 : i32
      %scatter3A_556 = arith.constant 0 : i32
      %scatter3A_557 = arith.constant 0 : i32
      %scatter3A_558 = arith.constant 0 : i32
      %scatter3A_559 = tpu.memref_slice %arg7[%scatter3A_554, %scatter3A_555, %scatter3A_556, %scatter3A_557, %scatter3A_558] : memref<2x4x4x8x128xf32, #tpu.memory_space<vmem>> -> memref<1x4x4x8x128xf32, #tpu.memory_space<vmem>>
      %scatter3A_560 = tpu.memref_squeeze %scatter3A_559 : memref<1x4x4x8x128xf32, #tpu.memory_space<vmem>> -> memref<4x4x8x128xf32, #tpu.memory_space<vmem>>
      tpu.vector_store_idx %scatter3A_560[%shift_right_arithmetic3A_550, %add3A_227, %and3A_553, %add3A_238], %gather3A_547 : memref<4x4x8x128xf32, #tpu.memory_space<vmem>>[vector<16xi32>, vector<16xi32>, vector<16xi32>, vector<16xi32>], vector<16xf32>,
      %add3A_561 = arith.constant 13 : i32
      %add3A_562 = vector.broadcast %add3A_561 : i32 to vector<16xi32>
      %add3A_563 = arith.addi %add3A_562, %iota3A : vector<16xi32>
      %and3A_564 = arith.constant 31 : i32
      %and3A_565 = vector.broadcast %and3A_564 : i32 to vector<16xi32>
      %and3A_566 = arith.andi %add3A_563, %and3A_565 : vector<16xi32>
      %gather3A_567 = arith.constant 1 : i32
      %gather3A_568 = arith.constant 0 : i32
      %gather3A_569 = arith.constant 0 : i32
      %gather3A_570 = tpu.memref_slice %arg6[%gather3A_567, %gather3A_568, %gather3A_569] : memref<2x512x32xf32, #tpu.memory_space<vmem>> -> memref<1x512x32xf32, #tpu.memory_space<vmem>>
      %gather3A_571 = tpu.memref_squeeze %gather3A_570 : memref<1x512x32xf32, #tpu.memory_space<vmem>> -> memref<512x32xf32, #tpu.memory_space<vmem>>
      %gather3A_572 = tpu.vector_load_idx %gather3A_571[%add3A_234, %and3A_566] : memref<512x32xf32, #tpu.memory_space<vmem>>[vector<16xi32>, vector<16xi32>], vector<16xf32>,
      %shift_right_arithmetic3A_573 = arith.constant 3 : i32
      %shift_right_arithmetic3A_574 = vector.broadcast %shift_right_arithmetic3A_573 : i32 to vector<16xi32>
      %shift_right_arithmetic3A_575 = arith.shrsi %and3A_566, %shift_right_arithmetic3A_574 : vector<16xi32>
      %and3A_576 = arith.constant 7 : i32
      %and3A_577 = vector.broadcast %and3A_576 : i32 to vector<16xi32>
      %and3A_578 = arith.andi %and3A_566, %and3A_577 : vector<16xi32>
      %scatter3A_579 = arith.constant 1 : i32
      %scatter3A_580 = arith.constant 0 : i32
      %scatter3A_581 = arith.constant 0 : i32
      %scatter3A_582 = arith.constant 0 : i32
      %scatter3A_583 = arith.constant 0 : i32
      %scatter3A_584 = tpu.memref_slice %arg7[%scatter3A_579, %scatter3A_580, %scatter3A_581, %scatter3A_582, %scatter3A_583] : memref<2x4x4x8x128xf32, #tpu.memory_space<vmem>> -> memref<1x4x4x8x128xf32, #tpu.memory_space<vmem>>
      %scatter3A_585 = tpu.memref_squeeze %scatter3A_584 : memref<1x4x4x8x128xf32, #tpu.memory_space<vmem>> -> memref<4x4x8x128xf32, #tpu.memory_space<vmem>>
      tpu.vector_store_idx %scatter3A_585[%shift_right_arithmetic3A_575, %add3A_227, %and3A_578, %add3A_238], %gather3A_572 : memref<4x4x8x128xf32, #tpu.memory_space<vmem>>[vector<16xi32>, vector<16xi32>, vector<16xi32>, vector<16xi32>], vector<16xf32>,
      %add3A_586 = arith.constant 14 : i32
      %add3A_587 = vector.broadcast %add3A_586 : i32 to vector<16xi32>
      %add3A_588 = arith.addi %add3A_587, %iota3A : vector<16xi32>
      %and3A_589 = arith.constant 31 : i32
      %and3A_590 = vector.broadcast %and3A_589 : i32 to vector<16xi32>
      %and3A_591 = arith.andi %add3A_588, %and3A_590 : vector<16xi32>
      %gather3A_592 = arith.constant 1 : i32
      %gather3A_593 = arith.constant 0 : i32
      %gather3A_594 = arith.constant 0 : i32
      %gather3A_595 = tpu.memref_slice %arg6[%gather3A_592, %gather3A_593, %gather3A_594] : memref<2x512x32xf32, #tpu.memory_space<vmem>> -> memref<1x512x32xf32, #tpu.memory_space<vmem>>
      %gather3A_596 = tpu.memref_squeeze %gather3A_595 : memref<1x512x32xf32, #tpu.memory_space<vmem>> -> memref<512x32xf32, #tpu.memory_space<vmem>>
      %gather3A_597 = tpu.vector_load_idx %gather3A_596[%add3A_234, %and3A_591] : memref<512x32xf32, #tpu.memory_space<vmem>>[vector<16xi32>, vector<16xi32>], vector<16xf32>,
      %shift_right_arithmetic3A_598 = arith.constant 3 : i32
      %shift_right_arithmetic3A_599 = vector.broadcast %shift_right_arithmetic3A_598 : i32 to vector<16xi32>
      %shift_right_arithmetic3A_600 = arith.shrsi %and3A_591, %shift_right_arithmetic3A_599 : vector<16xi32>
      %and3A_601 = arith.constant 7 : i32
      %and3A_602 = vector.broadcast %and3A_601 : i32 to vector<16xi32>
      %and3A_603 = arith.andi %and3A_591, %and3A_602 : vector<16xi32>
      %scatter3A_604 = arith.constant 1 : i32
      %scatter3A_605 = arith.constant 0 : i32
      %scatter3A_606 = arith.constant 0 : i32
      %scatter3A_607 = arith.constant 0 : i32
      %scatter3A_608 = arith.constant 0 : i32
      %scatter3A_609 = tpu.memref_slice %arg7[%scatter3A_604, %scatter3A_605, %scatter3A_606, %scatter3A_607, %scatter3A_608] : memref<2x4x4x8x128xf32, #tpu.memory_space<vmem>> -> memref<1x4x4x8x128xf32, #tpu.memory_space<vmem>>
      %scatter3A_610 = tpu.memref_squeeze %scatter3A_609 : memref<1x4x4x8x128xf32, #tpu.memory_space<vmem>> -> memref<4x4x8x128xf32, #tpu.memory_space<vmem>>
      tpu.vector_store_idx %scatter3A_610[%shift_right_arithmetic3A_600, %add3A_227, %and3A_603, %add3A_238], %gather3A_597 : memref<4x4x8x128xf32, #tpu.memory_space<vmem>>[vector<16xi32>, vector<16xi32>, vector<16xi32>, vector<16xi32>], vector<16xf32>,
      %add3A_611 = arith.constant 15 : i32
      %add3A_612 = vector.broadcast %add3A_611 : i32 to vector<16xi32>
      %add3A_613 = arith.addi %add3A_612, %iota3A : vector<16xi32>
      %and3A_614 = arith.constant 31 : i32
      %and3A_615 = vector.broadcast %and3A_614 : i32 to vector<16xi32>
      %and3A_616 = arith.andi %add3A_613, %and3A_615 : vector<16xi32>
      %gather3A_617 = arith.constant 1 : i32
      %gather3A_618 = arith.constant 0 : i32
      %gather3A_619 = arith.constant 0 : i32
      %gather3A_620 = tpu.memref_slice %arg6[%gather3A_617, %gather3A_618, %gather3A_619] : memref<2x512x32xf32, #tpu.memory_space<vmem>> -> memref<1x512x32xf32, #tpu.memory_space<vmem>>
      %gather3A_621 = tpu.memref_squeeze %gather3A_620 : memref<1x512x32xf32, #tpu.memory_space<vmem>> -> memref<512x32xf32, #tpu.memory_space<vmem>>
      %gather3A_622 = tpu.vector_load_idx %gather3A_621[%add3A_234, %and3A_616] : memref<512x32xf32, #tpu.memory_space<vmem>>[vector<16xi32>, vector<16xi32>], vector<16xf32>,
      %shift_right_arithmetic3A_623 = arith.constant 3 : i32
      %shift_right_arithmetic3A_624 = vector.broadcast %shift_right_arithmetic3A_623 : i32 to vector<16xi32>
      %shift_right_arithmetic3A_625 = arith.shrsi %and3A_616, %shift_right_arithmetic3A_624 : vector<16xi32>
      %and3A_626 = arith.constant 7 : i32
      %and3A_627 = vector.broadcast %and3A_626 : i32 to vector<16xi32>
      %and3A_628 = arith.andi %and3A_616, %and3A_627 : vector<16xi32>
      %scatter3A_629 = arith.constant 1 : i32
      %scatter3A_630 = arith.constant 0 : i32
      %scatter3A_631 = arith.constant 0 : i32
      %scatter3A_632 = arith.constant 0 : i32
      %scatter3A_633 = arith.constant 0 : i32
      %scatter3A_634 = tpu.memref_slice %arg7[%scatter3A_629, %scatter3A_630, %scatter3A_631, %scatter3A_632, %scatter3A_633] : memref<2x4x4x8x128xf32, #tpu.memory_space<vmem>> -> memref<1x4x4x8x128xf32, #tpu.memory_space<vmem>>
      %scatter3A_635 = tpu.memref_squeeze %scatter3A_634 : memref<1x4x4x8x128xf32, #tpu.memory_space<vmem>> -> memref<4x4x8x128xf32, #tpu.memory_space<vmem>>
      tpu.vector_store_idx %scatter3A_635[%shift_right_arithmetic3A_625, %add3A_227, %and3A_628, %add3A_238], %gather3A_622 : memref<4x4x8x128xf32, #tpu.memory_space<vmem>>[vector<16xi32>, vector<16xi32>, vector<16xi32>, vector<16xi32>], vector<16xf32>,
      %add3A_636 = arith.constant 16 : i32
      %add3A_637 = vector.broadcast %add3A_636 : i32 to vector<16xi32>
      %add3A_638 = arith.addi %add3A_637, %iota3A : vector<16xi32>
      %and3A_639 = arith.constant 31 : i32
      %and3A_640 = vector.broadcast %and3A_639 : i32 to vector<16xi32>
      %and3A_641 = arith.andi %add3A_638, %and3A_640 : vector<16xi32>
      %gather3A_642 = arith.constant 1 : i32
      %gather3A_643 = arith.constant 0 : i32
      %gather3A_644 = arith.constant 0 : i32
      %gather3A_645 = tpu.memref_slice %arg6[%gather3A_642, %gather3A_643, %gather3A_644] : memref<2x512x32xf32, #tpu.memory_space<vmem>> -> memref<1x512x32xf32, #tpu.memory_space<vmem>>
      %gather3A_646 = tpu.memref_squeeze %gather3A_645 : memref<1x512x32xf32, #tpu.memory_space<vmem>> -> memref<512x32xf32, #tpu.memory_space<vmem>>
      %gather3A_647 = tpu.vector_load_idx %gather3A_646[%add3A_234, %and3A_641] : memref<512x32xf32, #tpu.memory_space<vmem>>[vector<16xi32>, vector<16xi32>], vector<16xf32>,
      %shift_right_arithmetic3A_648 = arith.constant 3 : i32
      %shift_right_arithmetic3A_649 = vector.broadcast %shift_right_arithmetic3A_648 : i32 to vector<16xi32>
      %shift_right_arithmetic3A_650 = arith.shrsi %and3A_641, %shift_right_arithmetic3A_649 : vector<16xi32>
      %and3A_651 = arith.constant 7 : i32
      %and3A_652 = vector.broadcast %and3A_651 : i32 to vector<16xi32>
      %and3A_653 = arith.andi %and3A_641, %and3A_652 : vector<16xi32>
      %scatter3A_654 = arith.constant 1 : i32
      %scatter3A_655 = arith.constant 0 : i32
      %scatter3A_656 = arith.constant 0 : i32
      %scatter3A_657 = arith.constant 0 : i32
      %scatter3A_658 = arith.constant 0 : i32
      %scatter3A_659 = tpu.memref_slice %arg7[%scatter3A_654, %scatter3A_655, %scatter3A_656, %scatter3A_657, %scatter3A_658] : memref<2x4x4x8x128xf32, #tpu.memory_space<vmem>> -> memref<1x4x4x8x128xf32, #tpu.memory_space<vmem>>
      %scatter3A_660 = tpu.memref_squeeze %scatter3A_659 : memref<1x4x4x8x128xf32, #tpu.memory_space<vmem>> -> memref<4x4x8x128xf32, #tpu.memory_space<vmem>>
      tpu.vector_store_idx %scatter3A_660[%shift_right_arithmetic3A_650, %add3A_227, %and3A_653, %add3A_238], %gather3A_647 : memref<4x4x8x128xf32, #tpu.memory_space<vmem>>[vector<16xi32>, vector<16xi32>, vector<16xi32>, vector<16xi32>], vector<16xf32>,
      %add3A_661 = arith.constant 17 : i32
      %add3A_662 = vector.broadcast %add3A_661 : i32 to vector<16xi32>
      %add3A_663 = arith.addi %add3A_662, %iota3A : vector<16xi32>
      %and3A_664 = arith.constant 31 : i32
      %and3A_665 = vector.broadcast %and3A_664 : i32 to vector<16xi32>
      %and3A_666 = arith.andi %add3A_663, %and3A_665 : vector<16xi32>
      %gather3A_667 = arith.constant 1 : i32
      %gather3A_668 = arith.constant 0 : i32
      %gather3A_669 = arith.constant 0 : i32
      %gather3A_670 = tpu.memref_slice %arg6[%gather3A_667, %gather3A_668, %gather3A_669] : memref<2x512x32xf32, #tpu.memory_space<vmem>> -> memref<1x512x32xf32, #tpu.memory_space<vmem>>
      %gather3A_671 = tpu.memref_squeeze %gather3A_670 : memref<1x512x32xf32, #tpu.memory_space<vmem>> -> memref<512x32xf32, #tpu.memory_space<vmem>>
      %gather3A_672 = tpu.vector_load_idx %gather3A_671[%add3A_234, %and3A_666] : memref<512x32xf32, #tpu.memory_space<vmem>>[vector<16xi32>, vector<16xi32>], vector<16xf32>,
      %shift_right_arithmetic3A_673 = arith.constant 3 : i32
      %shift_right_arithmetic3A_674 = vector.broadcast %shift_right_arithmetic3A_673 : i32 to vector<16xi32>
      %shift_right_arithmetic3A_675 = arith.shrsi %and3A_666, %shift_right_arithmetic3A_674 : vector<16xi32>
      %and3A_676 = arith.constant 7 : i32
      %and3A_677 = vector.broadcast %and3A_676 : i32 to vector<16xi32>
      %and3A_678 = arith.andi %and3A_666, %and3A_677 : vector<16xi32>
      %scatter3A_679 = arith.constant 1 : i32
      %scatter3A_680 = arith.constant 0 : i32
      %scatter3A_681 = arith.constant 0 : i32
      %scatter3A_682 = arith.constant 0 : i32
      %scatter3A_683 = arith.constant 0 : i32
      %scatter3A_684 = tpu.memref_slice %arg7[%scatter3A_679, %scatter3A_680, %scatter3A_681, %scatter3A_682, %scatter3A_683] : memref<2x4x4x8x128xf32, #tpu.memory_space<vmem>> -> memref<1x4x4x8x128xf32, #tpu.memory_space<vmem>>
      %scatter3A_685 = tpu.memref_squeeze %scatter3A_684 : memref<1x4x4x8x128xf32, #tpu.memory_space<vmem>> -> memref<4x4x8x128xf32, #tpu.memory_space<vmem>>
      tpu.vector_store_idx %scatter3A_685[%shift_right_arithmetic3A_675, %add3A_227, %and3A_678, %add3A_238], %gather3A_672 : memref<4x4x8x128xf32, #tpu.memory_space<vmem>>[vector<16xi32>, vector<16xi32>, vector<16xi32>, vector<16xi32>], vector<16xf32>,
      %add3A_686 = arith.constant 18 : i32
      %add3A_687 = vector.broadcast %add3A_686 : i32 to vector<16xi32>
      %add3A_688 = arith.addi %add3A_687, %iota3A : vector<16xi32>
      %and3A_689 = arith.constant 31 : i32
      %and3A_690 = vector.broadcast %and3A_689 : i32 to vector<16xi32>
      %and3A_691 = arith.andi %add3A_688, %and3A_690 : vector<16xi32>
      %gather3A_692 = arith.constant 1 : i32
      %gather3A_693 = arith.constant 0 : i32
      %gather3A_694 = arith.constant 0 : i32
      %gather3A_695 = tpu.memref_slice %arg6[%gather3A_692, %gather3A_693, %gather3A_694] : memref<2x512x32xf32, #tpu.memory_space<vmem>> -> memref<1x512x32xf32, #tpu.memory_space<vmem>>
      %gather3A_696 = tpu.memref_squeeze %gather3A_695 : memref<1x512x32xf32, #tpu.memory_space<vmem>> -> memref<512x32xf32, #tpu.memory_space<vmem>>
      %gather3A_697 = tpu.vector_load_idx %gather3A_696[%add3A_234, %and3A_691] : memref<512x32xf32, #tpu.memory_space<vmem>>[vector<16xi32>, vector<16xi32>], vector<16xf32>,
      %shift_right_arithmetic3A_698 = arith.constant 3 : i32
      %shift_right_arithmetic3A_699 = vector.broadcast %shift_right_arithmetic3A_698 : i32 to vector<16xi32>
      %shift_right_arithmetic3A_700 = arith.shrsi %and3A_691, %shift_right_arithmetic3A_699 : vector<16xi32>
      %and3A_701 = arith.constant 7 : i32
      %and3A_702 = vector.broadcast %and3A_701 : i32 to vector<16xi32>
      %and3A_703 = arith.andi %and3A_691, %and3A_702 : vector<16xi32>
      %scatter3A_704 = arith.constant 1 : i32
      %scatter3A_705 = arith.constant 0 : i32
      %scatter3A_706 = arith.constant 0 : i32
      %scatter3A_707 = arith.constant 0 : i32
      %scatter3A_708 = arith.constant 0 : i32
      %scatter3A_709 = tpu.memref_slice %arg7[%scatter3A_704, %scatter3A_705, %scatter3A_706, %scatter3A_707, %scatter3A_708] : memref<2x4x4x8x128xf32, #tpu.memory_space<vmem>> -> memref<1x4x4x8x128xf32, #tpu.memory_space<vmem>>
      %scatter3A_710 = tpu.memref_squeeze %scatter3A_709 : memref<1x4x4x8x128xf32, #tpu.memory_space<vmem>> -> memref<4x4x8x128xf32, #tpu.memory_space<vmem>>
      tpu.vector_store_idx %scatter3A_710[%shift_right_arithmetic3A_700, %add3A_227, %and3A_703, %add3A_238], %gather3A_697 : memref<4x4x8x128xf32, #tpu.memory_space<vmem>>[vector<16xi32>, vector<16xi32>, vector<16xi32>, vector<16xi32>], vector<16xf32>,
      %add3A_711 = arith.constant 19 : i32
      %add3A_712 = vector.broadcast %add3A_711 : i32 to vector<16xi32>
      %add3A_713 = arith.addi %add3A_712, %iota3A : vector<16xi32>
      %and3A_714 = arith.constant 31 : i32
      %and3A_715 = vector.broadcast %and3A_714 : i32 to vector<16xi32>
      %and3A_716 = arith.andi %add3A_713, %and3A_715 : vector<16xi32>
      %gather3A_717 = arith.constant 1 : i32
      %gather3A_718 = arith.constant 0 : i32
      %gather3A_719 = arith.constant 0 : i32
      %gather3A_720 = tpu.memref_slice %arg6[%gather3A_717, %gather3A_718, %gather3A_719] : memref<2x512x32xf32, #tpu.memory_space<vmem>> -> memref<1x512x32xf32, #tpu.memory_space<vmem>>
      %gather3A_721 = tpu.memref_squeeze %gather3A_720 : memref<1x512x32xf32, #tpu.memory_space<vmem>> -> memref<512x32xf32, #tpu.memory_space<vmem>>
      %gather3A_722 = tpu.vector_load_idx %gather3A_721[%add3A_234, %and3A_716] : memref<512x32xf32, #tpu.memory_space<vmem>>[vector<16xi32>, vector<16xi32>], vector<16xf32>,
      %shift_right_arithmetic3A_723 = arith.constant 3 : i32
      %shift_right_arithmetic3A_724 = vector.broadcast %shift_right_arithmetic3A_723 : i32 to vector<16xi32>
      %shift_right_arithmetic3A_725 = arith.shrsi %and3A_716, %shift_right_arithmetic3A_724 : vector<16xi32>
      %and3A_726 = arith.constant 7 : i32
      %and3A_727 = vector.broadcast %and3A_726 : i32 to vector<16xi32>
      %and3A_728 = arith.andi %and3A_716, %and3A_727 : vector<16xi32>
      %scatter3A_729 = arith.constant 1 : i32
      %scatter3A_730 = arith.constant 0 : i32
      %scatter3A_731 = arith.constant 0 : i32
      %scatter3A_732 = arith.constant 0 : i32
      %scatter3A_733 = arith.constant 0 : i32
      %scatter3A_734 = tpu.memref_slice %arg7[%scatter3A_729, %scatter3A_730, %scatter3A_731, %scatter3A_732, %scatter3A_733] : memref<2x4x4x8x128xf32, #tpu.memory_space<vmem>> -> memref<1x4x4x8x128xf32, #tpu.memory_space<vmem>>
      %scatter3A_735 = tpu.memref_squeeze %scatter3A_734 : memref<1x4x4x8x128xf32, #tpu.memory_space<vmem>> -> memref<4x4x8x128xf32, #tpu.memory_space<vmem>>
      tpu.vector_store_idx %scatter3A_735[%shift_right_arithmetic3A_725, %add3A_227, %and3A_728, %add3A_238], %gather3A_722 : memref<4x4x8x128xf32, #tpu.memory_space<vmem>>[vector<16xi32>, vector<16xi32>, vector<16xi32>, vector<16xi32>], vector<16xf32>,
      %add3A_736 = arith.constant 20 : i32
      %add3A_737 = vector.broadcast %add3A_736 : i32 to vector<16xi32>
      %add3A_738 = arith.addi %add3A_737, %iota3A : vector<16xi32>
      %and3A_739 = arith.constant 31 : i32
      %and3A_740 = vector.broadcast %and3A_739 : i32 to vector<16xi32>
      %and3A_741 = arith.andi %add3A_738, %and3A_740 : vector<16xi32>
      %gather3A_742 = arith.constant 1 : i32
      %gather3A_743 = arith.constant 0 : i32
      %gather3A_744 = arith.constant 0 : i32
      %gather3A_745 = tpu.memref_slice %arg6[%gather3A_742, %gather3A_743, %gather3A_744] : memref<2x512x32xf32, #tpu.memory_space<vmem>> -> memref<1x512x32xf32, #tpu.memory_space<vmem>>
      %gather3A_746 = tpu.memref_squeeze %gather3A_745 : memref<1x512x32xf32, #tpu.memory_space<vmem>> -> memref<512x32xf32, #tpu.memory_space<vmem>>
      %gather3A_747 = tpu.vector_load_idx %gather3A_746[%add3A_234, %and3A_741] : memref<512x32xf32, #tpu.memory_space<vmem>>[vector<16xi32>, vector<16xi32>], vector<16xf32>,
      %shift_right_arithmetic3A_748 = arith.constant 3 : i32
      %shift_right_arithmetic3A_749 = vector.broadcast %shift_right_arithmetic3A_748 : i32 to vector<16xi32>
      %shift_right_arithmetic3A_750 = arith.shrsi %and3A_741, %shift_right_arithmetic3A_749 : vector<16xi32>
      %and3A_751 = arith.constant 7 : i32
      %and3A_752 = vector.broadcast %and3A_751 : i32 to vector<16xi32>
      %and3A_753 = arith.andi %and3A_741, %and3A_752 : vector<16xi32>
      %scatter3A_754 = arith.constant 1 : i32
      %scatter3A_755 = arith.constant 0 : i32
      %scatter3A_756 = arith.constant 0 : i32
      %scatter3A_757 = arith.constant 0 : i32
      %scatter3A_758 = arith.constant 0 : i32
      %scatter3A_759 = tpu.memref_slice %arg7[%scatter3A_754, %scatter3A_755, %scatter3A_756, %scatter3A_757, %scatter3A_758] : memref<2x4x4x8x128xf32, #tpu.memory_space<vmem>> -> memref<1x4x4x8x128xf32, #tpu.memory_space<vmem>>
      %scatter3A_760 = tpu.memref_squeeze %scatter3A_759 : memref<1x4x4x8x128xf32, #tpu.memory_space<vmem>> -> memref<4x4x8x128xf32, #tpu.memory_space<vmem>>
      tpu.vector_store_idx %scatter3A_760[%shift_right_arithmetic3A_750, %add3A_227, %and3A_753, %add3A_238], %gather3A_747 : memref<4x4x8x128xf32, #tpu.memory_space<vmem>>[vector<16xi32>, vector<16xi32>, vector<16xi32>, vector<16xi32>], vector<16xf32>,
      %add3A_761 = arith.constant 21 : i32
      %add3A_762 = vector.broadcast %add3A_761 : i32 to vector<16xi32>
      %add3A_763 = arith.addi %add3A_762, %iota3A : vector<16xi32>
      %and3A_764 = arith.constant 31 : i32
      %and3A_765 = vector.broadcast %and3A_764 : i32 to vector<16xi32>
      %and3A_766 = arith.andi %add3A_763, %and3A_765 : vector<16xi32>
      %gather3A_767 = arith.constant 1 : i32
      %gather3A_768 = arith.constant 0 : i32
      %gather3A_769 = arith.constant 0 : i32
      %gather3A_770 = tpu.memref_slice %arg6[%gather3A_767, %gather3A_768, %gather3A_769] : memref<2x512x32xf32, #tpu.memory_space<vmem>> -> memref<1x512x32xf32, #tpu.memory_space<vmem>>
      %gather3A_771 = tpu.memref_squeeze %gather3A_770 : memref<1x512x32xf32, #tpu.memory_space<vmem>> -> memref<512x32xf32, #tpu.memory_space<vmem>>
      %gather3A_772 = tpu.vector_load_idx %gather3A_771[%add3A_234, %and3A_766] : memref<512x32xf32, #tpu.memory_space<vmem>>[vector<16xi32>, vector<16xi32>], vector<16xf32>,
      %shift_right_arithmetic3A_773 = arith.constant 3 : i32
      %shift_right_arithmetic3A_774 = vector.broadcast %shift_right_arithmetic3A_773 : i32 to vector<16xi32>
      %shift_right_arithmetic3A_775 = arith.shrsi %and3A_766, %shift_right_arithmetic3A_774 : vector<16xi32>
      %and3A_776 = arith.constant 7 : i32
      %and3A_777 = vector.broadcast %and3A_776 : i32 to vector<16xi32>
      %and3A_778 = arith.andi %and3A_766, %and3A_777 : vector<16xi32>
      %scatter3A_779 = arith.constant 1 : i32
      %scatter3A_780 = arith.constant 0 : i32
      %scatter3A_781 = arith.constant 0 : i32
      %scatter3A_782 = arith.constant 0 : i32
      %scatter3A_783 = arith.constant 0 : i32
      %scatter3A_784 = tpu.memref_slice %arg7[%scatter3A_779, %scatter3A_780, %scatter3A_781, %scatter3A_782, %scatter3A_783] : memref<2x4x4x8x128xf32, #tpu.memory_space<vmem>> -> memref<1x4x4x8x128xf32, #tpu.memory_space<vmem>>
      %scatter3A_785 = tpu.memref_squeeze %scatter3A_784 : memref<1x4x4x8x128xf32, #tpu.memory_space<vmem>> -> memref<4x4x8x128xf32, #tpu.memory_space<vmem>>
      tpu.vector_store_idx %scatter3A_785[%shift_right_arithmetic3A_775, %add3A_227, %and3A_778, %add3A_238], %gather3A_772 : memref<4x4x8x128xf32, #tpu.memory_space<vmem>>[vector<16xi32>, vector<16xi32>, vector<16xi32>, vector<16xi32>], vector<16xf32>,
      %add3A_786 = arith.constant 22 : i32
      %add3A_787 = vector.broadcast %add3A_786 : i32 to vector<16xi32>
      %add3A_788 = arith.addi %add3A_787, %iota3A : vector<16xi32>
      %and3A_789 = arith.constant 31 : i32
      %and3A_790 = vector.broadcast %and3A_789 : i32 to vector<16xi32>
      %and3A_791 = arith.andi %add3A_788, %and3A_790 : vector<16xi32>
      %gather3A_792 = arith.constant 1 : i32
      %gather3A_793 = arith.constant 0 : i32
      %gather3A_794 = arith.constant 0 : i32
      %gather3A_795 = tpu.memref_slice %arg6[%gather3A_792, %gather3A_793, %gather3A_794] : memref<2x512x32xf32, #tpu.memory_space<vmem>> -> memref<1x512x32xf32, #tpu.memory_space<vmem>>
      %gather3A_796 = tpu.memref_squeeze %gather3A_795 : memref<1x512x32xf32, #tpu.memory_space<vmem>> -> memref<512x32xf32, #tpu.memory_space<vmem>>
      %gather3A_797 = tpu.vector_load_idx %gather3A_796[%add3A_234, %and3A_791] : memref<512x32xf32, #tpu.memory_space<vmem>>[vector<16xi32>, vector<16xi32>], vector<16xf32>,
      %shift_right_arithmetic3A_798 = arith.constant 3 : i32
      %shift_right_arithmetic3A_799 = vector.broadcast %shift_right_arithmetic3A_798 : i32 to vector<16xi32>
      %shift_right_arithmetic3A_800 = arith.shrsi %and3A_791, %shift_right_arithmetic3A_799 : vector<16xi32>
      %and3A_801 = arith.constant 7 : i32
      %and3A_802 = vector.broadcast %and3A_801 : i32 to vector<16xi32>
      %and3A_803 = arith.andi %and3A_791, %and3A_802 : vector<16xi32>
      %scatter3A_804 = arith.constant 1 : i32
      %scatter3A_805 = arith.constant 0 : i32
      %scatter3A_806 = arith.constant 0 : i32
      %scatter3A_807 = arith.constant 0 : i32
      %scatter3A_808 = arith.constant 0 : i32
      %scatter3A_809 = tpu.memref_slice %arg7[%scatter3A_804, %scatter3A_805, %scatter3A_806, %scatter3A_807, %scatter3A_808] : memref<2x4x4x8x128xf32, #tpu.memory_space<vmem>> -> memref<1x4x4x8x128xf32, #tpu.memory_space<vmem>>
      %scatter3A_810 = tpu.memref_squeeze %scatter3A_809 : memref<1x4x4x8x128xf32, #tpu.memory_space<vmem>> -> memref<4x4x8x128xf32, #tpu.memory_space<vmem>>
      tpu.vector_store_idx %scatter3A_810[%shift_right_arithmetic3A_800, %add3A_227, %and3A_803, %add3A_238], %gather3A_797 : memref<4x4x8x128xf32, #tpu.memory_space<vmem>>[vector<16xi32>, vector<16xi32>, vector<16xi32>, vector<16xi32>], vector<16xf32>,
      %add3A_811 = arith.constant 23 : i32
      %add3A_812 = vector.broadcast %add3A_811 : i32 to vector<16xi32>
      %add3A_813 = arith.addi %add3A_812, %iota3A : vector<16xi32>
      %and3A_814 = arith.constant 31 : i32
      %and3A_815 = vector.broadcast %and3A_814 : i32 to vector<16xi32>
      %and3A_816 = arith.andi %add3A_813, %and3A_815 : vector<16xi32>
      %gather3A_817 = arith.constant 1 : i32
      %gather3A_818 = arith.constant 0 : i32
      %gather3A_819 = arith.constant 0 : i32
      %gather3A_820 = tpu.memref_slice %arg6[%gather3A_817, %gather3A_818, %gather3A_819] : memref<2x512x32xf32, #tpu.memory_space<vmem>> -> memref<1x512x32xf32, #tpu.memory_space<vmem>>
      %gather3A_821 = tpu.memref_squeeze %gather3A_820 : memref<1x512x32xf32, #tpu.memory_space<vmem>> -> memref<512x32xf32, #tpu.memory_space<vmem>>
      %gather3A_822 = tpu.vector_load_idx %gather3A_821[%add3A_234, %and3A_816] : memref<512x32xf32, #tpu.memory_space<vmem>>[vector<16xi32>, vector<16xi32>], vector<16xf32>,
      %shift_right_arithmetic3A_823 = arith.constant 3 : i32
      %shift_right_arithmetic3A_824 = vector.broadcast %shift_right_arithmetic3A_823 : i32 to vector<16xi32>
      %shift_right_arithmetic3A_825 = arith.shrsi %and3A_816, %shift_right_arithmetic3A_824 : vector<16xi32>
      %and3A_826 = arith.constant 7 : i32
      %and3A_827 = vector.broadcast %and3A_826 : i32 to vector<16xi32>
      %and3A_828 = arith.andi %and3A_816, %and3A_827 : vector<16xi32>
      %scatter3A_829 = arith.constant 1 : i32
      %scatter3A_830 = arith.constant 0 : i32
      %scatter3A_831 = arith.constant 0 : i32
      %scatter3A_832 = arith.constant 0 : i32
      %scatter3A_833 = arith.constant 0 : i32
      %scatter3A_834 = tpu.memref_slice %arg7[%scatter3A_829, %scatter3A_830, %scatter3A_831, %scatter3A_832, %scatter3A_833] : memref<2x4x4x8x128xf32, #tpu.memory_space<vmem>> -> memref<1x4x4x8x128xf32, #tpu.memory_space<vmem>>
      %scatter3A_835 = tpu.memref_squeeze %scatter3A_834 : memref<1x4x4x8x128xf32, #tpu.memory_space<vmem>> -> memref<4x4x8x128xf32, #tpu.memory_space<vmem>>
      tpu.vector_store_idx %scatter3A_835[%shift_right_arithmetic3A_825, %add3A_227, %and3A_828, %add3A_238], %gather3A_822 : memref<4x4x8x128xf32, #tpu.memory_space<vmem>>[vector<16xi32>, vector<16xi32>, vector<16xi32>, vector<16xi32>], vector<16xf32>,
      %add3A_836 = arith.constant 24 : i32
      %add3A_837 = vector.broadcast %add3A_836 : i32 to vector<16xi32>
      %add3A_838 = arith.addi %add3A_837, %iota3A : vector<16xi32>
      %and3A_839 = arith.constant 31 : i32
      %and3A_840 = vector.broadcast %and3A_839 : i32 to vector<16xi32>
      %and3A_841 = arith.andi %add3A_838, %and3A_840 : vector<16xi32>
      %gather3A_842 = arith.constant 1 : i32
      %gather3A_843 = arith.constant 0 : i32
      %gather3A_844 = arith.constant 0 : i32
      %gather3A_845 = tpu.memref_slice %arg6[%gather3A_842, %gather3A_843, %gather3A_844] : memref<2x512x32xf32, #tpu.memory_space<vmem>> -> memref<1x512x32xf32, #tpu.memory_space<vmem>>
      %gather3A_846 = tpu.memref_squeeze %gather3A_845 : memref<1x512x32xf32, #tpu.memory_space<vmem>> -> memref<512x32xf32, #tpu.memory_space<vmem>>
      %gather3A_847 = tpu.vector_load_idx %gather3A_846[%add3A_234, %and3A_841] : memref<512x32xf32, #tpu.memory_space<vmem>>[vector<16xi32>, vector<16xi32>], vector<16xf32>,
      %shift_right_arithmetic3A_848 = arith.constant 3 : i32
      %shift_right_arithmetic3A_849 = vector.broadcast %shift_right_arithmetic3A_848 : i32 to vector<16xi32>
      %shift_right_arithmetic3A_850 = arith.shrsi %and3A_841, %shift_right_arithmetic3A_849 : vector<16xi32>
      %and3A_851 = arith.constant 7 : i32
      %and3A_852 = vector.broadcast %and3A_851 : i32 to vector<16xi32>
      %and3A_853 = arith.andi %and3A_841, %and3A_852 : vector<16xi32>
      %scatter3A_854 = arith.constant 1 : i32
      %scatter3A_855 = arith.constant 0 : i32
      %scatter3A_856 = arith.constant 0 : i32
      %scatter3A_857 = arith.constant 0 : i32
      %scatter3A_858 = arith.constant 0 : i32
      %scatter3A_859 = tpu.memref_slice %arg7[%scatter3A_854, %scatter3A_855, %scatter3A_856, %scatter3A_857, %scatter3A_858] : memref<2x4x4x8x128xf32, #tpu.memory_space<vmem>> -> memref<1x4x4x8x128xf32, #tpu.memory_space<vmem>>
      %scatter3A_860 = tpu.memref_squeeze %scatter3A_859 : memref<1x4x4x8x128xf32, #tpu.memory_space<vmem>> -> memref<4x4x8x128xf32, #tpu.memory_space<vmem>>
      tpu.vector_store_idx %scatter3A_860[%shift_right_arithmetic3A_850, %add3A_227, %and3A_853, %add3A_238], %gather3A_847 : memref<4x4x8x128xf32, #tpu.memory_space<vmem>>[vector<16xi32>, vector<16xi32>, vector<16xi32>, vector<16xi32>], vector<16xf32>,
      %add3A_861 = arith.constant 25 : i32
      %add3A_862 = vector.broadcast %add3A_861 : i32 to vector<16xi32>
      %add3A_863 = arith.addi %add3A_862, %iota3A : vector<16xi32>
      %and3A_864 = arith.constant 31 : i32
      %and3A_865 = vector.broadcast %and3A_864 : i32 to vector<16xi32>
      %and3A_866 = arith.andi %add3A_863, %and3A_865 : vector<16xi32>
      %gather3A_867 = arith.constant 1 : i32
      %gather3A_868 = arith.constant 0 : i32
      %gather3A_869 = arith.constant 0 : i32
      %gather3A_870 = tpu.memref_slice %arg6[%gather3A_867, %gather3A_868, %gather3A_869] : memref<2x512x32xf32, #tpu.memory_space<vmem>> -> memref<1x512x32xf32, #tpu.memory_space<vmem>>
      %gather3A_871 = tpu.memref_squeeze %gather3A_870 : memref<1x512x32xf32, #tpu.memory_space<vmem>> -> memref<512x32xf32, #tpu.memory_space<vmem>>
      %gather3A_872 = tpu.vector_load_idx %gather3A_871[%add3A_234, %and3A_866] : memref<512x32xf32, #tpu.memory_space<vmem>>[vector<16xi32>, vector<16xi32>], vector<16xf32>,
      %shift_right_arithmetic3A_873 = arith.constant 3 : i32
      %shift_right_arithmetic3A_874 = vector.broadcast %shift_right_arithmetic3A_873 : i32 to vector<16xi32>
      %shift_right_arithmetic3A_875 = arith.shrsi %and3A_866, %shift_right_arithmetic3A_874 : vector<16xi32>
      %and3A_876 = arith.constant 7 : i32
      %and3A_877 = vector.broadcast %and3A_876 : i32 to vector<16xi32>
      %and3A_878 = arith.andi %and3A_866, %and3A_877 : vector<16xi32>
      %scatter3A_879 = arith.constant 1 : i32
      %scatter3A_880 = arith.constant 0 : i32
      %scatter3A_881 = arith.constant 0 : i32
      %scatter3A_882 = arith.constant 0 : i32
      %scatter3A_883 = arith.constant 0 : i32
      %scatter3A_884 = tpu.memref_slice %arg7[%scatter3A_879, %scatter3A_880, %scatter3A_881, %scatter3A_882, %scatter3A_883] : memref<2x4x4x8x128xf32, #tpu.memory_space<vmem>> -> memref<1x4x4x8x128xf32, #tpu.memory_space<vmem>>
      %scatter3A_885 = tpu.memref_squeeze %scatter3A_884 : memref<1x4x4x8x128xf32, #tpu.memory_space<vmem>> -> memref<4x4x8x128xf32, #tpu.memory_space<vmem>>
      tpu.vector_store_idx %scatter3A_885[%shift_right_arithmetic3A_875, %add3A_227, %and3A_878, %add3A_238], %gather3A_872 : memref<4x4x8x128xf32, #tpu.memory_space<vmem>>[vector<16xi32>, vector<16xi32>, vector<16xi32>, vector<16xi32>], vector<16xf32>,
      %add3A_886 = arith.constant 26 : i32
      %add3A_887 = vector.broadcast %add3A_886 : i32 to vector<16xi32>
      %add3A_888 = arith.addi %add3A_887, %iota3A : vector<16xi32>
      %and3A_889 = arith.constant 31 : i32
      %and3A_890 = vector.broadcast %and3A_889 : i32 to vector<16xi32>
      %and3A_891 = arith.andi %add3A_888, %and3A_890 : vector<16xi32>
      %gather3A_892 = arith.constant 1 : i32
      %gather3A_893 = arith.constant 0 : i32
      %gather3A_894 = arith.constant 0 : i32
      %gather3A_895 = tpu.memref_slice %arg6[%gather3A_892, %gather3A_893, %gather3A_894] : memref<2x512x32xf32, #tpu.memory_space<vmem>> -> memref<1x512x32xf32, #tpu.memory_space<vmem>>
      %gather3A_896 = tpu.memref_squeeze %gather3A_895 : memref<1x512x32xf32, #tpu.memory_space<vmem>> -> memref<512x32xf32, #tpu.memory_space<vmem>>
      %gather3A_897 = tpu.vector_load_idx %gather3A_896[%add3A_234, %and3A_891] : memref<512x32xf32, #tpu.memory_space<vmem>>[vector<16xi32>, vector<16xi32>], vector<16xf32>,
      %shift_right_arithmetic3A_898 = arith.constant 3 : i32
      %shift_right_arithmetic3A_899 = vector.broadcast %shift_right_arithmetic3A_898 : i32 to vector<16xi32>
      %shift_right_arithmetic3A_900 = arith.shrsi %and3A_891, %shift_right_arithmetic3A_899 : vector<16xi32>
      %and3A_901 = arith.constant 7 : i32
      %and3A_902 = vector.broadcast %and3A_901 : i32 to vector<16xi32>
      %and3A_903 = arith.andi %and3A_891, %and3A_902 : vector<16xi32>
      %scatter3A_904 = arith.constant 1 : i32
      %scatter3A_905 = arith.constant 0 : i32
      %scatter3A_906 = arith.constant 0 : i32
      %scatter3A_907 = arith.constant 0 : i32
      %scatter3A_908 = arith.constant 0 : i32
      %scatter3A_909 = tpu.memref_slice %arg7[%scatter3A_904, %scatter3A_905, %scatter3A_906, %scatter3A_907, %scatter3A_908] : memref<2x4x4x8x128xf32, #tpu.memory_space<vmem>> -> memref<1x4x4x8x128xf32, #tpu.memory_space<vmem>>
      %scatter3A_910 = tpu.memref_squeeze %scatter3A_909 : memref<1x4x4x8x128xf32, #tpu.memory_space<vmem>> -> memref<4x4x8x128xf32, #tpu.memory_space<vmem>>
      tpu.vector_store_idx %scatter3A_910[%shift_right_arithmetic3A_900, %add3A_227, %and3A_903, %add3A_238], %gather3A_897 : memref<4x4x8x128xf32, #tpu.memory_space<vmem>>[vector<16xi32>, vector<16xi32>, vector<16xi32>, vector<16xi32>], vector<16xf32>,
      %add3A_911 = arith.constant 27 : i32
      %add3A_912 = vector.broadcast %add3A_911 : i32 to vector<16xi32>
      %add3A_913 = arith.addi %add3A_912, %iota3A : vector<16xi32>
      %and3A_914 = arith.constant 31 : i32
      %and3A_915 = vector.broadcast %and3A_914 : i32 to vector<16xi32>
      %and3A_916 = arith.andi %add3A_913, %and3A_915 : vector<16xi32>
      %gather3A_917 = arith.constant 1 : i32
      %gather3A_918 = arith.constant 0 : i32
      %gather3A_919 = arith.constant 0 : i32
      %gather3A_920 = tpu.memref_slice %arg6[%gather3A_917, %gather3A_918, %gather3A_919] : memref<2x512x32xf32, #tpu.memory_space<vmem>> -> memref<1x512x32xf32, #tpu.memory_space<vmem>>
      %gather3A_921 = tpu.memref_squeeze %gather3A_920 : memref<1x512x32xf32, #tpu.memory_space<vmem>> -> memref<512x32xf32, #tpu.memory_space<vmem>>
      %gather3A_922 = tpu.vector_load_idx %gather3A_921[%add3A_234, %and3A_916] : memref<512x32xf32, #tpu.memory_space<vmem>>[vector<16xi32>, vector<16xi32>], vector<16xf32>,
      %shift_right_arithmetic3A_923 = arith.constant 3 : i32
      %shift_right_arithmetic3A_924 = vector.broadcast %shift_right_arithmetic3A_923 : i32 to vector<16xi32>
      %shift_right_arithmetic3A_925 = arith.shrsi %and3A_916, %shift_right_arithmetic3A_924 : vector<16xi32>
      %and3A_926 = arith.constant 7 : i32
      %and3A_927 = vector.broadcast %and3A_926 : i32 to vector<16xi32>
      %and3A_928 = arith.andi %and3A_916, %and3A_927 : vector<16xi32>
      %scatter3A_929 = arith.constant 1 : i32
      %scatter3A_930 = arith.constant 0 : i32
      %scatter3A_931 = arith.constant 0 : i32
      %scatter3A_932 = arith.constant 0 : i32
      %scatter3A_933 = arith.constant 0 : i32
      %scatter3A_934 = tpu.memref_slice %arg7[%scatter3A_929, %scatter3A_930, %scatter3A_931, %scatter3A_932, %scatter3A_933] : memref<2x4x4x8x128xf32, #tpu.memory_space<vmem>> -> memref<1x4x4x8x128xf32, #tpu.memory_space<vmem>>
      %scatter3A_935 = tpu.memref_squeeze %scatter3A_934 : memref<1x4x4x8x128xf32, #tpu.memory_space<vmem>> -> memref<4x4x8x128xf32, #tpu.memory_space<vmem>>
      tpu.vector_store_idx %scatter3A_935[%shift_right_arithmetic3A_925, %add3A_227, %and3A_928, %add3A_238], %gather3A_922 : memref<4x4x8x128xf32, #tpu.memory_space<vmem>>[vector<16xi32>, vector<16xi32>, vector<16xi32>, vector<16xi32>], vector<16xf32>,
      %add3A_936 = arith.constant 28 : i32
      %add3A_937 = vector.broadcast %add3A_936 : i32 to vector<16xi32>
      %add3A_938 = arith.addi %add3A_937, %iota3A : vector<16xi32>
      %and3A_939 = arith.constant 31 : i32
      %and3A_940 = vector.broadcast %and3A_939 : i32 to vector<16xi32>
      %and3A_941 = arith.andi %add3A_938, %and3A_940 : vector<16xi32>
      %gather3A_942 = arith.constant 1 : i32
      %gather3A_943 = arith.constant 0 : i32
      %gather3A_944 = arith.constant 0 : i32
      %gather3A_945 = tpu.memref_slice %arg6[%gather3A_942, %gather3A_943, %gather3A_944] : memref<2x512x32xf32, #tpu.memory_space<vmem>> -> memref<1x512x32xf32, #tpu.memory_space<vmem>>
      %gather3A_946 = tpu.memref_squeeze %gather3A_945 : memref<1x512x32xf32, #tpu.memory_space<vmem>> -> memref<512x32xf32, #tpu.memory_space<vmem>>
      %gather3A_947 = tpu.vector_load_idx %gather3A_946[%add3A_234, %and3A_941] : memref<512x32xf32, #tpu.memory_space<vmem>>[vector<16xi32>, vector<16xi32>], vector<16xf32>,
      %shift_right_arithmetic3A_948 = arith.constant 3 : i32
      %shift_right_arithmetic3A_949 = vector.broadcast %shift_right_arithmetic3A_948 : i32 to vector<16xi32>
      %shift_right_arithmetic3A_950 = arith.shrsi %and3A_941, %shift_right_arithmetic3A_949 : vector<16xi32>
      %and3A_951 = arith.constant 7 : i32
      %and3A_952 = vector.broadcast %and3A_951 : i32 to vector<16xi32>
      %and3A_953 = arith.andi %and3A_941, %and3A_952 : vector<16xi32>
      %scatter3A_954 = arith.constant 1 : i32
      %scatter3A_955 = arith.constant 0 : i32
      %scatter3A_956 = arith.constant 0 : i32
      %scatter3A_957 = arith.constant 0 : i32
      %scatter3A_958 = arith.constant 0 : i32
      %scatter3A_959 = tpu.memref_slice %arg7[%scatter3A_954, %scatter3A_955, %scatter3A_956, %scatter3A_957, %scatter3A_958] : memref<2x4x4x8x128xf32, #tpu.memory_space<vmem>> -> memref<1x4x4x8x128xf32, #tpu.memory_space<vmem>>
      %scatter3A_960 = tpu.memref_squeeze %scatter3A_959 : memref<1x4x4x8x128xf32, #tpu.memory_space<vmem>> -> memref<4x4x8x128xf32, #tpu.memory_space<vmem>>
      tpu.vector_store_idx %scatter3A_960[%shift_right_arithmetic3A_950, %add3A_227, %and3A_953, %add3A_238], %gather3A_947 : memref<4x4x8x128xf32, #tpu.memory_space<vmem>>[vector<16xi32>, vector<16xi32>, vector<16xi32>, vector<16xi32>], vector<16xf32>,
      %add3A_961 = arith.constant 29 : i32
      %add3A_962 = vector.broadcast %add3A_961 : i32 to vector<16xi32>
      %add3A_963 = arith.addi %add3A_962, %iota3A : vector<16xi32>
      %and3A_964 = arith.constant 31 : i32
      %and3A_965 = vector.broadcast %and3A_964 : i32 to vector<16xi32>
      %and3A_966 = arith.andi %add3A_963, %and3A_965 : vector<16xi32>
      %gather3A_967 = arith.constant 1 : i32
      %gather3A_968 = arith.constant 0 : i32
      %gather3A_969 = arith.constant 0 : i32
      %gather3A_970 = tpu.memref_slice %arg6[%gather3A_967, %gather3A_968, %gather3A_969] : memref<2x512x32xf32, #tpu.memory_space<vmem>> -> memref<1x512x32xf32, #tpu.memory_space<vmem>>
      %gather3A_971 = tpu.memref_squeeze %gather3A_970 : memref<1x512x32xf32, #tpu.memory_space<vmem>> -> memref<512x32xf32, #tpu.memory_space<vmem>>
      %gather3A_972 = tpu.vector_load_idx %gather3A_971[%add3A_234, %and3A_966] : memref<512x32xf32, #tpu.memory_space<vmem>>[vector<16xi32>, vector<16xi32>], vector<16xf32>,
      %shift_right_arithmetic3A_973 = arith.constant 3 : i32
      %shift_right_arithmetic3A_974 = vector.broadcast %shift_right_arithmetic3A_973 : i32 to vector<16xi32>
      %shift_right_arithmetic3A_975 = arith.shrsi %and3A_966, %shift_right_arithmetic3A_974 : vector<16xi32>
      %and3A_976 = arith.constant 7 : i32
      %and3A_977 = vector.broadcast %and3A_976 : i32 to vector<16xi32>
      %and3A_978 = arith.andi %and3A_966, %and3A_977 : vector<16xi32>
      %scatter3A_979 = arith.constant 1 : i32
      %scatter3A_980 = arith.constant 0 : i32
      %scatter3A_981 = arith.constant 0 : i32
      %scatter3A_982 = arith.constant 0 : i32
      %scatter3A_983 = arith.constant 0 : i32
      %scatter3A_984 = tpu.memref_slice %arg7[%scatter3A_979, %scatter3A_980, %scatter3A_981, %scatter3A_982, %scatter3A_983] : memref<2x4x4x8x128xf32, #tpu.memory_space<vmem>> -> memref<1x4x4x8x128xf32, #tpu.memory_space<vmem>>
      %scatter3A_985 = tpu.memref_squeeze %scatter3A_984 : memref<1x4x4x8x128xf32, #tpu.memory_space<vmem>> -> memref<4x4x8x128xf32, #tpu.memory_space<vmem>>
      tpu.vector_store_idx %scatter3A_985[%shift_right_arithmetic3A_975, %add3A_227, %and3A_978, %add3A_238], %gather3A_972 : memref<4x4x8x128xf32, #tpu.memory_space<vmem>>[vector<16xi32>, vector<16xi32>, vector<16xi32>, vector<16xi32>], vector<16xf32>,
      %add3A_986 = arith.constant 30 : i32
      %add3A_987 = vector.broadcast %add3A_986 : i32 to vector<16xi32>
      %add3A_988 = arith.addi %add3A_987, %iota3A : vector<16xi32>
      %and3A_989 = arith.constant 31 : i32
      %and3A_990 = vector.broadcast %and3A_989 : i32 to vector<16xi32>
      %and3A_991 = arith.andi %add3A_988, %and3A_990 : vector<16xi32>
      %gather3A_992 = arith.constant 1 : i32
      %gather3A_993 = arith.constant 0 : i32
      %gather3A_994 = arith.constant 0 : i32
      %gather3A_995 = tpu.memref_slice %arg6[%gather3A_992, %gather3A_993, %gather3A_994] : memref<2x512x32xf32, #tpu.memory_space<vmem>> -> memref<1x512x32xf32, #tpu.memory_space<vmem>>
      %gather3A_996 = tpu.memref_squeeze %gather3A_995 : memref<1x512x32xf32, #tpu.memory_space<vmem>> -> memref<512x32xf32, #tpu.memory_space<vmem>>
      %gather3A_997 = tpu.vector_load_idx %gather3A_996[%add3A_234, %and3A_991] : memref<512x32xf32, #tpu.memory_space<vmem>>[vector<16xi32>, vector<16xi32>], vector<16xf32>,
      %shift_right_arithmetic3A_998 = arith.constant 3 : i32
      %shift_right_arithmetic3A_999 = vector.broadcast %shift_right_arithmetic3A_998 : i32 to vector<16xi32>
      %shift_right_arithmetic3A_1000 = arith.shrsi %and3A_991, %shift_right_arithmetic3A_999 : vector<16xi32>
      %and3A_1001 = arith.constant 7 : i32
      %and3A_1002 = vector.broadcast %and3A_1001 : i32 to vector<16xi32>
      %and3A_1003 = arith.andi %and3A_991, %and3A_1002 : vector<16xi32>
      %scatter3A_1004 = arith.constant 1 : i32
      %scatter3A_1005 = arith.constant 0 : i32
      %scatter3A_1006 = arith.constant 0 : i32
      %scatter3A_1007 = arith.constant 0 : i32
      %scatter3A_1008 = arith.constant 0 : i32
      %scatter3A_1009 = tpu.memref_slice %arg7[%scatter3A_1004, %scatter3A_1005, %scatter3A_1006, %scatter3A_1007, %scatter3A_1008] : memref<2x4x4x8x128xf32, #tpu.memory_space<vmem>> -> memref<1x4x4x8x128xf32, #tpu.memory_space<vmem>>
      %scatter3A_1010 = tpu.memref_squeeze %scatter3A_1009 : memref<1x4x4x8x128xf32, #tpu.memory_space<vmem>> -> memref<4x4x8x128xf32, #tpu.memory_space<vmem>>
      tpu.vector_store_idx %scatter3A_1010[%shift_right_arithmetic3A_1000, %add3A_227, %and3A_1003, %add3A_238], %gather3A_997 : memref<4x4x8x128xf32, #tpu.memory_space<vmem>>[vector<16xi32>, vector<16xi32>, vector<16xi32>, vector<16xi32>], vector<16xf32>,
      %add3A_1011 = arith.constant 31 : i32
      %add3A_1012 = vector.broadcast %add3A_1011 : i32 to vector<16xi32>
      %add3A_1013 = arith.addi %add3A_1012, %iota3A : vector<16xi32>
      %and3A_1014 = arith.constant 31 : i32
      %and3A_1015 = vector.broadcast %and3A_1014 : i32 to vector<16xi32>
      %and3A_1016 = arith.andi %add3A_1013, %and3A_1015 : vector<16xi32>
      %gather3A_1017 = arith.constant 1 : i32
      %gather3A_1018 = arith.constant 0 : i32
      %gather3A_1019 = arith.constant 0 : i32
      %gather3A_1020 = tpu.memref_slice %arg6[%gather3A_1017, %gather3A_1018, %gather3A_1019] : memref<2x512x32xf32, #tpu.memory_space<vmem>> -> memref<1x512x32xf32, #tpu.memory_space<vmem>>
      %gather3A_1021 = tpu.memref_squeeze %gather3A_1020 : memref<1x512x32xf32, #tpu.memory_space<vmem>> -> memref<512x32xf32, #tpu.memory_space<vmem>>
      %gather3A_1022 = tpu.vector_load_idx %gather3A_1021[%add3A_234, %and3A_1016] : memref<512x32xf32, #tpu.memory_space<vmem>>[vector<16xi32>, vector<16xi32>], vector<16xf32>,
      %shift_right_arithmetic3A_1023 = arith.constant 3 : i32
      %shift_right_arithmetic3A_1024 = vector.broadcast %shift_right_arithmetic3A_1023 : i32 to vector<16xi32>
      %shift_right_arithmetic3A_1025 = arith.shrsi %and3A_1016, %shift_right_arithmetic3A_1024 : vector<16xi32>
      %and3A_1026 = arith.constant 7 : i32
      %and3A_1027 = vector.broadcast %and3A_1026 : i32 to vector<16xi32>
      %and3A_1028 = arith.andi %and3A_1016, %and3A_1027 : vector<16xi32>
      %scatter3A_1029 = arith.constant 1 : i32
      %scatter3A_1030 = arith.constant 0 : i32
      %scatter3A_1031 = arith.constant 0 : i32
      %scatter3A_1032 = arith.constant 0 : i32
      %scatter3A_1033 = arith.constant 0 : i32
      %scatter3A_1034 = tpu.memref_slice %arg7[%scatter3A_1029, %scatter3A_1030, %scatter3A_1031, %scatter3A_1032, %scatter3A_1033] : memref<2x4x4x8x128xf32, #tpu.memory_space<vmem>> -> memref<1x4x4x8x128xf32, #tpu.memory_space<vmem>>
      %scatter3A_1035 = tpu.memref_squeeze %scatter3A_1034 : memref<1x4x4x8x128xf32, #tpu.memory_space<vmem>> -> memref<4x4x8x128xf32, #tpu.memory_space<vmem>>
      tpu.vector_store_idx %scatter3A_1035[%shift_right_arithmetic3A_1025, %add3A_227, %and3A_1028, %add3A_238], %gather3A_1022 : memref<4x4x8x128xf32, #tpu.memory_space<vmem>>[vector<16xi32>, vector<16xi32>, vector<16xi32>, vector<16xi32>], vector<16xf32>,
    }
    %scan3A_97 = arith.constant 32 : i32
    %mul3A_98 = arith.constant 4 : i32
    %mul3A_99 = arith.muli %add3A, %mul3A_98 : i32
    %dma_start3A_100 = arith.constant 1 : i32
    %dma_start3A_101 = arith.constant 1 : i32
    %dma_start3A_102 = arith.constant 0 : i32
    %dma_start3A_103 = arith.constant 0 : i32
    %dma_start3A_104 = arith.constant 0 : i32
    %dma_start3A_105 = arith.constant 0 : i32
    %dma_start3A_106 = tpu.memref_slice %arg7[%dma_start3A_100, %dma_start3A_102, %dma_start3A_103, %dma_start3A_104, %dma_start3A_105] : memref<2x4x4x8x128xf32, #tpu.memory_space<vmem>> -> memref<1x4x4x8x128xf32, #tpu.memory_space<vmem>>
    %dma_start3A_107 = tpu.memref_squeeze %dma_start3A_106 : memref<1x4x4x8x128xf32, #tpu.memory_space<vmem>> -> memref<4x4x8x128xf32, #tpu.memory_space<vmem>>
    %dma_start3A_108 = arith.constant 0 : i32
    %dma_start3A_109 = arith.constant 0 : i32
    %dma_start3A_110 = arith.constant 0 : i32
    %dma_start3A_111 = tpu.memref_slice %arg4[%dma_start3A_101, %dma_start3A_108, %mul3A_99, %dma_start3A_109, %dma_start3A_110] : memref<50x4x128x8x128xf32, #tpu.memory_space<hbm>> -> memref<1x4x4x8x128xf32, #tpu.memory_space<hbm>>
    %dma_start3A_112 = tpu.memref_squeeze %dma_start3A_111 : memref<1x4x4x8x128xf32, #tpu.memory_space<hbm>> -> memref<4x4x8x128xf32, #tpu.memory_space<hbm>>
    %dma_start3A_113 = arith.constant 0 : i32
    %dma_start3A_114 = arith.constant 0 : i32
    %dma_start3A_115 = arith.constant 0 : i32
    %dma_start3A_116 = tpu.memref_slice %arg4[%dma_start3A_101, %dma_start3A_113, %mul3A_99, %dma_start3A_114, %dma_start3A_115] : memref<50x4x128x8x128xf32, #tpu.memory_space<hbm>> -> memref<1x4x4x8x128xf32, #tpu.memory_space<hbm>>
    %dma_start3A_117 = tpu.memref_squeeze %dma_start3A_116 : memref<1x4x4x8x128xf32, #tpu.memory_space<hbm>> -> memref<4x4x8x128xf32, #tpu.memory_space<hbm>>
    %dma_start3A_118 = arith.constant 0 : i32
    %dma_start3A_119 = arith.constant 0 : i32
    %dma_start3A_120 = arith.constant 0 : i32
    %dma_start3A_121 = arith.constant 0 : i32
    %dma_start3A_122 = tpu.memref_slice %arg7[%dma_start3A_100, %dma_start3A_118, %dma_start3A_119, %dma_start3A_120, %dma_start3A_121] : memref<2x4x4x8x128xf32, #tpu.memory_space<vmem>> -> memref<1x4x4x8x128xf32, #tpu.memory_space<vmem>>
    %dma_start3A_123 = tpu.memref_squeeze %dma_start3A_122 : memref<1x4x4x8x128xf32, #tpu.memory_space<vmem>> -> memref<4x4x8x128xf32, #tpu.memory_space<vmem>>
    tpu.enqueue_dma source(%dma_start3A_123 : memref<4x4x8x128xf32, #tpu.memory_space<vmem>>) target(%dma_start3A_117 : memref<4x4x8x128xf32, #tpu.memory_space<hbm>>) target_semaphore(%arg11 : memref<!tpu.dma_semaphore, #tpu.memory_space<semaphore_mem>>)
    %dma_start3A_124 = arith.constant 3 : i32
    %dma_start3A_125 = arith.constant 1 : i32
    %dma_start3A_126 = arith.constant 0 : i32
    %dma_start3A_127 = arith.constant 0 : i32
    %dma_start3A_128 = tpu.memref_slice %arg6[%dma_start3A_125, %dma_start3A_126, %dma_start3A_127] : memref<2x512x32xf32, #tpu.memory_space<vmem>> -> memref<1x512x32xf32, #tpu.memory_space<vmem>>
    %dma_start3A_129 = tpu.memref_squeeze %dma_start3A_128 : memref<1x512x32xf32, #tpu.memory_space<vmem>> -> memref<512x32xf32, #tpu.memory_space<vmem>>
    %dma_start3A_130 = arith.constant 0 : i32
    %dma_start3A_131 = tpu.memref_slice %arg5[%dma_start3A_124, %dma_start3A_130] : memref<50x512xi32, #tpu.memory_space<vmem>> -> memref<1x512xi32, #tpu.memory_space<vmem>>
    %dma_start3A_132 = tpu.memref_squeeze %dma_start3A_131 : memref<1x512xi32, #tpu.memory_space<vmem>> -> memref<512xi32, #tpu.memory_space<vmem>>
    %dma_start3A_133 = arith.constant 0 : i32
    %dma_start3A_134 = arith.constant 0 : i32
    %dma_start3A_135 = tpu.memref_slice %arg3[%dma_start3A_133, %dma_start3A_134] : memref<1000000x32xf32, #tpu.memory_space<hbm>> -> memref<1000000x32xf32, #tpu.memory_space<hbm>>
    tpu.enqueue_indirect_dma source(%dma_start3A_135 : memref<1000000x32xf32, #tpu.memory_space<hbm>>) target(%dma_start3A_129 : memref<512x32xf32, #tpu.memory_space<vmem>>) offsets(%dma_start3A_132 : memref<512xi32, #tpu.memory_space<vmem>>) semaphore(%arg9 : memref<!tpu.dma_semaphore, #tpu.memory_space<semaphore_mem>>)
    %scan3A_136 = arith.constant 0 : i32
    %scan3A_137 = arith.constant 1 : i32
    %scan3A_138 = arith.constant 24 : i32
    %scan3A_139 = arith.addi %scan3A_137, %scan3A_138 : i32
    %scan3A_140 = arith.constant 1 : i32
    scf.for %scan3A_194 = %scan3A_137 to %scan3A_139 step %scan3A_140  : i32 {
      %mul3A_195 = arith.constant 2 : i32
      %mul3A_196 = arith.muli %mul3A_195, %scan3A_194 : i32
      %add3A_197 = arith.constant 0 : i32
      %add3A_198 = arith.addi %mul3A_196, %add3A_197 : i32
      %dma_wait3A_199 = arith.constant 0 : i32
      %dma_wait3A_200 = arith.constant 0 : i32
      %dma_wait3A_201 = arith.constant 0 : i32
      %dma_wait3A_202 = tpu.memref_slice %arg6[%dma_wait3A_199, %dma_wait3A_200, %dma_wait3A_201] : memref<2x512x32xf32, #tpu.memory_space<vmem>> -> memref<1x512x32xf32, #tpu.memory_space<vmem>>
      %dma_wait3A_203 = tpu.memref_squeeze %dma_wait3A_202 : memref<1x512x32xf32, #tpu.memory_space<vmem>> -> memref<512x32xf32, #tpu.memory_space<vmem>>
      %dma_wait3A_204 = arith.constant 0 : i32
      %dma_wait3A_205 = tpu.memref_slice %arg5[%add3A_198, %dma_wait3A_204] : memref<50x512xi32, #tpu.memory_space<vmem>> -> memref<1x512xi32, #tpu.memory_space<vmem>>
      %dma_wait3A_206 = tpu.memref_squeeze %dma_wait3A_205 : memref<1x512xi32, #tpu.memory_space<vmem>> -> memref<512xi32, #tpu.memory_space<vmem>>
      %dma_wait3A_207 = arith.constant 0 : i32
      %dma_wait3A_208 = arith.constant 0 : i32
      %dma_wait3A_209 = tpu.memref_slice %arg3[%dma_wait3A_207, %dma_wait3A_208] : memref<1000000x32xf32, #tpu.memory_space<hbm>> -> memref<1000000x32xf32, #tpu.memory_space<hbm>>
      tpu.wait_indirect_dma semaphore(%arg8 : memref<!tpu.dma_semaphore, #tpu.memory_space<semaphore_mem>>) src(%dma_wait3A_209 : memref<1000000x32xf32, #tpu.memory_space<hbm>>) dst(%dma_wait3A_203 : memref<512x32xf32, #tpu.memory_space<vmem>>)
      %sub3A = arith.constant 2 : i32
      %sub3A_210 = arith.subi %add3A_198, %sub3A : i32
      %mul3A_211 = arith.constant 4 : i32
      %mul3A_212 = arith.muli %add3A, %mul3A_211 : i32
      %dma_wait3A_213 = arith.constant 0 : i32
      %dma_wait3A_214 = arith.constant 0 : i32
      %dma_wait3A_215 = arith.constant 0 : i32
      %dma_wait3A_216 = arith.constant 0 : i32
      %dma_wait3A_217 = arith.constant 0 : i32
      %dma_wait3A_218 = tpu.memref_slice %arg7[%dma_wait3A_213, %dma_wait3A_214, %dma_wait3A_215, %dma_wait3A_216, %dma_wait3A_217] : memref<2x4x4x8x128xf32, #tpu.memory_space<vmem>> -> memref<1x4x4x8x128xf32, #tpu.memory_space<vmem>>
      %dma_wait3A_219 = tpu.memref_squeeze %dma_wait3A_218 : memref<1x4x4x8x128xf32, #tpu.memory_space<vmem>> -> memref<4x4x8x128xf32, #tpu.memory_space<vmem>>
      %dma_wait3A_220 = arith.constant 0 : i32
      %dma_wait3A_221 = arith.constant 0 : i32
      %dma_wait3A_222 = arith.constant 0 : i32
      %dma_wait3A_223 = tpu.memref_slice %arg4[%sub3A_210, %dma_wait3A_220, %mul3A_212, %dma_wait3A_221, %dma_wait3A_222] : memref<50x4x128x8x128xf32, #tpu.memory_space<hbm>> -> memref<1x4x4x8x128xf32, #tpu.memory_space<hbm>>
      %dma_wait3A_224 = tpu.memref_squeeze %dma_wait3A_223 : memref<1x4x4x8x128xf32, #tpu.memory_space<hbm>> -> memref<4x4x8x128xf32, #tpu.memory_space<hbm>>
      %dma_wait3A_225 = arith.constant 0 : i32
      %dma_wait3A_226 = arith.constant 0 : i32
      %dma_wait3A_227 = arith.constant 0 : i32
      %dma_wait3A_228 = tpu.memref_slice %arg4[%sub3A_210, %dma_wait3A_225, %mul3A_212, %dma_wait3A_226, %dma_wait3A_227] : memref<50x4x128x8x128xf32, #tpu.memory_space<hbm>> -> memref<1x4x4x8x128xf32, #tpu.memory_space<hbm>>
      %dma_wait3A_229 = tpu.memref_squeeze %dma_wait3A_228 : memref<1x4x4x8x128xf32, #tpu.memory_space<hbm>> -> memref<4x4x8x128xf32, #tpu.memory_space<hbm>>
      %dma_wait3A_230 = arith.constant 0 : i32
      %dma_wait3A_231 = arith.constant 0 : i32
      %dma_wait3A_232 = arith.constant 0 : i32
      %dma_wait3A_233 = arith.constant 0 : i32
      %dma_wait3A_234 = tpu.memref_slice %arg7[%dma_wait3A_213, %dma_wait3A_230, %dma_wait3A_231, %dma_wait3A_232, %dma_wait3A_233] : memref<2x4x4x8x128xf32, #tpu.memory_space<vmem>> -> memref<1x4x4x8x128xf32, #tpu.memory_space<vmem>>
      %dma_wait3A_235 = tpu.memref_squeeze %dma_wait3A_234 : memref<1x4x4x8x128xf32, #tpu.memory_space<vmem>> -> memref<4x4x8x128xf32, #tpu.memory_space<vmem>>
      tpu.wait_dma2 semaphore(%arg10 : memref<!tpu.dma_semaphore, #tpu.memory_space<semaphore_mem>>) src(%dma_wait3A_235 : memref<4x4x8x128xf32, #tpu.memory_space<vmem>>) dst(%dma_wait3A_229 : memref<4x4x8x128xf32, #tpu.memory_space<hbm>>)
      %scan3A_236 = arith.constant 0 : i32
      %scan3A_237 = arith.constant 0 : i32
      %scan3A_238 = arith.constant 32 : i32
      %scan3A_239 = arith.addi %scan3A_237, %scan3A_238 : i32
      %scan3A_240 = arith.constant 1 : i32
      scf.for %scan3A_351 = %scan3A_237 to %scan3A_239 step %scan3A_240  : i32 {
        %jit3A = arith.constant 8 : i32
        %div3A = arith.divsi %scan3A_351, %jit3A : i32
        %sign3A = arith.constant 0 : i32
        %sign3A_352 = arith.cmpi sgt, %scan3A_351, %sign3A : i32
        %sign3A_353 = arith.extui %sign3A_352 : i1 to i32
        %sign3A_354 = arith.constant 0 : i32
        %sign3A_355 = arith.cmpi slt, %scan3A_351, %sign3A_354 : i32
        %sign3A_356 = arith.extui %sign3A_355 : i1 to i32
        %sign3A_357 = arith.subi %sign3A_353, %sign3A_356 : i32
        %sign3A_358 = arith.constant 0 : i32
        %sign3A_359 = arith.cmpi sgt, %jit3A, %sign3A_358 : i32
        %sign3A_360 = arith.extui %sign3A_359 : i1 to i32
        %sign3A_361 = arith.constant 0 : i32
        %sign3A_362 = arith.cmpi slt, %jit3A, %sign3A_361 : i32
        %sign3A_363 = arith.extui %sign3A_362 : i1 to i32
        %sign3A_364 = arith.subi %sign3A_360, %sign3A_363 : i32
        %ne3A = arith.cmpi ne, %sign3A_357, %sign3A_364 : i32
        %rem3A = arith.remsi %scan3A_351, %jit3A : i32
        %ne3A_365 = arith.constant 0 : i32
        %ne3A_366 = arith.cmpi ne, %rem3A, %ne3A_365 : i32
        %and3A = arith.andi %ne3A, %ne3A_366 : i1
        %sub3A_367 = arith.constant 1 : i32
        %sub3A_368 = arith.subi %div3A, %sub3A_367 : i32
        %select_n3A = arith.select %and3A, %sub3A_368, %div3A : i32
        %jit3A_369 = arith.constant 8 : i32
        %eq3A = arith.constant 0 : i32
        %eq3A_370 = arith.cmpi eq, %jit3A_369, %eq3A : i32
        %jit3A_371 = arith.constant 1 : i32
        %select_n3A_372 = arith.select %eq3A_370, %jit3A_371, %jit3A_369 : i32
        %rem3A_373 = arith.remsi %scan3A_351, %select_n3A_372 : i32
        %ne3A_374 = arith.constant 0 : i32
        %ne3A_375 = arith.cmpi ne, %rem3A_373, %ne3A_374 : i32
        %lt3A_376 = arith.constant 0 : i32
        %lt3A_377 = arith.cmpi slt, %rem3A_373, %lt3A_376 : i32
        %lt3A_378 = arith.constant 0 : i32
        %lt3A_379 = arith.cmpi slt, %select_n3A_372, %lt3A_378 : i32
        %ne3A_380 = arith.xori %lt3A_377, %lt3A_379 : i1
        %and3A_381 = arith.andi %ne3A_380, %ne3A_375 : i1
        %add3A_382 = arith.addi %rem3A_373, %select_n3A_372 : i32
        %select_n3A_383 = arith.select %and3A_381, %add3A_382, %rem3A_373 : i32
        %broadcast_in_dim3A = arith.constant 0 : i32
        %broadcast_in_dim3A_384 = vector.broadcast %broadcast_in_dim3A : i32 to vector<16xi32>
        %add3A_385 = vector.broadcast %select_n3A : i32 to vector<16xi32>
        %add3A_386 = arith.addi %broadcast_in_dim3A_384, %add3A_385 : vector<16xi32>
        %mul3A_387 = arith.constant 128 : i32
        %mul3A_388 = arith.muli %select_n3A, %mul3A_387 : i32
        %mul3A_389 = arith.constant 16 : i32
        %mul3A_390 = arith.muli %select_n3A_383, %mul3A_389 : i32
        %add3A_391 = arith.addi %mul3A_388, %mul3A_390 : i32
        %add3A_392 = vector.broadcast %add3A_391 : i32 to vector<16xi32>
        %add3A_393 = arith.addi %add3A_392, %iota3A : vector<16xi32>
        %mul3A_394 = arith.constant 16 : i32
        %mul3A_395 = arith.muli %select_n3A_383, %mul3A_394 : i32
        %add3A_396 = vector.broadcast %mul3A_395 : i32 to vector<16xi32>
        %add3A_397 = arith.addi %add3A_396, %iota3A : vector<16xi32>
        %add3A_398 = arith.constant 0 : i32
        %add3A_399 = vector.broadcast %add3A_398 : i32 to vector<16xi32>
        %add3A_400 = arith.addi %add3A_399, %iota3A : vector<16xi32>
        %and3A_401 = arith.constant 31 : i32
        %and3A_402 = vector.broadcast %and3A_401 : i32 to vector<16xi32>
        %and3A_403 = arith.andi %add3A_400, %and3A_402 : vector<16xi32>
        %gather3A = arith.constant 0 : i32
        %gather3A_404 = arith.constant 0 : i32
        %gather3A_405 = arith.constant 0 : i32
        %gather3A_406 = tpu.memref_slice %arg6[%gather3A, %gather3A_404, %gather3A_405] : memref<2x512x32xf32, #tpu.memory_space<vmem>> -> memref<1x512x32xf32, #tpu.memory_space<vmem>>
        %gather3A_407 = tpu.memref_squeeze %gather3A_406 : memref<1x512x32xf32, #tpu.memory_space<vmem>> -> memref<512x32xf32, #tpu.memory_space<vmem>>
        %gather3A_408 = tpu.vector_load_idx %gather3A_407[%add3A_393, %and3A_403] : memref<512x32xf32, #tpu.memory_space<vmem>>[vector<16xi32>, vector<16xi32>], vector<16xf32>,
        %shift_right_arithmetic3A = arith.constant 3 : i32
        %shift_right_arithmetic3A_409 = vector.broadcast %shift_right_arithmetic3A : i32 to vector<16xi32>
        %shift_right_arithmetic3A_410 = arith.shrsi %and3A_403, %shift_right_arithmetic3A_409 : vector<16xi32>
        %and3A_411 = arith.constant 7 : i32
        %and3A_412 = vector.broadcast %and3A_411 : i32 to vector<16xi32>
        %and3A_413 = arith.andi %and3A_403, %and3A_412 : vector<16xi32>
        %scatter3A = arith.constant 0 : i32
        %scatter3A_414 = arith.constant 0 : i32
        %scatter3A_415 = arith.constant 0 : i32
        %scatter3A_416 = arith.constant 0 : i32
        %scatter3A_417 = arith.constant 0 : i32
        %scatter3A_418 = tpu.memref_slice %arg7[%scatter3A, %scatter3A_414, %scatter3A_415, %scatter3A_416, %scatter3A_417] : memref<2x4x4x8x128xf32, #tpu.memory_space<vmem>> -> memref<1x4x4x8x128xf32, #tpu.memory_space<vmem>>
        %scatter3A_419 = tpu.memref_squeeze %scatter3A_418 : memref<1x4x4x8x128xf32, #tpu.memory_space<vmem>> -> memref<4x4x8x128xf32, #tpu.memory_space<vmem>>
        tpu.vector_store_idx %scatter3A_419[%shift_right_arithmetic3A_410, %add3A_386, %and3A_413, %add3A_397], %gather3A_408 : memref<4x4x8x128xf32, #tpu.memory_space<vmem>>[vector<16xi32>, vector<16xi32>, vector<16xi32>, vector<16xi32>], vector<16xf32>,
        %add3A_420 = arith.constant 1 : i32
        %add3A_421 = vector.broadcast %add3A_420 : i32 to vector<16xi32>
        %add3A_422 = arith.addi %add3A_421, %iota3A : vector<16xi32>
        %and3A_423 = arith.constant 31 : i32
        %and3A_424 = vector.broadcast %and3A_423 : i32 to vector<16xi32>
        %and3A_425 = arith.andi %add3A_422, %and3A_424 : vector<16xi32>
        %gather3A_426 = arith.constant 0 : i32
        %gather3A_427 = arith.constant 0 : i32
        %gather3A_428 = arith.constant 0 : i32
        %gather3A_429 = tpu.memref_slice %arg6[%gather3A_426, %gather3A_427, %gather3A_428] : memref<2x512x32xf32, #tpu.memory_space<vmem>> -> memref<1x512x32xf32, #tpu.memory_space<vmem>>
        %gather3A_430 = tpu.memref_squeeze %gather3A_429 : memref<1x512x32xf32, #tpu.memory_space<vmem>> -> memref<512x32xf32, #tpu.memory_space<vmem>>
        %gather3A_431 = tpu.vector_load_idx %gather3A_430[%add3A_393, %and3A_425] : memref<512x32xf32, #tpu.memory_space<vmem>>[vector<16xi32>, vector<16xi32>], vector<16xf32>,
        %shift_right_arithmetic3A_432 = arith.constant 3 : i32
        %shift_right_arithmetic3A_433 = vector.broadcast %shift_right_arithmetic3A_432 : i32 to vector<16xi32>
        %shift_right_arithmetic3A_434 = arith.shrsi %and3A_425, %shift_right_arithmetic3A_433 : vector<16xi32>
        %and3A_435 = arith.constant 7 : i32
        %and3A_436 = vector.broadcast %and3A_435 : i32 to vector<16xi32>
        %and3A_437 = arith.andi %and3A_425, %and3A_436 : vector<16xi32>
        %scatter3A_438 = arith.constant 0 : i32
        %scatter3A_439 = arith.constant 0 : i32
        %scatter3A_440 = arith.constant 0 : i32
        %scatter3A_441 = arith.constant 0 : i32
        %scatter3A_442 = arith.constant 0 : i32
        %scatter3A_443 = tpu.memref_slice %arg7[%scatter3A_438, %scatter3A_439, %scatter3A_440, %scatter3A_441, %scatter3A_442] : memref<2x4x4x8x128xf32, #tpu.memory_space<vmem>> -> memref<1x4x4x8x128xf32, #tpu.memory_space<vmem>>
        %scatter3A_444 = tpu.memref_squeeze %scatter3A_443 : memref<1x4x4x8x128xf32, #tpu.memory_space<vmem>> -> memref<4x4x8x128xf32, #tpu.memory_space<vmem>>
        tpu.vector_store_idx %scatter3A_444[%shift_right_arithmetic3A_434, %add3A_386, %and3A_437, %add3A_397], %gather3A_431 : memref<4x4x8x128xf32, #tpu.memory_space<vmem>>[vector<16xi32>, vector<16xi32>, vector<16xi32>, vector<16xi32>], vector<16xf32>,
        %add3A_445 = arith.constant 2 : i32
        %add3A_446 = vector.broadcast %add3A_445 : i32 to vector<16xi32>
        %add3A_447 = arith.addi %add3A_446, %iota3A : vector<16xi32>
        %and3A_448 = arith.constant 31 : i32
        %and3A_449 = vector.broadcast %and3A_448 : i32 to vector<16xi32>
        %and3A_450 = arith.andi %add3A_447, %and3A_449 : vector<16xi32>
        %gather3A_451 = arith.constant 0 : i32
        %gather3A_452 = arith.constant 0 : i32
        %gather3A_453 = arith.constant 0 : i32
        %gather3A_454 = tpu.memref_slice %arg6[%gather3A_451, %gather3A_452, %gather3A_453] : memref<2x512x32xf32, #tpu.memory_space<vmem>> -> memref<1x512x32xf32, #tpu.memory_space<vmem>>
        %gather3A_455 = tpu.memref_squeeze %gather3A_454 : memref<1x512x32xf32, #tpu.memory_space<vmem>> -> memref<512x32xf32, #tpu.memory_space<vmem>>
        %gather3A_456 = tpu.vector_load_idx %gather3A_455[%add3A_393, %and3A_450] : memref<512x32xf32, #tpu.memory_space<vmem>>[vector<16xi32>, vector<16xi32>], vector<16xf32>,
        %shift_right_arithmetic3A_457 = arith.constant 3 : i32
        %shift_right_arithmetic3A_458 = vector.broadcast %shift_right_arithmetic3A_457 : i32 to vector<16xi32>
        %shift_right_arithmetic3A_459 = arith.shrsi %and3A_450, %shift_right_arithmetic3A_458 : vector<16xi32>
        %and3A_460 = arith.constant 7 : i32
        %and3A_461 = vector.broadcast %and3A_460 : i32 to vector<16xi32>
        %and3A_462 = arith.andi %and3A_450, %and3A_461 : vector<16xi32>
        %scatter3A_463 = arith.constant 0 : i32
        %scatter3A_464 = arith.constant 0 : i32
        %scatter3A_465 = arith.constant 0 : i32
        %scatter3A_466 = arith.constant 0 : i32
        %scatter3A_467 = arith.constant 0 : i32
        %scatter3A_468 = tpu.memref_slice %arg7[%scatter3A_463, %scatter3A_464, %scatter3A_465, %scatter3A_466, %scatter3A_467] : memref<2x4x4x8x128xf32, #tpu.memory_space<vmem>> -> memref<1x4x4x8x128xf32, #tpu.memory_space<vmem>>
        %scatter3A_469 = tpu.memref_squeeze %scatter3A_468 : memref<1x4x4x8x128xf32, #tpu.memory_space<vmem>> -> memref<4x4x8x128xf32, #tpu.memory_space<vmem>>
        tpu.vector_store_idx %scatter3A_469[%shift_right_arithmetic3A_459, %add3A_386, %and3A_462, %add3A_397], %gather3A_456 : memref<4x4x8x128xf32, #tpu.memory_space<vmem>>[vector<16xi32>, vector<16xi32>, vector<16xi32>, vector<16xi32>], vector<16xf32>,
        %add3A_470 = arith.constant 3 : i32
        %add3A_471 = vector.broadcast %add3A_470 : i32 to vector<16xi32>
        %add3A_472 = arith.addi %add3A_471, %iota3A : vector<16xi32>
        %and3A_473 = arith.constant 31 : i32
        %and3A_474 = vector.broadcast %and3A_473 : i32 to vector<16xi32>
        %and3A_475 = arith.andi %add3A_472, %and3A_474 : vector<16xi32>
        %gather3A_476 = arith.constant 0 : i32
        %gather3A_477 = arith.constant 0 : i32
        %gather3A_478 = arith.constant 0 : i32
        %gather3A_479 = tpu.memref_slice %arg6[%gather3A_476, %gather3A_477, %gather3A_478] : memref<2x512x32xf32, #tpu.memory_space<vmem>> -> memref<1x512x32xf32, #tpu.memory_space<vmem>>
        %gather3A_480 = tpu.memref_squeeze %gather3A_479 : memref<1x512x32xf32, #tpu.memory_space<vmem>> -> memref<512x32xf32, #tpu.memory_space<vmem>>
        %gather3A_481 = tpu.vector_load_idx %gather3A_480[%add3A_393, %and3A_475] : memref<512x32xf32, #tpu.memory_space<vmem>>[vector<16xi32>, vector<16xi32>], vector<16xf32>,
        %shift_right_arithmetic3A_482 = arith.constant 3 : i32
        %shift_right_arithmetic3A_483 = vector.broadcast %shift_right_arithmetic3A_482 : i32 to vector<16xi32>
        %shift_right_arithmetic3A_484 = arith.shrsi %and3A_475, %shift_right_arithmetic3A_483 : vector<16xi32>
        %and3A_485 = arith.constant 7 : i32
        %and3A_486 = vector.broadcast %and3A_485 : i32 to vector<16xi32>
        %and3A_487 = arith.andi %and3A_475, %and3A_486 : vector<16xi32>
        %scatter3A_488 = arith.constant 0 : i32
        %scatter3A_489 = arith.constant 0 : i32
        %scatter3A_490 = arith.constant 0 : i32
        %scatter3A_491 = arith.constant 0 : i32
        %scatter3A_492 = arith.constant 0 : i32
        %scatter3A_493 = tpu.memref_slice %arg7[%scatter3A_488, %scatter3A_489, %scatter3A_490, %scatter3A_491, %scatter3A_492] : memref<2x4x4x8x128xf32, #tpu.memory_space<vmem>> -> memref<1x4x4x8x128xf32, #tpu.memory_space<vmem>>
        %scatter3A_494 = tpu.memref_squeeze %scatter3A_493 : memref<1x4x4x8x128xf32, #tpu.memory_space<vmem>> -> memref<4x4x8x128xf32, #tpu.memory_space<vmem>>
        tpu.vector_store_idx %scatter3A_494[%shift_right_arithmetic3A_484, %add3A_386, %and3A_487, %add3A_397], %gather3A_481 : memref<4x4x8x128xf32, #tpu.memory_space<vmem>>[vector<16xi32>, vector<16xi32>, vector<16xi32>, vector<16xi32>], vector<16xf32>,
        %add3A_495 = arith.constant 4 : i32
        %add3A_496 = vector.broadcast %add3A_495 : i32 to vector<16xi32>
        %add3A_497 = arith.addi %add3A_496, %iota3A : vector<16xi32>
        %and3A_498 = arith.constant 31 : i32
        %and3A_499 = vector.broadcast %and3A_498 : i32 to vector<16xi32>
        %and3A_500 = arith.andi %add3A_497, %and3A_499 : vector<16xi32>
        %gather3A_501 = arith.constant 0 : i32
        %gather3A_502 = arith.constant 0 : i32
        %gather3A_503 = arith.constant 0 : i32
        %gather3A_504 = tpu.memref_slice %arg6[%gather3A_501, %gather3A_502, %gather3A_503] : memref<2x512x32xf32, #tpu.memory_space<vmem>> -> memref<1x512x32xf32, #tpu.memory_space<vmem>>
        %gather3A_505 = tpu.memref_squeeze %gather3A_504 : memref<1x512x32xf32, #tpu.memory_space<vmem>> -> memref<512x32xf32, #tpu.memory_space<vmem>>
        %gather3A_506 = tpu.vector_load_idx %gather3A_505[%add3A_393, %and3A_500] : memref<512x32xf32, #tpu.memory_space<vmem>>[vector<16xi32>, vector<16xi32>], vector<16xf32>,
        %shift_right_arithmetic3A_507 = arith.constant 3 : i32
        %shift_right_arithmetic3A_508 = vector.broadcast %shift_right_arithmetic3A_507 : i32 to vector<16xi32>
        %shift_right_arithmetic3A_509 = arith.shrsi %and3A_500, %shift_right_arithmetic3A_508 : vector<16xi32>
        %and3A_510 = arith.constant 7 : i32
        %and3A_511 = vector.broadcast %and3A_510 : i32 to vector<16xi32>
        %and3A_512 = arith.andi %and3A_500, %and3A_511 : vector<16xi32>
        %scatter3A_513 = arith.constant 0 : i32
        %scatter3A_514 = arith.constant 0 : i32
        %scatter3A_515 = arith.constant 0 : i32
        %scatter3A_516 = arith.constant 0 : i32
        %scatter3A_517 = arith.constant 0 : i32
        %scatter3A_518 = tpu.memref_slice %arg7[%scatter3A_513, %scatter3A_514, %scatter3A_515, %scatter3A_516, %scatter3A_517] : memref<2x4x4x8x128xf32, #tpu.memory_space<vmem>> -> memref<1x4x4x8x128xf32, #tpu.memory_space<vmem>>
        %scatter3A_519 = tpu.memref_squeeze %scatter3A_518 : memref<1x4x4x8x128xf32, #tpu.memory_space<vmem>> -> memref<4x4x8x128xf32, #tpu.memory_space<vmem>>
        tpu.vector_store_idx %scatter3A_519[%shift_right_arithmetic3A_509, %add3A_386, %and3A_512, %add3A_397], %gather3A_506 : memref<4x4x8x128xf32, #tpu.memory_space<vmem>>[vector<16xi32>, vector<16xi32>, vector<16xi32>, vector<16xi32>], vector<16xf32>,
        %add3A_520 = arith.constant 5 : i32
        %add3A_521 = vector.broadcast %add3A_520 : i32 to vector<16xi32>
        %add3A_522 = arith.addi %add3A_521, %iota3A : vector<16xi32>
        %and3A_523 = arith.constant 31 : i32
        %and3A_524 = vector.broadcast %and3A_523 : i32 to vector<16xi32>
        %and3A_525 = arith.andi %add3A_522, %and3A_524 : vector<16xi32>
        %gather3A_526 = arith.constant 0 : i32
        %gather3A_527 = arith.constant 0 : i32
        %gather3A_528 = arith.constant 0 : i32
        %gather3A_529 = tpu.memref_slice %arg6[%gather3A_526, %gather3A_527, %gather3A_528] : memref<2x512x32xf32, #tpu.memory_space<vmem>> -> memref<1x512x32xf32, #tpu.memory_space<vmem>>
        %gather3A_530 = tpu.memref_squeeze %gather3A_529 : memref<1x512x32xf32, #tpu.memory_space<vmem>> -> memref<512x32xf32, #tpu.memory_space<vmem>>
        %gather3A_531 = tpu.vector_load_idx %gather3A_530[%add3A_393, %and3A_525] : memref<512x32xf32, #tpu.memory_space<vmem>>[vector<16xi32>, vector<16xi32>], vector<16xf32>,
        %shift_right_arithmetic3A_532 = arith.constant 3 : i32
        %shift_right_arithmetic3A_533 = vector.broadcast %shift_right_arithmetic3A_532 : i32 to vector<16xi32>
        %shift_right_arithmetic3A_534 = arith.shrsi %and3A_525, %shift_right_arithmetic3A_533 : vector<16xi32>
        %and3A_535 = arith.constant 7 : i32
        %and3A_536 = vector.broadcast %and3A_535 : i32 to vector<16xi32>
        %and3A_537 = arith.andi %and3A_525, %and3A_536 : vector<16xi32>
        %scatter3A_538 = arith.constant 0 : i32
        %scatter3A_539 = arith.constant 0 : i32
        %scatter3A_540 = arith.constant 0 : i32
        %scatter3A_541 = arith.constant 0 : i32
        %scatter3A_542 = arith.constant 0 : i32
        %scatter3A_543 = tpu.memref_slice %arg7[%scatter3A_538, %scatter3A_539, %scatter3A_540, %scatter3A_541, %scatter3A_542] : memref<2x4x4x8x128xf32, #tpu.memory_space<vmem>> -> memref<1x4x4x8x128xf32, #tpu.memory_space<vmem>>
        %scatter3A_544 = tpu.memref_squeeze %scatter3A_543 : memref<1x4x4x8x128xf32, #tpu.memory_space<vmem>> -> memref<4x4x8x128xf32, #tpu.memory_space<vmem>>
        tpu.vector_store_idx %scatter3A_544[%shift_right_arithmetic3A_534, %add3A_386, %and3A_537, %add3A_397], %gather3A_531 : memref<4x4x8x128xf32, #tpu.memory_space<vmem>>[vector<16xi32>, vector<16xi32>, vector<16xi32>, vector<16xi32>], vector<16xf32>,
        %add3A_545 = arith.constant 6 : i32
        %add3A_546 = vector.broadcast %add3A_545 : i32 to vector<16xi32>
        %add3A_547 = arith.addi %add3A_546, %iota3A : vector<16xi32>
        %and3A_548 = arith.constant 31 : i32
        %and3A_549 = vector.broadcast %and3A_548 : i32 to vector<16xi32>
        %and3A_550 = arith.andi %add3A_547, %and3A_549 : vector<16xi32>
        %gather3A_551 = arith.constant 0 : i32
        %gather3A_552 = arith.constant 0 : i32
        %gather3A_553 = arith.constant 0 : i32
        %gather3A_554 = tpu.memref_slice %arg6[%gather3A_551, %gather3A_552, %gather3A_553] : memref<2x512x32xf32, #tpu.memory_space<vmem>> -> memref<1x512x32xf32, #tpu.memory_space<vmem>>
        %gather3A_555 = tpu.memref_squeeze %gather3A_554 : memref<1x512x32xf32, #tpu.memory_space<vmem>> -> memref<512x32xf32, #tpu.memory_space<vmem>>
        %gather3A_556 = tpu.vector_load_idx %gather3A_555[%add3A_393, %and3A_550] : memref<512x32xf32, #tpu.memory_space<vmem>>[vector<16xi32>, vector<16xi32>], vector<16xf32>,
        %shift_right_arithmetic3A_557 = arith.constant 3 : i32
        %shift_right_arithmetic3A_558 = vector.broadcast %shift_right_arithmetic3A_557 : i32 to vector<16xi32>
        %shift_right_arithmetic3A_559 = arith.shrsi %and3A_550, %shift_right_arithmetic3A_558 : vector<16xi32>
        %and3A_560 = arith.constant 7 : i32
        %and3A_561 = vector.broadcast %and3A_560 : i32 to vector<16xi32>
        %and3A_562 = arith.andi %and3A_550, %and3A_561 : vector<16xi32>
        %scatter3A_563 = arith.constant 0 : i32
        %scatter3A_564 = arith.constant 0 : i32
        %scatter3A_565 = arith.constant 0 : i32
        %scatter3A_566 = arith.constant 0 : i32
        %scatter3A_567 = arith.constant 0 : i32
        %scatter3A_568 = tpu.memref_slice %arg7[%scatter3A_563, %scatter3A_564, %scatter3A_565, %scatter3A_566, %scatter3A_567] : memref<2x4x4x8x128xf32, #tpu.memory_space<vmem>> -> memref<1x4x4x8x128xf32, #tpu.memory_space<vmem>>
        %scatter3A_569 = tpu.memref_squeeze %scatter3A_568 : memref<1x4x4x8x128xf32, #tpu.memory_space<vmem>> -> memref<4x4x8x128xf32, #tpu.memory_space<vmem>>
        tpu.vector_store_idx %scatter3A_569[%shift_right_arithmetic3A_559, %add3A_386, %and3A_562, %add3A_397], %gather3A_556 : memref<4x4x8x128xf32, #tpu.memory_space<vmem>>[vector<16xi32>, vector<16xi32>, vector<16xi32>, vector<16xi32>], vector<16xf32>,
        %add3A_570 = arith.constant 7 : i32
        %add3A_571 = vector.broadcast %add3A_570 : i32 to vector<16xi32>
        %add3A_572 = arith.addi %add3A_571, %iota3A : vector<16xi32>
        %and3A_573 = arith.constant 31 : i32
        %and3A_574 = vector.broadcast %and3A_573 : i32 to vector<16xi32>
        %and3A_575 = arith.andi %add3A_572, %and3A_574 : vector<16xi32>
        %gather3A_576 = arith.constant 0 : i32
        %gather3A_577 = arith.constant 0 : i32
        %gather3A_578 = arith.constant 0 : i32
        %gather3A_579 = tpu.memref_slice %arg6[%gather3A_576, %gather3A_577, %gather3A_578] : memref<2x512x32xf32, #tpu.memory_space<vmem>> -> memref<1x512x32xf32, #tpu.memory_space<vmem>>
        %gather3A_580 = tpu.memref_squeeze %gather3A_579 : memref<1x512x32xf32, #tpu.memory_space<vmem>> -> memref<512x32xf32, #tpu.memory_space<vmem>>
        %gather3A_581 = tpu.vector_load_idx %gather3A_580[%add3A_393, %and3A_575] : memref<512x32xf32, #tpu.memory_space<vmem>>[vector<16xi32>, vector<16xi32>], vector<16xf32>,
        %shift_right_arithmetic3A_582 = arith.constant 3 : i32
        %shift_right_arithmetic3A_583 = vector.broadcast %shift_right_arithmetic3A_582 : i32 to vector<16xi32>
        %shift_right_arithmetic3A_584 = arith.shrsi %and3A_575, %shift_right_arithmetic3A_583 : vector<16xi32>
        %and3A_585 = arith.constant 7 : i32
        %and3A_586 = vector.broadcast %and3A_585 : i32 to vector<16xi32>
        %and3A_587 = arith.andi %and3A_575, %and3A_586 : vector<16xi32>
        %scatter3A_588 = arith.constant 0 : i32
        %scatter3A_589 = arith.constant 0 : i32
        %scatter3A_590 = arith.constant 0 : i32
        %scatter3A_591 = arith.constant 0 : i32
        %scatter3A_592 = arith.constant 0 : i32
        %scatter3A_593 = tpu.memref_slice %arg7[%scatter3A_588, %scatter3A_589, %scatter3A_590, %scatter3A_591, %scatter3A_592] : memref<2x4x4x8x128xf32, #tpu.memory_space<vmem>> -> memref<1x4x4x8x128xf32, #tpu.memory_space<vmem>>
        %scatter3A_594 = tpu.memref_squeeze %scatter3A_593 : memref<1x4x4x8x128xf32, #tpu.memory_space<vmem>> -> memref<4x4x8x128xf32, #tpu.memory_space<vmem>>
        tpu.vector_store_idx %scatter3A_594[%shift_right_arithmetic3A_584, %add3A_386, %and3A_587, %add3A_397], %gather3A_581 : memref<4x4x8x128xf32, #tpu.memory_space<vmem>>[vector<16xi32>, vector<16xi32>, vector<16xi32>, vector<16xi32>], vector<16xf32>,
        %add3A_595 = arith.constant 8 : i32
        %add3A_596 = vector.broadcast %add3A_595 : i32 to vector<16xi32>
        %add3A_597 = arith.addi %add3A_596, %iota3A : vector<16xi32>
        %and3A_598 = arith.constant 31 : i32
        %and3A_599 = vector.broadcast %and3A_598 : i32 to vector<16xi32>
        %and3A_600 = arith.andi %add3A_597, %and3A_599 : vector<16xi32>
        %gather3A_601 = arith.constant 0 : i32
        %gather3A_602 = arith.constant 0 : i32
        %gather3A_603 = arith.constant 0 : i32
        %gather3A_604 = tpu.memref_slice %arg6[%gather3A_601, %gather3A_602, %gather3A_603] : memref<2x512x32xf32, #tpu.memory_space<vmem>> -> memref<1x512x32xf32, #tpu.memory_space<vmem>>
        %gather3A_605 = tpu.memref_squeeze %gather3A_604 : memref<1x512x32xf32, #tpu.memory_space<vmem>> -> memref<512x32xf32, #tpu.memory_space<vmem>>
        %gather3A_606 = tpu.vector_load_idx %gather3A_605[%add3A_393, %and3A_600] : memref<512x32xf32, #tpu.memory_space<vmem>>[vector<16xi32>, vector<16xi32>], vector<16xf32>,
        %shift_right_arithmetic3A_607 = arith.constant 3 : i32
        %shift_right_arithmetic3A_608 = vector.broadcast %shift_right_arithmetic3A_607 : i32 to vector<16xi32>
        %shift_right_arithmetic3A_609 = arith.shrsi %and3A_600, %shift_right_arithmetic3A_608 : vector<16xi32>
        %and3A_610 = arith.constant 7 : i32
        %and3A_611 = vector.broadcast %and3A_610 : i32 to vector<16xi32>
        %and3A_612 = arith.andi %and3A_600, %and3A_611 : vector<16xi32>
        %scatter3A_613 = arith.constant 0 : i32
        %scatter3A_614 = arith.constant 0 : i32
        %scatter3A_615 = arith.constant 0 : i32
        %scatter3A_616 = arith.constant 0 : i32
        %scatter3A_617 = arith.constant 0 : i32
        %scatter3A_618 = tpu.memref_slice %arg7[%scatter3A_613, %scatter3A_614, %scatter3A_615, %scatter3A_616, %scatter3A_617] : memref<2x4x4x8x128xf32, #tpu.memory_space<vmem>> -> memref<1x4x4x8x128xf32, #tpu.memory_space<vmem>>
        %scatter3A_619 = tpu.memref_squeeze %scatter3A_618 : memref<1x4x4x8x128xf32, #tpu.memory_space<vmem>> -> memref<4x4x8x128xf32, #tpu.memory_space<vmem>>
        tpu.vector_store_idx %scatter3A_619[%shift_right_arithmetic3A_609, %add3A_386, %and3A_612, %add3A_397], %gather3A_606 : memref<4x4x8x128xf32, #tpu.memory_space<vmem>>[vector<16xi32>, vector<16xi32>, vector<16xi32>, vector<16xi32>], vector<16xf32>,
        %add3A_620 = arith.constant 9 : i32
        %add3A_621 = vector.broadcast %add3A_620 : i32 to vector<16xi32>
        %add3A_622 = arith.addi %add3A_621, %iota3A : vector<16xi32>
        %and3A_623 = arith.constant 31 : i32
        %and3A_624 = vector.broadcast %and3A_623 : i32 to vector<16xi32>
        %and3A_625 = arith.andi %add3A_622, %and3A_624 : vector<16xi32>
        %gather3A_626 = arith.constant 0 : i32
        %gather3A_627 = arith.constant 0 : i32
        %gather3A_628 = arith.constant 0 : i32
        %gather3A_629 = tpu.memref_slice %arg6[%gather3A_626, %gather3A_627, %gather3A_628] : memref<2x512x32xf32, #tpu.memory_space<vmem>> -> memref<1x512x32xf32, #tpu.memory_space<vmem>>
        %gather3A_630 = tpu.memref_squeeze %gather3A_629 : memref<1x512x32xf32, #tpu.memory_space<vmem>> -> memref<512x32xf32, #tpu.memory_space<vmem>>
        %gather3A_631 = tpu.vector_load_idx %gather3A_630[%add3A_393, %and3A_625] : memref<512x32xf32, #tpu.memory_space<vmem>>[vector<16xi32>, vector<16xi32>], vector<16xf32>,
        %shift_right_arithmetic3A_632 = arith.constant 3 : i32
        %shift_right_arithmetic3A_633 = vector.broadcast %shift_right_arithmetic3A_632 : i32 to vector<16xi32>
        %shift_right_arithmetic3A_634 = arith.shrsi %and3A_625, %shift_right_arithmetic3A_633 : vector<16xi32>
        %and3A_635 = arith.constant 7 : i32
        %and3A_636 = vector.broadcast %and3A_635 : i32 to vector<16xi32>
        %and3A_637 = arith.andi %and3A_625, %and3A_636 : vector<16xi32>
        %scatter3A_638 = arith.constant 0 : i32
        %scatter3A_639 = arith.constant 0 : i32
        %scatter3A_640 = arith.constant 0 : i32
        %scatter3A_641 = arith.constant 0 : i32
        %scatter3A_642 = arith.constant 0 : i32
        %scatter3A_643 = tpu.memref_slice %arg7[%scatter3A_638, %scatter3A_639, %scatter3A_640, %scatter3A_641, %scatter3A_642] : memref<2x4x4x8x128xf32, #tpu.memory_space<vmem>> -> memref<1x4x4x8x128xf32, #tpu.memory_space<vmem>>
        %scatter3A_644 = tpu.memref_squeeze %scatter3A_643 : memref<1x4x4x8x128xf32, #tpu.memory_space<vmem>> -> memref<4x4x8x128xf32, #tpu.memory_space<vmem>>
        tpu.vector_store_idx %scatter3A_644[%shift_right_arithmetic3A_634, %add3A_386, %and3A_637, %add3A_397], %gather3A_631 : memref<4x4x8x128xf32, #tpu.memory_space<vmem>>[vector<16xi32>, vector<16xi32>, vector<16xi32>, vector<16xi32>], vector<16xf32>,
        %add3A_645 = arith.constant 10 : i32
        %add3A_646 = vector.broadcast %add3A_645 : i32 to vector<16xi32>
        %add3A_647 = arith.addi %add3A_646, %iota3A : vector<16xi32>
        %and3A_648 = arith.constant 31 : i32
        %and3A_649 = vector.broadcast %and3A_648 : i32 to vector<16xi32>
        %and3A_650 = arith.andi %add3A_647, %and3A_649 : vector<16xi32>
        %gather3A_651 = arith.constant 0 : i32
        %gather3A_652 = arith.constant 0 : i32
        %gather3A_653 = arith.constant 0 : i32
        %gather3A_654 = tpu.memref_slice %arg6[%gather3A_651, %gather3A_652, %gather3A_653] : memref<2x512x32xf32, #tpu.memory_space<vmem>> -> memref<1x512x32xf32, #tpu.memory_space<vmem>>
        %gather3A_655 = tpu.memref_squeeze %gather3A_654 : memref<1x512x32xf32, #tpu.memory_space<vmem>> -> memref<512x32xf32, #tpu.memory_space<vmem>>
        %gather3A_656 = tpu.vector_load_idx %gather3A_655[%add3A_393, %and3A_650] : memref<512x32xf32, #tpu.memory_space<vmem>>[vector<16xi32>, vector<16xi32>], vector<16xf32>,
        %shift_right_arithmetic3A_657 = arith.constant 3 : i32
        %shift_right_arithmetic3A_658 = vector.broadcast %shift_right_arithmetic3A_657 : i32 to vector<16xi32>
        %shift_right_arithmetic3A_659 = arith.shrsi %and3A_650, %shift_right_arithmetic3A_658 : vector<16xi32>
        %and3A_660 = arith.constant 7 : i32
        %and3A_661 = vector.broadcast %and3A_660 : i32 to vector<16xi32>
        %and3A_662 = arith.andi %and3A_650, %and3A_661 : vector<16xi32>
        %scatter3A_663 = arith.constant 0 : i32
        %scatter3A_664 = arith.constant 0 : i32
        %scatter3A_665 = arith.constant 0 : i32
        %scatter3A_666 = arith.constant 0 : i32
        %scatter3A_667 = arith.constant 0 : i32
        %scatter3A_668 = tpu.memref_slice %arg7[%scatter3A_663, %scatter3A_664, %scatter3A_665, %scatter3A_666, %scatter3A_667] : memref<2x4x4x8x128xf32, #tpu.memory_space<vmem>> -> memref<1x4x4x8x128xf32, #tpu.memory_space<vmem>>
        %scatter3A_669 = tpu.memref_squeeze %scatter3A_668 : memref<1x4x4x8x128xf32, #tpu.memory_space<vmem>> -> memref<4x4x8x128xf32, #tpu.memory_space<vmem>>
        tpu.vector_store_idx %scatter3A_669[%shift_right_arithmetic3A_659, %add3A_386, %and3A_662, %add3A_397], %gather3A_656 : memref<4x4x8x128xf32, #tpu.memory_space<vmem>>[vector<16xi32>, vector<16xi32>, vector<16xi32>, vector<16xi32>], vector<16xf32>,
        %add3A_670 = arith.constant 11 : i32
        %add3A_671 = vector.broadcast %add3A_670 : i32 to vector<16xi32>
        %add3A_672 = arith.addi %add3A_671, %iota3A : vector<16xi32>
        %and3A_673 = arith.constant 31 : i32
        %and3A_674 = vector.broadcast %and3A_673 : i32 to vector<16xi32>
        %and3A_675 = arith.andi %add3A_672, %and3A_674 : vector<16xi32>
        %gather3A_676 = arith.constant 0 : i32
        %gather3A_677 = arith.constant 0 : i32
        %gather3A_678 = arith.constant 0 : i32
        %gather3A_679 = tpu.memref_slice %arg6[%gather3A_676, %gather3A_677, %gather3A_678] : memref<2x512x32xf32, #tpu.memory_space<vmem>> -> memref<1x512x32xf32, #tpu.memory_space<vmem>>
        %gather3A_680 = tpu.memref_squeeze %gather3A_679 : memref<1x512x32xf32, #tpu.memory_space<vmem>> -> memref<512x32xf32, #tpu.memory_space<vmem>>
        %gather3A_681 = tpu.vector_load_idx %gather3A_680[%add3A_393, %and3A_675] : memref<512x32xf32, #tpu.memory_space<vmem>>[vector<16xi32>, vector<16xi32>], vector<16xf32>,
        %shift_right_arithmetic3A_682 = arith.constant 3 : i32
        %shift_right_arithmetic3A_683 = vector.broadcast %shift_right_arithmetic3A_682 : i32 to vector<16xi32>
        %shift_right_arithmetic3A_684 = arith.shrsi %and3A_675, %shift_right_arithmetic3A_683 : vector<16xi32>
        %and3A_685 = arith.constant 7 : i32
        %and3A_686 = vector.broadcast %and3A_685 : i32 to vector<16xi32>
        %and3A_687 = arith.andi %and3A_675, %and3A_686 : vector<16xi32>
        %scatter3A_688 = arith.constant 0 : i32
        %scatter3A_689 = arith.constant 0 : i32
        %scatter3A_690 = arith.constant 0 : i32
        %scatter3A_691 = arith.constant 0 : i32
        %scatter3A_692 = arith.constant 0 : i32
        %scatter3A_693 = tpu.memref_slice %arg7[%scatter3A_688, %scatter3A_689, %scatter3A_690, %scatter3A_691, %scatter3A_692] : memref<2x4x4x8x128xf32, #tpu.memory_space<vmem>> -> memref<1x4x4x8x128xf32, #tpu.memory_space<vmem>>
        %scatter3A_694 = tpu.memref_squeeze %scatter3A_693 : memref<1x4x4x8x128xf32, #tpu.memory_space<vmem>> -> memref<4x4x8x128xf32, #tpu.memory_space<vmem>>
        tpu.vector_store_idx %scatter3A_694[%shift_right_arithmetic3A_684, %add3A_386, %and3A_687, %add3A_397], %gather3A_681 : memref<4x4x8x128xf32, #tpu.memory_space<vmem>>[vector<16xi32>, vector<16xi32>, vector<16xi32>, vector<16xi32>], vector<16xf32>,
        %add3A_695 = arith.constant 12 : i32
        %add3A_696 = vector.broadcast %add3A_695 : i32 to vector<16xi32>
        %add3A_697 = arith.addi %add3A_696, %iota3A : vector<16xi32>
        %and3A_698 = arith.constant 31 : i32
        %and3A_699 = vector.broadcast %and3A_698 : i32 to vector<16xi32>
        %and3A_700 = arith.andi %add3A_697, %and3A_699 : vector<16xi32>
        %gather3A_701 = arith.constant 0 : i32
        %gather3A_702 = arith.constant 0 : i32
        %gather3A_703 = arith.constant 0 : i32
        %gather3A_704 = tpu.memref_slice %arg6[%gather3A_701, %gather3A_702, %gather3A_703] : memref<2x512x32xf32, #tpu.memory_space<vmem>> -> memref<1x512x32xf32, #tpu.memory_space<vmem>>
        %gather3A_705 = tpu.memref_squeeze %gather3A_704 : memref<1x512x32xf32, #tpu.memory_space<vmem>> -> memref<512x32xf32, #tpu.memory_space<vmem>>
        %gather3A_706 = tpu.vector_load_idx %gather3A_705[%add3A_393, %and3A_700] : memref<512x32xf32, #tpu.memory_space<vmem>>[vector<16xi32>, vector<16xi32>], vector<16xf32>,
        %shift_right_arithmetic3A_707 = arith.constant 3 : i32
        %shift_right_arithmetic3A_708 = vector.broadcast %shift_right_arithmetic3A_707 : i32 to vector<16xi32>
        %shift_right_arithmetic3A_709 = arith.shrsi %and3A_700, %shift_right_arithmetic3A_708 : vector<16xi32>
        %and3A_710 = arith.constant 7 : i32
        %and3A_711 = vector.broadcast %and3A_710 : i32 to vector<16xi32>
        %and3A_712 = arith.andi %and3A_700, %and3A_711 : vector<16xi32>
        %scatter3A_713 = arith.constant 0 : i32
        %scatter3A_714 = arith.constant 0 : i32
        %scatter3A_715 = arith.constant 0 : i32
        %scatter3A_716 = arith.constant 0 : i32
        %scatter3A_717 = arith.constant 0 : i32
        %scatter3A_718 = tpu.memref_slice %arg7[%scatter3A_713, %scatter3A_714, %scatter3A_715, %scatter3A_716, %scatter3A_717] : memref<2x4x4x8x128xf32, #tpu.memory_space<vmem>> -> memref<1x4x4x8x128xf32, #tpu.memory_space<vmem>>
        %scatter3A_719 = tpu.memref_squeeze %scatter3A_718 : memref<1x4x4x8x128xf32, #tpu.memory_space<vmem>> -> memref<4x4x8x128xf32, #tpu.memory_space<vmem>>
        tpu.vector_store_idx %scatter3A_719[%shift_right_arithmetic3A_709, %add3A_386, %and3A_712, %add3A_397], %gather3A_706 : memref<4x4x8x128xf32, #tpu.memory_space<vmem>>[vector<16xi32>, vector<16xi32>, vector<16xi32>, vector<16xi32>], vector<16xf32>,
        %add3A_720 = arith.constant 13 : i32
        %add3A_721 = vector.broadcast %add3A_720 : i32 to vector<16xi32>
        %add3A_722 = arith.addi %add3A_721, %iota3A : vector<16xi32>
        %and3A_723 = arith.constant 31 : i32
        %and3A_724 = vector.broadcast %and3A_723 : i32 to vector<16xi32>
        %and3A_725 = arith.andi %add3A_722, %and3A_724 : vector<16xi32>
        %gather3A_726 = arith.constant 0 : i32
        %gather3A_727 = arith.constant 0 : i32
        %gather3A_728 = arith.constant 0 : i32
        %gather3A_729 = tpu.memref_slice %arg6[%gather3A_726, %gather3A_727, %gather3A_728] : memref<2x512x32xf32, #tpu.memory_space<vmem>> -> memref<1x512x32xf32, #tpu.memory_space<vmem>>
        %gather3A_730 = tpu.memref_squeeze %gather3A_729 : memref<1x512x32xf32, #tpu.memory_space<vmem>> -> memref<512x32xf32, #tpu.memory_space<vmem>>
        %gather3A_731 = tpu.vector_load_idx %gather3A_730[%add3A_393, %and3A_725] : memref<512x32xf32, #tpu.memory_space<vmem>>[vector<16xi32>, vector<16xi32>], vector<16xf32>,
        %shift_right_arithmetic3A_732 = arith.constant 3 : i32
        %shift_right_arithmetic3A_733 = vector.broadcast %shift_right_arithmetic3A_732 : i32 to vector<16xi32>
        %shift_right_arithmetic3A_734 = arith.shrsi %and3A_725, %shift_right_arithmetic3A_733 : vector<16xi32>
        %and3A_735 = arith.constant 7 : i32
        %and3A_736 = vector.broadcast %and3A_735 : i32 to vector<16xi32>
        %and3A_737 = arith.andi %and3A_725, %and3A_736 : vector<16xi32>
        %scatter3A_738 = arith.constant 0 : i32
        %scatter3A_739 = arith.constant 0 : i32
        %scatter3A_740 = arith.constant 0 : i32
        %scatter3A_741 = arith.constant 0 : i32
        %scatter3A_742 = arith.constant 0 : i32
        %scatter3A_743 = tpu.memref_slice %arg7[%scatter3A_738, %scatter3A_739, %scatter3A_740, %scatter3A_741, %scatter3A_742] : memref<2x4x4x8x128xf32, #tpu.memory_space<vmem>> -> memref<1x4x4x8x128xf32, #tpu.memory_space<vmem>>
        %scatter3A_744 = tpu.memref_squeeze %scatter3A_743 : memref<1x4x4x8x128xf32, #tpu.memory_space<vmem>> -> memref<4x4x8x128xf32, #tpu.memory_space<vmem>>
        tpu.vector_store_idx %scatter3A_744[%shift_right_arithmetic3A_734, %add3A_386, %and3A_737, %add3A_397], %gather3A_731 : memref<4x4x8x128xf32, #tpu.memory_space<vmem>>[vector<16xi32>, vector<16xi32>, vector<16xi32>, vector<16xi32>], vector<16xf32>,
        %add3A_745 = arith.constant 14 : i32
        %add3A_746 = vector.broadcast %add3A_745 : i32 to vector<16xi32>
        %add3A_747 = arith.addi %add3A_746, %iota3A : vector<16xi32>
        %and3A_748 = arith.constant 31 : i32
        %and3A_749 = vector.broadcast %and3A_748 : i32 to vector<16xi32>
        %and3A_750 = arith.andi %add3A_747, %and3A_749 : vector<16xi32>
        %gather3A_751 = arith.constant 0 : i32
        %gather3A_752 = arith.constant 0 : i32
        %gather3A_753 = arith.constant 0 : i32
        %gather3A_754 = tpu.memref_slice %arg6[%gather3A_751, %gather3A_752, %gather3A_753] : memref<2x512x32xf32, #tpu.memory_space<vmem>> -> memref<1x512x32xf32, #tpu.memory_space<vmem>>
        %gather3A_755 = tpu.memref_squeeze %gather3A_754 : memref<1x512x32xf32, #tpu.memory_space<vmem>> -> memref<512x32xf32, #tpu.memory_space<vmem>>
        %gather3A_756 = tpu.vector_load_idx %gather3A_755[%add3A_393, %and3A_750] : memref<512x32xf32, #tpu.memory_space<vmem>>[vector<16xi32>, vector<16xi32>], vector<16xf32>,
        %shift_right_arithmetic3A_757 = arith.constant 3 : i32
        %shift_right_arithmetic3A_758 = vector.broadcast %shift_right_arithmetic3A_757 : i32 to vector<16xi32>
        %shift_right_arithmetic3A_759 = arith.shrsi %and3A_750, %shift_right_arithmetic3A_758 : vector<16xi32>
        %and3A_760 = arith.constant 7 : i32
        %and3A_761 = vector.broadcast %and3A_760 : i32 to vector<16xi32>
        %and3A_762 = arith.andi %and3A_750, %and3A_761 : vector<16xi32>
        %scatter3A_763 = arith.constant 0 : i32
        %scatter3A_764 = arith.constant 0 : i32
        %scatter3A_765 = arith.constant 0 : i32
        %scatter3A_766 = arith.constant 0 : i32
        %scatter3A_767 = arith.constant 0 : i32
        %scatter3A_768 = tpu.memref_slice %arg7[%scatter3A_763, %scatter3A_764, %scatter3A_765, %scatter3A_766, %scatter3A_767] : memref<2x4x4x8x128xf32, #tpu.memory_space<vmem>> -> memref<1x4x4x8x128xf32, #tpu.memory_space<vmem>>
        %scatter3A_769 = tpu.memref_squeeze %scatter3A_768 : memref<1x4x4x8x128xf32, #tpu.memory_space<vmem>> -> memref<4x4x8x128xf32, #tpu.memory_space<vmem>>
        tpu.vector_store_idx %scatter3A_769[%shift_right_arithmetic3A_759, %add3A_386, %and3A_762, %add3A_397], %gather3A_756 : memref<4x4x8x128xf32, #tpu.memory_space<vmem>>[vector<16xi32>, vector<16xi32>, vector<16xi32>, vector<16xi32>], vector<16xf32>,
        %add3A_770 = arith.constant 15 : i32
        %add3A_771 = vector.broadcast %add3A_770 : i32 to vector<16xi32>
        %add3A_772 = arith.addi %add3A_771, %iota3A : vector<16xi32>
        %and3A_773 = arith.constant 31 : i32
        %and3A_774 = vector.broadcast %and3A_773 : i32 to vector<16xi32>
        %and3A_775 = arith.andi %add3A_772, %and3A_774 : vector<16xi32>
        %gather3A_776 = arith.constant 0 : i32
        %gather3A_777 = arith.constant 0 : i32
        %gather3A_778 = arith.constant 0 : i32
        %gather3A_779 = tpu.memref_slice %arg6[%gather3A_776, %gather3A_777, %gather3A_778] : memref<2x512x32xf32, #tpu.memory_space<vmem>> -> memref<1x512x32xf32, #tpu.memory_space<vmem>>
        %gather3A_780 = tpu.memref_squeeze %gather3A_779 : memref<1x512x32xf32, #tpu.memory_space<vmem>> -> memref<512x32xf32, #tpu.memory_space<vmem>>
        %gather3A_781 = tpu.vector_load_idx %gather3A_780[%add3A_393, %and3A_775] : memref<512x32xf32, #tpu.memory_space<vmem>>[vector<16xi32>, vector<16xi32>], vector<16xf32>,
        %shift_right_arithmetic3A_782 = arith.constant 3 : i32
        %shift_right_arithmetic3A_783 = vector.broadcast %shift_right_arithmetic3A_782 : i32 to vector<16xi32>
        %shift_right_arithmetic3A_784 = arith.shrsi %and3A_775, %shift_right_arithmetic3A_783 : vector<16xi32>
        %and3A_785 = arith.constant 7 : i32
        %and3A_786 = vector.broadcast %and3A_785 : i32 to vector<16xi32>
        %and3A_787 = arith.andi %and3A_775, %and3A_786 : vector<16xi32>
        %scatter3A_788 = arith.constant 0 : i32
        %scatter3A_789 = arith.constant 0 : i32
        %scatter3A_790 = arith.constant 0 : i32
        %scatter3A_791 = arith.constant 0 : i32
        %scatter3A_792 = arith.constant 0 : i32
        %scatter3A_793 = tpu.memref_slice %arg7[%scatter3A_788, %scatter3A_789, %scatter3A_790, %scatter3A_791, %scatter3A_792] : memref<2x4x4x8x128xf32, #tpu.memory_space<vmem>> -> memref<1x4x4x8x128xf32, #tpu.memory_space<vmem>>
        %scatter3A_794 = tpu.memref_squeeze %scatter3A_793 : memref<1x4x4x8x128xf32, #tpu.memory_space<vmem>> -> memref<4x4x8x128xf32, #tpu.memory_space<vmem>>
        tpu.vector_store_idx %scatter3A_794[%shift_right_arithmetic3A_784, %add3A_386, %and3A_787, %add3A_397], %gather3A_781 : memref<4x4x8x128xf32, #tpu.memory_space<vmem>>[vector<16xi32>, vector<16xi32>, vector<16xi32>, vector<16xi32>], vector<16xf32>,
        %add3A_795 = arith.constant 16 : i32
        %add3A_796 = vector.broadcast %add3A_795 : i32 to vector<16xi32>
        %add3A_797 = arith.addi %add3A_796, %iota3A : vector<16xi32>
        %and3A_798 = arith.constant 31 : i32
        %and3A_799 = vector.broadcast %and3A_798 : i32 to vector<16xi32>
        %and3A_800 = arith.andi %add3A_797, %and3A_799 : vector<16xi32>
        %gather3A_801 = arith.constant 0 : i32
        %gather3A_802 = arith.constant 0 : i32
        %gather3A_803 = arith.constant 0 : i32
        %gather3A_804 = tpu.memref_slice %arg6[%gather3A_801, %gather3A_802, %gather3A_803] : memref<2x512x32xf32, #tpu.memory_space<vmem>> -> memref<1x512x32xf32, #tpu.memory_space<vmem>>
        %gather3A_805 = tpu.memref_squeeze %gather3A_804 : memref<1x512x32xf32, #tpu.memory_space<vmem>> -> memref<512x32xf32, #tpu.memory_space<vmem>>
        %gather3A_806 = tpu.vector_load_idx %gather3A_805[%add3A_393, %and3A_800] : memref<512x32xf32, #tpu.memory_space<vmem>>[vector<16xi32>, vector<16xi32>], vector<16xf32>,
        %shift_right_arithmetic3A_807 = arith.constant 3 : i32
        %shift_right_arithmetic3A_808 = vector.broadcast %shift_right_arithmetic3A_807 : i32 to vector<16xi32>
        %shift_right_arithmetic3A_809 = arith.shrsi %and3A_800, %shift_right_arithmetic3A_808 : vector<16xi32>
        %and3A_810 = arith.constant 7 : i32
        %and3A_811 = vector.broadcast %and3A_810 : i32 to vector<16xi32>
        %and3A_812 = arith.andi %and3A_800, %and3A_811 : vector<16xi32>
        %scatter3A_813 = arith.constant 0 : i32
        %scatter3A_814 = arith.constant 0 : i32
        %scatter3A_815 = arith.constant 0 : i32
        %scatter3A_816 = arith.constant 0 : i32
        %scatter3A_817 = arith.constant 0 : i32
        %scatter3A_818 = tpu.memref_slice %arg7[%scatter3A_813, %scatter3A_814, %scatter3A_815, %scatter3A_816, %scatter3A_817] : memref<2x4x4x8x128xf32, #tpu.memory_space<vmem>> -> memref<1x4x4x8x128xf32, #tpu.memory_space<vmem>>
        %scatter3A_819 = tpu.memref_squeeze %scatter3A_818 : memref<1x4x4x8x128xf32, #tpu.memory_space<vmem>> -> memref<4x4x8x128xf32, #tpu.memory_space<vmem>>
        tpu.vector_store_idx %scatter3A_819[%shift_right_arithmetic3A_809, %add3A_386, %and3A_812, %add3A_397], %gather3A_806 : memref<4x4x8x128xf32, #tpu.memory_space<vmem>>[vector<16xi32>, vector<16xi32>, vector<16xi32>, vector<16xi32>], vector<16xf32>,
        %add3A_820 = arith.constant 17 : i32
        %add3A_821 = vector.broadcast %add3A_820 : i32 to vector<16xi32>
        %add3A_822 = arith.addi %add3A_821, %iota3A : vector<16xi32>
        %and3A_823 = arith.constant 31 : i32
        %and3A_824 = vector.broadcast %and3A_823 : i32 to vector<16xi32>
        %and3A_825 = arith.andi %add3A_822, %and3A_824 : vector<16xi32>
        %gather3A_826 = arith.constant 0 : i32
        %gather3A_827 = arith.constant 0 : i32
        %gather3A_828 = arith.constant 0 : i32
        %gather3A_829 = tpu.memref_slice %arg6[%gather3A_826, %gather3A_827, %gather3A_828] : memref<2x512x32xf32, #tpu.memory_space<vmem>> -> memref<1x512x32xf32, #tpu.memory_space<vmem>>
        %gather3A_830 = tpu.memref_squeeze %gather3A_829 : memref<1x512x32xf32, #tpu.memory_space<vmem>> -> memref<512x32xf32, #tpu.memory_space<vmem>>
        %gather3A_831 = tpu.vector_load_idx %gather3A_830[%add3A_393, %and3A_825] : memref<512x32xf32, #tpu.memory_space<vmem>>[vector<16xi32>, vector<16xi32>], vector<16xf32>,
        %shift_right_arithmetic3A_832 = arith.constant 3 : i32
        %shift_right_arithmetic3A_833 = vector.broadcast %shift_right_arithmetic3A_832 : i32 to vector<16xi32>
        %shift_right_arithmetic3A_834 = arith.shrsi %and3A_825, %shift_right_arithmetic3A_833 : vector<16xi32>
        %and3A_835 = arith.constant 7 : i32
        %and3A_836 = vector.broadcast %and3A_835 : i32 to vector<16xi32>
        %and3A_837 = arith.andi %and3A_825, %and3A_836 : vector<16xi32>
        %scatter3A_838 = arith.constant 0 : i32
        %scatter3A_839 = arith.constant 0 : i32
        %scatter3A_840 = arith.constant 0 : i32
        %scatter3A_841 = arith.constant 0 : i32
        %scatter3A_842 = arith.constant 0 : i32
        %scatter3A_843 = tpu.memref_slice %arg7[%scatter3A_838, %scatter3A_839, %scatter3A_840, %scatter3A_841, %scatter3A_842] : memref<2x4x4x8x128xf32, #tpu.memory_space<vmem>> -> memref<1x4x4x8x128xf32, #tpu.memory_space<vmem>>
        %scatter3A_844 = tpu.memref_squeeze %scatter3A_843 : memref<1x4x4x8x128xf32, #tpu.memory_space<vmem>> -> memref<4x4x8x128xf32, #tpu.memory_space<vmem>>
        tpu.vector_store_idx %scatter3A_844[%shift_right_arithmetic3A_834, %add3A_386, %and3A_837, %add3A_397], %gather3A_831 : memref<4x4x8x128xf32, #tpu.memory_space<vmem>>[vector<16xi32>, vector<16xi32>, vector<16xi32>, vector<16xi32>], vector<16xf32>,
        %add3A_845 = arith.constant 18 : i32
        %add3A_846 = vector.broadcast %add3A_845 : i32 to vector<16xi32>
        %add3A_847 = arith.addi %add3A_846, %iota3A : vector<16xi32>
        %and3A_848 = arith.constant 31 : i32
        %and3A_849 = vector.broadcast %and3A_848 : i32 to vector<16xi32>
        %and3A_850 = arith.andi %add3A_847, %and3A_849 : vector<16xi32>
        %gather3A_851 = arith.constant 0 : i32
        %gather3A_852 = arith.constant 0 : i32
        %gather3A_853 = arith.constant 0 : i32
        %gather3A_854 = tpu.memref_slice %arg6[%gather3A_851, %gather3A_852, %gather3A_853] : memref<2x512x32xf32, #tpu.memory_space<vmem>> -> memref<1x512x32xf32, #tpu.memory_space<vmem>>
        %gather3A_855 = tpu.memref_squeeze %gather3A_854 : memref<1x512x32xf32, #tpu.memory_space<vmem>> -> memref<512x32xf32, #tpu.memory_space<vmem>>
        %gather3A_856 = tpu.vector_load_idx %gather3A_855[%add3A_393, %and3A_850] : memref<512x32xf32, #tpu.memory_space<vmem>>[vector<16xi32>, vector<16xi32>], vector<16xf32>,
        %shift_right_arithmetic3A_857 = arith.constant 3 : i32
        %shift_right_arithmetic3A_858 = vector.broadcast %shift_right_arithmetic3A_857 : i32 to vector<16xi32>
        %shift_right_arithmetic3A_859 = arith.shrsi %and3A_850, %shift_right_arithmetic3A_858 : vector<16xi32>
        %and3A_860 = arith.constant 7 : i32
        %and3A_861 = vector.broadcast %and3A_860 : i32 to vector<16xi32>
        %and3A_862 = arith.andi %and3A_850, %and3A_861 : vector<16xi32>
        %scatter3A_863 = arith.constant 0 : i32
        %scatter3A_864 = arith.constant 0 : i32
        %scatter3A_865 = arith.constant 0 : i32
        %scatter3A_866 = arith.constant 0 : i32
        %scatter3A_867 = arith.constant 0 : i32
        %scatter3A_868 = tpu.memref_slice %arg7[%scatter3A_863, %scatter3A_864, %scatter3A_865, %scatter3A_866, %scatter3A_867] : memref<2x4x4x8x128xf32, #tpu.memory_space<vmem>> -> memref<1x4x4x8x128xf32, #tpu.memory_space<vmem>>
        %scatter3A_869 = tpu.memref_squeeze %scatter3A_868 : memref<1x4x4x8x128xf32, #tpu.memory_space<vmem>> -> memref<4x4x8x128xf32, #tpu.memory_space<vmem>>
        tpu.vector_store_idx %scatter3A_869[%shift_right_arithmetic3A_859, %add3A_386, %and3A_862, %add3A_397], %gather3A_856 : memref<4x4x8x128xf32, #tpu.memory_space<vmem>>[vector<16xi32>, vector<16xi32>, vector<16xi32>, vector<16xi32>], vector<16xf32>,
        %add3A_870 = arith.constant 19 : i32
        %add3A_871 = vector.broadcast %add3A_870 : i32 to vector<16xi32>
        %add3A_872 = arith.addi %add3A_871, %iota3A : vector<16xi32>
        %and3A_873 = arith.constant 31 : i32
        %and3A_874 = vector.broadcast %and3A_873 : i32 to vector<16xi32>
        %and3A_875 = arith.andi %add3A_872, %and3A_874 : vector<16xi32>
        %gather3A_876 = arith.constant 0 : i32
        %gather3A_877 = arith.constant 0 : i32
        %gather3A_878 = arith.constant 0 : i32
        %gather3A_879 = tpu.memref_slice %arg6[%gather3A_876, %gather3A_877, %gather3A_878] : memref<2x512x32xf32, #tpu.memory_space<vmem>> -> memref<1x512x32xf32, #tpu.memory_space<vmem>>
        %gather3A_880 = tpu.memref_squeeze %gather3A_879 : memref<1x512x32xf32, #tpu.memory_space<vmem>> -> memref<512x32xf32, #tpu.memory_space<vmem>>
        %gather3A_881 = tpu.vector_load_idx %gather3A_880[%add3A_393, %and3A_875] : memref<512x32xf32, #tpu.memory_space<vmem>>[vector<16xi32>, vector<16xi32>], vector<16xf32>,
        %shift_right_arithmetic3A_882 = arith.constant 3 : i32
        %shift_right_arithmetic3A_883 = vector.broadcast %shift_right_arithmetic3A_882 : i32 to vector<16xi32>
        %shift_right_arithmetic3A_884 = arith.shrsi %and3A_875, %shift_right_arithmetic3A_883 : vector<16xi32>
        %and3A_885 = arith.constant 7 : i32
        %and3A_886 = vector.broadcast %and3A_885 : i32 to vector<16xi32>
        %and3A_887 = arith.andi %and3A_875, %and3A_886 : vector<16xi32>
        %scatter3A_888 = arith.constant 0 : i32
        %scatter3A_889 = arith.constant 0 : i32
        %scatter3A_890 = arith.constant 0 : i32
        %scatter3A_891 = arith.constant 0 : i32
        %scatter3A_892 = arith.constant 0 : i32
        %scatter3A_893 = tpu.memref_slice %arg7[%scatter3A_888, %scatter3A_889, %scatter3A_890, %scatter3A_891, %scatter3A_892] : memref<2x4x4x8x128xf32, #tpu.memory_space<vmem>> -> memref<1x4x4x8x128xf32, #tpu.memory_space<vmem>>
        %scatter3A_894 = tpu.memref_squeeze %scatter3A_893 : memref<1x4x4x8x128xf32, #tpu.memory_space<vmem>> -> memref<4x4x8x128xf32, #tpu.memory_space<vmem>>
        tpu.vector_store_idx %scatter3A_894[%shift_right_arithmetic3A_884, %add3A_386, %and3A_887, %add3A_397], %gather3A_881 : memref<4x4x8x128xf32, #tpu.memory_space<vmem>>[vector<16xi32>, vector<16xi32>, vector<16xi32>, vector<16xi32>], vector<16xf32>,
        %add3A_895 = arith.constant 20 : i32
        %add3A_896 = vector.broadcast %add3A_895 : i32 to vector<16xi32>
        %add3A_897 = arith.addi %add3A_896, %iota3A : vector<16xi32>
        %and3A_898 = arith.constant 31 : i32
        %and3A_899 = vector.broadcast %and3A_898 : i32 to vector<16xi32>
        %and3A_900 = arith.andi %add3A_897, %and3A_899 : vector<16xi32>
        %gather3A_901 = arith.constant 0 : i32
        %gather3A_902 = arith.constant 0 : i32
        %gather3A_903 = arith.constant 0 : i32
        %gather3A_904 = tpu.memref_slice %arg6[%gather3A_901, %gather3A_902, %gather3A_903] : memref<2x512x32xf32, #tpu.memory_space<vmem>> -> memref<1x512x32xf32, #tpu.memory_space<vmem>>
        %gather3A_905 = tpu.memref_squeeze %gather3A_904 : memref<1x512x32xf32, #tpu.memory_space<vmem>> -> memref<512x32xf32, #tpu.memory_space<vmem>>
        %gather3A_906 = tpu.vector_load_idx %gather3A_905[%add3A_393, %and3A_900] : memref<512x32xf32, #tpu.memory_space<vmem>>[vector<16xi32>, vector<16xi32>], vector<16xf32>,
        %shift_right_arithmetic3A_907 = arith.constant 3 : i32
        %shift_right_arithmetic3A_908 = vector.broadcast %shift_right_arithmetic3A_907 : i32 to vector<16xi32>
        %shift_right_arithmetic3A_909 = arith.shrsi %and3A_900, %shift_right_arithmetic3A_908 : vector<16xi32>
        %and3A_910 = arith.constant 7 : i32
        %and3A_911 = vector.broadcast %and3A_910 : i32 to vector<16xi32>
        %and3A_912 = arith.andi %and3A_900, %and3A_911 : vector<16xi32>
        %scatter3A_913 = arith.constant 0 : i32
        %scatter3A_914 = arith.constant 0 : i32
        %scatter3A_915 = arith.constant 0 : i32
        %scatter3A_916 = arith.constant 0 : i32
        %scatter3A_917 = arith.constant 0 : i32
        %scatter3A_918 = tpu.memref_slice %arg7[%scatter3A_913, %scatter3A_914, %scatter3A_915, %scatter3A_916, %scatter3A_917] : memref<2x4x4x8x128xf32, #tpu.memory_space<vmem>> -> memref<1x4x4x8x128xf32, #tpu.memory_space<vmem>>
        %scatter3A_919 = tpu.memref_squeeze %scatter3A_918 : memref<1x4x4x8x128xf32, #tpu.memory_space<vmem>> -> memref<4x4x8x128xf32, #tpu.memory_space<vmem>>
        tpu.vector_store_idx %scatter3A_919[%shift_right_arithmetic3A_909, %add3A_386, %and3A_912, %add3A_397], %gather3A_906 : memref<4x4x8x128xf32, #tpu.memory_space<vmem>>[vector<16xi32>, vector<16xi32>, vector<16xi32>, vector<16xi32>], vector<16xf32>,
        %add3A_920 = arith.constant 21 : i32
        %add3A_921 = vector.broadcast %add3A_920 : i32 to vector<16xi32>
        %add3A_922 = arith.addi %add3A_921, %iota3A : vector<16xi32>
        %and3A_923 = arith.constant 31 : i32
        %and3A_924 = vector.broadcast %and3A_923 : i32 to vector<16xi32>
        %and3A_925 = arith.andi %add3A_922, %and3A_924 : vector<16xi32>
        %gather3A_926 = arith.constant 0 : i32
        %gather3A_927 = arith.constant 0 : i32
        %gather3A_928 = arith.constant 0 : i32
        %gather3A_929 = tpu.memref_slice %arg6[%gather3A_926, %gather3A_927, %gather3A_928] : memref<2x512x32xf32, #tpu.memory_space<vmem>> -> memref<1x512x32xf32, #tpu.memory_space<vmem>>
        %gather3A_930 = tpu.memref_squeeze %gather3A_929 : memref<1x512x32xf32, #tpu.memory_space<vmem>> -> memref<512x32xf32, #tpu.memory_space<vmem>>
        %gather3A_931 = tpu.vector_load_idx %gather3A_930[%add3A_393, %and3A_925] : memref<512x32xf32, #tpu.memory_space<vmem>>[vector<16xi32>, vector<16xi32>], vector<16xf32>,
        %shift_right_arithmetic3A_932 = arith.constant 3 : i32
        %shift_right_arithmetic3A_933 = vector.broadcast %shift_right_arithmetic3A_932 : i32 to vector<16xi32>
        %shift_right_arithmetic3A_934 = arith.shrsi %and3A_925, %shift_right_arithmetic3A_933 : vector<16xi32>
        %and3A_935 = arith.constant 7 : i32
        %and3A_936 = vector.broadcast %and3A_935 : i32 to vector<16xi32>
        %and3A_937 = arith.andi %and3A_925, %and3A_936 : vector<16xi32>
        %scatter3A_938 = arith.constant 0 : i32
        %scatter3A_939 = arith.constant 0 : i32
        %scatter3A_940 = arith.constant 0 : i32
        %scatter3A_941 = arith.constant 0 : i32
        %scatter3A_942 = arith.constant 0 : i32
        %scatter3A_943 = tpu.memref_slice %arg7[%scatter3A_938, %scatter3A_939, %scatter3A_940, %scatter3A_941, %scatter3A_942] : memref<2x4x4x8x128xf32, #tpu.memory_space<vmem>> -> memref<1x4x4x8x128xf32, #tpu.memory_space<vmem>>
        %scatter3A_944 = tpu.memref_squeeze %scatter3A_943 : memref<1x4x4x8x128xf32, #tpu.memory_space<vmem>> -> memref<4x4x8x128xf32, #tpu.memory_space<vmem>>
        tpu.vector_store_idx %scatter3A_944[%shift_right_arithmetic3A_934, %add3A_386, %and3A_937, %add3A_397], %gather3A_931 : memref<4x4x8x128xf32, #tpu.memory_space<vmem>>[vector<16xi32>, vector<16xi32>, vector<16xi32>, vector<16xi32>], vector<16xf32>,
        %add3A_945 = arith.constant 22 : i32
        %add3A_946 = vector.broadcast %add3A_945 : i32 to vector<16xi32>
        %add3A_947 = arith.addi %add3A_946, %iota3A : vector<16xi32>
        %and3A_948 = arith.constant 31 : i32
        %and3A_949 = vector.broadcast %and3A_948 : i32 to vector<16xi32>
        %and3A_950 = arith.andi %add3A_947, %and3A_949 : vector<16xi32>
        %gather3A_951 = arith.constant 0 : i32
        %gather3A_952 = arith.constant 0 : i32
        %gather3A_953 = arith.constant 0 : i32
        %gather3A_954 = tpu.memref_slice %arg6[%gather3A_951, %gather3A_952, %gather3A_953] : memref<2x512x32xf32, #tpu.memory_space<vmem>> -> memref<1x512x32xf32, #tpu.memory_space<vmem>>
        %gather3A_955 = tpu.memref_squeeze %gather3A_954 : memref<1x512x32xf32, #tpu.memory_space<vmem>> -> memref<512x32xf32, #tpu.memory_space<vmem>>
        %gather3A_956 = tpu.vector_load_idx %gather3A_955[%add3A_393, %and3A_950] : memref<512x32xf32, #tpu.memory_space<vmem>>[vector<16xi32>, vector<16xi32>], vector<16xf32>,
        %shift_right_arithmetic3A_957 = arith.constant 3 : i32
        %shift_right_arithmetic3A_958 = vector.broadcast %shift_right_arithmetic3A_957 : i32 to vector<16xi32>
        %shift_right_arithmetic3A_959 = arith.shrsi %and3A_950, %shift_right_arithmetic3A_958 : vector<16xi32>
        %and3A_960 = arith.constant 7 : i32
        %and3A_961 = vector.broadcast %and3A_960 : i32 to vector<16xi32>
        %and3A_962 = arith.andi %and3A_950, %and3A_961 : vector<16xi32>
        %scatter3A_963 = arith.constant 0 : i32
        %scatter3A_964 = arith.constant 0 : i32
        %scatter3A_965 = arith.constant 0 : i32
        %scatter3A_966 = arith.constant 0 : i32
        %scatter3A_967 = arith.constant 0 : i32
        %scatter3A_968 = tpu.memref_slice %arg7[%scatter3A_963, %scatter3A_964, %scatter3A_965, %scatter3A_966, %scatter3A_967] : memref<2x4x4x8x128xf32, #tpu.memory_space<vmem>> -> memref<1x4x4x8x128xf32, #tpu.memory_space<vmem>>
        %scatter3A_969 = tpu.memref_squeeze %scatter3A_968 : memref<1x4x4x8x128xf32, #tpu.memory_space<vmem>> -> memref<4x4x8x128xf32, #tpu.memory_space<vmem>>
        tpu.vector_store_idx %scatter3A_969[%shift_right_arithmetic3A_959, %add3A_386, %and3A_962, %add3A_397], %gather3A_956 : memref<4x4x8x128xf32, #tpu.memory_space<vmem>>[vector<16xi32>, vector<16xi32>, vector<16xi32>, vector<16xi32>], vector<16xf32>,
        %add3A_970 = arith.constant 23 : i32
        %add3A_971 = vector.broadcast %add3A_970 : i32 to vector<16xi32>
        %add3A_972 = arith.addi %add3A_971, %iota3A : vector<16xi32>
        %and3A_973 = arith.constant 31 : i32
        %and3A_974 = vector.broadcast %and3A_973 : i32 to vector<16xi32>
        %and3A_975 = arith.andi %add3A_972, %and3A_974 : vector<16xi32>
        %gather3A_976 = arith.constant 0 : i32
        %gather3A_977 = arith.constant 0 : i32
        %gather3A_978 = arith.constant 0 : i32
        %gather3A_979 = tpu.memref_slice %arg6[%gather3A_976, %gather3A_977, %gather3A_978] : memref<2x512x32xf32, #tpu.memory_space<vmem>> -> memref<1x512x32xf32, #tpu.memory_space<vmem>>
        %gather3A_980 = tpu.memref_squeeze %gather3A_979 : memref<1x512x32xf32, #tpu.memory_space<vmem>> -> memref<512x32xf32, #tpu.memory_space<vmem>>
        %gather3A_981 = tpu.vector_load_idx %gather3A_980[%add3A_393, %and3A_975] : memref<512x32xf32, #tpu.memory_space<vmem>>[vector<16xi32>, vector<16xi32>], vector<16xf32>,
        %shift_right_arithmetic3A_982 = arith.constant 3 : i32
        %shift_right_arithmetic3A_983 = vector.broadcast %shift_right_arithmetic3A_982 : i32 to vector<16xi32>
        %shift_right_arithmetic3A_984 = arith.shrsi %and3A_975, %shift_right_arithmetic3A_983 : vector<16xi32>
        %and3A_985 = arith.constant 7 : i32
        %and3A_986 = vector.broadcast %and3A_985 : i32 to vector<16xi32>
        %and3A_987 = arith.andi %and3A_975, %and3A_986 : vector<16xi32>
        %scatter3A_988 = arith.constant 0 : i32
        %scatter3A_989 = arith.constant 0 : i32
        %scatter3A_990 = arith.constant 0 : i32
        %scatter3A_991 = arith.constant 0 : i32
        %scatter3A_992 = arith.constant 0 : i32
        %scatter3A_993 = tpu.memref_slice %arg7[%scatter3A_988, %scatter3A_989, %scatter3A_990, %scatter3A_991, %scatter3A_992] : memref<2x4x4x8x128xf32, #tpu.memory_space<vmem>> -> memref<1x4x4x8x128xf32, #tpu.memory_space<vmem>>
        %scatter3A_994 = tpu.memref_squeeze %scatter3A_993 : memref<1x4x4x8x128xf32, #tpu.memory_space<vmem>> -> memref<4x4x8x128xf32, #tpu.memory_space<vmem>>
        tpu.vector_store_idx %scatter3A_994[%shift_right_arithmetic3A_984, %add3A_386, %and3A_987, %add3A_397], %gather3A_981 : memref<4x4x8x128xf32, #tpu.memory_space<vmem>>[vector<16xi32>, vector<16xi32>, vector<16xi32>, vector<16xi32>], vector<16xf32>,
        %add3A_995 = arith.constant 24 : i32
        %add3A_996 = vector.broadcast %add3A_995 : i32 to vector<16xi32>
        %add3A_997 = arith.addi %add3A_996, %iota3A : vector<16xi32>
        %and3A_998 = arith.constant 31 : i32
        %and3A_999 = vector.broadcast %and3A_998 : i32 to vector<16xi32>
        %and3A_1000 = arith.andi %add3A_997, %and3A_999 : vector<16xi32>
        %gather3A_1001 = arith.constant 0 : i32
        %gather3A_1002 = arith.constant 0 : i32
        %gather3A_1003 = arith.constant 0 : i32
        %gather3A_1004 = tpu.memref_slice %arg6[%gather3A_1001, %gather3A_1002, %gather3A_1003] : memref<2x512x32xf32, #tpu.memory_space<vmem>> -> memref<1x512x32xf32, #tpu.memory_space<vmem>>
        %gather3A_1005 = tpu.memref_squeeze %gather3A_1004 : memref<1x512x32xf32, #tpu.memory_space<vmem>> -> memref<512x32xf32, #tpu.memory_space<vmem>>
        %gather3A_1006 = tpu.vector_load_idx %gather3A_1005[%add3A_393, %and3A_1000] : memref<512x32xf32, #tpu.memory_space<vmem>>[vector<16xi32>, vector<16xi32>], vector<16xf32>,
        %shift_right_arithmetic3A_1007 = arith.constant 3 : i32
        %shift_right_arithmetic3A_1008 = vector.broadcast %shift_right_arithmetic3A_1007 : i32 to vector<16xi32>
        %shift_right_arithmetic3A_1009 = arith.shrsi %and3A_1000, %shift_right_arithmetic3A_1008 : vector<16xi32>
        %and3A_1010 = arith.constant 7 : i32
        %and3A_1011 = vector.broadcast %and3A_1010 : i32 to vector<16xi32>
        %and3A_1012 = arith.andi %and3A_1000, %and3A_1011 : vector<16xi32>
        %scatter3A_1013 = arith.constant 0 : i32
        %scatter3A_1014 = arith.constant 0 : i32
        %scatter3A_1015 = arith.constant 0 : i32
        %scatter3A_1016 = arith.constant 0 : i32
        %scatter3A_1017 = arith.constant 0 : i32
        %scatter3A_1018 = tpu.memref_slice %arg7[%scatter3A_1013, %scatter3A_1014, %scatter3A_1015, %scatter3A_1016, %scatter3A_1017] : memref<2x4x4x8x128xf32, #tpu.memory_space<vmem>> -> memref<1x4x4x8x128xf32, #tpu.memory_space<vmem>>
        %scatter3A_1019 = tpu.memref_squeeze %scatter3A_1018 : memref<1x4x4x8x128xf32, #tpu.memory_space<vmem>> -> memref<4x4x8x128xf32, #tpu.memory_space<vmem>>
        tpu.vector_store_idx %scatter3A_1019[%shift_right_arithmetic3A_1009, %add3A_386, %and3A_1012, %add3A_397], %gather3A_1006 : memref<4x4x8x128xf32, #tpu.memory_space<vmem>>[vector<16xi32>, vector<16xi32>, vector<16xi32>, vector<16xi32>], vector<16xf32>,
        %add3A_1020 = arith.constant 25 : i32
        %add3A_1021 = vector.broadcast %add3A_1020 : i32 to vector<16xi32>
        %add3A_1022 = arith.addi %add3A_1021, %iota3A : vector<16xi32>
        %and3A_1023 = arith.constant 31 : i32
        %and3A_1024 = vector.broadcast %and3A_1023 : i32 to vector<16xi32>
        %and3A_1025 = arith.andi %add3A_1022, %and3A_1024 : vector<16xi32>
        %gather3A_1026 = arith.constant 0 : i32
        %gather3A_1027 = arith.constant 0 : i32
        %gather3A_1028 = arith.constant 0 : i32
        %gather3A_1029 = tpu.memref_slice %arg6[%gather3A_1026, %gather3A_1027, %gather3A_1028] : memref<2x512x32xf32, #tpu.memory_space<vmem>> -> memref<1x512x32xf32, #tpu.memory_space<vmem>>
        %gather3A_1030 = tpu.memref_squeeze %gather3A_1029 : memref<1x512x32xf32, #tpu.memory_space<vmem>> -> memref<512x32xf32, #tpu.memory_space<vmem>>
        %gather3A_1031 = tpu.vector_load_idx %gather3A_1030[%add3A_393, %and3A_1025] : memref<512x32xf32, #tpu.memory_space<vmem>>[vector<16xi32>, vector<16xi32>], vector<16xf32>,
        %shift_right_arithmetic3A_1032 = arith.constant 3 : i32
        %shift_right_arithmetic3A_1033 = vector.broadcast %shift_right_arithmetic3A_1032 : i32 to vector<16xi32>
        %shift_right_arithmetic3A_1034 = arith.shrsi %and3A_1025, %shift_right_arithmetic3A_1033 : vector<16xi32>
        %and3A_1035 = arith.constant 7 : i32
        %and3A_1036 = vector.broadcast %and3A_1035 : i32 to vector<16xi32>
        %and3A_1037 = arith.andi %and3A_1025, %and3A_1036 : vector<16xi32>
        %scatter3A_1038 = arith.constant 0 : i32
        %scatter3A_1039 = arith.constant 0 : i32
        %scatter3A_1040 = arith.constant 0 : i32
        %scatter3A_1041 = arith.constant 0 : i32
        %scatter3A_1042 = arith.constant 0 : i32
        %scatter3A_1043 = tpu.memref_slice %arg7[%scatter3A_1038, %scatter3A_1039, %scatter3A_1040, %scatter3A_1041, %scatter3A_1042] : memref<2x4x4x8x128xf32, #tpu.memory_space<vmem>> -> memref<1x4x4x8x128xf32, #tpu.memory_space<vmem>>
        %scatter3A_1044 = tpu.memref_squeeze %scatter3A_1043 : memref<1x4x4x8x128xf32, #tpu.memory_space<vmem>> -> memref<4x4x8x128xf32, #tpu.memory_space<vmem>>
        tpu.vector_store_idx %scatter3A_1044[%shift_right_arithmetic3A_1034, %add3A_386, %and3A_1037, %add3A_397], %gather3A_1031 : memref<4x4x8x128xf32, #tpu.memory_space<vmem>>[vector<16xi32>, vector<16xi32>, vector<16xi32>, vector<16xi32>], vector<16xf32>,
        %add3A_1045 = arith.constant 26 : i32
        %add3A_1046 = vector.broadcast %add3A_1045 : i32 to vector<16xi32>
        %add3A_1047 = arith.addi %add3A_1046, %iota3A : vector<16xi32>
        %and3A_1048 = arith.constant 31 : i32
        %and3A_1049 = vector.broadcast %and3A_1048 : i32 to vector<16xi32>
        %and3A_1050 = arith.andi %add3A_1047, %and3A_1049 : vector<16xi32>
        %gather3A_1051 = arith.constant 0 : i32
        %gather3A_1052 = arith.constant 0 : i32
        %gather3A_1053 = arith.constant 0 : i32
        %gather3A_1054 = tpu.memref_slice %arg6[%gather3A_1051, %gather3A_1052, %gather3A_1053] : memref<2x512x32xf32, #tpu.memory_space<vmem>> -> memref<1x512x32xf32, #tpu.memory_space<vmem>>
        %gather3A_1055 = tpu.memref_squeeze %gather3A_1054 : memref<1x512x32xf32, #tpu.memory_space<vmem>> -> memref<512x32xf32, #tpu.memory_space<vmem>>
        %gather3A_1056 = tpu.vector_load_idx %gather3A_1055[%add3A_393, %and3A_1050] : memref<512x32xf32, #tpu.memory_space<vmem>>[vector<16xi32>, vector<16xi32>], vector<16xf32>,
        %shift_right_arithmetic3A_1057 = arith.constant 3 : i32
        %shift_right_arithmetic3A_1058 = vector.broadcast %shift_right_arithmetic3A_1057 : i32 to vector<16xi32>
        %shift_right_arithmetic3A_1059 = arith.shrsi %and3A_1050, %shift_right_arithmetic3A_1058 : vector<16xi32>
        %and3A_1060 = arith.constant 7 : i32
        %and3A_1061 = vector.broadcast %and3A_1060 : i32 to vector<16xi32>
        %and3A_1062 = arith.andi %and3A_1050, %and3A_1061 : vector<16xi32>
        %scatter3A_1063 = arith.constant 0 : i32
        %scatter3A_1064 = arith.constant 0 : i32
        %scatter3A_1065 = arith.constant 0 : i32
        %scatter3A_1066 = arith.constant 0 : i32
        %scatter3A_1067 = arith.constant 0 : i32
        %scatter3A_1068 = tpu.memref_slice %arg7[%scatter3A_1063, %scatter3A_1064, %scatter3A_1065, %scatter3A_1066, %scatter3A_1067] : memref<2x4x4x8x128xf32, #tpu.memory_space<vmem>> -> memref<1x4x4x8x128xf32, #tpu.memory_space<vmem>>
        %scatter3A_1069 = tpu.memref_squeeze %scatter3A_1068 : memref<1x4x4x8x128xf32, #tpu.memory_space<vmem>> -> memref<4x4x8x128xf32, #tpu.memory_space<vmem>>
        tpu.vector_store_idx %scatter3A_1069[%shift_right_arithmetic3A_1059, %add3A_386, %and3A_1062, %add3A_397], %gather3A_1056 : memref<4x4x8x128xf32, #tpu.memory_space<vmem>>[vector<16xi32>, vector<16xi32>, vector<16xi32>, vector<16xi32>], vector<16xf32>,
        %add3A_1070 = arith.constant 27 : i32
        %add3A_1071 = vector.broadcast %add3A_1070 : i32 to vector<16xi32>
        %add3A_1072 = arith.addi %add3A_1071, %iota3A : vector<16xi32>
        %and3A_1073 = arith.constant 31 : i32
        %and3A_1074 = vector.broadcast %and3A_1073 : i32 to vector<16xi32>
        %and3A_1075 = arith.andi %add3A_1072, %and3A_1074 : vector<16xi32>
        %gather3A_1076 = arith.constant 0 : i32
        %gather3A_1077 = arith.constant 0 : i32
        %gather3A_1078 = arith.constant 0 : i32
        %gather3A_1079 = tpu.memref_slice %arg6[%gather3A_1076, %gather3A_1077, %gather3A_1078] : memref<2x512x32xf32, #tpu.memory_space<vmem>> -> memref<1x512x32xf32, #tpu.memory_space<vmem>>
        %gather3A_1080 = tpu.memref_squeeze %gather3A_1079 : memref<1x512x32xf32, #tpu.memory_space<vmem>> -> memref<512x32xf32, #tpu.memory_space<vmem>>
        %gather3A_1081 = tpu.vector_load_idx %gather3A_1080[%add3A_393, %and3A_1075] : memref<512x32xf32, #tpu.memory_space<vmem>>[vector<16xi32>, vector<16xi32>], vector<16xf32>,
        %shift_right_arithmetic3A_1082 = arith.constant 3 : i32
        %shift_right_arithmetic3A_1083 = vector.broadcast %shift_right_arithmetic3A_1082 : i32 to vector<16xi32>
        %shift_right_arithmetic3A_1084 = arith.shrsi %and3A_1075, %shift_right_arithmetic3A_1083 : vector<16xi32>
        %and3A_1085 = arith.constant 7 : i32
        %and3A_1086 = vector.broadcast %and3A_1085 : i32 to vector<16xi32>
        %and3A_1087 = arith.andi %and3A_1075, %and3A_1086 : vector<16xi32>
        %scatter3A_1088 = arith.constant 0 : i32
        %scatter3A_1089 = arith.constant 0 : i32
        %scatter3A_1090 = arith.constant 0 : i32
        %scatter3A_1091 = arith.constant 0 : i32
        %scatter3A_1092 = arith.constant 0 : i32
        %scatter3A_1093 = tpu.memref_slice %arg7[%scatter3A_1088, %scatter3A_1089, %scatter3A_1090, %scatter3A_1091, %scatter3A_1092] : memref<2x4x4x8x128xf32, #tpu.memory_space<vmem>> -> memref<1x4x4x8x128xf32, #tpu.memory_space<vmem>>
        %scatter3A_1094 = tpu.memref_squeeze %scatter3A_1093 : memref<1x4x4x8x128xf32, #tpu.memory_space<vmem>> -> memref<4x4x8x128xf32, #tpu.memory_space<vmem>>
        tpu.vector_store_idx %scatter3A_1094[%shift_right_arithmetic3A_1084, %add3A_386, %and3A_1087, %add3A_397], %gather3A_1081 : memref<4x4x8x128xf32, #tpu.memory_space<vmem>>[vector<16xi32>, vector<16xi32>, vector<16xi32>, vector<16xi32>], vector<16xf32>,
        %add3A_1095 = arith.constant 28 : i32
        %add3A_1096 = vector.broadcast %add3A_1095 : i32 to vector<16xi32>
        %add3A_1097 = arith.addi %add3A_1096, %iota3A : vector<16xi32>
        %and3A_1098 = arith.constant 31 : i32
        %and3A_1099 = vector.broadcast %and3A_1098 : i32 to vector<16xi32>
        %and3A_1100 = arith.andi %add3A_1097, %and3A_1099 : vector<16xi32>
        %gather3A_1101 = arith.constant 0 : i32
        %gather3A_1102 = arith.constant 0 : i32
        %gather3A_1103 = arith.constant 0 : i32
        %gather3A_1104 = tpu.memref_slice %arg6[%gather3A_1101, %gather3A_1102, %gather3A_1103] : memref<2x512x32xf32, #tpu.memory_space<vmem>> -> memref<1x512x32xf32, #tpu.memory_space<vmem>>
        %gather3A_1105 = tpu.memref_squeeze %gather3A_1104 : memref<1x512x32xf32, #tpu.memory_space<vmem>> -> memref<512x32xf32, #tpu.memory_space<vmem>>
        %gather3A_1106 = tpu.vector_load_idx %gather3A_1105[%add3A_393, %and3A_1100] : memref<512x32xf32, #tpu.memory_space<vmem>>[vector<16xi32>, vector<16xi32>], vector<16xf32>,
        %shift_right_arithmetic3A_1107 = arith.constant 3 : i32
        %shift_right_arithmetic3A_1108 = vector.broadcast %shift_right_arithmetic3A_1107 : i32 to vector<16xi32>
        %shift_right_arithmetic3A_1109 = arith.shrsi %and3A_1100, %shift_right_arithmetic3A_1108 : vector<16xi32>
        %and3A_1110 = arith.constant 7 : i32
        %and3A_1111 = vector.broadcast %and3A_1110 : i32 to vector<16xi32>
        %and3A_1112 = arith.andi %and3A_1100, %and3A_1111 : vector<16xi32>
        %scatter3A_1113 = arith.constant 0 : i32
        %scatter3A_1114 = arith.constant 0 : i32
        %scatter3A_1115 = arith.constant 0 : i32
        %scatter3A_1116 = arith.constant 0 : i32
        %scatter3A_1117 = arith.constant 0 : i32
        %scatter3A_1118 = tpu.memref_slice %arg7[%scatter3A_1113, %scatter3A_1114, %scatter3A_1115, %scatter3A_1116, %scatter3A_1117] : memref<2x4x4x8x128xf32, #tpu.memory_space<vmem>> -> memref<1x4x4x8x128xf32, #tpu.memory_space<vmem>>
        %scatter3A_1119 = tpu.memref_squeeze %scatter3A_1118 : memref<1x4x4x8x128xf32, #tpu.memory_space<vmem>> -> memref<4x4x8x128xf32, #tpu.memory_space<vmem>>
        tpu.vector_store_idx %scatter3A_1119[%shift_right_arithmetic3A_1109, %add3A_386, %and3A_1112, %add3A_397], %gather3A_1106 : memref<4x4x8x128xf32, #tpu.memory_space<vmem>>[vector<16xi32>, vector<16xi32>, vector<16xi32>, vector<16xi32>], vector<16xf32>,
        %add3A_1120 = arith.constant 29 : i32
        %add3A_1121 = vector.broadcast %add3A_1120 : i32 to vector<16xi32>
        %add3A_1122 = arith.addi %add3A_1121, %iota3A : vector<16xi32>
        %and3A_1123 = arith.constant 31 : i32
        %and3A_1124 = vector.broadcast %and3A_1123 : i32 to vector<16xi32>
        %and3A_1125 = arith.andi %add3A_1122, %and3A_1124 : vector<16xi32>
        %gather3A_1126 = arith.constant 0 : i32
        %gather3A_1127 = arith.constant 0 : i32
        %gather3A_1128 = arith.constant 0 : i32
        %gather3A_1129 = tpu.memref_slice %arg6[%gather3A_1126, %gather3A_1127, %gather3A_1128] : memref<2x512x32xf32, #tpu.memory_space<vmem>> -> memref<1x512x32xf32, #tpu.memory_space<vmem>>
        %gather3A_1130 = tpu.memref_squeeze %gather3A_1129 : memref<1x512x32xf32, #tpu.memory_space<vmem>> -> memref<512x32xf32, #tpu.memory_space<vmem>>
        %gather3A_1131 = tpu.vector_load_idx %gather3A_1130[%add3A_393, %and3A_1125] : memref<512x32xf32, #tpu.memory_space<vmem>>[vector<16xi32>, vector<16xi32>], vector<16xf32>,
        %shift_right_arithmetic3A_1132 = arith.constant 3 : i32
        %shift_right_arithmetic3A_1133 = vector.broadcast %shift_right_arithmetic3A_1132 : i32 to vector<16xi32>
        %shift_right_arithmetic3A_1134 = arith.shrsi %and3A_1125, %shift_right_arithmetic3A_1133 : vector<16xi32>
        %and3A_1135 = arith.constant 7 : i32
        %and3A_1136 = vector.broadcast %and3A_1135 : i32 to vector<16xi32>
        %and3A_1137 = arith.andi %and3A_1125, %and3A_1136 : vector<16xi32>
        %scatter3A_1138 = arith.constant 0 : i32
        %scatter3A_1139 = arith.constant 0 : i32
        %scatter3A_1140 = arith.constant 0 : i32
        %scatter3A_1141 = arith.constant 0 : i32
        %scatter3A_1142 = arith.constant 0 : i32
        %scatter3A_1143 = tpu.memref_slice %arg7[%scatter3A_1138, %scatter3A_1139, %scatter3A_1140, %scatter3A_1141, %scatter3A_1142] : memref<2x4x4x8x128xf32, #tpu.memory_space<vmem>> -> memref<1x4x4x8x128xf32, #tpu.memory_space<vmem>>
        %scatter3A_1144 = tpu.memref_squeeze %scatter3A_1143 : memref<1x4x4x8x128xf32, #tpu.memory_space<vmem>> -> memref<4x4x8x128xf32, #tpu.memory_space<vmem>>
        tpu.vector_store_idx %scatter3A_1144[%shift_right_arithmetic3A_1134, %add3A_386, %and3A_1137, %add3A_397], %gather3A_1131 : memref<4x4x8x128xf32, #tpu.memory_space<vmem>>[vector<16xi32>, vector<16xi32>, vector<16xi32>, vector<16xi32>], vector<16xf32>,
        %add3A_1145 = arith.constant 30 : i32
        %add3A_1146 = vector.broadcast %add3A_1145 : i32 to vector<16xi32>
        %add3A_1147 = arith.addi %add3A_1146, %iota3A : vector<16xi32>
        %and3A_1148 = arith.constant 31 : i32
        %and3A_1149 = vector.broadcast %and3A_1148 : i32 to vector<16xi32>
        %and3A_1150 = arith.andi %add3A_1147, %and3A_1149 : vector<16xi32>
        %gather3A_1151 = arith.constant 0 : i32
        %gather3A_1152 = arith.constant 0 : i32
        %gather3A_1153 = arith.constant 0 : i32
        %gather3A_1154 = tpu.memref_slice %arg6[%gather3A_1151, %gather3A_1152, %gather3A_1153] : memref<2x512x32xf32, #tpu.memory_space<vmem>> -> memref<1x512x32xf32, #tpu.memory_space<vmem>>
        %gather3A_1155 = tpu.memref_squeeze %gather3A_1154 : memref<1x512x32xf32, #tpu.memory_space<vmem>> -> memref<512x32xf32, #tpu.memory_space<vmem>>
        %gather3A_1156 = tpu.vector_load_idx %gather3A_1155[%add3A_393, %and3A_1150] : memref<512x32xf32, #tpu.memory_space<vmem>>[vector<16xi32>, vector<16xi32>], vector<16xf32>,
        %shift_right_arithmetic3A_1157 = arith.constant 3 : i32
        %shift_right_arithmetic3A_1158 = vector.broadcast %shift_right_arithmetic3A_1157 : i32 to vector<16xi32>
        %shift_right_arithmetic3A_1159 = arith.shrsi %and3A_1150, %shift_right_arithmetic3A_1158 : vector<16xi32>
        %and3A_1160 = arith.constant 7 : i32
        %and3A_1161 = vector.broadcast %and3A_1160 : i32 to vector<16xi32>
        %and3A_1162 = arith.andi %and3A_1150, %and3A_1161 : vector<16xi32>
        %scatter3A_1163 = arith.constant 0 : i32
        %scatter3A_1164 = arith.constant 0 : i32
        %scatter3A_1165 = arith.constant 0 : i32
        %scatter3A_1166 = arith.constant 0 : i32
        %scatter3A_1167 = arith.constant 0 : i32
        %scatter3A_1168 = tpu.memref_slice %arg7[%scatter3A_1163, %scatter3A_1164, %scatter3A_1165, %scatter3A_1166, %scatter3A_1167] : memref<2x4x4x8x128xf32, #tpu.memory_space<vmem>> -> memref<1x4x4x8x128xf32, #tpu.memory_space<vmem>>
        %scatter3A_1169 = tpu.memref_squeeze %scatter3A_1168 : memref<1x4x4x8x128xf32, #tpu.memory_space<vmem>> -> memref<4x4x8x128xf32, #tpu.memory_space<vmem>>
        tpu.vector_store_idx %scatter3A_1169[%shift_right_arithmetic3A_1159, %add3A_386, %and3A_1162, %add3A_397], %gather3A_1156 : memref<4x4x8x128xf32, #tpu.memory_space<vmem>>[vector<16xi32>, vector<16xi32>, vector<16xi32>, vector<16xi32>], vector<16xf32>,
        %add3A_1170 = arith.constant 31 : i32
        %add3A_1171 = vector.broadcast %add3A_1170 : i32 to vector<16xi32>
        %add3A_1172 = arith.addi %add3A_1171, %iota3A : vector<16xi32>
        %and3A_1173 = arith.constant 31 : i32
        %and3A_1174 = vector.broadcast %and3A_1173 : i32 to vector<16xi32>
        %and3A_1175 = arith.andi %add3A_1172, %and3A_1174 : vector<16xi32>
        %gather3A_1176 = arith.constant 0 : i32
        %gather3A_1177 = arith.constant 0 : i32
        %gather3A_1178 = arith.constant 0 : i32
        %gather3A_1179 = tpu.memref_slice %arg6[%gather3A_1176, %gather3A_1177, %gather3A_1178] : memref<2x512x32xf32, #tpu.memory_space<vmem>> -> memref<1x512x32xf32, #tpu.memory_space<vmem>>
        %gather3A_1180 = tpu.memref_squeeze %gather3A_1179 : memref<1x512x32xf32, #tpu.memory_space<vmem>> -> memref<512x32xf32, #tpu.memory_space<vmem>>
        %gather3A_1181 = tpu.vector_load_idx %gather3A_1180[%add3A_393, %and3A_1175] : memref<512x32xf32, #tpu.memory_space<vmem>>[vector<16xi32>, vector<16xi32>], vector<16xf32>,
        %shift_right_arithmetic3A_1182 = arith.constant 3 : i32
        %shift_right_arithmetic3A_1183 = vector.broadcast %shift_right_arithmetic3A_1182 : i32 to vector<16xi32>
        %shift_right_arithmetic3A_1184 = arith.shrsi %and3A_1175, %shift_right_arithmetic3A_1183 : vector<16xi32>
        %and3A_1185 = arith.constant 7 : i32
        %and3A_1186 = vector.broadcast %and3A_1185 : i32 to vector<16xi32>
        %and3A_1187 = arith.andi %and3A_1175, %and3A_1186 : vector<16xi32>
        %scatter3A_1188 = arith.constant 0 : i32
        %scatter3A_1189 = arith.constant 0 : i32
        %scatter3A_1190 = arith.constant 0 : i32
        %scatter3A_1191 = arith.constant 0 : i32
        %scatter3A_1192 = arith.constant 0 : i32
        %scatter3A_1193 = tpu.memref_slice %arg7[%scatter3A_1188, %scatter3A_1189, %scatter3A_1190, %scatter3A_1191, %scatter3A_1192] : memref<2x4x4x8x128xf32, #tpu.memory_space<vmem>> -> memref<1x4x4x8x128xf32, #tpu.memory_space<vmem>>
        %scatter3A_1194 = tpu.memref_squeeze %scatter3A_1193 : memref<1x4x4x8x128xf32, #tpu.memory_space<vmem>> -> memref<4x4x8x128xf32, #tpu.memory_space<vmem>>
        tpu.vector_store_idx %scatter3A_1194[%shift_right_arithmetic3A_1184, %add3A_386, %and3A_1187, %add3A_397], %gather3A_1181 : memref<4x4x8x128xf32, #tpu.memory_space<vmem>>[vector<16xi32>, vector<16xi32>, vector<16xi32>, vector<16xi32>], vector<16xf32>,
      }
      %scan3A_241 = arith.constant 32 : i32
      %mul3A_242 = arith.constant 4 : i32
      %mul3A_243 = arith.muli %add3A, %mul3A_242 : i32
      %dma_start3A_244 = arith.constant 0 : i32
      %dma_start3A_245 = arith.constant 0 : i32
      %dma_start3A_246 = arith.constant 0 : i32
      %dma_start3A_247 = arith.constant 0 : i32
      %dma_start3A_248 = arith.constant 0 : i32
      %dma_start3A_249 = tpu.memref_slice %arg7[%dma_start3A_244, %dma_start3A_245, %dma_start3A_246, %dma_start3A_247, %dma_start3A_248] : memref<2x4x4x8x128xf32, #tpu.memory_space<vmem>> -> memref<1x4x4x8x128xf32, #tpu.memory_space<vmem>>
      %dma_start3A_250 = tpu.memref_squeeze %dma_start3A_249 : memref<1x4x4x8x128xf32, #tpu.memory_space<vmem>> -> memref<4x4x8x128xf32, #tpu.memory_space<vmem>>
      %dma_start3A_251 = arith.constant 0 : i32
      %dma_start3A_252 = arith.constant 0 : i32
      %dma_start3A_253 = arith.constant 0 : i32
      %dma_start3A_254 = tpu.memref_slice %arg4[%add3A_198, %dma_start3A_251, %mul3A_243, %dma_start3A_252, %dma_start3A_253] : memref<50x4x128x8x128xf32, #tpu.memory_space<hbm>> -> memref<1x4x4x8x128xf32, #tpu.memory_space<hbm>>
      %dma_start3A_255 = tpu.memref_squeeze %dma_start3A_254 : memref<1x4x4x8x128xf32, #tpu.memory_space<hbm>> -> memref<4x4x8x128xf32, #tpu.memory_space<hbm>>
      %dma_start3A_256 = arith.constant 0 : i32
      %dma_start3A_257 = arith.constant 0 : i32
      %dma_start3A_258 = arith.constant 0 : i32
      %dma_start3A_259 = tpu.memref_slice %arg4[%add3A_198, %dma_start3A_256, %mul3A_243, %dma_start3A_257, %dma_start3A_258] : memref<50x4x128x8x128xf32, #tpu.memory_space<hbm>> -> memref<1x4x4x8x128xf32, #tpu.memory_space<hbm>>
      %dma_start3A_260 = tpu.memref_squeeze %dma_start3A_259 : memref<1x4x4x8x128xf32, #tpu.memory_space<hbm>> -> memref<4x4x8x128xf32, #tpu.memory_space<hbm>>
      %dma_start3A_261 = arith.constant 0 : i32
      %dma_start3A_262 = arith.constant 0 : i32
      %dma_start3A_263 = arith.constant 0 : i32
      %dma_start3A_264 = arith.constant 0 : i32
      %dma_start3A_265 = tpu.memref_slice %arg7[%dma_start3A_244, %dma_start3A_261, %dma_start3A_262, %dma_start3A_263, %dma_start3A_264] : memref<2x4x4x8x128xf32, #tpu.memory_space<vmem>> -> memref<1x4x4x8x128xf32, #tpu.memory_space<vmem>>
      %dma_start3A_266 = tpu.memref_squeeze %dma_start3A_265 : memref<1x4x4x8x128xf32, #tpu.memory_space<vmem>> -> memref<4x4x8x128xf32, #tpu.memory_space<vmem>>
      tpu.enqueue_dma source(%dma_start3A_266 : memref<4x4x8x128xf32, #tpu.memory_space<vmem>>) target(%dma_start3A_260 : memref<4x4x8x128xf32, #tpu.memory_space<hbm>>) target_semaphore(%arg10 : memref<!tpu.dma_semaphore, #tpu.memory_space<semaphore_mem>>)
      %add3A_267 = arith.constant 2 : i32
      %add3A_268 = arith.addi %add3A_198, %add3A_267 : i32
      %lt3A = arith.constant 50 : i32
      %lt3A_269 = arith.cmpi slt, %add3A_268, %lt3A : i32
      %convert_element_type3A = arith.extui %lt3A_269 : i1 to i32
      %cond3A = arith.constant 0 : i32
      %cond3A_270 = arith.cmpi ne, %convert_element_type3A, %cond3A : i32
      scf.if %cond3A_270 {
        %add3A_351 = arith.constant 2 : i32
        %add3A_352 = arith.addi %add3A_198, %add3A_351 : i32
        %dma_start3A_353 = arith.constant 0 : i32
        %dma_start3A_354 = arith.constant 0 : i32
        %dma_start3A_355 = arith.constant 0 : i32
        %dma_start3A_356 = tpu.memref_slice %arg6[%dma_start3A_353, %dma_start3A_354, %dma_start3A_355] : memref<2x512x32xf32, #tpu.memory_space<vmem>> -> memref<1x512x32xf32, #tpu.memory_space<vmem>>
        %dma_start3A_357 = tpu.memref_squeeze %dma_start3A_356 : memref<1x512x32xf32, #tpu.memory_space<vmem>> -> memref<512x32xf32, #tpu.memory_space<vmem>>
        %dma_start3A_358 = arith.constant 0 : i32
        %dma_start3A_359 = tpu.memref_slice %arg5[%add3A_352, %dma_start3A_358] : memref<50x512xi32, #tpu.memory_space<vmem>> -> memref<1x512xi32, #tpu.memory_space<vmem>>
        %dma_start3A_360 = tpu.memref_squeeze %dma_start3A_359 : memref<1x512xi32, #tpu.memory_space<vmem>> -> memref<512xi32, #tpu.memory_space<vmem>>
        %dma_start3A_361 = arith.constant 0 : i32
        %dma_start3A_362 = arith.constant 0 : i32
        %dma_start3A_363 = tpu.memref_slice %arg3[%dma_start3A_361, %dma_start3A_362] : memref<1000000x32xf32, #tpu.memory_space<hbm>> -> memref<1000000x32xf32, #tpu.memory_space<hbm>>
        tpu.enqueue_indirect_dma source(%dma_start3A_363 : memref<1000000x32xf32, #tpu.memory_space<hbm>>) target(%dma_start3A_357 : memref<512x32xf32, #tpu.memory_space<vmem>>) offsets(%dma_start3A_360 : memref<512xi32, #tpu.memory_space<vmem>>) semaphore(%arg8 : memref<!tpu.dma_semaphore, #tpu.memory_space<semaphore_mem>>)
      } else {
      }
      %mul3A_271 = arith.constant 2 : i32
      %mul3A_272 = arith.muli %mul3A_271, %scan3A_194 : i32
      %add3A_273 = arith.constant 1 : i32
      %add3A_274 = arith.addi %mul3A_272, %add3A_273 : i32
      %dma_wait3A_275 = arith.constant 1 : i32
      %dma_wait3A_276 = arith.constant 0 : i32
      %dma_wait3A_277 = arith.constant 0 : i32
      %dma_wait3A_278 = tpu.memref_slice %arg6[%dma_wait3A_275, %dma_wait3A_276, %dma_wait3A_277] : memref<2x512x32xf32, #tpu.memory_space<vmem>> -> memref<1x512x32xf32, #tpu.memory_space<vmem>>
      %dma_wait3A_279 = tpu.memref_squeeze %dma_wait3A_278 : memref<1x512x32xf32, #tpu.memory_space<vmem>> -> memref<512x32xf32, #tpu.memory_space<vmem>>
      %dma_wait3A_280 = arith.constant 0 : i32
      %dma_wait3A_281 = tpu.memref_slice %arg5[%add3A_274, %dma_wait3A_280] : memref<50x512xi32, #tpu.memory_space<vmem>> -> memref<1x512xi32, #tpu.memory_space<vmem>>
      %dma_wait3A_282 = tpu.memref_squeeze %dma_wait3A_281 : memref<1x512xi32, #tpu.memory_space<vmem>> -> memref<512xi32, #tpu.memory_space<vmem>>
      %dma_wait3A_283 = arith.constant 0 : i32
      %dma_wait3A_284 = arith.constant 0 : i32
      %dma_wait3A_285 = tpu.memref_slice %arg3[%dma_wait3A_283, %dma_wait3A_284] : memref<1000000x32xf32, #tpu.memory_space<hbm>> -> memref<1000000x32xf32, #tpu.memory_space<hbm>>
      tpu.wait_indirect_dma semaphore(%arg9 : memref<!tpu.dma_semaphore, #tpu.memory_space<semaphore_mem>>) src(%dma_wait3A_285 : memref<1000000x32xf32, #tpu.memory_space<hbm>>) dst(%dma_wait3A_279 : memref<512x32xf32, #tpu.memory_space<vmem>>)
      %sub3A_286 = arith.constant 2 : i32
      %sub3A_287 = arith.subi %add3A_274, %sub3A_286 : i32
      %mul3A_288 = arith.constant 4 : i32
      %mul3A_289 = arith.muli %add3A, %mul3A_288 : i32
      %dma_wait3A_290 = arith.constant 1 : i32
      %dma_wait3A_291 = arith.constant 0 : i32
      %dma_wait3A_292 = arith.constant 0 : i32
      %dma_wait3A_293 = arith.constant 0 : i32
      %dma_wait3A_294 = arith.constant 0 : i32
      %dma_wait3A_295 = tpu.memref_slice %arg7[%dma_wait3A_290, %dma_wait3A_291, %dma_wait3A_292, %dma_wait3A_293, %dma_wait3A_294] : memref<2x4x4x8x128xf32, #tpu.memory_space<vmem>> -> memref<1x4x4x8x128xf32, #tpu.memory_space<vmem>>
      %dma_wait3A_296 = tpu.memref_squeeze %dma_wait3A_295 : memref<1x4x4x8x128xf32, #tpu.memory_space<vmem>> -> memref<4x4x8x128xf32, #tpu.memory_space<vmem>>
      %dma_wait3A_297 = arith.constant 0 : i32
      %dma_wait3A_298 = arith.constant 0 : i32
      %dma_wait3A_299 = arith.constant 0 : i32
      %dma_wait3A_300 = tpu.memref_slice %arg4[%sub3A_287, %dma_wait3A_297, %mul3A_289, %dma_wait3A_298, %dma_wait3A_299] : memref<50x4x128x8x128xf32, #tpu.memory_space<hbm>> -> memref<1x4x4x8x128xf32, #tpu.memory_space<hbm>>
      %dma_wait3A_301 = tpu.memref_squeeze %dma_wait3A_300 : memref<1x4x4x8x128xf32, #tpu.memory_space<hbm>> -> memref<4x4x8x128xf32, #tpu.memory_space<hbm>>
      %dma_wait3A_302 = arith.constant 0 : i32
      %dma_wait3A_303 = arith.constant 0 : i32
      %dma_wait3A_304 = arith.constant 0 : i32
      %dma_wait3A_305 = tpu.memref_slice %arg4[%sub3A_287, %dma_wait3A_302, %mul3A_289, %dma_wait3A_303, %dma_wait3A_304] : memref<50x4x128x8x128xf32, #tpu.memory_space<hbm>> -> memref<1x4x4x8x128xf32, #tpu.memory_space<hbm>>
      %dma_wait3A_306 = tpu.memref_squeeze %dma_wait3A_305 : memref<1x4x4x8x128xf32, #tpu.memory_space<hbm>> -> memref<4x4x8x128xf32, #tpu.memory_space<hbm>>
      %dma_wait3A_307 = arith.constant 0 : i32
      %dma_wait3A_308 = arith.constant 0 : i32
      %dma_wait3A_309 = arith.constant 0 : i32
      %dma_wait3A_310 = arith.constant 0 : i32
      %dma_wait3A_311 = tpu.memref_slice %arg7[%dma_wait3A_290, %dma_wait3A_307, %dma_wait3A_308, %dma_wait3A_309, %dma_wait3A_310] : memref<2x4x4x8x128xf32, #tpu.memory_space<vmem>> -> memref<1x4x4x8x128xf32, #tpu.memory_space<vmem>>
      %dma_wait3A_312 = tpu.memref_squeeze %dma_wait3A_311 : memref<1x4x4x8x128xf32, #tpu.memory_space<vmem>> -> memref<4x4x8x128xf32, #tpu.memory_space<vmem>>
      tpu.wait_dma2 semaphore(%arg11 : memref<!tpu.dma_semaphore, #tpu.memory_space<semaphore_mem>>) src(%dma_wait3A_312 : memref<4x4x8x128xf32, #tpu.memory_space<vmem>>) dst(%dma_wait3A_306 : memref<4x4x8x128xf32, #tpu.memory_space<hbm>>)
      %scan3A_313 = arith.constant 0 : i32
      %scan3A_314 = arith.constant 0 : i32
      %scan3A_315 = arith.constant 32 : i32
      %scan3A_316 = arith.addi %scan3A_314, %scan3A_315 : i32
      %scan3A_317 = arith.constant 1 : i32
      scf.for %scan3A_351 = %scan3A_314 to %scan3A_316 step %scan3A_317  : i32 {
        %jit3A = arith.constant 8 : i32
        %div3A = arith.divsi %scan3A_351, %jit3A : i32
        %sign3A = arith.constant 0 : i32
        %sign3A_352 = arith.cmpi sgt, %scan3A_351, %sign3A : i32
        %sign3A_353 = arith.extui %sign3A_352 : i1 to i32
        %sign3A_354 = arith.constant 0 : i32
        %sign3A_355 = arith.cmpi slt, %scan3A_351, %sign3A_354 : i32
        %sign3A_356 = arith.extui %sign3A_355 : i1 to i32
        %sign3A_357 = arith.subi %sign3A_353, %sign3A_356 : i32
        %sign3A_358 = arith.constant 0 : i32
        %sign3A_359 = arith.cmpi sgt, %jit3A, %sign3A_358 : i32
        %sign3A_360 = arith.extui %sign3A_359 : i1 to i32
        %sign3A_361 = arith.constant 0 : i32
        %sign3A_362 = arith.cmpi slt, %jit3A, %sign3A_361 : i32
        %sign3A_363 = arith.extui %sign3A_362 : i1 to i32
        %sign3A_364 = arith.subi %sign3A_360, %sign3A_363 : i32
        %ne3A = arith.cmpi ne, %sign3A_357, %sign3A_364 : i32
        %rem3A = arith.remsi %scan3A_351, %jit3A : i32
        %ne3A_365 = arith.constant 0 : i32
        %ne3A_366 = arith.cmpi ne, %rem3A, %ne3A_365 : i32
        %and3A = arith.andi %ne3A, %ne3A_366 : i1
        %sub3A_367 = arith.constant 1 : i32
        %sub3A_368 = arith.subi %div3A, %sub3A_367 : i32
        %select_n3A = arith.select %and3A, %sub3A_368, %div3A : i32
        %jit3A_369 = arith.constant 8 : i32
        %eq3A = arith.constant 0 : i32
        %eq3A_370 = arith.cmpi eq, %jit3A_369, %eq3A : i32
        %jit3A_371 = arith.constant 1 : i32
        %select_n3A_372 = arith.select %eq3A_370, %jit3A_371, %jit3A_369 : i32
        %rem3A_373 = arith.remsi %scan3A_351, %select_n3A_372 : i32
        %ne3A_374 = arith.constant 0 : i32
        %ne3A_375 = arith.cmpi ne, %rem3A_373, %ne3A_374 : i32
        %lt3A_376 = arith.constant 0 : i32
        %lt3A_377 = arith.cmpi slt, %rem3A_373, %lt3A_376 : i32
        %lt3A_378 = arith.constant 0 : i32
        %lt3A_379 = arith.cmpi slt, %select_n3A_372, %lt3A_378 : i32
        %ne3A_380 = arith.xori %lt3A_377, %lt3A_379 : i1
        %and3A_381 = arith.andi %ne3A_380, %ne3A_375 : i1
        %add3A_382 = arith.addi %rem3A_373, %select_n3A_372 : i32
        %select_n3A_383 = arith.select %and3A_381, %add3A_382, %rem3A_373 : i32
        %broadcast_in_dim3A = arith.constant 0 : i32
        %broadcast_in_dim3A_384 = vector.broadcast %broadcast_in_dim3A : i32 to vector<16xi32>
        %add3A_385 = vector.broadcast %select_n3A : i32 to vector<16xi32>
        %add3A_386 = arith.addi %broadcast_in_dim3A_384, %add3A_385 : vector<16xi32>
        %mul3A_387 = arith.constant 128 : i32
        %mul3A_388 = arith.muli %select_n3A, %mul3A_387 : i32
        %mul3A_389 = arith.constant 16 : i32
        %mul3A_390 = arith.muli %select_n3A_383, %mul3A_389 : i32
        %add3A_391 = arith.addi %mul3A_388, %mul3A_390 : i32
        %add3A_392 = vector.broadcast %add3A_391 : i32 to vector<16xi32>
        %add3A_393 = arith.addi %add3A_392, %iota3A : vector<16xi32>
        %mul3A_394 = arith.constant 16 : i32
        %mul3A_395 = arith.muli %select_n3A_383, %mul3A_394 : i32
        %add3A_396 = vector.broadcast %mul3A_395 : i32 to vector<16xi32>
        %add3A_397 = arith.addi %add3A_396, %iota3A : vector<16xi32>
        %add3A_398 = arith.constant 0 : i32
        %add3A_399 = vector.broadcast %add3A_398 : i32 to vector<16xi32>
        %add3A_400 = arith.addi %add3A_399, %iota3A : vector<16xi32>
        %and3A_401 = arith.constant 31 : i32
        %and3A_402 = vector.broadcast %and3A_401 : i32 to vector<16xi32>
        %and3A_403 = arith.andi %add3A_400, %and3A_402 : vector<16xi32>
        %gather3A = arith.constant 1 : i32
        %gather3A_404 = arith.constant 0 : i32
        %gather3A_405 = arith.constant 0 : i32
        %gather3A_406 = tpu.memref_slice %arg6[%gather3A, %gather3A_404, %gather3A_405] : memref<2x512x32xf32, #tpu.memory_space<vmem>> -> memref<1x512x32xf32, #tpu.memory_space<vmem>>
        %gather3A_407 = tpu.memref_squeeze %gather3A_406 : memref<1x512x32xf32, #tpu.memory_space<vmem>> -> memref<512x32xf32, #tpu.memory_space<vmem>>
        %gather3A_408 = tpu.vector_load_idx %gather3A_407[%add3A_393, %and3A_403] : memref<512x32xf32, #tpu.memory_space<vmem>>[vector<16xi32>, vector<16xi32>], vector<16xf32>,
        %shift_right_arithmetic3A = arith.constant 3 : i32
        %shift_right_arithmetic3A_409 = vector.broadcast %shift_right_arithmetic3A : i32 to vector<16xi32>
        %shift_right_arithmetic3A_410 = arith.shrsi %and3A_403, %shift_right_arithmetic3A_409 : vector<16xi32>
        %and3A_411 = arith.constant 7 : i32
        %and3A_412 = vector.broadcast %and3A_411 : i32 to vector<16xi32>
        %and3A_413 = arith.andi %and3A_403, %and3A_412 : vector<16xi32>
        %scatter3A = arith.constant 1 : i32
        %scatter3A_414 = arith.constant 0 : i32
        %scatter3A_415 = arith.constant 0 : i32
        %scatter3A_416 = arith.constant 0 : i32
        %scatter3A_417 = arith.constant 0 : i32
        %scatter3A_418 = tpu.memref_slice %arg7[%scatter3A, %scatter3A_414, %scatter3A_415, %scatter3A_416, %scatter3A_417] : memref<2x4x4x8x128xf32, #tpu.memory_space<vmem>> -> memref<1x4x4x8x128xf32, #tpu.memory_space<vmem>>
        %scatter3A_419 = tpu.memref_squeeze %scatter3A_418 : memref<1x4x4x8x128xf32, #tpu.memory_space<vmem>> -> memref<4x4x8x128xf32, #tpu.memory_space<vmem>>
        tpu.vector_store_idx %scatter3A_419[%shift_right_arithmetic3A_410, %add3A_386, %and3A_413, %add3A_397], %gather3A_408 : memref<4x4x8x128xf32, #tpu.memory_space<vmem>>[vector<16xi32>, vector<16xi32>, vector<16xi32>, vector<16xi32>], vector<16xf32>,
        %add3A_420 = arith.constant 1 : i32
        %add3A_421 = vector.broadcast %add3A_420 : i32 to vector<16xi32>
        %add3A_422 = arith.addi %add3A_421, %iota3A : vector<16xi32>
        %and3A_423 = arith.constant 31 : i32
        %and3A_424 = vector.broadcast %and3A_423 : i32 to vector<16xi32>
        %and3A_425 = arith.andi %add3A_422, %and3A_424 : vector<16xi32>
        %gather3A_426 = arith.constant 1 : i32
        %gather3A_427 = arith.constant 0 : i32
        %gather3A_428 = arith.constant 0 : i32
        %gather3A_429 = tpu.memref_slice %arg6[%gather3A_426, %gather3A_427, %gather3A_428] : memref<2x512x32xf32, #tpu.memory_space<vmem>> -> memref<1x512x32xf32, #tpu.memory_space<vmem>>
        %gather3A_430 = tpu.memref_squeeze %gather3A_429 : memref<1x512x32xf32, #tpu.memory_space<vmem>> -> memref<512x32xf32, #tpu.memory_space<vmem>>
        %gather3A_431 = tpu.vector_load_idx %gather3A_430[%add3A_393, %and3A_425] : memref<512x32xf32, #tpu.memory_space<vmem>>[vector<16xi32>, vector<16xi32>], vector<16xf32>,
        %shift_right_arithmetic3A_432 = arith.constant 3 : i32
        %shift_right_arithmetic3A_433 = vector.broadcast %shift_right_arithmetic3A_432 : i32 to vector<16xi32>
        %shift_right_arithmetic3A_434 = arith.shrsi %and3A_425, %shift_right_arithmetic3A_433 : vector<16xi32>
        %and3A_435 = arith.constant 7 : i32
        %and3A_436 = vector.broadcast %and3A_435 : i32 to vector<16xi32>
        %and3A_437 = arith.andi %and3A_425, %and3A_436 : vector<16xi32>
        %scatter3A_438 = arith.constant 1 : i32
        %scatter3A_439 = arith.constant 0 : i32
        %scatter3A_440 = arith.constant 0 : i32
        %scatter3A_441 = arith.constant 0 : i32
        %scatter3A_442 = arith.constant 0 : i32
        %scatter3A_443 = tpu.memref_slice %arg7[%scatter3A_438, %scatter3A_439, %scatter3A_440, %scatter3A_441, %scatter3A_442] : memref<2x4x4x8x128xf32, #tpu.memory_space<vmem>> -> memref<1x4x4x8x128xf32, #tpu.memory_space<vmem>>
        %scatter3A_444 = tpu.memref_squeeze %scatter3A_443 : memref<1x4x4x8x128xf32, #tpu.memory_space<vmem>> -> memref<4x4x8x128xf32, #tpu.memory_space<vmem>>
        tpu.vector_store_idx %scatter3A_444[%shift_right_arithmetic3A_434, %add3A_386, %and3A_437, %add3A_397], %gather3A_431 : memref<4x4x8x128xf32, #tpu.memory_space<vmem>>[vector<16xi32>, vector<16xi32>, vector<16xi32>, vector<16xi32>], vector<16xf32>,
        %add3A_445 = arith.constant 2 : i32
        %add3A_446 = vector.broadcast %add3A_445 : i32 to vector<16xi32>
        %add3A_447 = arith.addi %add3A_446, %iota3A : vector<16xi32>
        %and3A_448 = arith.constant 31 : i32
        %and3A_449 = vector.broadcast %and3A_448 : i32 to vector<16xi32>
        %and3A_450 = arith.andi %add3A_447, %and3A_449 : vector<16xi32>
        %gather3A_451 = arith.constant 1 : i32
        %gather3A_452 = arith.constant 0 : i32
        %gather3A_453 = arith.constant 0 : i32
        %gather3A_454 = tpu.memref_slice %arg6[%gather3A_451, %gather3A_452, %gather3A_453] : memref<2x512x32xf32, #tpu.memory_space<vmem>> -> memref<1x512x32xf32, #tpu.memory_space<vmem>>
        %gather3A_455 = tpu.memref_squeeze %gather3A_454 : memref<1x512x32xf32, #tpu.memory_space<vmem>> -> memref<512x32xf32, #tpu.memory_space<vmem>>
        %gather3A_456 = tpu.vector_load_idx %gather3A_455[%add3A_393, %and3A_450] : memref<512x32xf32, #tpu.memory_space<vmem>>[vector<16xi32>, vector<16xi32>], vector<16xf32>,
        %shift_right_arithmetic3A_457 = arith.constant 3 : i32
        %shift_right_arithmetic3A_458 = vector.broadcast %shift_right_arithmetic3A_457 : i32 to vector<16xi32>
        %shift_right_arithmetic3A_459 = arith.shrsi %and3A_450, %shift_right_arithmetic3A_458 : vector<16xi32>
        %and3A_460 = arith.constant 7 : i32
        %and3A_461 = vector.broadcast %and3A_460 : i32 to vector<16xi32>
        %and3A_462 = arith.andi %and3A_450, %and3A_461 : vector<16xi32>
        %scatter3A_463 = arith.constant 1 : i32
        %scatter3A_464 = arith.constant 0 : i32
        %scatter3A_465 = arith.constant 0 : i32
        %scatter3A_466 = arith.constant 0 : i32
        %scatter3A_467 = arith.constant 0 : i32
        %scatter3A_468 = tpu.memref_slice %arg7[%scatter3A_463, %scatter3A_464, %scatter3A_465, %scatter3A_466, %scatter3A_467] : memref<2x4x4x8x128xf32, #tpu.memory_space<vmem>> -> memref<1x4x4x8x128xf32, #tpu.memory_space<vmem>>
        %scatter3A_469 = tpu.memref_squeeze %scatter3A_468 : memref<1x4x4x8x128xf32, #tpu.memory_space<vmem>> -> memref<4x4x8x128xf32, #tpu.memory_space<vmem>>
        tpu.vector_store_idx %scatter3A_469[%shift_right_arithmetic3A_459, %add3A_386, %and3A_462, %add3A_397], %gather3A_456 : memref<4x4x8x128xf32, #tpu.memory_space<vmem>>[vector<16xi32>, vector<16xi32>, vector<16xi32>, vector<16xi32>], vector<16xf32>,
        %add3A_470 = arith.constant 3 : i32
        %add3A_471 = vector.broadcast %add3A_470 : i32 to vector<16xi32>
        %add3A_472 = arith.addi %add3A_471, %iota3A : vector<16xi32>
        %and3A_473 = arith.constant 31 : i32
        %and3A_474 = vector.broadcast %and3A_473 : i32 to vector<16xi32>
        %and3A_475 = arith.andi %add3A_472, %and3A_474 : vector<16xi32>
        %gather3A_476 = arith.constant 1 : i32
        %gather3A_477 = arith.constant 0 : i32
        %gather3A_478 = arith.constant 0 : i32
        %gather3A_479 = tpu.memref_slice %arg6[%gather3A_476, %gather3A_477, %gather3A_478] : memref<2x512x32xf32, #tpu.memory_space<vmem>> -> memref<1x512x32xf32, #tpu.memory_space<vmem>>
        %gather3A_480 = tpu.memref_squeeze %gather3A_479 : memref<1x512x32xf32, #tpu.memory_space<vmem>> -> memref<512x32xf32, #tpu.memory_space<vmem>>
        %gather3A_481 = tpu.vector_load_idx %gather3A_480[%add3A_393, %and3A_475] : memref<512x32xf32, #tpu.memory_space<vmem>>[vector<16xi32>, vector<16xi32>], vector<16xf32>,
        %shift_right_arithmetic3A_482 = arith.constant 3 : i32
        %shift_right_arithmetic3A_483 = vector.broadcast %shift_right_arithmetic3A_482 : i32 to vector<16xi32>
        %shift_right_arithmetic3A_484 = arith.shrsi %and3A_475, %shift_right_arithmetic3A_483 : vector<16xi32>
        %and3A_485 = arith.constant 7 : i32
        %and3A_486 = vector.broadcast %and3A_485 : i32 to vector<16xi32>
        %and3A_487 = arith.andi %and3A_475, %and3A_486 : vector<16xi32>
        %scatter3A_488 = arith.constant 1 : i32
        %scatter3A_489 = arith.constant 0 : i32
        %scatter3A_490 = arith.constant 0 : i32
        %scatter3A_491 = arith.constant 0 : i32
        %scatter3A_492 = arith.constant 0 : i32
        %scatter3A_493 = tpu.memref_slice %arg7[%scatter3A_488, %scatter3A_489, %scatter3A_490, %scatter3A_491, %scatter3A_492] : memref<2x4x4x8x128xf32, #tpu.memory_space<vmem>> -> memref<1x4x4x8x128xf32, #tpu.memory_space<vmem>>
        %scatter3A_494 = tpu.memref_squeeze %scatter3A_493 : memref<1x4x4x8x128xf32, #tpu.memory_space<vmem>> -> memref<4x4x8x128xf32, #tpu.memory_space<vmem>>
        tpu.vector_store_idx %scatter3A_494[%shift_right_arithmetic3A_484, %add3A_386, %and3A_487, %add3A_397], %gather3A_481 : memref<4x4x8x128xf32, #tpu.memory_space<vmem>>[vector<16xi32>, vector<16xi32>, vector<16xi32>, vector<16xi32>], vector<16xf32>,
        %add3A_495 = arith.constant 4 : i32
        %add3A_496 = vector.broadcast %add3A_495 : i32 to vector<16xi32>
        %add3A_497 = arith.addi %add3A_496, %iota3A : vector<16xi32>
        %and3A_498 = arith.constant 31 : i32
        %and3A_499 = vector.broadcast %and3A_498 : i32 to vector<16xi32>
        %and3A_500 = arith.andi %add3A_497, %and3A_499 : vector<16xi32>
        %gather3A_501 = arith.constant 1 : i32
        %gather3A_502 = arith.constant 0 : i32
        %gather3A_503 = arith.constant 0 : i32
        %gather3A_504 = tpu.memref_slice %arg6[%gather3A_501, %gather3A_502, %gather3A_503] : memref<2x512x32xf32, #tpu.memory_space<vmem>> -> memref<1x512x32xf32, #tpu.memory_space<vmem>>
        %gather3A_505 = tpu.memref_squeeze %gather3A_504 : memref<1x512x32xf32, #tpu.memory_space<vmem>> -> memref<512x32xf32, #tpu.memory_space<vmem>>
        %gather3A_506 = tpu.vector_load_idx %gather3A_505[%add3A_393, %and3A_500] : memref<512x32xf32, #tpu.memory_space<vmem>>[vector<16xi32>, vector<16xi32>], vector<16xf32>,
        %shift_right_arithmetic3A_507 = arith.constant 3 : i32
        %shift_right_arithmetic3A_508 = vector.broadcast %shift_right_arithmetic3A_507 : i32 to vector<16xi32>
        %shift_right_arithmetic3A_509 = arith.shrsi %and3A_500, %shift_right_arithmetic3A_508 : vector<16xi32>
        %and3A_510 = arith.constant 7 : i32
        %and3A_511 = vector.broadcast %and3A_510 : i32 to vector<16xi32>
        %and3A_512 = arith.andi %and3A_500, %and3A_511 : vector<16xi32>
        %scatter3A_513 = arith.constant 1 : i32
        %scatter3A_514 = arith.constant 0 : i32
        %scatter3A_515 = arith.constant 0 : i32
        %scatter3A_516 = arith.constant 0 : i32
        %scatter3A_517 = arith.constant 0 : i32
        %scatter3A_518 = tpu.memref_slice %arg7[%scatter3A_513, %scatter3A_514, %scatter3A_515, %scatter3A_516, %scatter3A_517] : memref<2x4x4x8x128xf32, #tpu.memory_space<vmem>> -> memref<1x4x4x8x128xf32, #tpu.memory_space<vmem>>
        %scatter3A_519 = tpu.memref_squeeze %scatter3A_518 : memref<1x4x4x8x128xf32, #tpu.memory_space<vmem>> -> memref<4x4x8x128xf32, #tpu.memory_space<vmem>>
        tpu.vector_store_idx %scatter3A_519[%shift_right_arithmetic3A_509, %add3A_386, %and3A_512, %add3A_397], %gather3A_506 : memref<4x4x8x128xf32, #tpu.memory_space<vmem>>[vector<16xi32>, vector<16xi32>, vector<16xi32>, vector<16xi32>], vector<16xf32>,
        %add3A_520 = arith.constant 5 : i32
        %add3A_521 = vector.broadcast %add3A_520 : i32 to vector<16xi32>
        %add3A_522 = arith.addi %add3A_521, %iota3A : vector<16xi32>
        %and3A_523 = arith.constant 31 : i32
        %and3A_524 = vector.broadcast %and3A_523 : i32 to vector<16xi32>
        %and3A_525 = arith.andi %add3A_522, %and3A_524 : vector<16xi32>
        %gather3A_526 = arith.constant 1 : i32
        %gather3A_527 = arith.constant 0 : i32
        %gather3A_528 = arith.constant 0 : i32
        %gather3A_529 = tpu.memref_slice %arg6[%gather3A_526, %gather3A_527, %gather3A_528] : memref<2x512x32xf32, #tpu.memory_space<vmem>> -> memref<1x512x32xf32, #tpu.memory_space<vmem>>
        %gather3A_530 = tpu.memref_squeeze %gather3A_529 : memref<1x512x32xf32, #tpu.memory_space<vmem>> -> memref<512x32xf32, #tpu.memory_space<vmem>>
        %gather3A_531 = tpu.vector_load_idx %gather3A_530[%add3A_393, %and3A_525] : memref<512x32xf32, #tpu.memory_space<vmem>>[vector<16xi32>, vector<16xi32>], vector<16xf32>,
        %shift_right_arithmetic3A_532 = arith.constant 3 : i32
        %shift_right_arithmetic3A_533 = vector.broadcast %shift_right_arithmetic3A_532 : i32 to vector<16xi32>
        %shift_right_arithmetic3A_534 = arith.shrsi %and3A_525, %shift_right_arithmetic3A_533 : vector<16xi32>
        %and3A_535 = arith.constant 7 : i32
        %and3A_536 = vector.broadcast %and3A_535 : i32 to vector<16xi32>
        %and3A_537 = arith.andi %and3A_525, %and3A_536 : vector<16xi32>
        %scatter3A_538 = arith.constant 1 : i32
        %scatter3A_539 = arith.constant 0 : i32
        %scatter3A_540 = arith.constant 0 : i32
        %scatter3A_541 = arith.constant 0 : i32
        %scatter3A_542 = arith.constant 0 : i32
        %scatter3A_543 = tpu.memref_slice %arg7[%scatter3A_538, %scatter3A_539, %scatter3A_540, %scatter3A_541, %scatter3A_542] : memref<2x4x4x8x128xf32, #tpu.memory_space<vmem>> -> memref<1x4x4x8x128xf32, #tpu.memory_space<vmem>>
        %scatter3A_544 = tpu.memref_squeeze %scatter3A_543 : memref<1x4x4x8x128xf32, #tpu.memory_space<vmem>> -> memref<4x4x8x128xf32, #tpu.memory_space<vmem>>
        tpu.vector_store_idx %scatter3A_544[%shift_right_arithmetic3A_534, %add3A_386, %and3A_537, %add3A_397], %gather3A_531 : memref<4x4x8x128xf32, #tpu.memory_space<vmem>>[vector<16xi32>, vector<16xi32>, vector<16xi32>, vector<16xi32>], vector<16xf32>,
        %add3A_545 = arith.constant 6 : i32
        %add3A_546 = vector.broadcast %add3A_545 : i32 to vector<16xi32>
        %add3A_547 = arith.addi %add3A_546, %iota3A : vector<16xi32>
        %and3A_548 = arith.constant 31 : i32
        %and3A_549 = vector.broadcast %and3A_548 : i32 to vector<16xi32>
        %and3A_550 = arith.andi %add3A_547, %and3A_549 : vector<16xi32>
        %gather3A_551 = arith.constant 1 : i32
        %gather3A_552 = arith.constant 0 : i32
        %gather3A_553 = arith.constant 0 : i32
        %gather3A_554 = tpu.memref_slice %arg6[%gather3A_551, %gather3A_552, %gather3A_553] : memref<2x512x32xf32, #tpu.memory_space<vmem>> -> memref<1x512x32xf32, #tpu.memory_space<vmem>>
        %gather3A_555 = tpu.memref_squeeze %gather3A_554 : memref<1x512x32xf32, #tpu.memory_space<vmem>> -> memref<512x32xf32, #tpu.memory_space<vmem>>
        %gather3A_556 = tpu.vector_load_idx %gather3A_555[%add3A_393, %and3A_550] : memref<512x32xf32, #tpu.memory_space<vmem>>[vector<16xi32>, vector<16xi32>], vector<16xf32>,
        %shift_right_arithmetic3A_557 = arith.constant 3 : i32
        %shift_right_arithmetic3A_558 = vector.broadcast %shift_right_arithmetic3A_557 : i32 to vector<16xi32>
        %shift_right_arithmetic3A_559 = arith.shrsi %and3A_550, %shift_right_arithmetic3A_558 : vector<16xi32>
        %and3A_560 = arith.constant 7 : i32
        %and3A_561 = vector.broadcast %and3A_560 : i32 to vector<16xi32>
        %and3A_562 = arith.andi %and3A_550, %and3A_561 : vector<16xi32>
        %scatter3A_563 = arith.constant 1 : i32
        %scatter3A_564 = arith.constant 0 : i32
        %scatter3A_565 = arith.constant 0 : i32
        %scatter3A_566 = arith.constant 0 : i32
        %scatter3A_567 = arith.constant 0 : i32
        %scatter3A_568 = tpu.memref_slice %arg7[%scatter3A_563, %scatter3A_564, %scatter3A_565, %scatter3A_566, %scatter3A_567] : memref<2x4x4x8x128xf32, #tpu.memory_space<vmem>> -> memref<1x4x4x8x128xf32, #tpu.memory_space<vmem>>
        %scatter3A_569 = tpu.memref_squeeze %scatter3A_568 : memref<1x4x4x8x128xf32, #tpu.memory_space<vmem>> -> memref<4x4x8x128xf32, #tpu.memory_space<vmem>>
        tpu.vector_store_idx %scatter3A_569[%shift_right_arithmetic3A_559, %add3A_386, %and3A_562, %add3A_397], %gather3A_556 : memref<4x4x8x128xf32, #tpu.memory_space<vmem>>[vector<16xi32>, vector<16xi32>, vector<16xi32>, vector<16xi32>], vector<16xf32>,
        %add3A_570 = arith.constant 7 : i32
        %add3A_571 = vector.broadcast %add3A_570 : i32 to vector<16xi32>
        %add3A_572 = arith.addi %add3A_571, %iota3A : vector<16xi32>
        %and3A_573 = arith.constant 31 : i32
        %and3A_574 = vector.broadcast %and3A_573 : i32 to vector<16xi32>
        %and3A_575 = arith.andi %add3A_572, %and3A_574 : vector<16xi32>
        %gather3A_576 = arith.constant 1 : i32
        %gather3A_577 = arith.constant 0 : i32
        %gather3A_578 = arith.constant 0 : i32
        %gather3A_579 = tpu.memref_slice %arg6[%gather3A_576, %gather3A_577, %gather3A_578] : memref<2x512x32xf32, #tpu.memory_space<vmem>> -> memref<1x512x32xf32, #tpu.memory_space<vmem>>
        %gather3A_580 = tpu.memref_squeeze %gather3A_579 : memref<1x512x32xf32, #tpu.memory_space<vmem>> -> memref<512x32xf32, #tpu.memory_space<vmem>>
        %gather3A_581 = tpu.vector_load_idx %gather3A_580[%add3A_393, %and3A_575] : memref<512x32xf32, #tpu.memory_space<vmem>>[vector<16xi32>, vector<16xi32>], vector<16xf32>,
        %shift_right_arithmetic3A_582 = arith.constant 3 : i32
        %shift_right_arithmetic3A_583 = vector.broadcast %shift_right_arithmetic3A_582 : i32 to vector<16xi32>
        %shift_right_arithmetic3A_584 = arith.shrsi %and3A_575, %shift_right_arithmetic3A_583 : vector<16xi32>
        %and3A_585 = arith.constant 7 : i32
        %and3A_586 = vector.broadcast %and3A_585 : i32 to vector<16xi32>
        %and3A_587 = arith.andi %and3A_575, %and3A_586 : vector<16xi32>
        %scatter3A_588 = arith.constant 1 : i32
        %scatter3A_589 = arith.constant 0 : i32
        %scatter3A_590 = arith.constant 0 : i32
        %scatter3A_591 = arith.constant 0 : i32
        %scatter3A_592 = arith.constant 0 : i32
        %scatter3A_593 = tpu.memref_slice %arg7[%scatter3A_588, %scatter3A_589, %scatter3A_590, %scatter3A_591, %scatter3A_592] : memref<2x4x4x8x128xf32, #tpu.memory_space<vmem>> -> memref<1x4x4x8x128xf32, #tpu.memory_space<vmem>>
        %scatter3A_594 = tpu.memref_squeeze %scatter3A_593 : memref<1x4x4x8x128xf32, #tpu.memory_space<vmem>> -> memref<4x4x8x128xf32, #tpu.memory_space<vmem>>
        tpu.vector_store_idx %scatter3A_594[%shift_right_arithmetic3A_584, %add3A_386, %and3A_587, %add3A_397], %gather3A_581 : memref<4x4x8x128xf32, #tpu.memory_space<vmem>>[vector<16xi32>, vector<16xi32>, vector<16xi32>, vector<16xi32>], vector<16xf32>,
        %add3A_595 = arith.constant 8 : i32
        %add3A_596 = vector.broadcast %add3A_595 : i32 to vector<16xi32>
        %add3A_597 = arith.addi %add3A_596, %iota3A : vector<16xi32>
        %and3A_598 = arith.constant 31 : i32
        %and3A_599 = vector.broadcast %and3A_598 : i32 to vector<16xi32>
        %and3A_600 = arith.andi %add3A_597, %and3A_599 : vector<16xi32>
        %gather3A_601 = arith.constant 1 : i32
        %gather3A_602 = arith.constant 0 : i32
        %gather3A_603 = arith.constant 0 : i32
        %gather3A_604 = tpu.memref_slice %arg6[%gather3A_601, %gather3A_602, %gather3A_603] : memref<2x512x32xf32, #tpu.memory_space<vmem>> -> memref<1x512x32xf32, #tpu.memory_space<vmem>>
        %gather3A_605 = tpu.memref_squeeze %gather3A_604 : memref<1x512x32xf32, #tpu.memory_space<vmem>> -> memref<512x32xf32, #tpu.memory_space<vmem>>
        %gather3A_606 = tpu.vector_load_idx %gather3A_605[%add3A_393, %and3A_600] : memref<512x32xf32, #tpu.memory_space<vmem>>[vector<16xi32>, vector<16xi32>], vector<16xf32>,
        %shift_right_arithmetic3A_607 = arith.constant 3 : i32
        %shift_right_arithmetic3A_608 = vector.broadcast %shift_right_arithmetic3A_607 : i32 to vector<16xi32>
        %shift_right_arithmetic3A_609 = arith.shrsi %and3A_600, %shift_right_arithmetic3A_608 : vector<16xi32>
        %and3A_610 = arith.constant 7 : i32
        %and3A_611 = vector.broadcast %and3A_610 : i32 to vector<16xi32>
        %and3A_612 = arith.andi %and3A_600, %and3A_611 : vector<16xi32>
        %scatter3A_613 = arith.constant 1 : i32
        %scatter3A_614 = arith.constant 0 : i32
        %scatter3A_615 = arith.constant 0 : i32
        %scatter3A_616 = arith.constant 0 : i32
        %scatter3A_617 = arith.constant 0 : i32
        %scatter3A_618 = tpu.memref_slice %arg7[%scatter3A_613, %scatter3A_614, %scatter3A_615, %scatter3A_616, %scatter3A_617] : memref<2x4x4x8x128xf32, #tpu.memory_space<vmem>> -> memref<1x4x4x8x128xf32, #tpu.memory_space<vmem>>
        %scatter3A_619 = tpu.memref_squeeze %scatter3A_618 : memref<1x4x4x8x128xf32, #tpu.memory_space<vmem>> -> memref<4x4x8x128xf32, #tpu.memory_space<vmem>>
        tpu.vector_store_idx %scatter3A_619[%shift_right_arithmetic3A_609, %add3A_386, %and3A_612, %add3A_397], %gather3A_606 : memref<4x4x8x128xf32, #tpu.memory_space<vmem>>[vector<16xi32>, vector<16xi32>, vector<16xi32>, vector<16xi32>], vector<16xf32>,
        %add3A_620 = arith.constant 9 : i32
        %add3A_621 = vector.broadcast %add3A_620 : i32 to vector<16xi32>
        %add3A_622 = arith.addi %add3A_621, %iota3A : vector<16xi32>
        %and3A_623 = arith.constant 31 : i32
        %and3A_624 = vector.broadcast %and3A_623 : i32 to vector<16xi32>
        %and3A_625 = arith.andi %add3A_622, %and3A_624 : vector<16xi32>
        %gather3A_626 = arith.constant 1 : i32
        %gather3A_627 = arith.constant 0 : i32
        %gather3A_628 = arith.constant 0 : i32
        %gather3A_629 = tpu.memref_slice %arg6[%gather3A_626, %gather3A_627, %gather3A_628] : memref<2x512x32xf32, #tpu.memory_space<vmem>> -> memref<1x512x32xf32, #tpu.memory_space<vmem>>
        %gather3A_630 = tpu.memref_squeeze %gather3A_629 : memref<1x512x32xf32, #tpu.memory_space<vmem>> -> memref<512x32xf32, #tpu.memory_space<vmem>>
        %gather3A_631 = tpu.vector_load_idx %gather3A_630[%add3A_393, %and3A_625] : memref<512x32xf32, #tpu.memory_space<vmem>>[vector<16xi32>, vector<16xi32>], vector<16xf32>,
        %shift_right_arithmetic3A_632 = arith.constant 3 : i32
        %shift_right_arithmetic3A_633 = vector.broadcast %shift_right_arithmetic3A_632 : i32 to vector<16xi32>
        %shift_right_arithmetic3A_634 = arith.shrsi %and3A_625, %shift_right_arithmetic3A_633 : vector<16xi32>
        %and3A_635 = arith.constant 7 : i32
        %and3A_636 = vector.broadcast %and3A_635 : i32 to vector<16xi32>
        %and3A_637 = arith.andi %and3A_625, %and3A_636 : vector<16xi32>
        %scatter3A_638 = arith.constant 1 : i32
        %scatter3A_639 = arith.constant 0 : i32
        %scatter3A_640 = arith.constant 0 : i32
        %scatter3A_641 = arith.constant 0 : i32
        %scatter3A_642 = arith.constant 0 : i32
        %scatter3A_643 = tpu.memref_slice %arg7[%scatter3A_638, %scatter3A_639, %scatter3A_640, %scatter3A_641, %scatter3A_642] : memref<2x4x4x8x128xf32, #tpu.memory_space<vmem>> -> memref<1x4x4x8x128xf32, #tpu.memory_space<vmem>>
        %scatter3A_644 = tpu.memref_squeeze %scatter3A_643 : memref<1x4x4x8x128xf32, #tpu.memory_space<vmem>> -> memref<4x4x8x128xf32, #tpu.memory_space<vmem>>
        tpu.vector_store_idx %scatter3A_644[%shift_right_arithmetic3A_634, %add3A_386, %and3A_637, %add3A_397], %gather3A_631 : memref<4x4x8x128xf32, #tpu.memory_space<vmem>>[vector<16xi32>, vector<16xi32>, vector<16xi32>, vector<16xi32>], vector<16xf32>,
        %add3A_645 = arith.constant 10 : i32
        %add3A_646 = vector.broadcast %add3A_645 : i32 to vector<16xi32>
        %add3A_647 = arith.addi %add3A_646, %iota3A : vector<16xi32>
        %and3A_648 = arith.constant 31 : i32
        %and3A_649 = vector.broadcast %and3A_648 : i32 to vector<16xi32>
        %and3A_650 = arith.andi %add3A_647, %and3A_649 : vector<16xi32>
        %gather3A_651 = arith.constant 1 : i32
        %gather3A_652 = arith.constant 0 : i32
        %gather3A_653 = arith.constant 0 : i32
        %gather3A_654 = tpu.memref_slice %arg6[%gather3A_651, %gather3A_652, %gather3A_653] : memref<2x512x32xf32, #tpu.memory_space<vmem>> -> memref<1x512x32xf32, #tpu.memory_space<vmem>>
        %gather3A_655 = tpu.memref_squeeze %gather3A_654 : memref<1x512x32xf32, #tpu.memory_space<vmem>> -> memref<512x32xf32, #tpu.memory_space<vmem>>
        %gather3A_656 = tpu.vector_load_idx %gather3A_655[%add3A_393, %and3A_650] : memref<512x32xf32, #tpu.memory_space<vmem>>[vector<16xi32>, vector<16xi32>], vector<16xf32>,
        %shift_right_arithmetic3A_657 = arith.constant 3 : i32
        %shift_right_arithmetic3A_658 = vector.broadcast %shift_right_arithmetic3A_657 : i32 to vector<16xi32>
        %shift_right_arithmetic3A_659 = arith.shrsi %and3A_650, %shift_right_arithmetic3A_658 : vector<16xi32>
        %and3A_660 = arith.constant 7 : i32
        %and3A_661 = vector.broadcast %and3A_660 : i32 to vector<16xi32>
        %and3A_662 = arith.andi %and3A_650, %and3A_661 : vector<16xi32>
        %scatter3A_663 = arith.constant 1 : i32
        %scatter3A_664 = arith.constant 0 : i32
        %scatter3A_665 = arith.constant 0 : i32
        %scatter3A_666 = arith.constant 0 : i32
        %scatter3A_667 = arith.constant 0 : i32
        %scatter3A_668 = tpu.memref_slice %arg7[%scatter3A_663, %scatter3A_664, %scatter3A_665, %scatter3A_666, %scatter3A_667] : memref<2x4x4x8x128xf32, #tpu.memory_space<vmem>> -> memref<1x4x4x8x128xf32, #tpu.memory_space<vmem>>
        %scatter3A_669 = tpu.memref_squeeze %scatter3A_668 : memref<1x4x4x8x128xf32, #tpu.memory_space<vmem>> -> memref<4x4x8x128xf32, #tpu.memory_space<vmem>>
        tpu.vector_store_idx %scatter3A_669[%shift_right_arithmetic3A_659, %add3A_386, %and3A_662, %add3A_397], %gather3A_656 : memref<4x4x8x128xf32, #tpu.memory_space<vmem>>[vector<16xi32>, vector<16xi32>, vector<16xi32>, vector<16xi32>], vector<16xf32>,
        %add3A_670 = arith.constant 11 : i32
        %add3A_671 = vector.broadcast %add3A_670 : i32 to vector<16xi32>
        %add3A_672 = arith.addi %add3A_671, %iota3A : vector<16xi32>
        %and3A_673 = arith.constant 31 : i32
        %and3A_674 = vector.broadcast %and3A_673 : i32 to vector<16xi32>
        %and3A_675 = arith.andi %add3A_672, %and3A_674 : vector<16xi32>
        %gather3A_676 = arith.constant 1 : i32
        %gather3A_677 = arith.constant 0 : i32
        %gather3A_678 = arith.constant 0 : i32
        %gather3A_679 = tpu.memref_slice %arg6[%gather3A_676, %gather3A_677, %gather3A_678] : memref<2x512x32xf32, #tpu.memory_space<vmem>> -> memref<1x512x32xf32, #tpu.memory_space<vmem>>
        %gather3A_680 = tpu.memref_squeeze %gather3A_679 : memref<1x512x32xf32, #tpu.memory_space<vmem>> -> memref<512x32xf32, #tpu.memory_space<vmem>>
        %gather3A_681 = tpu.vector_load_idx %gather3A_680[%add3A_393, %and3A_675] : memref<512x32xf32, #tpu.memory_space<vmem>>[vector<16xi32>, vector<16xi32>], vector<16xf32>,
        %shift_right_arithmetic3A_682 = arith.constant 3 : i32
        %shift_right_arithmetic3A_683 = vector.broadcast %shift_right_arithmetic3A_682 : i32 to vector<16xi32>
        %shift_right_arithmetic3A_684 = arith.shrsi %and3A_675, %shift_right_arithmetic3A_683 : vector<16xi32>
        %and3A_685 = arith.constant 7 : i32
        %and3A_686 = vector.broadcast %and3A_685 : i32 to vector<16xi32>
        %and3A_687 = arith.andi %and3A_675, %and3A_686 : vector<16xi32>
        %scatter3A_688 = arith.constant 1 : i32
        %scatter3A_689 = arith.constant 0 : i32
        %scatter3A_690 = arith.constant 0 : i32
        %scatter3A_691 = arith.constant 0 : i32
        %scatter3A_692 = arith.constant 0 : i32
        %scatter3A_693 = tpu.memref_slice %arg7[%scatter3A_688, %scatter3A_689, %scatter3A_690, %scatter3A_691, %scatter3A_692] : memref<2x4x4x8x128xf32, #tpu.memory_space<vmem>> -> memref<1x4x4x8x128xf32, #tpu.memory_space<vmem>>
        %scatter3A_694 = tpu.memref_squeeze %scatter3A_693 : memref<1x4x4x8x128xf32, #tpu.memory_space<vmem>> -> memref<4x4x8x128xf32, #tpu.memory_space<vmem>>
        tpu.vector_store_idx %scatter3A_694[%shift_right_arithmetic3A_684, %add3A_386, %and3A_687, %add3A_397], %gather3A_681 : memref<4x4x8x128xf32, #tpu.memory_space<vmem>>[vector<16xi32>, vector<16xi32>, vector<16xi32>, vector<16xi32>], vector<16xf32>,
        %add3A_695 = arith.constant 12 : i32
        %add3A_696 = vector.broadcast %add3A_695 : i32 to vector<16xi32>
        %add3A_697 = arith.addi %add3A_696, %iota3A : vector<16xi32>
        %and3A_698 = arith.constant 31 : i32
        %and3A_699 = vector.broadcast %and3A_698 : i32 to vector<16xi32>
        %and3A_700 = arith.andi %add3A_697, %and3A_699 : vector<16xi32>
        %gather3A_701 = arith.constant 1 : i32
        %gather3A_702 = arith.constant 0 : i32
        %gather3A_703 = arith.constant 0 : i32
        %gather3A_704 = tpu.memref_slice %arg6[%gather3A_701, %gather3A_702, %gather3A_703] : memref<2x512x32xf32, #tpu.memory_space<vmem>> -> memref<1x512x32xf32, #tpu.memory_space<vmem>>
        %gather3A_705 = tpu.memref_squeeze %gather3A_704 : memref<1x512x32xf32, #tpu.memory_space<vmem>> -> memref<512x32xf32, #tpu.memory_space<vmem>>
        %gather3A_706 = tpu.vector_load_idx %gather3A_705[%add3A_393, %and3A_700] : memref<512x32xf32, #tpu.memory_space<vmem>>[vector<16xi32>, vector<16xi32>], vector<16xf32>,
        %shift_right_arithmetic3A_707 = arith.constant 3 : i32
        %shift_right_arithmetic3A_708 = vector.broadcast %shift_right_arithmetic3A_707 : i32 to vector<16xi32>
        %shift_right_arithmetic3A_709 = arith.shrsi %and3A_700, %shift_right_arithmetic3A_708 : vector<16xi32>
        %and3A_710 = arith.constant 7 : i32
        %and3A_711 = vector.broadcast %and3A_710 : i32 to vector<16xi32>
        %and3A_712 = arith.andi %and3A_700, %and3A_711 : vector<16xi32>
        %scatter3A_713 = arith.constant 1 : i32
        %scatter3A_714 = arith.constant 0 : i32
        %scatter3A_715 = arith.constant 0 : i32
        %scatter3A_716 = arith.constant 0 : i32
        %scatter3A_717 = arith.constant 0 : i32
        %scatter3A_718 = tpu.memref_slice %arg7[%scatter3A_713, %scatter3A_714, %scatter3A_715, %scatter3A_716, %scatter3A_717] : memref<2x4x4x8x128xf32, #tpu.memory_space<vmem>> -> memref<1x4x4x8x128xf32, #tpu.memory_space<vmem>>
        %scatter3A_719 = tpu.memref_squeeze %scatter3A_718 : memref<1x4x4x8x128xf32, #tpu.memory_space<vmem>> -> memref<4x4x8x128xf32, #tpu.memory_space<vmem>>
        tpu.vector_store_idx %scatter3A_719[%shift_right_arithmetic3A_709, %add3A_386, %and3A_712, %add3A_397], %gather3A_706 : memref<4x4x8x128xf32, #tpu.memory_space<vmem>>[vector<16xi32>, vector<16xi32>, vector<16xi32>, vector<16xi32>], vector<16xf32>,
        %add3A_720 = arith.constant 13 : i32
        %add3A_721 = vector.broadcast %add3A_720 : i32 to vector<16xi32>
        %add3A_722 = arith.addi %add3A_721, %iota3A : vector<16xi32>
        %and3A_723 = arith.constant 31 : i32
        %and3A_724 = vector.broadcast %and3A_723 : i32 to vector<16xi32>
        %and3A_725 = arith.andi %add3A_722, %and3A_724 : vector<16xi32>
        %gather3A_726 = arith.constant 1 : i32
        %gather3A_727 = arith.constant 0 : i32
        %gather3A_728 = arith.constant 0 : i32
        %gather3A_729 = tpu.memref_slice %arg6[%gather3A_726, %gather3A_727, %gather3A_728] : memref<2x512x32xf32, #tpu.memory_space<vmem>> -> memref<1x512x32xf32, #tpu.memory_space<vmem>>
        %gather3A_730 = tpu.memref_squeeze %gather3A_729 : memref<1x512x32xf32, #tpu.memory_space<vmem>> -> memref<512x32xf32, #tpu.memory_space<vmem>>
        %gather3A_731 = tpu.vector_load_idx %gather3A_730[%add3A_393, %and3A_725] : memref<512x32xf32, #tpu.memory_space<vmem>>[vector<16xi32>, vector<16xi32>], vector<16xf32>,
        %shift_right_arithmetic3A_732 = arith.constant 3 : i32
        %shift_right_arithmetic3A_733 = vector.broadcast %shift_right_arithmetic3A_732 : i32 to vector<16xi32>
        %shift_right_arithmetic3A_734 = arith.shrsi %and3A_725, %shift_right_arithmetic3A_733 : vector<16xi32>
        %and3A_735 = arith.constant 7 : i32
        %and3A_736 = vector.broadcast %and3A_735 : i32 to vector<16xi32>
        %and3A_737 = arith.andi %and3A_725, %and3A_736 : vector<16xi32>
        %scatter3A_738 = arith.constant 1 : i32
        %scatter3A_739 = arith.constant 0 : i32
        %scatter3A_740 = arith.constant 0 : i32
        %scatter3A_741 = arith.constant 0 : i32
        %scatter3A_742 = arith.constant 0 : i32
        %scatter3A_743 = tpu.memref_slice %arg7[%scatter3A_738, %scatter3A_739, %scatter3A_740, %scatter3A_741, %scatter3A_742] : memref<2x4x4x8x128xf32, #tpu.memory_space<vmem>> -> memref<1x4x4x8x128xf32, #tpu.memory_space<vmem>>
        %scatter3A_744 = tpu.memref_squeeze %scatter3A_743 : memref<1x4x4x8x128xf32, #tpu.memory_space<vmem>> -> memref<4x4x8x128xf32, #tpu.memory_space<vmem>>
        tpu.vector_store_idx %scatter3A_744[%shift_right_arithmetic3A_734, %add3A_386, %and3A_737, %add3A_397], %gather3A_731 : memref<4x4x8x128xf32, #tpu.memory_space<vmem>>[vector<16xi32>, vector<16xi32>, vector<16xi32>, vector<16xi32>], vector<16xf32>,
        %add3A_745 = arith.constant 14 : i32
        %add3A_746 = vector.broadcast %add3A_745 : i32 to vector<16xi32>
        %add3A_747 = arith.addi %add3A_746, %iota3A : vector<16xi32>
        %and3A_748 = arith.constant 31 : i32
        %and3A_749 = vector.broadcast %and3A_748 : i32 to vector<16xi32>
        %and3A_750 = arith.andi %add3A_747, %and3A_749 : vector<16xi32>
        %gather3A_751 = arith.constant 1 : i32
        %gather3A_752 = arith.constant 0 : i32
        %gather3A_753 = arith.constant 0 : i32
        %gather3A_754 = tpu.memref_slice %arg6[%gather3A_751, %gather3A_752, %gather3A_753] : memref<2x512x32xf32, #tpu.memory_space<vmem>> -> memref<1x512x32xf32, #tpu.memory_space<vmem>>
        %gather3A_755 = tpu.memref_squeeze %gather3A_754 : memref<1x512x32xf32, #tpu.memory_space<vmem>> -> memref<512x32xf32, #tpu.memory_space<vmem>>
        %gather3A_756 = tpu.vector_load_idx %gather3A_755[%add3A_393, %and3A_750] : memref<512x32xf32, #tpu.memory_space<vmem>>[vector<16xi32>, vector<16xi32>], vector<16xf32>,
        %shift_right_arithmetic3A_757 = arith.constant 3 : i32
        %shift_right_arithmetic3A_758 = vector.broadcast %shift_right_arithmetic3A_757 : i32 to vector<16xi32>
        %shift_right_arithmetic3A_759 = arith.shrsi %and3A_750, %shift_right_arithmetic3A_758 : vector<16xi32>
        %and3A_760 = arith.constant 7 : i32
        %and3A_761 = vector.broadcast %and3A_760 : i32 to vector<16xi32>
        %and3A_762 = arith.andi %and3A_750, %and3A_761 : vector<16xi32>
        %scatter3A_763 = arith.constant 1 : i32
        %scatter3A_764 = arith.constant 0 : i32
        %scatter3A_765 = arith.constant 0 : i32
        %scatter3A_766 = arith.constant 0 : i32
        %scatter3A_767 = arith.constant 0 : i32
        %scatter3A_768 = tpu.memref_slice %arg7[%scatter3A_763, %scatter3A_764, %scatter3A_765, %scatter3A_766, %scatter3A_767] : memref<2x4x4x8x128xf32, #tpu.memory_space<vmem>> -> memref<1x4x4x8x128xf32, #tpu.memory_space<vmem>>
        %scatter3A_769 = tpu.memref_squeeze %scatter3A_768 : memref<1x4x4x8x128xf32, #tpu.memory_space<vmem>> -> memref<4x4x8x128xf32, #tpu.memory_space<vmem>>
        tpu.vector_store_idx %scatter3A_769[%shift_right_arithmetic3A_759, %add3A_386, %and3A_762, %add3A_397], %gather3A_756 : memref<4x4x8x128xf32, #tpu.memory_space<vmem>>[vector<16xi32>, vector<16xi32>, vector<16xi32>, vector<16xi32>], vector<16xf32>,
        %add3A_770 = arith.constant 15 : i32
        %add3A_771 = vector.broadcast %add3A_770 : i32 to vector<16xi32>
        %add3A_772 = arith.addi %add3A_771, %iota3A : vector<16xi32>
        %and3A_773 = arith.constant 31 : i32
        %and3A_774 = vector.broadcast %and3A_773 : i32 to vector<16xi32>
        %and3A_775 = arith.andi %add3A_772, %and3A_774 : vector<16xi32>
        %gather3A_776 = arith.constant 1 : i32
        %gather3A_777 = arith.constant 0 : i32
        %gather3A_778 = arith.constant 0 : i32
        %gather3A_779 = tpu.memref_slice %arg6[%gather3A_776, %gather3A_777, %gather3A_778] : memref<2x512x32xf32, #tpu.memory_space<vmem>> -> memref<1x512x32xf32, #tpu.memory_space<vmem>>
        %gather3A_780 = tpu.memref_squeeze %gather3A_779 : memref<1x512x32xf32, #tpu.memory_space<vmem>> -> memref<512x32xf32, #tpu.memory_space<vmem>>
        %gather3A_781 = tpu.vector_load_idx %gather3A_780[%add3A_393, %and3A_775] : memref<512x32xf32, #tpu.memory_space<vmem>>[vector<16xi32>, vector<16xi32>], vector<16xf32>,
        %shift_right_arithmetic3A_782 = arith.constant 3 : i32
        %shift_right_arithmetic3A_783 = vector.broadcast %shift_right_arithmetic3A_782 : i32 to vector<16xi32>
        %shift_right_arithmetic3A_784 = arith.shrsi %and3A_775, %shift_right_arithmetic3A_783 : vector<16xi32>
        %and3A_785 = arith.constant 7 : i32
        %and3A_786 = vector.broadcast %and3A_785 : i32 to vector<16xi32>
        %and3A_787 = arith.andi %and3A_775, %and3A_786 : vector<16xi32>
        %scatter3A_788 = arith.constant 1 : i32
        %scatter3A_789 = arith.constant 0 : i32
        %scatter3A_790 = arith.constant 0 : i32
        %scatter3A_791 = arith.constant 0 : i32
        %scatter3A_792 = arith.constant 0 : i32
        %scatter3A_793 = tpu.memref_slice %arg7[%scatter3A_788, %scatter3A_789, %scatter3A_790, %scatter3A_791, %scatter3A_792] : memref<2x4x4x8x128xf32, #tpu.memory_space<vmem>> -> memref<1x4x4x8x128xf32, #tpu.memory_space<vmem>>
        %scatter3A_794 = tpu.memref_squeeze %scatter3A_793 : memref<1x4x4x8x128xf32, #tpu.memory_space<vmem>> -> memref<4x4x8x128xf32, #tpu.memory_space<vmem>>
        tpu.vector_store_idx %scatter3A_794[%shift_right_arithmetic3A_784, %add3A_386, %and3A_787, %add3A_397], %gather3A_781 : memref<4x4x8x128xf32, #tpu.memory_space<vmem>>[vector<16xi32>, vector<16xi32>, vector<16xi32>, vector<16xi32>], vector<16xf32>,
        %add3A_795 = arith.constant 16 : i32
        %add3A_796 = vector.broadcast %add3A_795 : i32 to vector<16xi32>
        %add3A_797 = arith.addi %add3A_796, %iota3A : vector<16xi32>
        %and3A_798 = arith.constant 31 : i32
        %and3A_799 = vector.broadcast %and3A_798 : i32 to vector<16xi32>
        %and3A_800 = arith.andi %add3A_797, %and3A_799 : vector<16xi32>
        %gather3A_801 = arith.constant 1 : i32
        %gather3A_802 = arith.constant 0 : i32
        %gather3A_803 = arith.constant 0 : i32
        %gather3A_804 = tpu.memref_slice %arg6[%gather3A_801, %gather3A_802, %gather3A_803] : memref<2x512x32xf32, #tpu.memory_space<vmem>> -> memref<1x512x32xf32, #tpu.memory_space<vmem>>
        %gather3A_805 = tpu.memref_squeeze %gather3A_804 : memref<1x512x32xf32, #tpu.memory_space<vmem>> -> memref<512x32xf32, #tpu.memory_space<vmem>>
        %gather3A_806 = tpu.vector_load_idx %gather3A_805[%add3A_393, %and3A_800] : memref<512x32xf32, #tpu.memory_space<vmem>>[vector<16xi32>, vector<16xi32>], vector<16xf32>,
        %shift_right_arithmetic3A_807 = arith.constant 3 : i32
        %shift_right_arithmetic3A_808 = vector.broadcast %shift_right_arithmetic3A_807 : i32 to vector<16xi32>
        %shift_right_arithmetic3A_809 = arith.shrsi %and3A_800, %shift_right_arithmetic3A_808 : vector<16xi32>
        %and3A_810 = arith.constant 7 : i32
        %and3A_811 = vector.broadcast %and3A_810 : i32 to vector<16xi32>
        %and3A_812 = arith.andi %and3A_800, %and3A_811 : vector<16xi32>
        %scatter3A_813 = arith.constant 1 : i32
        %scatter3A_814 = arith.constant 0 : i32
        %scatter3A_815 = arith.constant 0 : i32
        %scatter3A_816 = arith.constant 0 : i32
        %scatter3A_817 = arith.constant 0 : i32
        %scatter3A_818 = tpu.memref_slice %arg7[%scatter3A_813, %scatter3A_814, %scatter3A_815, %scatter3A_816, %scatter3A_817] : memref<2x4x4x8x128xf32, #tpu.memory_space<vmem>> -> memref<1x4x4x8x128xf32, #tpu.memory_space<vmem>>
        %scatter3A_819 = tpu.memref_squeeze %scatter3A_818 : memref<1x4x4x8x128xf32, #tpu.memory_space<vmem>> -> memref<4x4x8x128xf32, #tpu.memory_space<vmem>>
        tpu.vector_store_idx %scatter3A_819[%shift_right_arithmetic3A_809, %add3A_386, %and3A_812, %add3A_397], %gather3A_806 : memref<4x4x8x128xf32, #tpu.memory_space<vmem>>[vector<16xi32>, vector<16xi32>, vector<16xi32>, vector<16xi32>], vector<16xf32>,
        %add3A_820 = arith.constant 17 : i32
        %add3A_821 = vector.broadcast %add3A_820 : i32 to vector<16xi32>
        %add3A_822 = arith.addi %add3A_821, %iota3A : vector<16xi32>
        %and3A_823 = arith.constant 31 : i32
        %and3A_824 = vector.broadcast %and3A_823 : i32 to vector<16xi32>
        %and3A_825 = arith.andi %add3A_822, %and3A_824 : vector<16xi32>
        %gather3A_826 = arith.constant 1 : i32
        %gather3A_827 = arith.constant 0 : i32
        %gather3A_828 = arith.constant 0 : i32
        %gather3A_829 = tpu.memref_slice %arg6[%gather3A_826, %gather3A_827, %gather3A_828] : memref<2x512x32xf32, #tpu.memory_space<vmem>> -> memref<1x512x32xf32, #tpu.memory_space<vmem>>
        %gather3A_830 = tpu.memref_squeeze %gather3A_829 : memref<1x512x32xf32, #tpu.memory_space<vmem>> -> memref<512x32xf32, #tpu.memory_space<vmem>>
        %gather3A_831 = tpu.vector_load_idx %gather3A_830[%add3A_393, %and3A_825] : memref<512x32xf32, #tpu.memory_space<vmem>>[vector<16xi32>, vector<16xi32>], vector<16xf32>,
        %shift_right_arithmetic3A_832 = arith.constant 3 : i32
        %shift_right_arithmetic3A_833 = vector.broadcast %shift_right_arithmetic3A_832 : i32 to vector<16xi32>
        %shift_right_arithmetic3A_834 = arith.shrsi %and3A_825, %shift_right_arithmetic3A_833 : vector<16xi32>
        %and3A_835 = arith.constant 7 : i32
        %and3A_836 = vector.broadcast %and3A_835 : i32 to vector<16xi32>
        %and3A_837 = arith.andi %and3A_825, %and3A_836 : vector<16xi32>
        %scatter3A_838 = arith.constant 1 : i32
        %scatter3A_839 = arith.constant 0 : i32
        %scatter3A_840 = arith.constant 0 : i32
        %scatter3A_841 = arith.constant 0 : i32
        %scatter3A_842 = arith.constant 0 : i32
        %scatter3A_843 = tpu.memref_slice %arg7[%scatter3A_838, %scatter3A_839, %scatter3A_840, %scatter3A_841, %scatter3A_842] : memref<2x4x4x8x128xf32, #tpu.memory_space<vmem>> -> memref<1x4x4x8x128xf32, #tpu.memory_space<vmem>>
        %scatter3A_844 = tpu.memref_squeeze %scatter3A_843 : memref<1x4x4x8x128xf32, #tpu.memory_space<vmem>> -> memref<4x4x8x128xf32, #tpu.memory_space<vmem>>
        tpu.vector_store_idx %scatter3A_844[%shift_right_arithmetic3A_834, %add3A_386, %and3A_837, %add3A_397], %gather3A_831 : memref<4x4x8x128xf32, #tpu.memory_space<vmem>>[vector<16xi32>, vector<16xi32>, vector<16xi32>, vector<16xi32>], vector<16xf32>,
        %add3A_845 = arith.constant 18 : i32
        %add3A_846 = vector.broadcast %add3A_845 : i32 to vector<16xi32>
        %add3A_847 = arith.addi %add3A_846, %iota3A : vector<16xi32>
        %and3A_848 = arith.constant 31 : i32
        %and3A_849 = vector.broadcast %and3A_848 : i32 to vector<16xi32>
        %and3A_850 = arith.andi %add3A_847, %and3A_849 : vector<16xi32>
        %gather3A_851 = arith.constant 1 : i32
        %gather3A_852 = arith.constant 0 : i32
        %gather3A_853 = arith.constant 0 : i32
        %gather3A_854 = tpu.memref_slice %arg6[%gather3A_851, %gather3A_852, %gather3A_853] : memref<2x512x32xf32, #tpu.memory_space<vmem>> -> memref<1x512x32xf32, #tpu.memory_space<vmem>>
        %gather3A_855 = tpu.memref_squeeze %gather3A_854 : memref<1x512x32xf32, #tpu.memory_space<vmem>> -> memref<512x32xf32, #tpu.memory_space<vmem>>
        %gather3A_856 = tpu.vector_load_idx %gather3A_855[%add3A_393, %and3A_850] : memref<512x32xf32, #tpu.memory_space<vmem>>[vector<16xi32>, vector<16xi32>], vector<16xf32>,
        %shift_right_arithmetic3A_857 = arith.constant 3 : i32
        %shift_right_arithmetic3A_858 = vector.broadcast %shift_right_arithmetic3A_857 : i32 to vector<16xi32>
        %shift_right_arithmetic3A_859 = arith.shrsi %and3A_850, %shift_right_arithmetic3A_858 : vector<16xi32>
        %and3A_860 = arith.constant 7 : i32
        %and3A_861 = vector.broadcast %and3A_860 : i32 to vector<16xi32>
        %and3A_862 = arith.andi %and3A_850, %and3A_861 : vector<16xi32>
        %scatter3A_863 = arith.constant 1 : i32
        %scatter3A_864 = arith.constant 0 : i32
        %scatter3A_865 = arith.constant 0 : i32
        %scatter3A_866 = arith.constant 0 : i32
        %scatter3A_867 = arith.constant 0 : i32
        %scatter3A_868 = tpu.memref_slice %arg7[%scatter3A_863, %scatter3A_864, %scatter3A_865, %scatter3A_866, %scatter3A_867] : memref<2x4x4x8x128xf32, #tpu.memory_space<vmem>> -> memref<1x4x4x8x128xf32, #tpu.memory_space<vmem>>
        %scatter3A_869 = tpu.memref_squeeze %scatter3A_868 : memref<1x4x4x8x128xf32, #tpu.memory_space<vmem>> -> memref<4x4x8x128xf32, #tpu.memory_space<vmem>>
        tpu.vector_store_idx %scatter3A_869[%shift_right_arithmetic3A_859, %add3A_386, %and3A_862, %add3A_397], %gather3A_856 : memref<4x4x8x128xf32, #tpu.memory_space<vmem>>[vector<16xi32>, vector<16xi32>, vector<16xi32>, vector<16xi32>], vector<16xf32>,
        %add3A_870 = arith.constant 19 : i32
        %add3A_871 = vector.broadcast %add3A_870 : i32 to vector<16xi32>
        %add3A_872 = arith.addi %add3A_871, %iota3A : vector<16xi32>
        %and3A_873 = arith.constant 31 : i32
        %and3A_874 = vector.broadcast %and3A_873 : i32 to vector<16xi32>
        %and3A_875 = arith.andi %add3A_872, %and3A_874 : vector<16xi32>
        %gather3A_876 = arith.constant 1 : i32
        %gather3A_877 = arith.constant 0 : i32
        %gather3A_878 = arith.constant 0 : i32
        %gather3A_879 = tpu.memref_slice %arg6[%gather3A_876, %gather3A_877, %gather3A_878] : memref<2x512x32xf32, #tpu.memory_space<vmem>> -> memref<1x512x32xf32, #tpu.memory_space<vmem>>
        %gather3A_880 = tpu.memref_squeeze %gather3A_879 : memref<1x512x32xf32, #tpu.memory_space<vmem>> -> memref<512x32xf32, #tpu.memory_space<vmem>>
        %gather3A_881 = tpu.vector_load_idx %gather3A_880[%add3A_393, %and3A_875] : memref<512x32xf32, #tpu.memory_space<vmem>>[vector<16xi32>, vector<16xi32>], vector<16xf32>,
        %shift_right_arithmetic3A_882 = arith.constant 3 : i32
        %shift_right_arithmetic3A_883 = vector.broadcast %shift_right_arithmetic3A_882 : i32 to vector<16xi32>
        %shift_right_arithmetic3A_884 = arith.shrsi %and3A_875, %shift_right_arithmetic3A_883 : vector<16xi32>
        %and3A_885 = arith.constant 7 : i32
        %and3A_886 = vector.broadcast %and3A_885 : i32 to vector<16xi32>
        %and3A_887 = arith.andi %and3A_875, %and3A_886 : vector<16xi32>
        %scatter3A_888 = arith.constant 1 : i32
        %scatter3A_889 = arith.constant 0 : i32
        %scatter3A_890 = arith.constant 0 : i32
        %scatter3A_891 = arith.constant 0 : i32
        %scatter3A_892 = arith.constant 0 : i32
        %scatter3A_893 = tpu.memref_slice %arg7[%scatter3A_888, %scatter3A_889, %scatter3A_890, %scatter3A_891, %scatter3A_892] : memref<2x4x4x8x128xf32, #tpu.memory_space<vmem>> -> memref<1x4x4x8x128xf32, #tpu.memory_space<vmem>>
        %scatter3A_894 = tpu.memref_squeeze %scatter3A_893 : memref<1x4x4x8x128xf32, #tpu.memory_space<vmem>> -> memref<4x4x8x128xf32, #tpu.memory_space<vmem>>
        tpu.vector_store_idx %scatter3A_894[%shift_right_arithmetic3A_884, %add3A_386, %and3A_887, %add3A_397], %gather3A_881 : memref<4x4x8x128xf32, #tpu.memory_space<vmem>>[vector<16xi32>, vector<16xi32>, vector<16xi32>, vector<16xi32>], vector<16xf32>,
        %add3A_895 = arith.constant 20 : i32
        %add3A_896 = vector.broadcast %add3A_895 : i32 to vector<16xi32>
        %add3A_897 = arith.addi %add3A_896, %iota3A : vector<16xi32>
        %and3A_898 = arith.constant 31 : i32
        %and3A_899 = vector.broadcast %and3A_898 : i32 to vector<16xi32>
        %and3A_900 = arith.andi %add3A_897, %and3A_899 : vector<16xi32>
        %gather3A_901 = arith.constant 1 : i32
        %gather3A_902 = arith.constant 0 : i32
        %gather3A_903 = arith.constant 0 : i32
        %gather3A_904 = tpu.memref_slice %arg6[%gather3A_901, %gather3A_902, %gather3A_903] : memref<2x512x32xf32, #tpu.memory_space<vmem>> -> memref<1x512x32xf32, #tpu.memory_space<vmem>>
        %gather3A_905 = tpu.memref_squeeze %gather3A_904 : memref<1x512x32xf32, #tpu.memory_space<vmem>> -> memref<512x32xf32, #tpu.memory_space<vmem>>
        %gather3A_906 = tpu.vector_load_idx %gather3A_905[%add3A_393, %and3A_900] : memref<512x32xf32, #tpu.memory_space<vmem>>[vector<16xi32>, vector<16xi32>], vector<16xf32>,
        %shift_right_arithmetic3A_907 = arith.constant 3 : i32
        %shift_right_arithmetic3A_908 = vector.broadcast %shift_right_arithmetic3A_907 : i32 to vector<16xi32>
        %shift_right_arithmetic3A_909 = arith.shrsi %and3A_900, %shift_right_arithmetic3A_908 : vector<16xi32>
        %and3A_910 = arith.constant 7 : i32
        %and3A_911 = vector.broadcast %and3A_910 : i32 to vector<16xi32>
        %and3A_912 = arith.andi %and3A_900, %and3A_911 : vector<16xi32>
        %scatter3A_913 = arith.constant 1 : i32
        %scatter3A_914 = arith.constant 0 : i32
        %scatter3A_915 = arith.constant 0 : i32
        %scatter3A_916 = arith.constant 0 : i32
        %scatter3A_917 = arith.constant 0 : i32
        %scatter3A_918 = tpu.memref_slice %arg7[%scatter3A_913, %scatter3A_914, %scatter3A_915, %scatter3A_916, %scatter3A_917] : memref<2x4x4x8x128xf32, #tpu.memory_space<vmem>> -> memref<1x4x4x8x128xf32, #tpu.memory_space<vmem>>
        %scatter3A_919 = tpu.memref_squeeze %scatter3A_918 : memref<1x4x4x8x128xf32, #tpu.memory_space<vmem>> -> memref<4x4x8x128xf32, #tpu.memory_space<vmem>>
        tpu.vector_store_idx %scatter3A_919[%shift_right_arithmetic3A_909, %add3A_386, %and3A_912, %add3A_397], %gather3A_906 : memref<4x4x8x128xf32, #tpu.memory_space<vmem>>[vector<16xi32>, vector<16xi32>, vector<16xi32>, vector<16xi32>], vector<16xf32>,
        %add3A_920 = arith.constant 21 : i32
        %add3A_921 = vector.broadcast %add3A_920 : i32 to vector<16xi32>
        %add3A_922 = arith.addi %add3A_921, %iota3A : vector<16xi32>
        %and3A_923 = arith.constant 31 : i32
        %and3A_924 = vector.broadcast %and3A_923 : i32 to vector<16xi32>
        %and3A_925 = arith.andi %add3A_922, %and3A_924 : vector<16xi32>
        %gather3A_926 = arith.constant 1 : i32
        %gather3A_927 = arith.constant 0 : i32
        %gather3A_928 = arith.constant 0 : i32
        %gather3A_929 = tpu.memref_slice %arg6[%gather3A_926, %gather3A_927, %gather3A_928] : memref<2x512x32xf32, #tpu.memory_space<vmem>> -> memref<1x512x32xf32, #tpu.memory_space<vmem>>
        %gather3A_930 = tpu.memref_squeeze %gather3A_929 : memref<1x512x32xf32, #tpu.memory_space<vmem>> -> memref<512x32xf32, #tpu.memory_space<vmem>>
        %gather3A_931 = tpu.vector_load_idx %gather3A_930[%add3A_393, %and3A_925] : memref<512x32xf32, #tpu.memory_space<vmem>>[vector<16xi32>, vector<16xi32>], vector<16xf32>,
        %shift_right_arithmetic3A_932 = arith.constant 3 : i32
        %shift_right_arithmetic3A_933 = vector.broadcast %shift_right_arithmetic3A_932 : i32 to vector<16xi32>
        %shift_right_arithmetic3A_934 = arith.shrsi %and3A_925, %shift_right_arithmetic3A_933 : vector<16xi32>
        %and3A_935 = arith.constant 7 : i32
        %and3A_936 = vector.broadcast %and3A_935 : i32 to vector<16xi32>
        %and3A_937 = arith.andi %and3A_925, %and3A_936 : vector<16xi32>
        %scatter3A_938 = arith.constant 1 : i32
        %scatter3A_939 = arith.constant 0 : i32
        %scatter3A_940 = arith.constant 0 : i32
        %scatter3A_941 = arith.constant 0 : i32
        %scatter3A_942 = arith.constant 0 : i32
        %scatter3A_943 = tpu.memref_slice %arg7[%scatter3A_938, %scatter3A_939, %scatter3A_940, %scatter3A_941, %scatter3A_942] : memref<2x4x4x8x128xf32, #tpu.memory_space<vmem>> -> memref<1x4x4x8x128xf32, #tpu.memory_space<vmem>>
        %scatter3A_944 = tpu.memref_squeeze %scatter3A_943 : memref<1x4x4x8x128xf32, #tpu.memory_space<vmem>> -> memref<4x4x8x128xf32, #tpu.memory_space<vmem>>
        tpu.vector_store_idx %scatter3A_944[%shift_right_arithmetic3A_934, %add3A_386, %and3A_937, %add3A_397], %gather3A_931 : memref<4x4x8x128xf32, #tpu.memory_space<vmem>>[vector<16xi32>, vector<16xi32>, vector<16xi32>, vector<16xi32>], vector<16xf32>,
        %add3A_945 = arith.constant 22 : i32
        %add3A_946 = vector.broadcast %add3A_945 : i32 to vector<16xi32>
        %add3A_947 = arith.addi %add3A_946, %iota3A : vector<16xi32>
        %and3A_948 = arith.constant 31 : i32
        %and3A_949 = vector.broadcast %and3A_948 : i32 to vector<16xi32>
        %and3A_950 = arith.andi %add3A_947, %and3A_949 : vector<16xi32>
        %gather3A_951 = arith.constant 1 : i32
        %gather3A_952 = arith.constant 0 : i32
        %gather3A_953 = arith.constant 0 : i32
        %gather3A_954 = tpu.memref_slice %arg6[%gather3A_951, %gather3A_952, %gather3A_953] : memref<2x512x32xf32, #tpu.memory_space<vmem>> -> memref<1x512x32xf32, #tpu.memory_space<vmem>>
        %gather3A_955 = tpu.memref_squeeze %gather3A_954 : memref<1x512x32xf32, #tpu.memory_space<vmem>> -> memref<512x32xf32, #tpu.memory_space<vmem>>
        %gather3A_956 = tpu.vector_load_idx %gather3A_955[%add3A_393, %and3A_950] : memref<512x32xf32, #tpu.memory_space<vmem>>[vector<16xi32>, vector<16xi32>], vector<16xf32>,
        %shift_right_arithmetic3A_957 = arith.constant 3 : i32
        %shift_right_arithmetic3A_958 = vector.broadcast %shift_right_arithmetic3A_957 : i32 to vector<16xi32>
        %shift_right_arithmetic3A_959 = arith.shrsi %and3A_950, %shift_right_arithmetic3A_958 : vector<16xi32>
        %and3A_960 = arith.constant 7 : i32
        %and3A_961 = vector.broadcast %and3A_960 : i32 to vector<16xi32>
        %and3A_962 = arith.andi %and3A_950, %and3A_961 : vector<16xi32>
        %scatter3A_963 = arith.constant 1 : i32
        %scatter3A_964 = arith.constant 0 : i32
        %scatter3A_965 = arith.constant 0 : i32
        %scatter3A_966 = arith.constant 0 : i32
        %scatter3A_967 = arith.constant 0 : i32
        %scatter3A_968 = tpu.memref_slice %arg7[%scatter3A_963, %scatter3A_964, %scatter3A_965, %scatter3A_966, %scatter3A_967] : memref<2x4x4x8x128xf32, #tpu.memory_space<vmem>> -> memref<1x4x4x8x128xf32, #tpu.memory_space<vmem>>
        %scatter3A_969 = tpu.memref_squeeze %scatter3A_968 : memref<1x4x4x8x128xf32, #tpu.memory_space<vmem>> -> memref<4x4x8x128xf32, #tpu.memory_space<vmem>>
        tpu.vector_store_idx %scatter3A_969[%shift_right_arithmetic3A_959, %add3A_386, %and3A_962, %add3A_397], %gather3A_956 : memref<4x4x8x128xf32, #tpu.memory_space<vmem>>[vector<16xi32>, vector<16xi32>, vector<16xi32>, vector<16xi32>], vector<16xf32>,
        %add3A_970 = arith.constant 23 : i32
        %add3A_971 = vector.broadcast %add3A_970 : i32 to vector<16xi32>
        %add3A_972 = arith.addi %add3A_971, %iota3A : vector<16xi32>
        %and3A_973 = arith.constant 31 : i32
        %and3A_974 = vector.broadcast %and3A_973 : i32 to vector<16xi32>
        %and3A_975 = arith.andi %add3A_972, %and3A_974 : vector<16xi32>
        %gather3A_976 = arith.constant 1 : i32
        %gather3A_977 = arith.constant 0 : i32
        %gather3A_978 = arith.constant 0 : i32
        %gather3A_979 = tpu.memref_slice %arg6[%gather3A_976, %gather3A_977, %gather3A_978] : memref<2x512x32xf32, #tpu.memory_space<vmem>> -> memref<1x512x32xf32, #tpu.memory_space<vmem>>
        %gather3A_980 = tpu.memref_squeeze %gather3A_979 : memref<1x512x32xf32, #tpu.memory_space<vmem>> -> memref<512x32xf32, #tpu.memory_space<vmem>>
        %gather3A_981 = tpu.vector_load_idx %gather3A_980[%add3A_393, %and3A_975] : memref<512x32xf32, #tpu.memory_space<vmem>>[vector<16xi32>, vector<16xi32>], vector<16xf32>,
        %shift_right_arithmetic3A_982 = arith.constant 3 : i32
        %shift_right_arithmetic3A_983 = vector.broadcast %shift_right_arithmetic3A_982 : i32 to vector<16xi32>
        %shift_right_arithmetic3A_984 = arith.shrsi %and3A_975, %shift_right_arithmetic3A_983 : vector<16xi32>
        %and3A_985 = arith.constant 7 : i32
        %and3A_986 = vector.broadcast %and3A_985 : i32 to vector<16xi32>
        %and3A_987 = arith.andi %and3A_975, %and3A_986 : vector<16xi32>
        %scatter3A_988 = arith.constant 1 : i32
        %scatter3A_989 = arith.constant 0 : i32
        %scatter3A_990 = arith.constant 0 : i32
        %scatter3A_991 = arith.constant 0 : i32
        %scatter3A_992 = arith.constant 0 : i32
        %scatter3A_993 = tpu.memref_slice %arg7[%scatter3A_988, %scatter3A_989, %scatter3A_990, %scatter3A_991, %scatter3A_992] : memref<2x4x4x8x128xf32, #tpu.memory_space<vmem>> -> memref<1x4x4x8x128xf32, #tpu.memory_space<vmem>>
        %scatter3A_994 = tpu.memref_squeeze %scatter3A_993 : memref<1x4x4x8x128xf32, #tpu.memory_space<vmem>> -> memref<4x4x8x128xf32, #tpu.memory_space<vmem>>
        tpu.vector_store_idx %scatter3A_994[%shift_right_arithmetic3A_984, %add3A_386, %and3A_987, %add3A_397], %gather3A_981 : memref<4x4x8x128xf32, #tpu.memory_space<vmem>>[vector<16xi32>, vector<16xi32>, vector<16xi32>, vector<16xi32>], vector<16xf32>,
        %add3A_995 = arith.constant 24 : i32
        %add3A_996 = vector.broadcast %add3A_995 : i32 to vector<16xi32>
        %add3A_997 = arith.addi %add3A_996, %iota3A : vector<16xi32>
        %and3A_998 = arith.constant 31 : i32
        %and3A_999 = vector.broadcast %and3A_998 : i32 to vector<16xi32>
        %and3A_1000 = arith.andi %add3A_997, %and3A_999 : vector<16xi32>
        %gather3A_1001 = arith.constant 1 : i32
        %gather3A_1002 = arith.constant 0 : i32
        %gather3A_1003 = arith.constant 0 : i32
        %gather3A_1004 = tpu.memref_slice %arg6[%gather3A_1001, %gather3A_1002, %gather3A_1003] : memref<2x512x32xf32, #tpu.memory_space<vmem>> -> memref<1x512x32xf32, #tpu.memory_space<vmem>>
        %gather3A_1005 = tpu.memref_squeeze %gather3A_1004 : memref<1x512x32xf32, #tpu.memory_space<vmem>> -> memref<512x32xf32, #tpu.memory_space<vmem>>
        %gather3A_1006 = tpu.vector_load_idx %gather3A_1005[%add3A_393, %and3A_1000] : memref<512x32xf32, #tpu.memory_space<vmem>>[vector<16xi32>, vector<16xi32>], vector<16xf32>,
        %shift_right_arithmetic3A_1007 = arith.constant 3 : i32
        %shift_right_arithmetic3A_1008 = vector.broadcast %shift_right_arithmetic3A_1007 : i32 to vector<16xi32>
        %shift_right_arithmetic3A_1009 = arith.shrsi %and3A_1000, %shift_right_arithmetic3A_1008 : vector<16xi32>
        %and3A_1010 = arith.constant 7 : i32
        %and3A_1011 = vector.broadcast %and3A_1010 : i32 to vector<16xi32>
        %and3A_1012 = arith.andi %and3A_1000, %and3A_1011 : vector<16xi32>
        %scatter3A_1013 = arith.constant 1 : i32
        %scatter3A_1014 = arith.constant 0 : i32
        %scatter3A_1015 = arith.constant 0 : i32
        %scatter3A_1016 = arith.constant 0 : i32
        %scatter3A_1017 = arith.constant 0 : i32
        %scatter3A_1018 = tpu.memref_slice %arg7[%scatter3A_1013, %scatter3A_1014, %scatter3A_1015, %scatter3A_1016, %scatter3A_1017] : memref<2x4x4x8x128xf32, #tpu.memory_space<vmem>> -> memref<1x4x4x8x128xf32, #tpu.memory_space<vmem>>
        %scatter3A_1019 = tpu.memref_squeeze %scatter3A_1018 : memref<1x4x4x8x128xf32, #tpu.memory_space<vmem>> -> memref<4x4x8x128xf32, #tpu.memory_space<vmem>>
        tpu.vector_store_idx %scatter3A_1019[%shift_right_arithmetic3A_1009, %add3A_386, %and3A_1012, %add3A_397], %gather3A_1006 : memref<4x4x8x128xf32, #tpu.memory_space<vmem>>[vector<16xi32>, vector<16xi32>, vector<16xi32>, vector<16xi32>], vector<16xf32>,
        %add3A_1020 = arith.constant 25 : i32
        %add3A_1021 = vector.broadcast %add3A_1020 : i32 to vector<16xi32>
        %add3A_1022 = arith.addi %add3A_1021, %iota3A : vector<16xi32>
        %and3A_1023 = arith.constant 31 : i32
        %and3A_1024 = vector.broadcast %and3A_1023 : i32 to vector<16xi32>
        %and3A_1025 = arith.andi %add3A_1022, %and3A_1024 : vector<16xi32>
        %gather3A_1026 = arith.constant 1 : i32
        %gather3A_1027 = arith.constant 0 : i32
        %gather3A_1028 = arith.constant 0 : i32
        %gather3A_1029 = tpu.memref_slice %arg6[%gather3A_1026, %gather3A_1027, %gather3A_1028] : memref<2x512x32xf32, #tpu.memory_space<vmem>> -> memref<1x512x32xf32, #tpu.memory_space<vmem>>
        %gather3A_1030 = tpu.memref_squeeze %gather3A_1029 : memref<1x512x32xf32, #tpu.memory_space<vmem>> -> memref<512x32xf32, #tpu.memory_space<vmem>>
        %gather3A_1031 = tpu.vector_load_idx %gather3A_1030[%add3A_393, %and3A_1025] : memref<512x32xf32, #tpu.memory_space<vmem>>[vector<16xi32>, vector<16xi32>], vector<16xf32>,
        %shift_right_arithmetic3A_1032 = arith.constant 3 : i32
        %shift_right_arithmetic3A_1033 = vector.broadcast %shift_right_arithmetic3A_1032 : i32 to vector<16xi32>
        %shift_right_arithmetic3A_1034 = arith.shrsi %and3A_1025, %shift_right_arithmetic3A_1033 : vector<16xi32>
        %and3A_1035 = arith.constant 7 : i32
        %and3A_1036 = vector.broadcast %and3A_1035 : i32 to vector<16xi32>
        %and3A_1037 = arith.andi %and3A_1025, %and3A_1036 : vector<16xi32>
        %scatter3A_1038 = arith.constant 1 : i32
        %scatter3A_1039 = arith.constant 0 : i32
        %scatter3A_1040 = arith.constant 0 : i32
        %scatter3A_1041 = arith.constant 0 : i32
        %scatter3A_1042 = arith.constant 0 : i32
        %scatter3A_1043 = tpu.memref_slice %arg7[%scatter3A_1038, %scatter3A_1039, %scatter3A_1040, %scatter3A_1041, %scatter3A_1042] : memref<2x4x4x8x128xf32, #tpu.memory_space<vmem>> -> memref<1x4x4x8x128xf32, #tpu.memory_space<vmem>>
        %scatter3A_1044 = tpu.memref_squeeze %scatter3A_1043 : memref<1x4x4x8x128xf32, #tpu.memory_space<vmem>> -> memref<4x4x8x128xf32, #tpu.memory_space<vmem>>
        tpu.vector_store_idx %scatter3A_1044[%shift_right_arithmetic3A_1034, %add3A_386, %and3A_1037, %add3A_397], %gather3A_1031 : memref<4x4x8x128xf32, #tpu.memory_space<vmem>>[vector<16xi32>, vector<16xi32>, vector<16xi32>, vector<16xi32>], vector<16xf32>,
        %add3A_1045 = arith.constant 26 : i32
        %add3A_1046 = vector.broadcast %add3A_1045 : i32 to vector<16xi32>
        %add3A_1047 = arith.addi %add3A_1046, %iota3A : vector<16xi32>
        %and3A_1048 = arith.constant 31 : i32
        %and3A_1049 = vector.broadcast %and3A_1048 : i32 to vector<16xi32>
        %and3A_1050 = arith.andi %add3A_1047, %and3A_1049 : vector<16xi32>
        %gather3A_1051 = arith.constant 1 : i32
        %gather3A_1052 = arith.constant 0 : i32
        %gather3A_1053 = arith.constant 0 : i32
        %gather3A_1054 = tpu.memref_slice %arg6[%gather3A_1051, %gather3A_1052, %gather3A_1053] : memref<2x512x32xf32, #tpu.memory_space<vmem>> -> memref<1x512x32xf32, #tpu.memory_space<vmem>>
        %gather3A_1055 = tpu.memref_squeeze %gather3A_1054 : memref<1x512x32xf32, #tpu.memory_space<vmem>> -> memref<512x32xf32, #tpu.memory_space<vmem>>
        %gather3A_1056 = tpu.vector_load_idx %gather3A_1055[%add3A_393, %and3A_1050] : memref<512x32xf32, #tpu.memory_space<vmem>>[vector<16xi32>, vector<16xi32>], vector<16xf32>,
        %shift_right_arithmetic3A_1057 = arith.constant 3 : i32
        %shift_right_arithmetic3A_1058 = vector.broadcast %shift_right_arithmetic3A_1057 : i32 to vector<16xi32>
        %shift_right_arithmetic3A_1059 = arith.shrsi %and3A_1050, %shift_right_arithmetic3A_1058 : vector<16xi32>
        %and3A_1060 = arith.constant 7 : i32
        %and3A_1061 = vector.broadcast %and3A_1060 : i32 to vector<16xi32>
        %and3A_1062 = arith.andi %and3A_1050, %and3A_1061 : vector<16xi32>
        %scatter3A_1063 = arith.constant 1 : i32
        %scatter3A_1064 = arith.constant 0 : i32
        %scatter3A_1065 = arith.constant 0 : i32
        %scatter3A_1066 = arith.constant 0 : i32
        %scatter3A_1067 = arith.constant 0 : i32
        %scatter3A_1068 = tpu.memref_slice %arg7[%scatter3A_1063, %scatter3A_1064, %scatter3A_1065, %scatter3A_1066, %scatter3A_1067] : memref<2x4x4x8x128xf32, #tpu.memory_space<vmem>> -> memref<1x4x4x8x128xf32, #tpu.memory_space<vmem>>
        %scatter3A_1069 = tpu.memref_squeeze %scatter3A_1068 : memref<1x4x4x8x128xf32, #tpu.memory_space<vmem>> -> memref<4x4x8x128xf32, #tpu.memory_space<vmem>>
        tpu.vector_store_idx %scatter3A_1069[%shift_right_arithmetic3A_1059, %add3A_386, %and3A_1062, %add3A_397], %gather3A_1056 : memref<4x4x8x128xf32, #tpu.memory_space<vmem>>[vector<16xi32>, vector<16xi32>, vector<16xi32>, vector<16xi32>], vector<16xf32>,
        %add3A_1070 = arith.constant 27 : i32
        %add3A_1071 = vector.broadcast %add3A_1070 : i32 to vector<16xi32>
        %add3A_1072 = arith.addi %add3A_1071, %iota3A : vector<16xi32>
        %and3A_1073 = arith.constant 31 : i32
        %and3A_1074 = vector.broadcast %and3A_1073 : i32 to vector<16xi32>
        %and3A_1075 = arith.andi %add3A_1072, %and3A_1074 : vector<16xi32>
        %gather3A_1076 = arith.constant 1 : i32
        %gather3A_1077 = arith.constant 0 : i32
        %gather3A_1078 = arith.constant 0 : i32
        %gather3A_1079 = tpu.memref_slice %arg6[%gather3A_1076, %gather3A_1077, %gather3A_1078] : memref<2x512x32xf32, #tpu.memory_space<vmem>> -> memref<1x512x32xf32, #tpu.memory_space<vmem>>
        %gather3A_1080 = tpu.memref_squeeze %gather3A_1079 : memref<1x512x32xf32, #tpu.memory_space<vmem>> -> memref<512x32xf32, #tpu.memory_space<vmem>>
        %gather3A_1081 = tpu.vector_load_idx %gather3A_1080[%add3A_393, %and3A_1075] : memref<512x32xf32, #tpu.memory_space<vmem>>[vector<16xi32>, vector<16xi32>], vector<16xf32>,
        %shift_right_arithmetic3A_1082 = arith.constant 3 : i32
        %shift_right_arithmetic3A_1083 = vector.broadcast %shift_right_arithmetic3A_1082 : i32 to vector<16xi32>
        %shift_right_arithmetic3A_1084 = arith.shrsi %and3A_1075, %shift_right_arithmetic3A_1083 : vector<16xi32>
        %and3A_1085 = arith.constant 7 : i32
        %and3A_1086 = vector.broadcast %and3A_1085 : i32 to vector<16xi32>
        %and3A_1087 = arith.andi %and3A_1075, %and3A_1086 : vector<16xi32>
        %scatter3A_1088 = arith.constant 1 : i32
        %scatter3A_1089 = arith.constant 0 : i32
        %scatter3A_1090 = arith.constant 0 : i32
        %scatter3A_1091 = arith.constant 0 : i32
        %scatter3A_1092 = arith.constant 0 : i32
        %scatter3A_1093 = tpu.memref_slice %arg7[%scatter3A_1088, %scatter3A_1089, %scatter3A_1090, %scatter3A_1091, %scatter3A_1092] : memref<2x4x4x8x128xf32, #tpu.memory_space<vmem>> -> memref<1x4x4x8x128xf32, #tpu.memory_space<vmem>>
        %scatter3A_1094 = tpu.memref_squeeze %scatter3A_1093 : memref<1x4x4x8x128xf32, #tpu.memory_space<vmem>> -> memref<4x4x8x128xf32, #tpu.memory_space<vmem>>
        tpu.vector_store_idx %scatter3A_1094[%shift_right_arithmetic3A_1084, %add3A_386, %and3A_1087, %add3A_397], %gather3A_1081 : memref<4x4x8x128xf32, #tpu.memory_space<vmem>>[vector<16xi32>, vector<16xi32>, vector<16xi32>, vector<16xi32>], vector<16xf32>,
        %add3A_1095 = arith.constant 28 : i32
        %add3A_1096 = vector.broadcast %add3A_1095 : i32 to vector<16xi32>
        %add3A_1097 = arith.addi %add3A_1096, %iota3A : vector<16xi32>
        %and3A_1098 = arith.constant 31 : i32
        %and3A_1099 = vector.broadcast %and3A_1098 : i32 to vector<16xi32>
        %and3A_1100 = arith.andi %add3A_1097, %and3A_1099 : vector<16xi32>
        %gather3A_1101 = arith.constant 1 : i32
        %gather3A_1102 = arith.constant 0 : i32
        %gather3A_1103 = arith.constant 0 : i32
        %gather3A_1104 = tpu.memref_slice %arg6[%gather3A_1101, %gather3A_1102, %gather3A_1103] : memref<2x512x32xf32, #tpu.memory_space<vmem>> -> memref<1x512x32xf32, #tpu.memory_space<vmem>>
        %gather3A_1105 = tpu.memref_squeeze %gather3A_1104 : memref<1x512x32xf32, #tpu.memory_space<vmem>> -> memref<512x32xf32, #tpu.memory_space<vmem>>
        %gather3A_1106 = tpu.vector_load_idx %gather3A_1105[%add3A_393, %and3A_1100] : memref<512x32xf32, #tpu.memory_space<vmem>>[vector<16xi32>, vector<16xi32>], vector<16xf32>,
        %shift_right_arithmetic3A_1107 = arith.constant 3 : i32
        %shift_right_arithmetic3A_1108 = vector.broadcast %shift_right_arithmetic3A_1107 : i32 to vector<16xi32>
        %shift_right_arithmetic3A_1109 = arith.shrsi %and3A_1100, %shift_right_arithmetic3A_1108 : vector<16xi32>
        %and3A_1110 = arith.constant 7 : i32
        %and3A_1111 = vector.broadcast %and3A_1110 : i32 to vector<16xi32>
        %and3A_1112 = arith.andi %and3A_1100, %and3A_1111 : vector<16xi32>
        %scatter3A_1113 = arith.constant 1 : i32
        %scatter3A_1114 = arith.constant 0 : i32
        %scatter3A_1115 = arith.constant 0 : i32
        %scatter3A_1116 = arith.constant 0 : i32
        %scatter3A_1117 = arith.constant 0 : i32
        %scatter3A_1118 = tpu.memref_slice %arg7[%scatter3A_1113, %scatter3A_1114, %scatter3A_1115, %scatter3A_1116, %scatter3A_1117] : memref<2x4x4x8x128xf32, #tpu.memory_space<vmem>> -> memref<1x4x4x8x128xf32, #tpu.memory_space<vmem>>
        %scatter3A_1119 = tpu.memref_squeeze %scatter3A_1118 : memref<1x4x4x8x128xf32, #tpu.memory_space<vmem>> -> memref<4x4x8x128xf32, #tpu.memory_space<vmem>>
        tpu.vector_store_idx %scatter3A_1119[%shift_right_arithmetic3A_1109, %add3A_386, %and3A_1112, %add3A_397], %gather3A_1106 : memref<4x4x8x128xf32, #tpu.memory_space<vmem>>[vector<16xi32>, vector<16xi32>, vector<16xi32>, vector<16xi32>], vector<16xf32>,
        %add3A_1120 = arith.constant 29 : i32
        %add3A_1121 = vector.broadcast %add3A_1120 : i32 to vector<16xi32>
        %add3A_1122 = arith.addi %add3A_1121, %iota3A : vector<16xi32>
        %and3A_1123 = arith.constant 31 : i32
        %and3A_1124 = vector.broadcast %and3A_1123 : i32 to vector<16xi32>
        %and3A_1125 = arith.andi %add3A_1122, %and3A_1124 : vector<16xi32>
        %gather3A_1126 = arith.constant 1 : i32
        %gather3A_1127 = arith.constant 0 : i32
        %gather3A_1128 = arith.constant 0 : i32
        %gather3A_1129 = tpu.memref_slice %arg6[%gather3A_1126, %gather3A_1127, %gather3A_1128] : memref<2x512x32xf32, #tpu.memory_space<vmem>> -> memref<1x512x32xf32, #tpu.memory_space<vmem>>
        %gather3A_1130 = tpu.memref_squeeze %gather3A_1129 : memref<1x512x32xf32, #tpu.memory_space<vmem>> -> memref<512x32xf32, #tpu.memory_space<vmem>>
        %gather3A_1131 = tpu.vector_load_idx %gather3A_1130[%add3A_393, %and3A_1125] : memref<512x32xf32, #tpu.memory_space<vmem>>[vector<16xi32>, vector<16xi32>], vector<16xf32>,
        %shift_right_arithmetic3A_1132 = arith.constant 3 : i32
        %shift_right_arithmetic3A_1133 = vector.broadcast %shift_right_arithmetic3A_1132 : i32 to vector<16xi32>
        %shift_right_arithmetic3A_1134 = arith.shrsi %and3A_1125, %shift_right_arithmetic3A_1133 : vector<16xi32>
        %and3A_1135 = arith.constant 7 : i32
        %and3A_1136 = vector.broadcast %and3A_1135 : i32 to vector<16xi32>
        %and3A_1137 = arith.andi %and3A_1125, %and3A_1136 : vector<16xi32>
        %scatter3A_1138 = arith.constant 1 : i32
        %scatter3A_1139 = arith.constant 0 : i32
        %scatter3A_1140 = arith.constant 0 : i32
        %scatter3A_1141 = arith.constant 0 : i32
        %scatter3A_1142 = arith.constant 0 : i32
        %scatter3A_1143 = tpu.memref_slice %arg7[%scatter3A_1138, %scatter3A_1139, %scatter3A_1140, %scatter3A_1141, %scatter3A_1142] : memref<2x4x4x8x128xf32, #tpu.memory_space<vmem>> -> memref<1x4x4x8x128xf32, #tpu.memory_space<vmem>>
        %scatter3A_1144 = tpu.memref_squeeze %scatter3A_1143 : memref<1x4x4x8x128xf32, #tpu.memory_space<vmem>> -> memref<4x4x8x128xf32, #tpu.memory_space<vmem>>
        tpu.vector_store_idx %scatter3A_1144[%shift_right_arithmetic3A_1134, %add3A_386, %and3A_1137, %add3A_397], %gather3A_1131 : memref<4x4x8x128xf32, #tpu.memory_space<vmem>>[vector<16xi32>, vector<16xi32>, vector<16xi32>, vector<16xi32>], vector<16xf32>,
        %add3A_1145 = arith.constant 30 : i32
        %add3A_1146 = vector.broadcast %add3A_1145 : i32 to vector<16xi32>
        %add3A_1147 = arith.addi %add3A_1146, %iota3A : vector<16xi32>
        %and3A_1148 = arith.constant 31 : i32
        %and3A_1149 = vector.broadcast %and3A_1148 : i32 to vector<16xi32>
        %and3A_1150 = arith.andi %add3A_1147, %and3A_1149 : vector<16xi32>
        %gather3A_1151 = arith.constant 1 : i32
        %gather3A_1152 = arith.constant 0 : i32
        %gather3A_1153 = arith.constant 0 : i32
        %gather3A_1154 = tpu.memref_slice %arg6[%gather3A_1151, %gather3A_1152, %gather3A_1153] : memref<2x512x32xf32, #tpu.memory_space<vmem>> -> memref<1x512x32xf32, #tpu.memory_space<vmem>>
        %gather3A_1155 = tpu.memref_squeeze %gather3A_1154 : memref<1x512x32xf32, #tpu.memory_space<vmem>> -> memref<512x32xf32, #tpu.memory_space<vmem>>
        %gather3A_1156 = tpu.vector_load_idx %gather3A_1155[%add3A_393, %and3A_1150] : memref<512x32xf32, #tpu.memory_space<vmem>>[vector<16xi32>, vector<16xi32>], vector<16xf32>,
        %shift_right_arithmetic3A_1157 = arith.constant 3 : i32
        %shift_right_arithmetic3A_1158 = vector.broadcast %shift_right_arithmetic3A_1157 : i32 to vector<16xi32>
        %shift_right_arithmetic3A_1159 = arith.shrsi %and3A_1150, %shift_right_arithmetic3A_1158 : vector<16xi32>
        %and3A_1160 = arith.constant 7 : i32
        %and3A_1161 = vector.broadcast %and3A_1160 : i32 to vector<16xi32>
        %and3A_1162 = arith.andi %and3A_1150, %and3A_1161 : vector<16xi32>
        %scatter3A_1163 = arith.constant 1 : i32
        %scatter3A_1164 = arith.constant 0 : i32
        %scatter3A_1165 = arith.constant 0 : i32
        %scatter3A_1166 = arith.constant 0 : i32
        %scatter3A_1167 = arith.constant 0 : i32
        %scatter3A_1168 = tpu.memref_slice %arg7[%scatter3A_1163, %scatter3A_1164, %scatter3A_1165, %scatter3A_1166, %scatter3A_1167] : memref<2x4x4x8x128xf32, #tpu.memory_space<vmem>> -> memref<1x4x4x8x128xf32, #tpu.memory_space<vmem>>
        %scatter3A_1169 = tpu.memref_squeeze %scatter3A_1168 : memref<1x4x4x8x128xf32, #tpu.memory_space<vmem>> -> memref<4x4x8x128xf32, #tpu.memory_space<vmem>>
        tpu.vector_store_idx %scatter3A_1169[%shift_right_arithmetic3A_1159, %add3A_386, %and3A_1162, %add3A_397], %gather3A_1156 : memref<4x4x8x128xf32, #tpu.memory_space<vmem>>[vector<16xi32>, vector<16xi32>, vector<16xi32>, vector<16xi32>], vector<16xf32>,
        %add3A_1170 = arith.constant 31 : i32
        %add3A_1171 = vector.broadcast %add3A_1170 : i32 to vector<16xi32>
        %add3A_1172 = arith.addi %add3A_1171, %iota3A : vector<16xi32>
        %and3A_1173 = arith.constant 31 : i32
        %and3A_1174 = vector.broadcast %and3A_1173 : i32 to vector<16xi32>
        %and3A_1175 = arith.andi %add3A_1172, %and3A_1174 : vector<16xi32>
        %gather3A_1176 = arith.constant 1 : i32
        %gather3A_1177 = arith.constant 0 : i32
        %gather3A_1178 = arith.constant 0 : i32
        %gather3A_1179 = tpu.memref_slice %arg6[%gather3A_1176, %gather3A_1177, %gather3A_1178] : memref<2x512x32xf32, #tpu.memory_space<vmem>> -> memref<1x512x32xf32, #tpu.memory_space<vmem>>
        %gather3A_1180 = tpu.memref_squeeze %gather3A_1179 : memref<1x512x32xf32, #tpu.memory_space<vmem>> -> memref<512x32xf32, #tpu.memory_space<vmem>>
        %gather3A_1181 = tpu.vector_load_idx %gather3A_1180[%add3A_393, %and3A_1175] : memref<512x32xf32, #tpu.memory_space<vmem>>[vector<16xi32>, vector<16xi32>], vector<16xf32>,
        %shift_right_arithmetic3A_1182 = arith.constant 3 : i32
        %shift_right_arithmetic3A_1183 = vector.broadcast %shift_right_arithmetic3A_1182 : i32 to vector<16xi32>
        %shift_right_arithmetic3A_1184 = arith.shrsi %and3A_1175, %shift_right_arithmetic3A_1183 : vector<16xi32>
        %and3A_1185 = arith.constant 7 : i32
        %and3A_1186 = vector.broadcast %and3A_1185 : i32 to vector<16xi32>
        %and3A_1187 = arith.andi %and3A_1175, %and3A_1186 : vector<16xi32>
        %scatter3A_1188 = arith.constant 1 : i32
        %scatter3A_1189 = arith.constant 0 : i32
        %scatter3A_1190 = arith.constant 0 : i32
        %scatter3A_1191 = arith.constant 0 : i32
        %scatter3A_1192 = arith.constant 0 : i32
        %scatter3A_1193 = tpu.memref_slice %arg7[%scatter3A_1188, %scatter3A_1189, %scatter3A_1190, %scatter3A_1191, %scatter3A_1192] : memref<2x4x4x8x128xf32, #tpu.memory_space<vmem>> -> memref<1x4x4x8x128xf32, #tpu.memory_space<vmem>>
        %scatter3A_1194 = tpu.memref_squeeze %scatter3A_1193 : memref<1x4x4x8x128xf32, #tpu.memory_space<vmem>> -> memref<4x4x8x128xf32, #tpu.memory_space<vmem>>
        tpu.vector_store_idx %scatter3A_1194[%shift_right_arithmetic3A_1184, %add3A_386, %and3A_1187, %add3A_397], %gather3A_1181 : memref<4x4x8x128xf32, #tpu.memory_space<vmem>>[vector<16xi32>, vector<16xi32>, vector<16xi32>, vector<16xi32>], vector<16xf32>,
      }
      %scan3A_318 = arith.constant 32 : i32
      %mul3A_319 = arith.constant 4 : i32
      %mul3A_320 = arith.muli %add3A, %mul3A_319 : i32
      %dma_start3A_321 = arith.constant 1 : i32
      %dma_start3A_322 = arith.constant 0 : i32
      %dma_start3A_323 = arith.constant 0 : i32
      %dma_start3A_324 = arith.constant 0 : i32
      %dma_start3A_325 = arith.constant 0 : i32
      %dma_start3A_326 = tpu.memref_slice %arg7[%dma_start3A_321, %dma_start3A_322, %dma_start3A_323, %dma_start3A_324, %dma_start3A_325] : memref<2x4x4x8x128xf32, #tpu.memory_space<vmem>> -> memref<1x4x4x8x128xf32, #tpu.memory_space<vmem>>
      %dma_start3A_327 = tpu.memref_squeeze %dma_start3A_326 : memref<1x4x4x8x128xf32, #tpu.memory_space<vmem>> -> memref<4x4x8x128xf32, #tpu.memory_space<vmem>>
      %dma_start3A_328 = arith.constant 0 : i32
      %dma_start3A_329 = arith.constant 0 : i32
      %dma_start3A_330 = arith.constant 0 : i32
      %dma_start3A_331 = tpu.memref_slice %arg4[%add3A_274, %dma_start3A_328, %mul3A_320, %dma_start3A_329, %dma_start3A_330] : memref<50x4x128x8x128xf32, #tpu.memory_space<hbm>> -> memref<1x4x4x8x128xf32, #tpu.memory_space<hbm>>
      %dma_start3A_332 = tpu.memref_squeeze %dma_start3A_331 : memref<1x4x4x8x128xf32, #tpu.memory_space<hbm>> -> memref<4x4x8x128xf32, #tpu.memory_space<hbm>>
      %dma_start3A_333 = arith.constant 0 : i32
      %dma_start3A_334 = arith.constant 0 : i32
      %dma_start3A_335 = arith.constant 0 : i32
      %dma_start3A_336 = tpu.memref_slice %arg4[%add3A_274, %dma_start3A_333, %mul3A_320, %dma_start3A_334, %dma_start3A_335] : memref<50x4x128x8x128xf32, #tpu.memory_space<hbm>> -> memref<1x4x4x8x128xf32, #tpu.memory_space<hbm>>
      %dma_start3A_337 = tpu.memref_squeeze %dma_start3A_336 : memref<1x4x4x8x128xf32, #tpu.memory_space<hbm>> -> memref<4x4x8x128xf32, #tpu.memory_space<hbm>>
      %dma_start3A_338 = arith.constant 0 : i32
      %dma_start3A_339 = arith.constant 0 : i32
      %dma_start3A_340 = arith.constant 0 : i32
      %dma_start3A_341 = arith.constant 0 : i32
      %dma_start3A_342 = tpu.memref_slice %arg7[%dma_start3A_321, %dma_start3A_338, %dma_start3A_339, %dma_start3A_340, %dma_start3A_341] : memref<2x4x4x8x128xf32, #tpu.memory_space<vmem>> -> memref<1x4x4x8x128xf32, #tpu.memory_space<vmem>>
      %dma_start3A_343 = tpu.memref_squeeze %dma_start3A_342 : memref<1x4x4x8x128xf32, #tpu.memory_space<vmem>> -> memref<4x4x8x128xf32, #tpu.memory_space<vmem>>
      tpu.enqueue_dma source(%dma_start3A_343 : memref<4x4x8x128xf32, #tpu.memory_space<vmem>>) target(%dma_start3A_337 : memref<4x4x8x128xf32, #tpu.memory_space<hbm>>) target_semaphore(%arg11 : memref<!tpu.dma_semaphore, #tpu.memory_space<semaphore_mem>>)
      %add3A_344 = arith.constant 2 : i32
      %add3A_345 = arith.addi %add3A_274, %add3A_344 : i32
      %lt3A_346 = arith.constant 50 : i32
      %lt3A_347 = arith.cmpi slt, %add3A_345, %lt3A_346 : i32
      %convert_element_type3A_348 = arith.extui %lt3A_347 : i1 to i32
      %cond3A_349 = arith.constant 0 : i32
      %cond3A_350 = arith.cmpi ne, %convert_element_type3A_348, %cond3A_349 : i32
      scf.if %cond3A_350 {
        %add3A_351 = arith.constant 2 : i32
        %add3A_352 = arith.addi %add3A_274, %add3A_351 : i32
        %dma_start3A_353 = arith.constant 1 : i32
        %dma_start3A_354 = arith.constant 0 : i32
        %dma_start3A_355 = arith.constant 0 : i32
        %dma_start3A_356 = tpu.memref_slice %arg6[%dma_start3A_353, %dma_start3A_354, %dma_start3A_355] : memref<2x512x32xf32, #tpu.memory_space<vmem>> -> memref<1x512x32xf32, #tpu.memory_space<vmem>>
        %dma_start3A_357 = tpu.memref_squeeze %dma_start3A_356 : memref<1x512x32xf32, #tpu.memory_space<vmem>> -> memref<512x32xf32, #tpu.memory_space<vmem>>
        %dma_start3A_358 = arith.constant 0 : i32
        %dma_start3A_359 = tpu.memref_slice %arg5[%add3A_352, %dma_start3A_358] : memref<50x512xi32, #tpu.memory_space<vmem>> -> memref<1x512xi32, #tpu.memory_space<vmem>>
        %dma_start3A_360 = tpu.memref_squeeze %dma_start3A_359 : memref<1x512xi32, #tpu.memory_space<vmem>> -> memref<512xi32, #tpu.memory_space<vmem>>
        %dma_start3A_361 = arith.constant 0 : i32
        %dma_start3A_362 = arith.constant 0 : i32
        %dma_start3A_363 = tpu.memref_slice %arg3[%dma_start3A_361, %dma_start3A_362] : memref<1000000x32xf32, #tpu.memory_space<hbm>> -> memref<1000000x32xf32, #tpu.memory_space<hbm>>
        tpu.enqueue_indirect_dma source(%dma_start3A_363 : memref<1000000x32xf32, #tpu.memory_space<hbm>>) target(%dma_start3A_357 : memref<512x32xf32, #tpu.memory_space<vmem>>) offsets(%dma_start3A_360 : memref<512xi32, #tpu.memory_space<vmem>>) semaphore(%arg9 : memref<!tpu.dma_semaphore, #tpu.memory_space<semaphore_mem>>)
      } else {
      }
    }
    %scan3A_141 = arith.constant 24 : i32
    %mul3A_142 = arith.constant 4 : i32
    %mul3A_143 = arith.muli %add3A, %mul3A_142 : i32
    %dma_wait3A_144 = arith.constant 0 : i32
    %dma_wait3A_145 = arith.constant 48 : i32
    %dma_wait3A_146 = arith.constant 0 : i32
    %dma_wait3A_147 = arith.constant 0 : i32
    %dma_wait3A_148 = arith.constant 0 : i32
    %dma_wait3A_149 = arith.constant 0 : i32
    %dma_wait3A_150 = tpu.memref_slice %arg7[%dma_wait3A_144, %dma_wait3A_146, %dma_wait3A_147, %dma_wait3A_148, %dma_wait3A_149] : memref<2x4x4x8x128xf32, #tpu.memory_space<vmem>> -> memref<1x4x4x8x128xf32, #tpu.memory_space<vmem>>
    %dma_wait3A_151 = tpu.memref_squeeze %dma_wait3A_150 : memref<1x4x4x8x128xf32, #tpu.memory_space<vmem>> -> memref<4x4x8x128xf32, #tpu.memory_space<vmem>>
    %dma_wait3A_152 = arith.constant 0 : i32
    %dma_wait3A_153 = arith.constant 0 : i32
    %dma_wait3A_154 = arith.constant 0 : i32
    %dma_wait3A_155 = tpu.memref_slice %arg4[%dma_wait3A_145, %dma_wait3A_152, %mul3A_143, %dma_wait3A_153, %dma_wait3A_154] : memref<50x4x128x8x128xf32, #tpu.memory_space<hbm>> -> memref<1x4x4x8x128xf32, #tpu.memory_space<hbm>>
    %dma_wait3A_156 = tpu.memref_squeeze %dma_wait3A_155 : memref<1x4x4x8x128xf32, #tpu.memory_space<hbm>> -> memref<4x4x8x128xf32, #tpu.memory_space<hbm>>
    %dma_wait3A_157 = arith.constant 0 : i32
    %dma_wait3A_158 = arith.constant 0 : i32
    %dma_wait3A_159 = arith.constant 0 : i32
    %dma_wait3A_160 = tpu.memref_slice %arg4[%dma_wait3A_145, %dma_wait3A_157, %mul3A_143, %dma_wait3A_158, %dma_wait3A_159] : memref<50x4x128x8x128xf32, #tpu.memory_space<hbm>> -> memref<1x4x4x8x128xf32, #tpu.memory_space<hbm>>
    %dma_wait3A_161 = tpu.memref_squeeze %dma_wait3A_160 : memref<1x4x4x8x128xf32, #tpu.memory_space<hbm>> -> memref<4x4x8x128xf32, #tpu.memory_space<hbm>>
    %dma_wait3A_162 = arith.constant 0 : i32
    %dma_wait3A_163 = arith.constant 0 : i32
    %dma_wait3A_164 = arith.constant 0 : i32
    %dma_wait3A_165 = arith.constant 0 : i32
    %dma_wait3A_166 = tpu.memref_slice %arg7[%dma_wait3A_144, %dma_wait3A_162, %dma_wait3A_163, %dma_wait3A_164, %dma_wait3A_165] : memref<2x4x4x8x128xf32, #tpu.memory_space<vmem>> -> memref<1x4x4x8x128xf32, #tpu.memory_space<vmem>>
    %dma_wait3A_167 = tpu.memref_squeeze %dma_wait3A_166 : memref<1x4x4x8x128xf32, #tpu.memory_space<vmem>> -> memref<4x4x8x128xf32, #tpu.memory_space<vmem>>
    tpu.wait_dma2 semaphore(%arg10 : memref<!tpu.dma_semaphore, #tpu.memory_space<semaphore_mem>>) src(%dma_wait3A_167 : memref<4x4x8x128xf32, #tpu.memory_space<vmem>>) dst(%dma_wait3A_161 : memref<4x4x8x128xf32, #tpu.memory_space<hbm>>)
    %mul3A_168 = arith.constant 4 : i32
    %mul3A_169 = arith.muli %add3A, %mul3A_168 : i32
    %dma_wait3A_170 = arith.constant 1 : i32
    %dma_wait3A_171 = arith.constant 49 : i32
    %dma_wait3A_172 = arith.constant 0 : i32
    %dma_wait3A_173 = arith.constant 0 : i32
    %dma_wait3A_174 = arith.constant 0 : i32
    %dma_wait3A_175 = arith.constant 0 : i32
    %dma_wait3A_176 = tpu.memref_slice %arg7[%dma_wait3A_170, %dma_wait3A_172, %dma_wait3A_173, %dma_wait3A_174, %dma_wait3A_175] : memref<2x4x4x8x128xf32, #tpu.memory_space<vmem>> -> memref<1x4x4x8x128xf32, #tpu.memory_space<vmem>>
    %dma_wait3A_177 = tpu.memref_squeeze %dma_wait3A_176 : memref<1x4x4x8x128xf32, #tpu.memory_space<vmem>> -> memref<4x4x8x128xf32, #tpu.memory_space<vmem>>
    %dma_wait3A_178 = arith.constant 0 : i32
    %dma_wait3A_179 = arith.constant 0 : i32
    %dma_wait3A_180 = arith.constant 0 : i32
    %dma_wait3A_181 = tpu.memref_slice %arg4[%dma_wait3A_171, %dma_wait3A_178, %mul3A_169, %dma_wait3A_179, %dma_wait3A_180] : memref<50x4x128x8x128xf32, #tpu.memory_space<hbm>> -> memref<1x4x4x8x128xf32, #tpu.memory_space<hbm>>
    %dma_wait3A_182 = tpu.memref_squeeze %dma_wait3A_181 : memref<1x4x4x8x128xf32, #tpu.memory_space<hbm>> -> memref<4x4x8x128xf32, #tpu.memory_space<hbm>>
    %dma_wait3A_183 = arith.constant 0 : i32
    %dma_wait3A_184 = arith.constant 0 : i32
    %dma_wait3A_185 = arith.constant 0 : i32
    %dma_wait3A_186 = tpu.memref_slice %arg4[%dma_wait3A_171, %dma_wait3A_183, %mul3A_169, %dma_wait3A_184, %dma_wait3A_185] : memref<50x4x128x8x128xf32, #tpu.memory_space<hbm>> -> memref<1x4x4x8x128xf32, #tpu.memory_space<hbm>>
    %dma_wait3A_187 = tpu.memref_squeeze %dma_wait3A_186 : memref<1x4x4x8x128xf32, #tpu.memory_space<hbm>> -> memref<4x4x8x128xf32, #tpu.memory_space<hbm>>
    %dma_wait3A_188 = arith.constant 0 : i32
    %dma_wait3A_189 = arith.constant 0 : i32
    %dma_wait3A_190 = arith.constant 0 : i32
    %dma_wait3A_191 = arith.constant 0 : i32
    %dma_wait3A_192 = tpu.memref_slice %arg7[%dma_wait3A_170, %dma_wait3A_188, %dma_wait3A_189, %dma_wait3A_190, %dma_wait3A_191] : memref<2x4x4x8x128xf32, #tpu.memory_space<vmem>> -> memref<1x4x4x8x128xf32, #tpu.memory_space<vmem>>
    %dma_wait3A_193 = tpu.memref_squeeze %dma_wait3A_192 : memref<1x4x4x8x128xf32, #tpu.memory_space<vmem>> -> memref<4x4x8x128xf32, #tpu.memory_space<vmem>>
    tpu.wait_dma2 semaphore(%arg11 : memref<!tpu.dma_semaphore, #tpu.memory_space<semaphore_mem>>) src(%dma_wait3A_193 : memref<4x4x8x128xf32, #tpu.memory_space<vmem>>) dst(%dma_wait3A_187 : memref<4x4x8x128xf32, #tpu.memory_space<hbm>>)
    return
  }
}

</mosaic_0001>

<sc_bundles>
// kernel: kernel.3.cloned.1.call-start
scs
__scs_entry_jumppad:
0x0: {  	(pc) =	sbr.rel $0x88, $3  }
0x1: {  	(tag) =	ssettag $0x0;
	lr =	simm.s32 $0x1  }
0x2: {  	[smem:$0x3F9F] =	sst lr;
	_ =	strace $0xD0000000  }
0x3: {  	_ = 	snop  }
0x4: {  	_ = 	snop  }
0x5: {  	_ = 	snop  }
0x6: {  	_ = 	snop  }
0x7: {  	_ = 	snop  }
__scs_overlays_trampoline_lowered:
0x8: {  	[smem:$0x3FAE] =	sst s0  }
0x9: {  	[smem:$0x3FAF] =	sst s1  }
0xa: {  	[smem:$0x3FB0] =	sst s2  }
0xb: {  	[smem:$0x3FB1] =	sst s3  }
0xc: {  	[smem:$0x3FB2] =	sst s4  }
0xd: {  	[smem:$0x3FB3] =	sst s5  }
0xe: {  	[smem:$0x3FB4] =	sst s6  }
0xf: {  	[smem:$0x3FB5] =	sst s7  }
0x10: {  	[smem:$0x3FB6] =	sst s8  }
0x11: {  	[smem:$0x3FB7] =	sst s9;
	s0 =	simm.s32 @!p0 $0x0  }
0x12: {  	s1 =	sld [smem:$0x3F9D];
	s0 =	simm.s32 @p0 $0x1  }
0x13: {  	[smem:$0x3FB8] =	sst s0;
	s0 =	simm.s32 @!p1 $0x0  }
0x14: {  	s2 =	sld [smem:$0x3F9C];
	s0 =	simm.s32 @p1 $0x1  }
0x15: {  	[smem:$0x3FB9] =	sst s0;
	s0 =	simm.s32 @!p2 $0x0  }
0x16: {  	s3 =	sld [smem:$0x3FDB];
	s0 =	simm.s32 @p2 $0x1  }
0x17: {  	s4 =	simm.s32 $0x1BF5;
	[smem:$0x3FBB] =	sst s0  }
0x18: {  	s0 =	sld [smem:$0x3F9E];
	_ =	swait.ge [sflag:s4], $0x0  }
0x19: {  	s7 =	sld [smem:$0x3F9F]  }
0x1a: {  	s8 =	sadd.s32 $0xFFFFE003, lr  }
0x1b: {  	s9 =	sadd.s32 $0xFFFFFEF7, lr;
	s5 =	simm.s32 $0xFFFFFFFF;
	p2 =	slt.u32 s8, $0xFFFFF086  }
0x1c: {  	p1 =	slt.u32 s9, $0xF7A;
	s5 =	simm.s32 @!p2 $0x0  }
0x1d: {  	s5 =	simm.s32 @p1 $0x1;
	p0 =	seq.s32 s7, s2  }
0x1e: {  	s7 =	smul.u32 @!p0 $0xF7A, s2;
	p2 =	seq.s32 @!p0 s5, $0x0  }
0x1f: {  	s9 =	smul.u32 $0xF7A, s1;
	s8 =	simm.s32 @!p0 $0x1BF5;
	p2 =	por !p2, p0  }
0x20: {  	[sflag:s8] =	ssyncset.s32 @!p0 $0xFFFFF086;
	s6 =	sadd.s32 @!p0 s3, s7;
	s7 =	simm.s32 @!p0 $0x108  }
0x21: {  	s3 =	sadd.s32 s3, s9;
	s6 =	sadd.s32 @!p0 $0x88, s6;
	s7 =	simm.s32 @p2 $0x1082  }
0x22: {  	[simem:s7], [sflag:s8] =	dma.local @!p0 [hbm:s6], $0xF7A  }
0x23: {  	s9 =	sor.u32 $0xD0000000, s2;
	s6 =	simm.s32 $0x108;
	_ =	swait.ge @!p0 [sflag:s8], $0x0  }
0x24: {  	s3 =	sadd.s32 $0x88, s3;
	s6 =	simm.s32 @!p1 $0x1082;
	[sflag:s4] =	ssyncset.s32 $0xFFFFF086  }
0x25: {  	[simem:s6], [sflag:s4] =	dma.local [hbm:s3], $0xF7A  }
0x26: {  	[smem:$0x3F9F] =	sst s1;
	(tag) =	ssettag s2;
	_ =	strace s9  }
0x27: {  	s1 =	sld [smem:$0x3FAF]  }
0x28: {  	s2 =	sld [smem:$0x3FB0]  }
0x29: {  	s4 =	sld [smem:$0x3FB2]  }
0x2a: {  	p0 =	seq.s32 s5, $0x0;
	s5 =	sld [smem:$0x3FB3]  }
0x2b: {  	s6 =	sld [smem:$0x3FB4]  }
0x2c: {  	s7 =	sld [smem:$0x3FB5]  }
0x2d: {  	s3 =	simm.s32 $0x108;
	s8 =	sld [smem:$0x3FB6]  }
0x2e: {  	s3 =	simm.s32 @!p0 $0x1082;
	s9 =	sld [smem:$0x3FB7]  }
0x2f: {  	lr =	sadd.s32 s0, s3;
	s0 =	sld [smem:$0x3FAE]  }
0x30: {  	s3 =	sld [smem:$0x3FB1]  }
0x31: {  	[smem:$0x3FBA] =	sst s10  }
0x32: {  	s10 =	sld [smem:$0x3FB8];
	_ =	sdelay $0x3  }
0x33: {  	p0 =	seq.s32 s10, $0x1;
	s10 =	sld [smem:$0x3FBA];
	_ =	sdelay $0x3  }
0x34: {  	[smem:$0x3FBA] =	sst s10  }
0x35: {  	s10 =	sld [smem:$0x3FB9];
	_ =	sdelay $0x3  }
0x36: {  	p1 =	seq.s32 s10, $0x1;
	s10 =	sld [smem:$0x3FBA];
	_ =	sdelay $0x3  }
0x37: {  	[smem:$0x3FBA] =	sst s10  }
0x38: {  	s10 =	sld [smem:$0x3FBB]  }
0x39: {  	_ = 	snop;
	(pc) =	sbr.ind lr, $3  }
0x3a: {  	_ = 	snop  }
0x3b: {  	_ = 	snop  }
0x3c: {  	p2 =	seq.s32 s10, $0x1;
	s10 =	sld [smem:$0x3FBA]  }
0x3d: {  	_ =	shalt  }
0x3e: {  	_ =	shalt  }
0x3f: {  	_ =	shalt  }
0x40: {  	_ =	shalt  }
0x41: {  	_ =	shalt  }
0x42: {  	_ =	shalt  }
0x43: {  	_ =	shalt  }
0x44: {  	_ =	shalt  }
0x45: {  	_ =	shalt  }
0x46: {  	_ =	shalt  }
0x47: {  	_ =	shalt  }
0x48: {  	_ =	shalt  }
0x49: {  	_ =	shalt  }
0x4a: {  	_ =	shalt  }
0x4b: {  	_ =	shalt  }
0x4c: {  	_ =	shalt  }
0x4d: {  	_ =	shalt  }
0x4e: {  	_ =	shalt  }
0x4f: {  	_ =	shalt  }
0x50: {  	_ =	shalt  }
0x51: {  	_ =	shalt  }
0x52: {  	_ =	shalt  }
0x53: {  	_ =	shalt  }
0x54: {  	_ =	shalt  }
0x55: {  	_ =	shalt  }
0x56: {  	_ =	shalt  }
0x57: {  	_ =	shalt  }
0x58: {  	_ =	shalt  }
0x59: {  	_ =	shalt  }
0x5a: {  	_ =	shalt  }
0x5b: {  	_ =	shalt  }
0x5c: {  	_ =	shalt  }
0x5d: {  	_ =	shalt  }
0x5e: {  	_ =	shalt  }
0x5f: {  	_ =	shalt  }
0x60: {  	_ =	shalt  }
0x61: {  	_ =	shalt  }
0x62: {  	_ =	shalt  }
0x63: {  	_ =	shalt  }
0x64: {  	_ =	shalt  }
0x65: {  	_ =	shalt  }
0x66: {  	_ =	shalt  }
0x67: {  	_ =	shalt  }
0x68: {  	_ =	shalt  }
0x69: {  	_ =	shalt  }
0x6a: {  	_ =	shalt  }
0x6b: {  	_ =	shalt  }
0x6c: {  	_ =	shalt  }
0x6d: {  	_ =	shalt  }
0x6e: {  	_ =	shalt  }
0x6f: {  	_ =	shalt  }
0x70: {  	_ =	shalt  }
0x71: {  	_ =	shalt  }
0x72: {  	_ =	shalt  }
0x73: {  	_ =	shalt  }
0x74: {  	_ =	shalt  }
0x75: {  	_ =	shalt  }
0x76: {  	_ =	shalt  }
0x77: {  	_ =	shalt  }
0x78: {  	_ =	shalt  }
0x79: {  	_ =	shalt  }
0x7a: {  	_ =	shalt  }
0x7b: {  	_ =	shalt  }
0x7c: {  	_ =	shalt  }
0x7d: {  	_ =	shalt  }
0x7e: {  	_ =	shalt  }
0x7f: {  	_ =	shalt  }
0x80: {  	_ =	shalt  }
0x81: {  	_ =	shalt  }
0x82: {  	_ =	shalt  }
0x83: {  	_ =	shalt  }
0x84: {  	_ =	shalt  }
0x85: {  	_ =	shalt  }
0x86: {  	_ =	shalt  }
0x87: {  	_ =	shalt  }
.Lfunc_end0:
.L_simem_size_0:
called_computation_lowered:
.L_overlay_start_0:
0x88: {  	s2 =	sld [smem:$0x3FD9]  }
0x89: {  	s3 =	sld [smem:$0x3FFE];
	_ =	sdelay $0x1  }
0x8a: {  	s1 =	srdreg.scid  }
0x8b: {  	s0 =	sand.u32 $0x1, s1  }
0x8c: {  	s17 =	sshll.u32 s0, $0xA;
	s2 =	sadd.s32 s3, s2  }
0x8d: {  	s2 =	sadd.s32 s2, s17  }
0x8e: {  	[smem:$0x3FC6] =	sst s2  }
0x8f: {  	_ = 	snop  }
0x90: {  	s2 =	sld [smem:$0x3FD0];
	(tm) =	ssettm $0x1  }
0x91: {  	s18 =	sld [smem:$0x3FFB];
	_ =	sdelay $0x3  }
0x92: {  	_ =	strace s18  }
0x93: {  	s3 =	sld [smem:$0x3FFC];
	_ =	sdelay $0x3  }
0x94: {  	_ =	strace s3  }
0x95: {  	s3 =	sld [smem:$0x3FFD];
	_ =	sdelay $0x3  }
0x96: {  	_ =	strace s3  }
0x97: {  	_ =	strace $0x8FFFFFFF  }
0x98: {  	s19 =	sld [smem:$0x3FDB];
	_ =	sdelay $0x1  }
0x99: {  	s4 =	simm.s32 $_scs_section_size  }
0x9a: {  	s5 =	simm.s32 $_size__tile_overlayer_lowered;
	s6 =	simm.s32 $_tile_overlayer_lowered  }
0x9b: {  	s22 =	simm.s32 $0x1BFF;
	s21 =	sshll.u32 s6, $0x1;
	s3 =	sadd.s32 s4, s19  }
0x9c: {  	s7 =	simm.s32 $0x0;
	s20 =	sshll.u32 s5, $0x1;
	s5 =	sadd.s32 s21, s3  }
0x9d: {  	[timem:s7], [sflag:s22] =	dma.local [hbm:s5], s20  }
0x9e: {  	_ =	swait.ge [sflag:s22], s20  }
0x9f: {  	s4 =	ssub.s32 $0x0, s20;
	[sflag:s22] =	ssyncset.done $0x0  }
0xa0: {  	[sflag:s22] =	ssyncadd.s32 s4;
	_ =	sdelay $0x1  }
0xa1: {  	s23 =	simm.s32 $0x1B8B  }
0xa2: {  	_ =	swait.ge [sflag:s23], $0x1  }
0xa3: {  	[sflag:s23] =	ssyncset.done $0x0  }
0xa4: {  	s25 =	simm.s32 $0x1B8E;
	s24 =	sld [smem:$0x3FFE];
	[sflag:s23] =	ssyncadd.s32 $0xFFFFFFFF  }
0xa5: {  	s26 =	simm.s32 $execute0_lowered;
	[smem:$0x3FD2] =	sst s25  }
0xa6: {  	s5 =	sshll.u32 s26, $0x1;
	_ =	strace $0x80000046;
	[dreg:$0x1] =	wrdreg $0xFFFFFFFF  }
0xa7: {  	s28 =	simm.s32 $_size_execute0_lowered;
	s3 =	sadd.s32 s3, s5;
	[dreg:$0x0] =	wrdreg $0x0  }
0xa8: {  	s5 =	sshll.u32 s28, $0x1;
	[dreg:$0x2] =	wrdreg s3  }
0xa9: {  	[dreg:$0x3] =	wrdreg s5  }
0xaa: {  	[dreg:$0x4] =	wrdreg $0xC0  }
0xab: {  	_ =	task [dreg:s7], $0x5FFFF  }
0xac: {  	[dreg:$0x1] =	wrdreg $0xFFFFFFFF  }
0xad: {  	[dreg:$0x0] =	wrdreg $0x60  }
0xae: {  	[dreg:$0x2] =	wrdreg s24  }
0xaf: {  	[dreg:$0x3] =	wrdreg s2  }
0xb0: {  	[dreg:$0x4] =	wrdreg $0x9  }
0xb1: {  	_ =	task.clear_ibuf [dreg:s7], $0x5FFFF;
	_ =	strace $0x90000046  }
0xb2: {  	s29 =	simm.s32 $0x9;
	_ =	strace $0x80000048  }
0xb3: {  	_ =	swait.ge [sflag:s29], $0x1  }
0xb4: {  	[sflag:s29] =	ssyncadd.s32 $0xFFFFFFFF  }
0xb5: {  	_ =	strace $0x90000048  }
0xb6: {  	_ =	sfence  }
0xb7: {  	s30 =	sld [smem:$0x0];
	_ =	sdelay $0x2  }
0xb8: {  	s31 =	sshll.u32 s1, $0xD;
	s1 =	sshrl.u32 s1, $0x2  }
0xb9: {  	s3 =	sand.u32 $0x4000, s31;
	s1 =	sadd.s32 s1, s30  }
0xba: {  	s0 =	sor.u32 s3, s0;
	s1 =	sshll.u32 s1, $0x11  }
0xbb: {  	s0 =	sor.u32 s1, s0  }
0xbc: {  	s0 =	sadd.s32 $0x8F2B, s0  }
0xbd: {  	[sflag:s0] =	ssyncadd.remote.s32 $0x1  }
0xbe: {  	_ =	sfence.sel $0xFFFF  }
0xbf: {  	[dreg:$0x0] =	wrdreg $0xFFFFFFFF;
	(pc) =	sbr.abs _section_cstart, $3  }
0xc0: {  	[dreg:$0x1] =	wrdreg $0xFFFFFFFF  }
0xc1: {  	_ =	task.clear_ibuf [dreg:s7], $0x2FFFF;
	_ =	strace $0x9FFFFFFF  }
0xc2: {  	(tm) =	ssettm $0x7FFFFFFF  }
0xc3: {  	_ =	shalt  }
tec
execute0_lowered:
.L_overlay_start_1:
0x0: {  	(tag) =	ssettag $0x1  }
0x1: {  	v0 =	vimm.s32 $0x14131211;
	v1 =	vimm.s32 $0x18171615;
	vm0 =	vcmask $0x1F10  }
0x2: {  	v2 =	vimm.s32 $0x1C1B1A19;
	v3 =	vimm.s32 $0x1F1E1D;
	v4 =	vimm.s32 $0x15141312  }
0x3: {  	v5 =	vimm.s32 $0x19181716;
	v6 =	vimm.s32 $0x1D1C1B1A;
	v7 =	vimm.s32 $0x1001F1E  }
0x4: {  	v61 =	vlaneseq.u32;
	v8 =	vimm.s32 $0x138F;
	v9 =	vimm.s32 $0x1A191817  }
0x5: {  	v10 =	vimm.s32 $0x1E1D1C1B;
	v11 =	vimm.s32 $0x201001F;
	v12 =	vimm.s32 $0x3020100  }
0x6: {  	v13 =	vimm.s32 $0x1F1E1D1C;
	v14 =	vimm.s32 $0x17161514;
	v15 =	vimm.s32 $0x1B1A1918  }
0x7: {  	v16 =	vimm.s32 $0x4030201;
	vm11 =	vcmask $0x2F10;
	vm12 =	vcmask $0x3F30  }
0x8: {  	vm13 =	vcmask $0x300;
	v17 =	vimm.s32 $0x330F;
	v18 =	vimm.s32 $0x338F  }
0x9: {  	v19 =	vimm.s32 $0xF;
	v20 =	vimm.s32 $0x8F;
	v21 =	vimm.s32 $0x10F  }
0xa: {  	v22 =	vimm.s32 $0x18F;
	v23 =	vimm.s32 $0x20F;
	v24 =	vimm.s32 $0x28F  }
0xb: {  	v25 =	vimm.s32 $0x30F;
	v26 =	vimm.s32 $0x38F;
	v27 =	vimm.s32 $0x100F  }
0xc: {  	v28 =	vimm.s32 $0x108F;
	v29 =	vimm.s32 $0x110F;
	v30 =	vimm.s32 $0x118F  }
0xd: {  	v31 =	vimm.s32 $0x120F;
	v32 =	vimm.s32 $0x128F;
	v33 =	vimm.s32 $0x130F  }
0xe: {  	vm14 =	vcmask $0x704;
	vm15 =	vcmask $0xB08;
	vm4 =	vcmask $0xF0C  }
0xf: {  	vm5 =	vcmask $0x1310;
	vm6 =	vcmask $0x1714;
	vm7 =	vcmask $0x1B18  }
0x10: {  	vm8 =	vcmask $0x1F1C;
	vm9 =	vcmask $0x2320;
	vm10 =	vcmask $0x2724  }
0x11: {  	v0 =	vunpack.c.0.s8.s32 v0;
	v1 =	vunpack.c.0.s8.s32 v1;
	v2 =	vunpack.c.0.s8.s32 v2  }
0x12: {  	v3 =	vunpack.c.0.s8.s32 v3;
	v4 =	vunpack.c.0.s8.s32 v4;
	v5 =	vunpack.c.0.s8.s32 v5  }
0x13: {  	v6 =	vunpack.c.0.s8.s32 v6;
	v7 =	vunpack.c.0.s8.s32 v7;
	v9 =	vunpack.c.0.s8.s32 v9  }
0x14: {  	v10 =	vunpack.c.0.s8.s32 v10;
	v11 =	vunpack.c.0.s8.s32 v11;
	v12 =	vunpack.c.0.s8.s32 v12  }
0x15: {  	v13 =	vunpack.c.0.s8.s32 v13;
	v14 =	vunpack.c.0.s8.s32 v14;
	v15 =	vunpack.c.0.s8.s32 v15  }
0x16: {  	v16 =	vunpack.c.0.s8.s32 v16;
	v17 =	vsel vm13, $0x1380, v17;
	v18 =	vsel vm13, $0x2000, v18  }
0x17: {  	v19 =	vsel vm13, $0x2080, v19;
	v20 =	vsel vm13, $0x2100, v20;
	v21 =	vsel vm13, $0x2180, v21  }
0x18: {  	v22 =	vsel vm13, $0x2200, v22;
	v23 =	vsel vm13, $0x2280, v23;
	v24 =	vsel vm13, $0x2300, v24  }
0x19: {  	v25 =	vsel vm13, $0x2380, v25;
	v26 =	vsel vm13, $0x3000, v26;
	v27 =	vsel vm13, $0x3080, v27  }
0x1a: {  	v28 =	vsel vm13, $0x3100, v28;
	v29 =	vsel vm13, $0x3180, v29;
	v30 =	vsel vm13, $0x3200, v30  }
0x1b: {  	v31 =	vsel vm13, $0x3280, v31;
	v32 =	vsel vm13, $0x3300, v32;
	v33 =	vsel vm13, $0x3380, v33  }
0x1c: {  	v17 =	vsel vm14, $0x2001, v17;
	v18 =	vsel vm14, $0x2081, v18;
	v19 =	vsel vm14, $0x2101, v19  }
0x1d: {  	v20 =	vsel vm14, $0x2181, v20;
	v21 =	vsel vm14, $0x2201, v21;
	v22 =	vsel vm14, $0x2281, v22  }
0x1e: {  	v23 =	vsel vm14, $0x2301, v23;
	v24 =	vsel vm14, $0x2381, v24;
	v25 =	vsel vm14, $0x3001, v25  }
0x1f: {  	v26 =	vsel vm14, $0x3081, v26;
	v27 =	vsel vm14, $0x3101, v27;
	v28 =	vsel vm14, $0x3181, v28  }
0x20: {  	v29 =	vsel vm14, $0x3201, v29;
	v30 =	vsel vm14, $0x3281, v30;
	v31 =	vsel vm14, $0x3301, v31  }
0x21: {  	v32 =	vsel vm14, $0x3381, v32;
	v33 =	vsel vm14, $0x1, v33;
	v0 =	vsel vm0, v1, v0  }
0x22: {  	v62 =	vsel vm0, v11, v10;
	v17 =	vsel vm15, $0x2082, v17;
	v18 =	vsel vm15, $0x2102, v18  }
0x23: {  	v19 =	vsel vm15, $0x2182, v19;
	v20 =	vsel vm15, $0x2202, v20;
	v21 =	vsel vm15, $0x2282, v21  }
0x24: {  	v22 =	vsel vm15, $0x2302, v22;
	v23 =	vsel vm15, $0x2382, v23;
	v24 =	vsel vm15, $0x3002, v24  }
0x25: {  	v25 =	vsel vm15, $0x3082, v25;
	v26 =	vsel vm15, $0x3102, v26;
	v27 =	vsel vm15, $0x3182, v27  }
0x26: {  	v28 =	vsel vm15, $0x3202, v28;
	v29 =	vsel vm15, $0x3282, v29;
	v30 =	vsel vm15, $0x3302, v30  }
0x27: {  	v31 =	vsel vm15, $0x3382, v31;
	v32 =	vsel vm15, $0x2, v32;
	v33 =	vsel vm15, $0x82, v33  }
0x28: {  	[tilespmem:$0x1FC50] =	vst v0;
	v0 =	vsel vm0, v3, v2;
	v17 =	vsel vm4, $0x2103, v17;
	v18 =	vsel vm4, $0x2183, v18  }
0x29: {  	v19 =	vsel vm4, $0x2203, v19;
	v20 =	vsel vm4, $0x2283, v20;
	v21 =	vsel vm4, $0x2303, v21  }
0x2a: {  	v22 =	vsel vm4, $0x2383, v22;
	v23 =	vsel vm4, $0x3003, v23;
	v24 =	vsel vm4, $0x3083, v24  }
0x2b: {  	v25 =	vsel vm4, $0x3103, v25;
	v26 =	vsel vm4, $0x3183, v26;
	v27 =	vsel vm4, $0x3203, v27  }
0x2c: {  	v28 =	vsel vm4, $0x3283, v28;
	v29 =	vsel vm4, $0x3303, v29;
	v30 =	vsel vm4, $0x3383, v30  }
0x2d: {  	v31 =	vsel vm4, $0x3, v31;
	v32 =	vsel vm4, $0x83, v32;
	v33 =	vsel vm4, $0x103, v33  }
0x2e: {  	[tilespmem:$0x1FC40] =	vst v0;
	v0 =	vsel vm0, v5, v4;
	v4 =	vimm.s32 $0x16151413;
	v17 =	vsel vm5, $0x2184, v17  }
0x2f: {  	v18 =	vsel vm5, $0x2204, v18;
	v19 =	vsel vm5, $0x2284, v19;
	v20 =	vsel vm5, $0x2304, v20  }
0x30: {  	v21 =	vsel vm5, $0x2384, v21;
	v22 =	vsel vm5, $0x3004, v22;
	v23 =	vsel vm5, $0x3084, v23  }
0x31: {  	v24 =	vsel vm5, $0x3104, v24;
	v25 =	vsel vm5, $0x3184, v25;
	v26 =	vsel vm5, $0x3204, v26  }
0x32: {  	v27 =	vsel vm5, $0x3284, v27;
	v28 =	vsel vm5, $0x3304, v28;
	v29 =	vsel vm5, $0x3384, v29  }
0x33: {  	v30 =	vsel vm5, $0x4, v30;
	v31 =	vsel vm5, $0x84, v31;
	v32 =	vsel vm5, $0x104, v32  }
0x34: {  	v33 =	vsel vm5, $0x184, v33;
	[tilespmem:$0x1FC60] =	vst v0;
	v0 =	vsel vm0, v7, v6;
	v4 =	vunpack.c.0.s8.s32 v4  }
0x35: {  	v17 =	vsel vm6, $0x2205, v17;
	v18 =	vsel vm6, $0x2285, v18;
	v19 =	vsel vm6, $0x2305, v19  }
0x36: {  	v20 =	vsel vm6, $0x2385, v20;
	v21 =	vsel vm6, $0x3005, v21;
	v22 =	vsel vm6, $0x3085, v22  }
0x37: {  	v23 =	vsel vm6, $0x3105, v23;
	v24 =	vsel vm6, $0x3185, v24;
	v25 =	vsel vm6, $0x3205, v25  }
0x38: {  	v26 =	vsel vm6, $0x3285, v26;
	v27 =	vsel vm6, $0x3305, v27;
	v28 =	vsel vm6, $0x3385, v28  }
0x39: {  	v29 =	vsel vm6, $0x5, v29;
	v30 =	vsel vm6, $0x85, v30;
	v31 =	vsel vm6, $0x105, v31  }
0x3a: {  	v32 =	vsel vm6, $0x185, v32;
	v33 =	vsel vm6, $0x205, v33;
	v17 =	vsel vm7, $0x2286, v17  }
0x3b: {  	v18 =	vsel vm7, $0x2306, v18;
	v19 =	vsel vm7, $0x2386, v19;
	v20 =	vsel vm7, $0x3006, v20  }
0x3c: {  	v21 =	vsel vm7, $0x3086, v21;
	v22 =	vsel vm7, $0x3106, v22;
	v23 =	vsel vm7, $0x3186, v23  }
0x3d: {  	v24 =	vsel vm7, $0x3206, v24;
	v25 =	vsel vm7, $0x3286, v25;
	v26 =	vsel vm7, $0x3306, v26  }
0x3e: {  	v27 =	vsel vm7, $0x3386, v27;
	v28 =	vsel vm7, $0x6, v28;
	v29 =	vsel vm7, $0x86, v29  }
0x3f: {  	v30 =	vsel vm7, $0x106, v30;
	v31 =	vsel vm7, $0x186, v31;
	v32 =	vsel vm7, $0x206, v32  }
0x40: {  	[tilespmem:$0x1FC70] =	vst v0;
	v33 =	vsel vm7, $0x286, v33;
	v0 =	vsel vm0, v9, v4;
	v4 =	vimm.s32 $0x5040302  }
0x41: {  	v17 =	vsel vm8, $0x2307, v17;
	v18 =	vsel vm8, $0x2387, v18;
	v19 =	vsel vm8, $0x3007, v19  }
0x42: {  	v20 =	vsel vm8, $0x3087, v20;
	v21 =	vsel vm8, $0x3107, v21;
	v22 =	vsel vm8, $0x3187, v22  }
0x43: {  	v23 =	vsel vm8, $0x3207, v23;
	v24 =	vsel vm8, $0x3287, v24;
	v25 =	vsel vm8, $0x3307, v25  }
0x44: {  	v26 =	vsel vm8, $0x3387, v26;
	v27 =	vsel vm8, $0x7, v27;
	v28 =	vsel vm8, $0x87, v28  }
0x45: {  	v29 =	vsel vm8, $0x107, v29;
	v30 =	vsel vm8, $0x187, v30;
	[tilespmem:$0x1FC80] =	vst v0;
	v0 =	vsel vm0, v12, v13  }
0x46: {  	v4 =	vunpack.c.0.s8.s32 v4;
	v12 =	vimm.s32 $0x6050403;
	v17 =	vsel vm9, $0x2388, v17  }
0x47: {  	v18 =	vsel vm9, $0x3008, v18;
	v19 =	vsel vm9, $0x3088, v19;
	v20 =	vsel vm9, $0x3108, v20  }
0x48: {  	v21 =	vsel vm9, $0x3188, v21;
	v22 =	vsel vm9, $0x3208, v22;
	v23 =	vsel vm9, $0x3288, v23  }
0x49: {  	v24 =	vsel vm9, $0x3308, v24;
	v25 =	vsel vm9, $0x3388, v25;
	v26 =	vsel vm9, $0x8, v26  }
0x4a: {  	v27 =	vsel vm9, $0x88, v27;
	v28 =	vsel vm9, $0x108, v28;
	v29 =	vsel vm9, $0x188, v29  }
0x4b: {  	v30 =	vsel vm9, $0x208, v30;
	[tilespmem:$0x1FBB0] =	vst v0;
	v0 =	vsel vm0, v15, v14;
	v14 =	vimm.s32 $0x32107654  }
0x4c: {  	v17 =	vsel vm10, $0x3009, v17;
	v18 =	vsel vm10, $0x3089, v18;
	v19 =	vsel vm10, $0x3109, v19  }
0x4d: {  	v20 =	vsel vm10, $0x3189, v20;
	v21 =	vsel vm10, $0x3209, v21;
	v22 =	vsel vm10, $0x3289, v22  }
0x4e: {  	v23 =	vsel vm10, $0x3309, v23;
	v26 =	vsel vm10, $0x89, v26;
	v27 =	vsel vm10, $0x109, v27  }
0x4f: {  	v28 =	vsel vm10, $0x189, v28;
	v29 =	vsel vm10, $0x209, v29;
	[tilespmem:$0x1FBC0] =	vst v0;
	v0 =	vsel vm0, v16, v3  }
0x50: {  	v30 =	vsel vm10, $0x289, v30;
	v16 =	vimm.s32 $0x328F;
	[tilespmem:$0x1FBD0] =	vst v0;
	v0 =	vsel vm0, v2, v1  }
0x51: {  	v1 =	vunpack.c.0.s8.s32 v12;
	v2 =	vunpack.c.l.s4.s8 v14;
	v12 =	vimm.s32 $0x308F  }
0x52: {  	v14 =	vimm.s32 $0x318F;
	v16 =	vsel vm13, $0x1300, v16;
	[tilespmem:$0x1FBE0] =	vst v0;
	v0 =	vsel vm0, v4, v7  }
0x53: {  	v4 =	vimm.s32 $0x43218765;
	v12 =	vsel vm13, $0x1100, v12;
	v14 =	vsel vm13, $0x1200, v14  }
0x54: {  	v16 =	vsel vm14, $0x1381, v16;
	[tilespmem:$0x1FBF0] =	vst v0;
	v0 =	vsel vm0, v6, v5;
	v5 =	vimm.s32 $0xB0A0908  }
0x55: {  	v6 =	vimm.s32 $0x6543A987;
	v12 =	vsel vm14, $0x1181, v12;
	v14 =	vsel vm14, $0x1281, v14  }
0x56: {  	v16 =	vsel vm15, $0x2002, v16;
	[tilespmem:$0x1FC00] =	vst v0;
	v0 =	vsel vm0, v1, v11;
	v1 =	vunpack.c.0.s8.s32 v2  }
0x57: {  	v2 =	vunpack.c.l.s4.s8 v4;
	v4 =	vimm.s32 $0x54329876;
	v6 =	vunpack.c.l.s4.s8 v6  }
0x58: {  	v5 =	vunpack.c.0.s8.s32 v5;
	v12 =	vsel vm15, $0x1202, v12;
	v14 =	vsel vm15, $0x1302, v14  }
0x59: {  	v16 =	vsel vm4, $0x2083, v16;
	[tilespmem:$0x1FC10] =	vst v0;
	v0 =	vsel vm0, v10, v9;
	v4 =	vunpack.c.l.s4.s8 v4  }
0x5a: {  	v9 =	vimm.s32 $0xE0D0C0B;
	v10 =	vimm.s32 $0x238F;
	v12 =	vsel vm4, $0x1283, v12  }
0x5b: {  	v14 =	vsel vm4, $0x1383, v14;
	v16 =	vsel vm5, $0x2104, v16;
	[tilespmem:$0x1FC20] =	vst v0;
	v0 =	vsel vm0, v13, v15  }
0x5c: {  	v1 =	vand.u32 $0xF, v1;
	v2 =	vunpack.c.0.s8.s32 v2;
	v6 =	vunpack.c.0.s8.s32 v6  }
0x5d: {  	v9 =	vunpack.c.0.s8.s32 v9;
	v10 =	vsel vm13, $0x1000, v10;
	v15 =	vimm.s32 $0x320F  }
0x5e: {  	v12 =	vsel vm5, $0x1304, v12;
	v14 =	vsel vm5, $0x2004, v14;
	v16 =	vsel vm6, $0x2185, v16  }
0x5f: {  	v4 =	vunpack.c.0.s8.s32 v4;
	v1 =	vsel vm11, v1, v13;
	v13 =	vimm.s32 $0x310F  }
0x60: {  	v15 =	vsel vm13, $0x1280, v15;
	v10 =	vsel vm14, $0x1081, v10;
	v12 =	vsel vm6, $0x1385, v12  }
0x61: {  	v14 =	vsel vm6, $0x2085, v14;
	v16 =	vsel vm7, $0x2206, v16;
	v2 =	vand.u32 $0xF, v2  }
0x62: {  	[tilespmem:$0x1FC30] =	vst v0;
	v6 =	vand.u32 $0xF, v6;
	v0 =	vsel vm12, v5, v1;
	v1 =	vimm.s32 $0x200F  }
0x63: {  	v5 =	vimm.s32 $0x210F;
	v13 =	vsel vm13, $0x1180, v13;
	v15 =	vsel vm14, $0x1301, v15  }
0x64: {  	v10 =	vsel vm15, $0x1102, v10;
	v12 =	vsel vm7, $0x2006, v12;
	v14 =	vsel vm7, $0x2106, v14  }
0x65: {  	v16 =	vsel vm8, $0x2287, v16;
	v2 =	vsel vm11, v2, v3;
	v3 =	vimm.s32 $0xC0B0A09  }
0x66: {  	v4 =	vand.u32 $0xF, v4;
	v6 =	vsel vm11, v6, v11;
	v1 =	vsel vm13, $0x80, v1  }
0x67: {  	v5 =	vsel vm13, $0x180, v5;
	v11 =	vimm.s32 $0x300F;
	v13 =	vsel vm14, $0x1201, v13  }
0x68: {  	v15 =	vsel vm15, $0x1382, v15;
	v10 =	vsel vm4, $0x1183, v10;
	v12 =	vsel vm8, $0x2087, v12  }
0x69: {  	v14 =	vsel vm8, $0x2187, v14;
	v16 =	vsel vm9, $0x2308, v16;
	v3 =	vunpack.c.0.s8.s32 v3  }
0x6a: {  	v4 =	vsel vm11, v4, v7;
	v7 =	vimm.s32 $0xD0C0B0A;
	v11 =	vsel vm13, $0x1080, v11  }
0x6b: {  	v1 =	vsel vm14, $0x101, v1;
	v5 =	vsel vm14, $0x201, v5;
	v13 =	vsel vm15, $0x1282, v13  }
0x6c: {  	v15 =	vsel vm4, $0x2003, v15;
	v10 =	vsel vm5, $0x1204, v10;
	v12 =	vsel vm9, $0x2108, v12  }
0x6d: {  	v14 =	vsel vm9, $0x2208, v14;
	v16 =	vsel vm10, $0x2389, v16;
	vm11 =	vcmask $0x2B28  }
0x6e: {  	v7 =	vunpack.c.0.s8.s32 v7;
	v11 =	vsel vm14, $0x1101, v11;
	v1 =	vsel vm15, $0x182, v1  }
0x6f: {  	v5 =	vsel vm15, $0x282, v5;
	v13 =	vsel vm4, $0x1303, v13;
	v15 =	vsel vm5, $0x2084, v15  }
0x70: {  	v10 =	vsel vm6, $0x1285, v10;
	v12 =	vsel vm10, $0x2189, v12;
	v14 =	vsel vm10, $0x2289, v14  }
0x71: {  	v16 =	vsel vm11, $0x300A, v16;
	v17 =	vsel vm11, $0x308A, v17;
	v18 =	vsel vm11, $0x310A, v18  }
0x72: {  	v19 =	vsel vm11, $0x318A, v19;
	v20 =	vsel vm11, $0x320A, v20;
	v21 =	vsel vm11, $0x328A, v21  }
0x73: {  	v22 =	vsel vm11, $0x330A, v22;
	v23 =	vsel vm11, $0x338A, v23;
	v26 =	vsel vm11, $0x10A, v26  }
0x74: {  	v27 =	vsel vm11, $0x18A, v27;
	v28 =	vsel vm11, $0x20A, v28;
	v29 =	vsel vm11, $0x28A, v29  }
0x75: {  	[tilespmem:$0x1FB50] =	vst v0;
	v30 =	vsel vm11, $0x30A, v30;
	v0 =	vsel vm12, v3, v2;
	v2 =	vsel vm13, $0x0, v8  }
0x76: {  	v3 =	vimm.s32 $0x208F;
	v8 =	vimm.s32 $0x228F;
	v11 =	vsel vm15, $0x1182, v11  }
0x77: {  	v1 =	vsel vm4, $0x203, v1;
	v5 =	vsel vm4, $0x303, v5;
	v13 =	vsel vm5, $0x1384, v13  }
0x78: {  	v15 =	vsel vm6, $0x2105, v15;
	v10 =	vsel vm7, $0x1306, v10;
	v12 =	vsel vm11, $0x220A, v12  }
0x79: {  	v14 =	vsel vm11, $0x230A, v14;
	[tilespmem:$0x1FB60] =	vst v0;
	v4 =	vsel vm12, v7, v4;
	v0 =	vsel vm12, v9, v6  }
0x7a: {  	v3 =	vsel vm13, $0x100, v3;
	v6 =	vimm.s32 $0x218F;
	v7 =	vimm.s32 $0x220F  }
0x7b: {  	v9 =	vimm.s32 $0x230F;
	v8 =	vsel vm13, $0x300, v8;
	v2 =	vsel vm14, $0x81, v2  }
0x7c: {  	v11 =	vsel vm4, $0x1203, v11;
	v1 =	vsel vm5, $0x284, v1;
	v5 =	vsel vm5, $0x384, v5  }
0x7d: {  	v13 =	vsel vm6, $0x2005, v13;
	v15 =	vsel vm7, $0x2186, v15;
	v10 =	vsel vm8, $0x1387, v10  }
0x7e: {  	vm12 =	vcmask $0x2F2C;
	v6 =	vsel vm13, $0x200, v6;
	v7 =	vsel vm13, $0x280, v7  }
0x7f: {  	v9 =	vsel vm13, $0x380, v9;
	v3 =	vsel vm14, $0x181, v3;
	v8 =	vsel vm14, $0x381, v8  }
0x80: {  	v2 =	vsel vm15, $0x102, v2;
	v11 =	vsel vm5, $0x1284, v11;
	v1 =	vsel vm6, $0x305, v1  }
0x81: {  	v5 =	vsel vm6, $0x1005, v5;
	v13 =	vsel vm7, $0x2086, v13;
	v15 =	vsel vm8, $0x2207, v15  }
0x82: {  	v10 =	vsel vm9, $0x2008, v10;
	v12 =	vsel vm12, $0x228B, v12;
	v14 =	vsel vm12, $0x238B, v14  }
0x83: {  	v16 =	vsel vm12, $0x308B, v16;
	v17 =	vsel vm12, $0x310B, v17;
	v18 =	vsel vm12, $0x318B, v18  }
0x84: {  	v19 =	vsel vm12, $0x320B, v19;
	v20 =	vsel vm12, $0x328B, v20;
	v21 =	vsel vm12, $0x330B, v21  }
0x85: {  	v22 =	vsel vm12, $0x338B, v22;
	v23 =	vsel vm12, $0xB, v23;
	v26 =	vsel vm12, $0x18B, v26  }
0x86: {  	v27 =	vsel vm12, $0x20B, v27;
	v28 =	vsel vm12, $0x28B, v28;
	v29 =	vsel vm12, $0x30B, v29  }
0x87: {  	v30 =	vsel vm12, $0x38B, v30;
	vm13 =	vcmask $0x3330;
	v6 =	vsel vm14, $0x281, v6  }
0x88: {  	v7 =	vsel vm14, $0x301, v7;
	v9 =	vsel vm14, $0x1001, v9;
	v3 =	vsel vm15, $0x202, v3  }
0x89: {  	v8 =	vsel vm15, $0x1002, v8;
	v2 =	vsel vm4, $0x183, v2;
	v11 =	vsel vm6, $0x1305, v11  }
0x8a: {  	v1 =	vsel vm7, $0x386, v1;
	v5 =	vsel vm7, $0x1086, v5;
	v13 =	vsel vm8, $0x2107, v13  }
0x8b: {  	v15 =	vsel vm9, $0x2288, v15;
	v10 =	vsel vm10, $0x2089, v10;
	v12 =	vsel vm13, $0x230C, v12  }
0x8c: {  	v14 =	vsel vm13, $0x300C, v14;
	v16 =	vsel vm13, $0x310C, v16;
	v21 =	vsel vm13, $0x338C, v21  }
0x8d: {  	v22 =	vsel vm13, $0xC, v22;
	v23 =	vsel vm13, $0x8C, v23;
	v26 =	vsel vm13, $0x20C, v26  }
0x8e: {  	v27 =	vsel vm13, $0x28C, v27;
	v28 =	vsel vm13, $0x30C, v28;
	v29 =	vsel vm13, $0x38C, v29  }
0x8f: {  	v30 =	vsel vm13, $0x100C, v30;
	vm14 =	vcmask $0x3734;
	v6 =	vsel vm15, $0x302, v6  }
0x90: {  	v7 =	vsel vm15, $0x382, v7;
	v9 =	vsel vm15, $0x1082, v9;
	v3 =	vsel vm4, $0x283, v3  }
0x91: {  	v8 =	vsel vm4, $0x1083, v8;
	v2 =	vsel vm5, $0x204, v2;
	v11 =	vsel vm7, $0x1386, v11  }
0x92: {  	v1 =	vsel vm8, $0x1007, v1;
	v5 =	vsel vm8, $0x1107, v5;
	v13 =	vsel vm9, $0x2188, v13  }
0x93: {  	v15 =	vsel vm10, $0x2309, v15;
	v10 =	vsel vm11, $0x210A, v10;
	v41 =	vsel vm14, $0x238D, v12  }
0x94: {  	v43 =	vsel vm14, $0x308D, v14;
	v48 =	vsel vm14, $0x8D, v22;
	v49 =	vsel vm14, $0x10D, v23  }
0x95: {  	v52 =	vsel vm14, $0x28D, v26;
	v53 =	vsel vm14, $0x30D, v27;
	v54 =	vsel vm14, $0x38D, v28  }
0x96: {  	v55 =	vsel vm14, $0x100D, v29;
	v56 =	vsel vm14, $0x108D, v30;
	vm15 =	vcmask $0x3B38  }
0x97: {  	v6 =	vsel vm4, $0x383, v6;
	v7 =	vsel vm4, $0x1003, v7;
	v9 =	vsel vm4, $0x1103, v9  }
0x98: {  	v3 =	vsel vm5, $0x304, v3;
	v8 =	vsel vm5, $0x1104, v8;
	v2 =	vsel vm6, $0x285, v2  }
0x99: {  	v11 =	vsel vm8, $0x2007, v11;
	v1 =	vsel vm9, $0x1088, v1;
	v5 =	vsel vm9, $0x1188, v5  }
0x9a: {  	v13 =	vsel vm10, $0x2209, v13;
	v15 =	vsel vm11, $0x238A, v15;
	v10 =	vsel vm12, $0x218B, v10  }
0x9b: {  	v30 =	vsel vm15, $0x30E, v52;
	v6 =	vsel vm5, $0x1004, v6;
	v7 =	vsel vm5, $0x1084, v7  }
0x9c: {  	v9 =	vsel vm5, $0x1184, v9;
	v3 =	vsel vm6, $0x385, v3;
	v8 =	vsel vm6, $0x1185, v8  }
0x9d: {  	v2 =	vsel vm7, $0x306, v2;
	v11 =	vsel vm9, $0x2088, v11;
	v1 =	vsel vm10, $0x1109, v1  }
0x9e: {  	v5 =	vsel vm10, $0x1209, v5;
	v13 =	vsel vm11, $0x228A, v13;
	v15 =	vsel vm12, $0x300B, v15  }
0x9f: {  	v10 =	vsel vm13, $0x220C, v10;
	v6 =	vsel vm6, $0x1085, v6;
	v7 =	vsel vm6, $0x1105, v7  }
0xa0: {  	v9 =	vsel vm6, $0x1205, v9;
	v3 =	vsel vm7, $0x1006, v3;
	v8 =	vsel vm7, $0x1206, v8  }
0xa1: {  	v2 =	vsel vm8, $0x387, v2;
	v11 =	vsel vm10, $0x2109, v11;
	v1 =	vsel vm11, $0x118A, v1  }
0xa2: {  	v5 =	vsel vm11, $0x128A, v5;
	v13 =	vsel vm12, $0x230B, v13;
	v8 =	vsel vm8, $0x1287, v8  }
0xa3: {  	v39 =	vsel vm14, $0x228D, v10;
	v6 =	vsel vm7, $0x1106, v6;
	v8 =	vsel vm9, $0x1308, v8  }
0xa4: {  	v7 =	vsel vm7, $0x1186, v7;
	v9 =	vsel vm7, $0x1286, v9;
	v8 =	vsel vm10, $0x1389, v8  }
0xa5: {  	v3 =	vsel vm8, $0x1087, v3;
	v2 =	vsel vm9, $0x1008, v2;
	v8 =	vsel vm11, $0x200A, v8  }
0xa6: {  	v11 =	vsel vm11, $0x218A, v11;
	v1 =	vsel vm12, $0x120B, v1;
	v8 =	vsel vm12, $0x208B, v8  }
0xa7: {  	v5 =	vsel vm12, $0x130B, v5;
	v13 =	vsel vm13, $0x238C, v13;
	v8 =	vsel vm13, $0x210C, v8  }
0xa8: {  	v6 =	vsel vm8, $0x1187, v6;
	v7 =	vsel vm8, $0x1207, v7;
	v9 =	vsel vm8, $0x1307, v9  }
0xa9: {  	v3 =	vsel vm9, $0x1108, v3;
	v2 =	vsel vm10, $0x1089, v2;
	v11 =	vsel vm12, $0x220B, v11  }
0xaa: {  	v1 =	vsel vm13, $0x128C, v1;
	v37 =	vsel vm14, $0x218D, v8;
	v8 =	vmovc v0;
	v0 =	vsel vm14, $0xD, v21  }
0xab: {  	v5 =	vsel vm13, $0x138C, v5;
	v28 =	vsel vm15, $0x8E, v0;
	v0 =	vsel vm15, $0x10E, v48  }
0xac: {  	v42 =	vsel vm14, $0x300D, v13;
	v6 =	vsel vm9, $0x1208, v6;
	[tilespmem:$0x1FB70] =	vst v0;
	v0 =	vsel vm15, $0x18E, v49  }
0xad: {  	v7 =	vsel vm9, $0x1288, v7;
	v1 =	vsel vm14, $0x130D, v1;
	[tilespmem:$0x1FB80] =	vst v0;
	v0 =	vsel vm15, $0x38E, v53  }
0xae: {  	v9 =	vsel vm9, $0x1388, v9;
	v10 =	vsel vm15, $0x138E, v1;
	v1 =	vld [tilespmem:$0x1FBC0];
	[tilespmem:$0x1FB90] =	vst v0;
	v0 =	vsel vm15, $0x108E, v55  }
0xaf: {  	v3 =	vsel vm10, $0x1189, v3;
	v2 =	vsel vm11, $0x110A, v2;
	v6 =	vsel vm10, $0x1289, v6;
	[tilespmem:$0x1FBA0] =	vst v0;
	v0 =	vld [tilespmem:$0x1FBB0]  }
0xb0: {  	v11 =	vsel vm13, $0x228C, v11;
	v2 =	vsel vm12, $0x118B, v2;
	v6 =	vsel vm11, $0x130A, v6  }
0xb1: {  	s3 =	stileid.u32;
	v34 =	vsel vm14, $0x200D, v5;
	v2 =	vsel vm13, $0x120C, v2;
	v6 =	vsel vm12, $0x138B, v6  }
0xb2: {  	s0 =	rddreg [dreg:$0x0];
	s4 =	sshll.u32 s3, $0x1;
	s3 =	simm.s32 $0x0;
	v3 =	vsel vm11, $0x120A, v3;
	v2 =	vsel vm14, $0x128D, v2;
	v6 =	vsel vm13, $0x200C, v6  }
0xb3: {  	[smem:$0x7FF] =	sst s3;
	v3 =	vsel vm12, $0x128B, v3;
	v35 =	vsel vm14, $0x208D, v6;
	v6 =	vsel vm15, $0x130E, v2;
	v2 =	vld [tilespmem:$0x1FBE0]  }
0xb4: {  	s2 =	rddreg [dreg:$0x1];
	v7 =	vsel vm10, $0x1309, v7;
	v3 =	vsel vm13, $0x130C, v3;
	v52 =	vcombine.low v1, v0;
	v1 =	vld [tilespmem:$0x1FBD0];
	_ =	strace $0x80000047;
	[tilespmem:$0x1FC90] =	vst v4  }
0xb5: {  	v9 =	vsel vm10, $0x2009, v9;
	v7 =	vsel vm11, $0x138A, v7;
	v3 =	vsel vm14, $0x138D, v3;
	[tilespmem:$0x1FCA0] =	vst v8  }
0xb6: {  	v40 =	vsel vm14, $0x230D, v11;
	v7 =	vsel vm12, $0x200B, v7;
	v11 =	vsel vm15, $0x200E, v3;
	[tilespmem:$0x1FCB0] =	vst v10  }
0xb7: {  	v12 =	vsel vm15, $0x208E, v34;
	v9 =	vsel vm11, $0x208A, v9;
	v7 =	vsel vm13, $0x208C, v7;
	[tilespmem:$0x1FCC0] =	vst v11  }
0xb8: {  	v9 =	vsel vm12, $0x210B, v9;
	v36 =	vsel vm14, $0x210D, v7;
	v13 =	vsel vm15, $0x210E, v35;
	[tilespmem:$0x1FCD0] =	vst v12  }
0xb9: {  	v15 =	vsel vm13, $0x308C, v15;
	v9 =	vsel vm13, $0x218C, v9;
	v14 =	vsel vm15, $0x218E, v36;
	[tilespmem:$0x1FCE0] =	vst v13  }
0xba: {  	v44 =	vsel vm14, $0x310D, v15;
	v38 =	vsel vm14, $0x220D, v9;
	v15 =	vsel vm15, $0x220E, v37;
	[tilespmem:$0x1FCF0] =	vst v14  }
0xbb: {  	v17 =	vsel vm13, $0x318C, v17;
	v45 =	vsel vm14, $0x318D, v16;
	v16 =	vsel vm15, $0x228E, v38;
	[tilespmem:$0x1FD00] =	vst v15  }
0xbc: {  	v18 =	vsel vm13, $0x320C, v18;
	v46 =	vsel vm14, $0x320D, v17;
	v17 =	vsel vm15, $0x230E, v39;
	[tilespmem:$0x1FD10] =	vst v16  }
0xbd: {  	v19 =	vsel vm13, $0x328C, v19;
	v47 =	vsel vm14, $0x328D, v18;
	v18 =	vsel vm15, $0x238E, v40;
	[tilespmem:$0x1FD20] =	vst v17  }
0xbe: {  	v20 =	vsel vm13, $0x330C, v20;
	v60 =	vsel vm14, $0x330D, v19;
	v19 =	vsel vm15, $0x300E, v41;
	[tilespmem:$0x1FD30] =	vst v18  }
0xbf: {  	v24 =	vsel vm10, $0x3389, v24;
	v63 =	vsel vm14, $0x338D, v20;
	v20 =	vsel vm15, $0x308E, v42;
	[tilespmem:$0x1FD40] =	vst v19  }
0xc0: {  	v25 =	vsel vm10, $0x9, v25;
	v24 =	vsel vm11, $0xA, v24;
	v21 =	vsel vm15, $0x310E, v43;
	[tilespmem:$0x1FD50] =	vst v20  }
0xc1: {  	v25 =	vsel vm11, $0x8A, v25;
	v24 =	vsel vm12, $0x8B, v24;
	v22 =	vsel vm15, $0x318E, v44;
	[tilespmem:$0x1FD60] =	vst v21  }
0xc2: {  	v25 =	vsel vm12, $0x10B, v25;
	v24 =	vsel vm13, $0x10C, v24;
	v23 =	vsel vm15, $0x320E, v45;
	[tilespmem:$0x1FD70] =	vst v22  }
0xc3: {  	v25 =	vsel vm13, $0x18C, v25;
	v50 =	vsel vm14, $0x18D, v24;
	v24 =	vsel vm15, $0x328E, v46;
	[tilespmem:$0x1FD80] =	vst v23  }
0xc4: {  	v31 =	vsel vm8, $0x207, v31;
	v51 =	vsel vm14, $0x20D, v25;
	v25 =	vsel vm15, $0x330E, v47;
	[tilespmem:$0x1FD90] =	vst v24;
	v3 =	vld [tilespmem:$0x1FC00]  }
0xc5: {  	v32 =	vsel vm8, $0x287, v32;
	v26 =	vsel vm15, $0x338E, v60;
	[tilespmem:$0x1FDA0] =	vst v25;
	v53 =	vcombine.low v2, v1;
	v2 =	vld [tilespmem:$0x1FBF0]  }
0xc6: {  	v33 =	vsel vm8, $0x307, v33;
	v31 =	vsel vm9, $0x288, v31;
	v27 =	vsel vm15, $0xE, v63;
	[tilespmem:$0x1FDB0] =	vst v26  }
0xc7: {  	v32 =	vsel vm9, $0x308, v32;
	v33 =	vsel vm9, $0x388, v33;
	v31 =	vsel vm10, $0x309, v31;
	[tilespmem:$0x1FDC0] =	vst v27  }
0xc8: {  	v32 =	vsel vm10, $0x389, v32;
	v33 =	vsel vm10, $0x1009, v33;
	v29 =	vsel vm15, $0x20E, v50;
	[tilespmem:$0x1FDD0] =	vst v28  }
0xc9: {  	v31 =	vsel vm11, $0x38A, v31;
	v32 =	vsel vm11, $0x100A, v32;
	v33 =	vsel vm11, $0x108A, v33;
	[tilespmem:$0x1FDE0] =	vst v29;
	v5 =	vld [tilespmem:$0x1FC20]  }
0xca: {  	v33 =	vsel vm12, $0x110B, v33;
	v34 =	vsel vm15, $0x100E, v54;
	[tilespmem:$0x1FDF0] =	vst v30;
	v54 =	vcombine.low v3, v2;
	v3 =	vld [tilespmem:$0x1FC10]  }
0xcb: {  	v31 =	vsel vm12, $0x100B, v31;
	v32 =	vsel vm12, $0x108B, v32;
	v33 =	vsel vm13, $0x118C, v33;
	[tilespmem:$0x1FE00] =	vst v6  }
0xcc: {  	v31 =	vsel vm13, $0x108C, v31;
	v59 =	vsel vm14, $0x120D, v33;
	v35 =	vsel vm15, $0x110E, v56;
	[tilespmem:$0x1FE10] =	vst v34  }
0xcd: {  	v32 =	vsel vm13, $0x110C, v32;
	v57 =	vsel vm14, $0x110D, v31;
	v31 =	vsel vm15, $0x128E, v59;
	[tilespmem:$0x1FE20] =	vst v35  }
0xce: {  	v58 =	vsel vm14, $0x118D, v32;
	v42 =	vmul.u32 $0x20, v61;
	v36 =	vsel vm15, $0x118E, v57;
	[tilespmem:$0x1FE30] =	vst v31  }
0xcf: {  	v40 =	vsel vm15, $0x120E, v58;
	v0 =	vimm.s32 $0x76543210;
	[tilespmem:$0x1FE40] =	vst v36;
	v56 =	vcombine.low v5, v3;
	v5 =	vld [tilespmem:$0x1FC30]  }
0xd0: {  	[tilespmem:$0x1FE50] =	vst v40;
	v0 =	vunpack.c.l.s4.s8 v0  }
0xd1: {  	v45 =	vadd.s32 $0x2, v61;
	v47 =	vadd.s32 $0x3, v61;
	[tilespmem:$0x1FE60] =	vst v42;
	v2 =	vimm.s32 $0x98765432  }
0xd2: {  	v44 =	vadd.s32 $0x1, v61;
	[tilespmem:$0x1FE70] =	vst v45;
	v0 =	vunpack.c.0.s8.s32 v0;
	v2 =	vunpack.c.l.s4.s8 v2  }
0xd3: {  	v46 =	vadd.s32 $0x4, v61;
	[tilespmem:$0x1FE80] =	vst v44;
	v1 =	vimm.s32 $0x87654321;
	v3 =	vimm.s32 $0xA9876543  }
0xd4: {  	[tilespmem:$0x1FE90] =	vst v47;
	v57 =	vcombine.low v5, v0;
	v0 =	vunpack.c.0.s8.s32 v2;
	v2 =	vunpack.c.l.s4.s8 v3;
	v3 =	vld [tilespmem:$0x1FC40]  }
0xd5: {  	v48 =	vadd.s32 $0x6, v61;
	[tilespmem:$0x1FEA0] =	vst v46;
	v1 =	vunpack.c.l.s4.s8 v1;
	v5 =	vld [tilespmem:$0x1FC50]  }
0xd6: {  	v49 =	vadd.s32 $0x5, v61;
	[tilespmem:$0x1FEB0] =	vst v48  }
0xd7: {  	v37 =	vadd.s32 $0x8, v61;
	[tilespmem:$0x1FEC0] =	vst v49;
	v1 =	vunpack.c.0.s8.s32 v1  }
0xd8: {  	v50 =	vadd.s32 $0x7, v61;
	[tilespmem:$0x1FED0] =	vst v37  }
0xd9: {  	v33 =	vadd.s32 $0x9, v61;
	v32 =	vsel vm15, $0x28E, v51;
	[tilespmem:$0x1FEE0] =	vst v50;
	v1 =	vand.u32 $0xF, v1  }
0xda: {  	v51 =	vadd.s32 $0xA, v61;
	[tilespmem:$0x1FEF0] =	vst v33;
	v58 =	vcombine.low v5, v3;
	v60 =	vcombine.low v3, v1;
	v3 =	vld [tilespmem:$0x1FC60]  }
0xdb: {  	v55 =	vadd.s32 $0xB, v61;
	[tilespmem:$0x1FF00] =	vst v51;
	v5 =	vld [tilespmem:$0x1FC70]  }
0xdc: {  	v59 =	vadd.s32 $0xC, v61;
	[tilespmem:$0x1FF40] =	vst v55  }
0xdd: {  	[tilespmem:$0x1FF80] =	vst v59  }
0xde: {  	[tilespmem:$0x1FF10] =	vst v52  }
0xdf: {  	[tilespmem:$0x1FF20] =	vst v53;
	v0 =	vand.u32 $0xF, v0  }
0xe0: {  	[tilespmem:$0x1FF30] =	vst v54;
	v63 =	vcombine.low v3, v5;
	v3 =	vcombine.low v5, v0;
	v0 =	vld [tilespmem:$0x1FC80]  }
0xe1: {  	s1 =	srdreg.scid;
	s11 =	simm.s32 $0x200;
	[tilespmem:$0x1FF50] =	vst v56  }
0xe2: {  	s13 =	simm.s32 $0x5;
	s14 =	simm.s32 $0x6400;
	s15 =	simm.s32 $0xA400;
	[tilespmem:$0x1FF60] =	vst v57  }
0xe3: {  	s16 =	simm.s32 $0x1;
	s17 =	simm.s32 $0xE400;
	s18 =	simm.s32 $0x1000;
	v1 =	vunpack.c.0.s8.s32 v2;
	v2 =	vlaneseq.u32;
	[tilespmem:$0x1FF70] =	vst v58  }
0xe4: {  	s19 =	simm.s32 $0x20000;
	s21 =	simm.s32 $0x2;
	s22 =	simm.s32 $0x12400;
	v61 =	vadd.s32 $0xD, v2;
	[tilespmem:$0x1FF90] =	vst v60  }
0xe5: {  	s24 =	simm.s32 $0x3;
	s25 =	simm.s32 $0x4;
	s1 =	sand.u32 $0x1, s1;
	v38 =	vadd.s32 $0xE, v2;
	[tilespmem:$0x1FFA0] =	vst v61;
	v5 =	vcombine.low v0, v62;
	v0 =	vand.u32 $0xF, v1  }
.Ltmp0:
0xe6: {  	s26 =	simm.s32 $0x0;
	s5 =	sor.u32 s1, s4;
	[tilespmem:$0x1FFE0] =	vst v38;
	(pc) =	sbr.rel .LBB2_1-.Ltmp0, $4  }
0xe7: {  	s8 =	sadd.s32 $0x10000, s2;
	s1 =	ssub.s32 $0x2, s1;
	s4 =	sshll.u32 s5, $0x6;
	[tilespmem:$0x1FFB0] =	vst v3  }
0xe8: {  	s7 =	sshrl.u32 s1, $0x1;
	s5 =	sshll.u32 s5, $0x9;
	s6 =	sadd.s32 s4, s0;
	[tilespmem:$0x1FFC0] =	vst v63;
	v39 =	vcombine.low v62, v0;
	v0 =	vmov v5  }
0xe9: {  	s4 =	sadd.s32 $0xF42A00, s0;
	s31 =	ssub.s32 s1, s7;
	s7 =	sadd.s32 s2, s5;
	v5 =	vadd.s32 $0xF, v2;
	[tilespmem:$0x1FFD0] =	vst v0  }
0xea: {  	s9 =	sadd.s32 s5, s8;
	s6 =	sadd.s32 $0x600, s6;
	s10 =	smax.u32 s31, $0x1;
	v43 =	vor.u32 $0x10, v2;
	v62 =	vmov v3;
	[tilespmem:$0x1FFF0] =	vst v5  }
.LBB2_12:
0xeb: {  	_ =	swait.ge [sflag:s24], $0x4000  }
0xec: {  	[sflag:s24] =	ssyncset.done $0x0  }
0xed: {  	[sflag:s24] =	ssyncadd.s32 $0xFFFFC000  }
0xee: {  	_ =	swait.ge [sflag:s25], $0x4000  }
0xef: {  	v4 =	vld [tilespmem:$0x1FC90]  }
0xf0: {  	v6 =	vld [tilespmem:$0x1FE00]  }
0xf1: {  	v11 =	vld [tilespmem:$0x1FCC0]  }
0xf2: {  	v13 =	vld [tilespmem:$0x1FCE0]  }
0xf3: {  	v15 =	vld [tilespmem:$0x1FD00]  }
0xf4: {  	v17 =	vld [tilespmem:$0x1FD20]  }
0xf5: {  	v19 =	vld [tilespmem:$0x1FD40]  }
0xf6: {  	v12 =	vmov v21;
	v21 =	vld [tilespmem:$0x1FD60]  }
0xf7: {  	v14 =	vmov v23;
	v23 =	vld [tilespmem:$0x1FD80]  }
0xf8: {  	v16 =	vmov v25;
	v25 =	vld [tilespmem:$0x1FDA0]  }
0xf9: {  	v18 =	vmov v27;
	v27 =	vld [tilespmem:$0x1FDC0]  }
0xfa: {  	v20 =	vmov v29;
	v29 =	vld [tilespmem:$0x1FDE0]  }
0xfb: {  	v22 =	vmov v34;
	v34 =	vld [tilespmem:$0x1FE10]  }
0xfc: {  	v31 =	vld [tilespmem:$0x1FE30]  }
0xfd: {  	v36 =	vld [tilespmem:$0x1FE40]  }
0xfe: {  	v42 =	vld [tilespmem:$0x1FE60]  }
0xff: {  	v45 =	vld [tilespmem:$0x1FE70]  }
0x100: {  	v44 =	vld [tilespmem:$0x1FE80]  }
0x101: {  	v47 =	vld [tilespmem:$0x1FE90]  }
0x102: {  	v46 =	vld [tilespmem:$0x1FEA0]  }
0x103: {  	v48 =	vld [tilespmem:$0x1FEB0]  }
0x104: {  	v49 =	vld [tilespmem:$0x1FEC0]  }
0x105: {  	v24 =	vmov v37;
	v37 =	vld [tilespmem:$0x1FED0]  }
0x106: {  	v50 =	vld [tilespmem:$0x1FEE0]  }
0x107: {  	v33 =	vld [tilespmem:$0x1FEF0]  }
0x108: {  	v51 =	vld [tilespmem:$0x1FF00]  }
0x109: {  	v52 =	vld [tilespmem:$0x1FF10]  }
0x10a: {  	v53 =	vld [tilespmem:$0x1FF20]  }
0x10b: {  	v54 =	vld [tilespmem:$0x1FF30]  }
0x10c: {  	v55 =	vld [tilespmem:$0x1FF40]  }
0x10d: {  	v56 =	vld [tilespmem:$0x1FF50]  }
0x10e: {  	v57 =	vld [tilespmem:$0x1FF60]  }
0x10f: {  	v58 =	vld [tilespmem:$0x1FF70]  }
0x110: {  	v59 =	vld [tilespmem:$0x1FF80]  }
0x111: {  	s26 =	sadd.s32 $0x1, s26;
	v60 =	vld [tilespmem:$0x1FF90]  }
0x112: {  	p0 =	sne.s32 s26, s10;
	v61 =	vld [tilespmem:$0x1FFA0]  }
.Ltmp1:
0x113: {  	v62 =	vld [tilespmem:$0x1FFB0];
	(pc) =	sbr.rel @!p0 .LBB2_13-.Ltmp1, $4  }
0x114: {  	v63 =	vld [tilespmem:$0x1FFC0]  }
0x115: {  	v32 =	vmov v0;
	v0 =	vld [tilespmem:$0x1FFD0]  }
0x116: {  	[sflag:s25] =	ssyncset.done $0x0;
	v38 =	vld [tilespmem:$0x1FFE0]  }
0x117: {  	v39 =	vmov v41;
	v5 =	vld [tilespmem:$0x1FFF0];
	[sflag:s25] =	ssyncadd.s32 $0xFFFFC000  }
.LBB2_1:
0x118: {  	s0 =	simm.s32 $0x4000;
	s30 =	simm.s32 $0x0;
	s1 =	sand.u32 $0x70, s3  }
0x119: {  	[tilespmem:s3], [sflag:$0x5] =	stream.strided.gather [hbm4b:s6+s11], $0x6400, s0, s11, $0x38;
	[tilespmem:$0x16400] =	vst v63  }
0x11a: {  	s0 =	sor.u32 s1, s30;
	_ =	swait.ge [sflag:s13], $0x6400  }
0x11b: {  	v1 =	vmov s0;
	[sflag:s13] =	ssyncset.done $0x0  }
0x11c: {  	v1 =	vshll.u32 v1, $0x5;
	[sflag:s13] =	ssyncadd.s32 $0xFFFF9C00  }
0x11d: {  	v2 =	vlaneseq.u32;
	v1 =	vor.u32 v42, v1;
	[tilespmem:s14], [sflag:$0x1] =	stream.indirect.gather [hbm4b:s4+s11], $0x20, s3, s11, $0xb8;
	[tilespmem:$0x16400] =	vst v63  }
0x11e: {  	v2 =	vor.u32 v2, v1  }
0x11f: {  	[tilespmem:s15], [sflag:$0x2] =	stream.indirect.gather [hbm4b:s4+s11], $0x20, s11, s11, $0xb8;
	[tilespmem:$0x16400] =	vst v63  }
0x120: {  	_ =	swait.ge [sflag:s16], $0x4000  }
0x121: {  	s31 =	simm.s32 $0x0;
	[sflag:s16] =	ssyncset.done $0x0  }
0x122: {  	s28 =	sor.u32 s1, s31;
	[sflag:s16] =	ssyncadd.s32 $0xFFFFC000  }
0x123: {  	v3 =	vor.u32 s28, v6;
	v7 =	vld.idx.msk [tilespmem:v2+s14+$0x0], $0xffff  }
0x124: {  	v2 =	vor.u32 v44, v1;
	_ =	sdelay $0x3  }
0x125: {  	[tilespmem:v3+s17+$0x0] =	vst.idx.msk $0xffff, v7  }
0x126: {  	v3 =	vor.u32 s28, v10;
	v7 =	vld.idx.msk [tilespmem:v2+s14+$0x0], $0xffff  }
0x127: {  	v2 =	vor.u32 v45, v1;
	_ =	sdelay $0x3  }
0x128: {  	[tilespmem:v3+s17+$0x0] =	vst.idx.msk $0xffff, v7  }
0x129: {  	v3 =	vor.u32 s28, v11;
	v7 =	vld.idx.msk [tilespmem:v2+s14+$0x0], $0xffff  }
0x12a: {  	v2 =	vor.u32 v47, v1;
	_ =	sdelay $0x3  }
0x12b: {  	[tilespmem:v3+s17+$0x0] =	vst.idx.msk $0xffff, v7  }
0x12c: {  	v3 =	vor.u32 s28, v12;
	v7 =	vld.idx.msk [tilespmem:v2+s14+$0x0], $0xffff  }
0x12d: {  	v2 =	vor.u32 v46, v1;
	_ =	sdelay $0x3  }
0x12e: {  	[tilespmem:v3+s17+$0x0] =	vst.idx.msk $0xffff, v7  }
0x12f: {  	v3 =	vor.u32 s28, v13;
	v7 =	vld.idx.msk [tilespmem:v2+s14+$0x0], $0xffff  }
0x130: {  	v2 =	vor.u32 v49, v1;
	_ =	sdelay $0x3  }
0x131: {  	[tilespmem:v3+s17+$0x0] =	vst.idx.msk $0xffff, v7  }
0x132: {  	v3 =	vor.u32 s28, v14;
	v7 =	vld.idx.msk [tilespmem:v2+s14+$0x0], $0xffff  }
0x133: {  	v2 =	vor.u32 v48, v1;
	_ =	sdelay $0x3  }
0x134: {  	[tilespmem:v3+s17+$0x0] =	vst.idx.msk $0xffff, v7  }
0x135: {  	v3 =	vor.u32 s28, v15;
	v7 =	vld.idx.msk [tilespmem:v2+s14+$0x0], $0xffff  }
0x136: {  	v2 =	vor.u32 v50, v1;
	_ =	sdelay $0x3  }
0x137: {  	[tilespmem:v3+s17+$0x0] =	vst.idx.msk $0xffff, v7  }
0x138: {  	v3 =	vor.u32 s28, v16;
	v7 =	vld.idx.msk [tilespmem:v2+s14+$0x0], $0xffff  }
0x139: {  	v2 =	vor.u32 v37, v1;
	_ =	sdelay $0x3  }
0x13a: {  	[tilespmem:v3+s17+$0x0] =	vst.idx.msk $0xffff, v7  }
0x13b: {  	v3 =	vor.u32 s28, v17;
	v7 =	vld.idx.msk [tilespmem:v2+s14+$0x0], $0xffff  }
0x13c: {  	v2 =	vor.u32 v33, v1;
	_ =	sdelay $0x3  }
0x13d: {  	[tilespmem:v3+s17+$0x0] =	vst.idx.msk $0xffff, v7  }
0x13e: {  	v3 =	vor.u32 s28, v18;
	v7 =	vld.idx.msk [tilespmem:v2+s14+$0x0], $0xffff  }
0x13f: {  	v2 =	vor.u32 v51, v1;
	_ =	sdelay $0x3  }
0x140: {  	[tilespmem:v3+s17+$0x0] =	vst.idx.msk $0xffff, v7  }
0x141: {  	v3 =	vor.u32 s28, v19;
	v7 =	vld.idx.msk [tilespmem:v2+s14+$0x0], $0xffff  }
0x142: {  	v2 =	vor.u32 v55, v1;
	_ =	sdelay $0x3  }
0x143: {  	[tilespmem:v3+s17+$0x0] =	vst.idx.msk $0xffff, v7  }
0x144: {  	v3 =	vor.u32 s28, v20;
	v7 =	vld.idx.msk [tilespmem:v2+s14+$0x0], $0xffff  }
0x145: {  	v2 =	vor.u32 v59, v1;
	_ =	sdelay $0x3  }
0x146: {  	[tilespmem:v3+s17+$0x0] =	vst.idx.msk $0xffff, v7  }
0x147: {  	v3 =	vor.u32 s28, v21;
	v7 =	vld.idx.msk [tilespmem:v2+s14+$0x0], $0xffff  }
0x148: {  	v2 =	vor.u32 v61, v1;
	_ =	sdelay $0x3  }
0x149: {  	[tilespmem:v3+s17+$0x0] =	vst.idx.msk $0xffff, v7  }
0x14a: {  	v3 =	vor.u32 s28, v22;
	v7 =	vld.idx.msk [tilespmem:v2+s14+$0x0], $0xffff  }
0x14b: {  	v2 =	vor.u32 v38, v1;
	_ =	sdelay $0x3  }
0x14c: {  	[tilespmem:v3+s17+$0x0] =	vst.idx.msk $0xffff, v7  }
0x14d: {  	v3 =	vor.u32 s28, v23;
	v7 =	vld.idx.msk [tilespmem:v2+s14+$0x0], $0xffff  }
0x14e: {  	v2 =	vor.u32 v5, v1;
	_ =	sdelay $0x3  }
0x14f: {  	[tilespmem:v3+s17+$0x0] =	vst.idx.msk $0xffff, v7  }
0x150: {  	v3 =	vor.u32 s28, v24;
	v7 =	vld.idx.msk [tilespmem:v2+s14+$0x0], $0xffff  }
0x151: {  	v2 =	vor.u32 v43, v1;
	_ =	sdelay $0x3  }
0x152: {  	[tilespmem:v3+s17+$0x0] =	vst.idx.msk $0xffff, v7  }
0x153: {  	v3 =	vor.u32 s28, v25;
	v7 =	vld.idx.msk [tilespmem:v2+s14+$0x0], $0xffff  }
0x154: {  	v2 =	vor.u32 v58, v1;
	_ =	sdelay $0x3  }
0x155: {  	[tilespmem:v3+s17+$0x0] =	vst.idx.msk $0xffff, v7  }
0x156: {  	v3 =	vor.u32 s28, v26;
	v7 =	vld.idx.msk [tilespmem:v2+s14+$0x0], $0xffff  }
0x157: {  	v2 =	vor.u32 v63, v1;
	_ =	sdelay $0x3  }
0x158: {  	[tilespmem:v3+s17+$0x0] =	vst.idx.msk $0xffff, v7  }
0x159: {  	v3 =	vor.u32 s28, v27;
	v7 =	vld.idx.msk [tilespmem:v2+s14+$0x0], $0xffff  }
0x15a: {  	v2 =	vor.u32 v0, v1;
	_ =	sdelay $0x3  }
0x15b: {  	[tilespmem:v3+s17+$0x0] =	vst.idx.msk $0xffff, v7  }
0x15c: {  	v3 =	vor.u32 s28, v28;
	v7 =	vld.idx.msk [tilespmem:v2+s14+$0x0], $0xffff  }
0x15d: {  	v2 =	vor.u32 v52, v1;
	_ =	sdelay $0x3  }
0x15e: {  	[tilespmem:v3+s17+$0x0] =	vst.idx.msk $0xffff, v7  }
0x15f: {  	v7 =	vld.idx.msk [tilespmem:v2+s14+$0x0], $0xffff  }
0x160: {  	v2 =	vld [tilespmem:$0x1FB70];
	_ =	sdelay $0x4  }
0x161: {  	v3 =	vor.u32 s28, v2  }
0x162: {  	v2 =	vor.u32 v53, v1;
	_ =	sdelay $0x3  }
0x163: {  	[tilespmem:v3+s17+$0x0] =	vst.idx.msk $0xffff, v7  }
0x164: {  	v7 =	vld.idx.msk [tilespmem:v2+s14+$0x0], $0xffff  }
0x165: {  	v2 =	vld [tilespmem:$0x1FB80];
	_ =	sdelay $0x4  }
0x166: {  	v3 =	vor.u32 s28, v2  }
0x167: {  	v2 =	vor.u32 v54, v1;
	_ =	sdelay $0x3  }
0x168: {  	[tilespmem:v3+s17+$0x0] =	vst.idx.msk $0xffff, v7  }
0x169: {  	v3 =	vor.u32 s28, v29;
	v7 =	vld.idx.msk [tilespmem:v2+s14+$0x0], $0xffff  }
0x16a: {  	v2 =	vor.u32 v56, v1;
	_ =	sdelay $0x3  }
0x16b: {  	[tilespmem:v3+s17+$0x0] =	vst.idx.msk $0xffff, v7  }
0x16c: {  	v3 =	vor.u32 s28, v32;
	v7 =	vld.idx.msk [tilespmem:v2+s14+$0x0], $0xffff  }
0x16d: {  	v2 =	vor.u32 v57, v1;
	_ =	sdelay $0x3  }
0x16e: {  	[tilespmem:v3+s17+$0x0] =	vst.idx.msk $0xffff, v7  }
0x16f: {  	v3 =	vor.u32 s28, v30;
	v7 =	vld.idx.msk [tilespmem:v2+s14+$0x0], $0xffff  }
0x170: {  	v2 =	vor.u32 v60, v1;
	_ =	sdelay $0x3  }
0x171: {  	[tilespmem:v3+s17+$0x0] =	vst.idx.msk $0xffff, v7  }
0x172: {  	v7 =	vld.idx.msk [tilespmem:v2+s14+$0x0], $0xffff  }
0x173: {  	v2 =	vld [tilespmem:$0x1FB90];
	_ =	sdelay $0x4  }
0x174: {  	v3 =	vor.u32 s28, v2  }
0x175: {  	v2 =	vor.u32 v62, v1;
	_ =	sdelay $0x3  }
0x176: {  	[tilespmem:v3+s17+$0x0] =	vst.idx.msk $0xffff, v7  }
0x177: {  	v3 =	vor.u32 s28, v34;
	v7 =	vld.idx.msk [tilespmem:v2+s14+$0x0], $0xffff  }
0x178: {  	v2 =	vor.u32 v39, v1;
	_ =	sdelay $0x3  }
0x179: {  	[tilespmem:v3+s17+$0x0] =	vst.idx.msk $0xffff, v7  }
0x17a: {  	v7 =	vld.idx.msk [tilespmem:v2+s14+$0x0], $0xffff  }
0x17b: {  	v2 =	vld [tilespmem:$0x1FBA0];
	_ =	sdelay $0x3  }
0x17c: {  	v41 =	vmov v5;
	v5 =	vmov v6;
	v6 =	vld [tilespmem:$0x1FB50]  }
0x17d: {  	v3 =	vor.u32 s28, v2;
	_ =	sdelay $0x3  }
0x17e: {  	v2 =	vor.u32 v6, v1  }
0x17f: {  	[tilespmem:v3+s17+$0x0] =	vst.idx.msk $0xffff, v7;
	v7 =	vld [tilespmem:$0x1FB60];
	_ =	sdelay $0x3  }
0x180: {  	v3 =	vor.u32 s28, v35;
	v9 =	vld.idx.msk [tilespmem:v2+s14+$0x0], $0xffff  }
0x181: {  	v2 =	vor.u32 v7, v1;
	_ =	sdelay $0x3  }
0x182: {  	[tilespmem:v3+s17+$0x0] =	vst.idx.msk $0xffff, v9  }
0x183: {  	v3 =	vor.u32 s28, v36;
	v9 =	vld.idx.msk [tilespmem:v2+s14+$0x0], $0xffff  }
0x184: {  	v2 =	vor.u32 v4, v1;
	_ =	sdelay $0x3  }
0x185: {  	[tilespmem:v3+s17+$0x0] =	vst.idx.msk $0xffff, v9  }
0x186: {  	s29 =	simm.s32 $0x10;
	s1 =	simm.s32 $0x2;
	s0 =	simm.s32 $0x0;
	v1 =	vor.u32 v8, v1;
	v3 =	vor.u32 s28, v40;
	v9 =	vmovc v8;
	v8 =	vmov v4;
	v2 =	vld.idx.msk [tilespmem:v2+s14+$0x0], $0xffff  }
.LBB2_2:
0x187: {  	_ = 	snop  }
0x188: {  	s12 =	sshll.u32 s0, $0x7;
	s30 =	sand.u32 $0x70, s29  }
0x189: {  	s12 =	sor.u32 s30, s12  }
0x18a: {  	v4 =	vmov s12  }
0x18b: {  	[tilespmem:v3+s17+$0x0] =	vst.idx.msk $0xffff, v2;
	v2 =	vshll.u32 v4, $0x5  }
0x18c: {  	v4 =	vlaneseq.u32;
	v3 =	vld.idx.msk [tilespmem:v1+s14+$0x0], $0xffff;
	v1 =	vor.u32 v42, v2;
	v2 =	vor.u32 s28, v31  }
0x18d: {  	v4 =	vor.u32 v4, v1;
	_ =	sdelay $0x2  }
0x18e: {  	s31 =	sshll.u32 s0, $0xA  }
0x18f: {  	s28 =	sor.u32 s30, s31;
	[tilespmem:v2+s17+$0x0] =	vst.idx.msk $0xffff, v3  }
0x190: {  	v3 =	vor.u32 s28, v5;
	v2 =	vld.idx.msk [tilespmem:v4+s14+$0x0], $0xffff  }
0x191: {  	v4 =	vor.u32 v44, v1;
	_ =	sdelay $0x3  }
0x192: {  	[tilespmem:v3+s17+$0x0] =	vst.idx.msk $0xffff, v2  }
0x193: {  	v3 =	vor.u32 s28, v10;
	v2 =	vld.idx.msk [tilespmem:v4+s14+$0x0], $0xffff  }
0x194: {  	v4 =	vor.u32 v45, v1;
	_ =	sdelay $0x3  }
0x195: {  	[tilespmem:v3+s17+$0x0] =	vst.idx.msk $0xffff, v2  }
0x196: {  	v3 =	vor.u32 s28, v11;
	v2 =	vld.idx.msk [tilespmem:v4+s14+$0x0], $0xffff  }
0x197: {  	v4 =	vor.u32 v47, v1;
	_ =	sdelay $0x3  }
0x198: {  	[tilespmem:v3+s17+$0x0] =	vst.idx.msk $0xffff, v2  }
0x199: {  	v3 =	vor.u32 s28, v12;
	v2 =	vld.idx.msk [tilespmem:v4+s14+$0x0], $0xffff  }
0x19a: {  	v4 =	vor.u32 v46, v1;
	_ =	sdelay $0x3  }
0x19b: {  	[tilespmem:v3+s17+$0x0] =	vst.idx.msk $0xffff, v2  }
0x19c: {  	v3 =	vor.u32 s28, v13;
	v2 =	vld.idx.msk [tilespmem:v4+s14+$0x0], $0xffff  }
0x19d: {  	v4 =	vor.u32 v49, v1;
	_ =	sdelay $0x3  }
0x19e: {  	[tilespmem:v3+s17+$0x0] =	vst.idx.msk $0xffff, v2  }
0x19f: {  	v3 =	vor.u32 s28, v14;
	v2 =	vld.idx.msk [tilespmem:v4+s14+$0x0], $0xffff  }
0x1a0: {  	v4 =	vor.u32 v48, v1;
	_ =	sdelay $0x3  }
0x1a1: {  	[tilespmem:v3+s17+$0x0] =	vst.idx.msk $0xffff, v2  }
0x1a2: {  	v3 =	vor.u32 s28, v15;
	v2 =	vld.idx.msk [tilespmem:v4+s14+$0x0], $0xffff  }
0x1a3: {  	v4 =	vor.u32 v50, v1;
	_ =	sdelay $0x3  }
0x1a4: {  	[tilespmem:v3+s17+$0x0] =	vst.idx.msk $0xffff, v2  }
0x1a5: {  	v3 =	vor.u32 s28, v16;
	v2 =	vld.idx.msk [tilespmem:v4+s14+$0x0], $0xffff  }
0x1a6: {  	v4 =	vor.u32 v37, v1;
	_ =	sdelay $0x3  }
0x1a7: {  	[tilespmem:v3+s17+$0x0] =	vst.idx.msk $0xffff, v2  }
0x1a8: {  	v3 =	vor.u32 s28, v17;
	v2 =	vld.idx.msk [tilespmem:v4+s14+$0x0], $0xffff  }
0x1a9: {  	v4 =	vor.u32 v33, v1;
	_ =	sdelay $0x3  }
0x1aa: {  	[tilespmem:v3+s17+$0x0] =	vst.idx.msk $0xffff, v2  }
0x1ab: {  	v3 =	vor.u32 s28, v18;
	v2 =	vld.idx.msk [tilespmem:v4+s14+$0x0], $0xffff  }
0x1ac: {  	v4 =	vor.u32 v51, v1;
	_ =	sdelay $0x3  }
0x1ad: {  	[tilespmem:v3+s17+$0x0] =	vst.idx.msk $0xffff, v2  }
0x1ae: {  	v3 =	vor.u32 s28, v19;
	v2 =	vld.idx.msk [tilespmem:v4+s14+$0x0], $0xffff  }
0x1af: {  	v4 =	vor.u32 v55, v1;
	_ =	sdelay $0x3  }
0x1b0: {  	[tilespmem:v3+s17+$0x0] =	vst.idx.msk $0xffff, v2  }
0x1b1: {  	v3 =	vor.u32 s28, v20;
	v2 =	vld.idx.msk [tilespmem:v4+s14+$0x0], $0xffff  }
0x1b2: {  	v4 =	vor.u32 v59, v1;
	_ =	sdelay $0x3  }
0x1b3: {  	[tilespmem:v3+s17+$0x0] =	vst.idx.msk $0xffff, v2  }
0x1b4: {  	v3 =	vor.u32 s28, v21;
	v2 =	vld.idx.msk [tilespmem:v4+s14+$0x0], $0xffff  }
0x1b5: {  	v4 =	vor.u32 v61, v1;
	_ =	sdelay $0x3  }
0x1b6: {  	[tilespmem:v3+s17+$0x0] =	vst.idx.msk $0xffff, v2  }
0x1b7: {  	v3 =	vor.u32 s28, v22;
	v2 =	vld.idx.msk [tilespmem:v4+s14+$0x0], $0xffff  }
0x1b8: {  	v4 =	vor.u32 v38, v1;
	_ =	sdelay $0x3  }
0x1b9: {  	[tilespmem:v3+s17+$0x0] =	vst.idx.msk $0xffff, v2  }
0x1ba: {  	v3 =	vor.u32 s28, v23;
	v2 =	vld.idx.msk [tilespmem:v4+s14+$0x0], $0xffff  }
0x1bb: {  	v4 =	vor.u32 v41, v1;
	_ =	sdelay $0x3  }
0x1bc: {  	[tilespmem:v3+s17+$0x0] =	vst.idx.msk $0xffff, v2  }
0x1bd: {  	v3 =	vor.u32 s28, v24;
	v2 =	vld.idx.msk [tilespmem:v4+s14+$0x0], $0xffff  }
0x1be: {  	v4 =	vor.u32 v43, v1;
	_ =	sdelay $0x3  }
0x1bf: {  	[tilespmem:v3+s17+$0x0] =	vst.idx.msk $0xffff, v2  }
0x1c0: {  	v3 =	vor.u32 s28, v25;
	v2 =	vld.idx.msk [tilespmem:v4+s14+$0x0], $0xffff  }
0x1c1: {  	v4 =	vor.u32 v58, v1;
	_ =	sdelay $0x3  }
0x1c2: {  	[tilespmem:v3+s17+$0x0] =	vst.idx.msk $0xffff, v2  }
0x1c3: {  	v3 =	vor.u32 s28, v26;
	v2 =	vld.idx.msk [tilespmem:v4+s14+$0x0], $0xffff  }
0x1c4: {  	v4 =	vor.u32 v63, v1;
	_ =	sdelay $0x3  }
0x1c5: {  	[tilespmem:v3+s17+$0x0] =	vst.idx.msk $0xffff, v2  }
0x1c6: {  	v3 =	vor.u32 s28, v27;
	v2 =	vld.idx.msk [tilespmem:v4+s14+$0x0], $0xffff  }
0x1c7: {  	v4 =	vor.u32 v0, v1;
	_ =	sdelay $0x3  }
0x1c8: {  	[tilespmem:v3+s17+$0x0] =	vst.idx.msk $0xffff, v2  }
0x1c9: {  	v3 =	vor.u32 s28, v28;
	v2 =	vld.idx.msk [tilespmem:v4+s14+$0x0], $0xffff;
	_ =	sdelay $0x4  }
0x1ca: {  	v4 =	vor.u32 v52, v1;
	[tilespmem:v3+s17+$0x0] =	vst.idx.msk $0xffff, v2;
	v3 =	vld [tilespmem:$0x1FB70];
	_ =	sdelay $0x4  }
0x1cb: {  	v2 =	vld.idx.msk [tilespmem:v4+s14+$0x0], $0xffff;
	v3 =	vor.u32 s28, v3;
	_ =	sdelay $0x4  }
0x1cc: {  	v4 =	vor.u32 v53, v1;
	[tilespmem:v3+s17+$0x0] =	vst.idx.msk $0xffff, v2;
	v3 =	vld [tilespmem:$0x1FB80];
	_ =	sdelay $0x4  }
0x1cd: {  	v2 =	vld.idx.msk [tilespmem:v4+s14+$0x0], $0xffff;
	v3 =	vor.u32 s28, v3  }
0x1ce: {  	v4 =	vor.u32 v54, v1;
	_ =	sdelay $0x3  }
0x1cf: {  	[tilespmem:v3+s17+$0x0] =	vst.idx.msk $0xffff, v2  }
0x1d0: {  	v3 =	vor.u32 s28, v29;
	v2 =	vld.idx.msk [tilespmem:v4+s14+$0x0], $0xffff  }
0x1d1: {  	v4 =	vor.u32 v56, v1;
	_ =	sdelay $0x3  }
0x1d2: {  	[tilespmem:v3+s17+$0x0] =	vst.idx.msk $0xffff, v2  }
0x1d3: {  	v3 =	vor.u32 s28, v32;
	v2 =	vld.idx.msk [tilespmem:v4+s14+$0x0], $0xffff  }
0x1d4: {  	v4 =	vor.u32 v57, v1;
	_ =	sdelay $0x3  }
0x1d5: {  	[tilespmem:v3+s17+$0x0] =	vst.idx.msk $0xffff, v2  }
0x1d6: {  	v3 =	vor.u32 s28, v30;
	v2 =	vld.idx.msk [tilespmem:v4+s14+$0x0], $0xffff;
	_ =	sdelay $0x4  }
0x1d7: {  	v4 =	vor.u32 v60, v1;
	[tilespmem:v3+s17+$0x0] =	vst.idx.msk $0xffff, v2;
	v3 =	vld [tilespmem:$0x1FB90];
	_ =	sdelay $0x4  }
0x1d8: {  	v2 =	vld.idx.msk [tilespmem:v4+s14+$0x0], $0xffff;
	v3 =	vor.u32 s28, v3  }
0x1d9: {  	v4 =	vor.u32 v62, v1;
	_ =	sdelay $0x3  }
0x1da: {  	[tilespmem:v3+s17+$0x0] =	vst.idx.msk $0xffff, v2  }
0x1db: {  	v3 =	vor.u32 s28, v34;
	v2 =	vld.idx.msk [tilespmem:v4+s14+$0x0], $0xffff;
	_ =	sdelay $0x4  }
0x1dc: {  	v4 =	vor.u32 v39, v1;
	[tilespmem:v3+s17+$0x0] =	vst.idx.msk $0xffff, v2;
	v3 =	vld [tilespmem:$0x1FBA0];
	_ =	sdelay $0x4  }
0x1dd: {  	v2 =	vld.idx.msk [tilespmem:v4+s14+$0x0], $0xffff;
	v3 =	vor.u32 s28, v3  }
0x1de: {  	v4 =	vor.u32 v6, v1;
	_ =	sdelay $0x3  }
0x1df: {  	[tilespmem:v3+s17+$0x0] =	vst.idx.msk $0xffff, v2  }
0x1e0: {  	v3 =	vor.u32 s28, v35;
	v2 =	vld.idx.msk [tilespmem:v4+s14+$0x0], $0xffff  }
0x1e1: {  	v4 =	vor.u32 v7, v1;
	_ =	sdelay $0x3  }
0x1e2: {  	[tilespmem:v3+s17+$0x0] =	vst.idx.msk $0xffff, v2  }
0x1e3: {  	v3 =	vor.u32 s28, v36;
	v2 =	vld.idx.msk [tilespmem:v4+s14+$0x0], $0xffff  }
0x1e4: {  	p0 =	sne.s32 s1, $0x1F;
	v4 =	vor.u32 v8, v1  }
.Ltmp2:
0x1e5: {  	_ = 	snop;
	(pc) =	sbr.rel @p0 .LBB2_2-.Ltmp2, $3  }
0x1e6: {  	_ =	sdelay $0x1  }
0x1e7: {  	[tilespmem:v3+s17+$0x0] =	vst.idx.msk $0xffff, v2  }
0x1e8: {  	s0 =	sshrl.u32 s1, $0x3;
	s1 =	sadd.s32 $0x1, s1;
	s29 =	sadd.s32 $0x10, s29;
	v1 =	vor.u32 v9, v1;
	v3 =	vor.u32 s28, v40;
	v2 =	vld.idx.msk [tilespmem:v4+s14+$0x0], $0xffff  }
0x1e9: {  	_ = 	snop  }
0x1ea: {  	s1 =	sshll.u32 s0, $0x7;
	s12 =	sand.u32 $0x70, s29  }
0x1eb: {  	s1 =	sor.u32 s12, s1  }
0x1ec: {  	v4 =	vmov s1  }
0x1ed: {  	[tilespmem:v3+s17+$0x0] =	vst.idx.msk $0xffff, v2;
	v2 =	vshll.u32 v4, $0x5  }
0x1ee: {  	v3 =	vor.u32 s28, v31;
	v4 =	vlaneseq.u32;
	v1 =	vld.idx.msk [tilespmem:v1+s14+$0x0], $0xffff;
	v2 =	vor.u32 v42, v2  }
0x1ef: {  	v4 =	vor.u32 v4, v2;
	_ =	sdelay $0x3  }
0x1f0: {  	[tilespmem:v3+s17+$0x0] =	vst.idx.msk $0xffff, v1  }
0x1f1: {  	v1 =	vld.idx.msk [tilespmem:v4+s14+$0x0], $0xffff;
	_ =	sdelay $0x3  }
0x1f2: {  	s1 =	sshll.u32 s0, $0xA  }
0x1f3: {  	s0 =	sor.u32 s12, s1;
	[tilespmem:$0x1FAC0] =	vst v1  }
0x1f4: {  	v3 =	vor.u32 s0, v5;
	v1 =	vld [tilespmem:$0x1FAC0]  }
0x1f5: {  	v4 =	vor.u32 v44, v2;
	_ =	sdelay $0x3  }
0x1f6: {  	[tilespmem:v3+s17+$0x0] =	vst.idx.msk $0xffff, v1  }
0x1f7: {  	v1 =	vld.idx.msk [tilespmem:v4+s14+$0x0], $0xffff;
	_ =	sdelay $0x4  }
0x1f8: {  	[tilespmem:$0x1FAD0] =	vst v1  }
0x1f9: {  	v3 =	vor.u32 s0, v10;
	v1 =	vld [tilespmem:$0x1FAD0]  }
0x1fa: {  	v4 =	vor.u32 v45, v2;
	_ =	sdelay $0x3  }
0x1fb: {  	[tilespmem:v3+s17+$0x0] =	vst.idx.msk $0xffff, v1  }
0x1fc: {  	v1 =	vld.idx.msk [tilespmem:v4+s14+$0x0], $0xffff;
	_ =	sdelay $0x4  }
0x1fd: {  	[tilespmem:$0x1FAE0] =	vst v1  }
0x1fe: {  	v3 =	vor.u32 s0, v11;
	v1 =	vld [tilespmem:$0x1FAE0]  }
0x1ff: {  	v4 =	vor.u32 v47, v2;
	_ =	sdelay $0x3  }
0x200: {  	[tilespmem:v3+s17+$0x0] =	vst.idx.msk $0xffff, v1  }
0x201: {  	v1 =	vld.idx.msk [tilespmem:v4+s14+$0x0], $0xffff;
	_ =	sdelay $0x4  }
0x202: {  	[tilespmem:$0x1FAF0] =	vst v1  }
0x203: {  	v3 =	vor.u32 s0, v12;
	v1 =	vld [tilespmem:$0x1FAF0]  }
0x204: {  	v4 =	vor.u32 v46, v2;
	_ =	sdelay $0x3  }
0x205: {  	[tilespmem:v3+s17+$0x0] =	vst.idx.msk $0xffff, v1  }
0x206: {  	v1 =	vld.idx.msk [tilespmem:v4+s14+$0x0], $0xffff;
	_ =	sdelay $0x4  }
0x207: {  	[tilespmem:$0x1FB00] =	vst v1  }
0x208: {  	v3 =	vor.u32 s0, v13;
	v1 =	vld [tilespmem:$0x1FB00]  }
0x209: {  	v4 =	vor.u32 v49, v2;
	_ =	sdelay $0x3  }
0x20a: {  	[tilespmem:v3+s17+$0x0] =	vst.idx.msk $0xffff, v1  }
0x20b: {  	v1 =	vld.idx.msk [tilespmem:v4+s14+$0x0], $0xffff;
	_ =	sdelay $0x4  }
0x20c: {  	[tilespmem:$0x1FB10] =	vst v1  }
0x20d: {  	v3 =	vor.u32 s0, v14;
	v1 =	vld [tilespmem:$0x1FB10]  }
0x20e: {  	v4 =	vor.u32 v48, v2;
	_ =	sdelay $0x3  }
0x20f: {  	[tilespmem:v3+s17+$0x0] =	vst.idx.msk $0xffff, v1  }
0x210: {  	v1 =	vld.idx.msk [tilespmem:v4+s14+$0x0], $0xffff;
	_ =	sdelay $0x4  }
0x211: {  	[tilespmem:$0x1FB20] =	vst v1  }
0x212: {  	v3 =	vor.u32 s0, v15;
	v1 =	vld [tilespmem:$0x1FB20]  }
0x213: {  	v4 =	vor.u32 v50, v2;
	_ =	sdelay $0x3  }
0x214: {  	[tilespmem:v3+s17+$0x0] =	vst.idx.msk $0xffff, v1  }
0x215: {  	v1 =	vld.idx.msk [tilespmem:v4+s14+$0x0], $0xffff;
	_ =	sdelay $0x4  }
0x216: {  	[tilespmem:$0x1FB30] =	vst v1  }
0x217: {  	v3 =	vor.u32 s0, v16;
	v1 =	vld [tilespmem:$0x1FB30]  }
0x218: {  	v4 =	vor.u32 v37, v2;
	_ =	sdelay $0x3  }
0x219: {  	[tilespmem:v3+s17+$0x0] =	vst.idx.msk $0xffff, v1  }
0x21a: {  	v1 =	vld.idx.msk [tilespmem:v4+s14+$0x0], $0xffff;
	_ =	sdelay $0x4  }
0x21b: {  	[tilespmem:$0x1FB40] =	vst v1  }
0x21c: {  	v3 =	vor.u32 s0, v17;
	v1 =	vld [tilespmem:$0x1FB40]  }
0x21d: {  	v4 =	vor.u32 v33, v2;
	_ =	sdelay $0x3  }
0x21e: {  	[tilespmem:v3+s17+$0x0] =	vst.idx.msk $0xffff, v1  }
0x21f: {  	v3 =	vor.u32 s0, v18;
	v1 =	vld.idx.msk [tilespmem:v4+s14+$0x0], $0xffff  }
0x220: {  	v4 =	vor.u32 v51, v2;
	_ =	sdelay $0x3  }
0x221: {  	[tilespmem:v3+s17+$0x0] =	vst.idx.msk $0xffff, v1  }
0x222: {  	v3 =	vor.u32 s0, v19;
	v1 =	vld.idx.msk [tilespmem:v4+s14+$0x0], $0xffff  }
0x223: {  	v4 =	vor.u32 v55, v2;
	_ =	sdelay $0x3  }
0x224: {  	[tilespmem:v3+s17+$0x0] =	vst.idx.msk $0xffff, v1  }
0x225: {  	v3 =	vor.u32 s0, v20;
	v1 =	vld.idx.msk [tilespmem:v4+s14+$0x0], $0xffff  }
0x226: {  	v4 =	vor.u32 v59, v2;
	_ =	sdelay $0x3  }
0x227: {  	[tilespmem:v3+s17+$0x0] =	vst.idx.msk $0xffff, v1  }
0x228: {  	v3 =	vor.u32 s0, v21;
	v1 =	vld.idx.msk [tilespmem:v4+s14+$0x0], $0xffff  }
0x229: {  	v4 =	vor.u32 v61, v2;
	_ =	sdelay $0x3  }
0x22a: {  	[tilespmem:v3+s17+$0x0] =	vst.idx.msk $0xffff, v1  }
0x22b: {  	v3 =	vor.u32 s0, v22;
	v1 =	vld.idx.msk [tilespmem:v4+s14+$0x0], $0xffff  }
0x22c: {  	v4 =	vor.u32 v38, v2;
	_ =	sdelay $0x3  }
0x22d: {  	[tilespmem:v3+s17+$0x0] =	vst.idx.msk $0xffff, v1  }
0x22e: {  	v3 =	vor.u32 s0, v23;
	v1 =	vld.idx.msk [tilespmem:v4+s14+$0x0], $0xffff  }
0x22f: {  	v4 =	vor.u32 v41, v2;
	_ =	sdelay $0x3  }
0x230: {  	[tilespmem:v3+s17+$0x0] =	vst.idx.msk $0xffff, v1  }
0x231: {  	v3 =	vor.u32 s0, v24;
	v1 =	vld.idx.msk [tilespmem:v4+s14+$0x0], $0xffff  }
0x232: {  	v4 =	vor.u32 v43, v2;
	_ =	sdelay $0x3  }
0x233: {  	[tilespmem:v3+s17+$0x0] =	vst.idx.msk $0xffff, v1  }
0x234: {  	v3 =	vor.u32 s0, v25;
	v1 =	vld.idx.msk [tilespmem:v4+s14+$0x0], $0xffff  }
0x235: {  	v4 =	vor.u32 v58, v2;
	_ =	sdelay $0x3  }
0x236: {  	[tilespmem:v3+s17+$0x0] =	vst.idx.msk $0xffff, v1  }
0x237: {  	v3 =	vor.u32 s0, v26;
	v1 =	vld.idx.msk [tilespmem:v4+s14+$0x0], $0xffff  }
0x238: {  	v4 =	vor.u32 v63, v2;
	_ =	sdelay $0x3  }
0x239: {  	[tilespmem:v3+s17+$0x0] =	vst.idx.msk $0xffff, v1  }
0x23a: {  	v3 =	vor.u32 s0, v27;
	v1 =	vld.idx.msk [tilespmem:v4+s14+$0x0], $0xffff  }
0x23b: {  	v4 =	vor.u32 v0, v2;
	_ =	sdelay $0x3  }
0x23c: {  	[tilespmem:v3+s17+$0x0] =	vst.idx.msk $0xffff, v1  }
0x23d: {  	v3 =	vor.u32 s0, v28;
	v1 =	vld.idx.msk [tilespmem:v4+s14+$0x0], $0xffff;
	_ =	sdelay $0x4  }
0x23e: {  	v4 =	vor.u32 v52, v2;
	[tilespmem:v3+s17+$0x0] =	vst.idx.msk $0xffff, v1;
	v3 =	vld [tilespmem:$0x1FB70];
	_ =	sdelay $0x4  }
0x23f: {  	v1 =	vld.idx.msk [tilespmem:v4+s14+$0x0], $0xffff;
	v3 =	vor.u32 s0, v3;
	_ =	sdelay $0x4  }
0x240: {  	v4 =	vor.u32 v53, v2;
	[tilespmem:v3+s17+$0x0] =	vst.idx.msk $0xffff, v1;
	v3 =	vld [tilespmem:$0x1FB80];
	_ =	sdelay $0x4  }
0x241: {  	v1 =	vld.idx.msk [tilespmem:v4+s14+$0x0], $0xffff;
	v3 =	vor.u32 s0, v3  }
0x242: {  	v4 =	vor.u32 v54, v2;
	_ =	sdelay $0x3  }
0x243: {  	[tilespmem:v3+s17+$0x0] =	vst.idx.msk $0xffff, v1  }
0x244: {  	v3 =	vor.u32 s0, v29;
	v1 =	vld.idx.msk [tilespmem:v4+s14+$0x0], $0xffff  }
0x245: {  	v4 =	vor.u32 v56, v2;
	_ =	sdelay $0x3  }
0x246: {  	[tilespmem:v3+s17+$0x0] =	vst.idx.msk $0xffff, v1  }
0x247: {  	v3 =	vor.u32 s0, v32;
	v1 =	vld.idx.msk [tilespmem:v4+s14+$0x0], $0xffff  }
0x248: {  	v4 =	vor.u32 v57, v2;
	_ =	sdelay $0x3  }
0x249: {  	[tilespmem:v3+s17+$0x0] =	vst.idx.msk $0xffff, v1  }
0x24a: {  	v3 =	vor.u32 s0, v30;
	v1 =	vld.idx.msk [tilespmem:v4+s14+$0x0], $0xffff;
	_ =	sdelay $0x4  }
0x24b: {  	v4 =	vor.u32 v60, v2;
	[tilespmem:v3+s17+$0x0] =	vst.idx.msk $0xffff, v1;
	v3 =	vld [tilespmem:$0x1FB90];
	_ =	sdelay $0x4  }
0x24c: {  	v1 =	vld.idx.msk [tilespmem:v4+s14+$0x0], $0xffff;
	v3 =	vor.u32 s0, v3  }
0x24d: {  	v4 =	vor.u32 v62, v2;
	_ =	sdelay $0x3  }
0x24e: {  	[tilespmem:v3+s17+$0x0] =	vst.idx.msk $0xffff, v1  }
0x24f: {  	v3 =	vor.u32 s0, v34;
	v1 =	vld.idx.msk [tilespmem:v4+s14+$0x0], $0xffff;
	_ =	sdelay $0x4  }
0x250: {  	v4 =	vor.u32 v39, v2;
	[tilespmem:v3+s17+$0x0] =	vst.idx.msk $0xffff, v1;
	v3 =	vld [tilespmem:$0x1FBA0];
	_ =	sdelay $0x4  }
0x251: {  	v1 =	vld.idx.msk [tilespmem:v4+s14+$0x0], $0xffff;
	v3 =	vor.u32 s0, v3  }
0x252: {  	v4 =	vor.u32 v6, v2;
	_ =	sdelay $0x3  }
0x253: {  	[tilespmem:v3+s17+$0x0] =	vst.idx.msk $0xffff, v1  }
0x254: {  	v3 =	vor.u32 s0, v35;
	v1 =	vld.idx.msk [tilespmem:v4+s14+$0x0], $0xffff  }
0x255: {  	v4 =	vor.u32 v7, v2;
	_ =	sdelay $0x3  }
0x256: {  	[tilespmem:v3+s17+$0x0] =	vst.idx.msk $0xffff, v1  }
0x257: {  	v3 =	vor.u32 s0, v36;
	v1 =	vld.idx.msk [tilespmem:v4+s14+$0x0], $0xffff  }
0x258: {  	v4 =	vor.u32 v8, v2;
	_ =	sdelay $0x3  }
0x259: {  	[tilespmem:v3+s17+$0x0] =	vst.idx.msk $0xffff, v1  }
0x25a: {  	v3 =	vor.u32 s0, v40;
	v1 =	vld.idx.msk [tilespmem:v4+s14+$0x0], $0xffff  }
0x25b: {  	v2 =	vor.u32 v9, v2;
	_ =	sdelay $0x3  }
0x25c: {  	[tilespmem:v3+s17+$0x0] =	vst.idx.msk $0xffff, v1  }
0x25d: {  	v1 =	vld.idx.msk [tilespmem:v2+s14+$0x0], $0xffff;
	v2 =	vor.u32 s0, v31;
	_ =	sdelay $0x4  }
0x25e: {  	s20 =	simm.s32 $0x0;
	[tilespmem:v2+s17+$0x0] =	vst.idx.msk $0xffff, v1;
	v2 =	vld [tilespmem:$0x1FE60]  }
0x25f: {  	s23 =	simm.s32 $0x0;
	s0 =	sand.u32 $0x70, s20  }
0x260: {  	s1 =	sor.u32 s0, s23  }
0x261: {  	v3 =	vmov s1;
	[hbm4b:s7+s18] =	stream.strided.scatter [tilespmem:s17], [sflag:$0x3], $0x4000, s19, s18, $0x38;
	[tilespmem:$0x16400] =	vst v63  }
0x262: {  	s30 =	simm.s32 $0x400;
	v1 =	vshll.u32 v3, $0x5  }
0x263: {  	[tilespmem:s14], [sflag:$0x1] =	stream.indirect.gather [hbm4b:s4+s11], $0x20, s30, s11, $0xb8;
	v1 =	vor.u32 v2, v1;
	v2 =	vlaneseq.u32;
	[tilespmem:$0x16400] =	vst v63  }
0x264: {  	_ =	swait.ge [sflag:s21], $0x4000;
	v2 =	vor.u32 v2, v1  }
0x265: {  	v4 =	vld [tilespmem:$0x1FE80];
	_ =	sdelay $0x1  }
0x266: {  	s31 =	simm.s32 $0x0;
	[sflag:s21] =	ssyncset.done $0x0  }
0x267: {  	s28 =	sor.u32 s0, s31;
	[sflag:s21] =	ssyncadd.s32 $0xFFFFC000  }
0x268: {  	v3 =	vor.u32 s28, v5;
	v2 =	vld.idx.msk [tilespmem:v2+s15+$0x0], $0xffff  }
0x269: {  	v4 =	vor.u32 v4, v1;
	_ =	sdelay $0x3  }
0x26a: {  	[tilespmem:v3+s22+$0x0] =	vst.idx.msk $0xffff, v2  }
0x26b: {  	v2 =	vld.idx.msk [tilespmem:v4+s15+$0x0], $0xffff  }
0x26c: {  	v4 =	vld [tilespmem:$0x1FE70];
	_ =	sdelay $0x3  }
0x26d: {  	v3 =	vor.u32 s28, v10  }
0x26e: {  	v4 =	vor.u32 v4, v1;
	_ =	sdelay $0x3  }
0x26f: {  	[tilespmem:v3+s22+$0x0] =	vst.idx.msk $0xffff, v2  }
0x270: {  	v2 =	vld.idx.msk [tilespmem:v4+s15+$0x0], $0xffff  }
0x271: {  	v4 =	vld [tilespmem:$0x1FE90];
	_ =	sdelay $0x3  }
0x272: {  	v3 =	vor.u32 s28, v11  }
0x273: {  	v4 =	vor.u32 v4, v1;
	_ =	sdelay $0x3  }
0x274: {  	[tilespmem:v3+s22+$0x0] =	vst.idx.msk $0xffff, v2  }
0x275: {  	v2 =	vld.idx.msk [tilespmem:v4+s15+$0x0], $0xffff  }
0x276: {  	v4 =	vld [tilespmem:$0x1FEA0];
	_ =	sdelay $0x3  }
0x277: {  	v3 =	vor.u32 s28, v12  }
0x278: {  	v4 =	vor.u32 v4, v1;
	_ =	sdelay $0x3  }
0x279: {  	[tilespmem:v3+s22+$0x0] =	vst.idx.msk $0xffff, v2  }
0x27a: {  	v2 =	vld.idx.msk [tilespmem:v4+s15+$0x0], $0xffff  }
0x27b: {  	v4 =	vld [tilespmem:$0x1FEC0];
	_ =	sdelay $0x3  }
0x27c: {  	v3 =	vor.u32 s28, v13  }
0x27d: {  	v4 =	vor.u32 v4, v1;
	_ =	sdelay $0x3  }
0x27e: {  	[tilespmem:v3+s22+$0x0] =	vst.idx.msk $0xffff, v2  }
0x27f: {  	v2 =	vld.idx.msk [tilespmem:v4+s15+$0x0], $0xffff  }
0x280: {  	v4 =	vld [tilespmem:$0x1FEB0];
	_ =	sdelay $0x3  }
0x281: {  	v3 =	vor.u32 s28, v14  }
0x282: {  	v4 =	vor.u32 v4, v1;
	_ =	sdelay $0x3  }
0x283: {  	[tilespmem:v3+s22+$0x0] =	vst.idx.msk $0xffff, v2  }
0x284: {  	v2 =	vld.idx.msk [tilespmem:v4+s15+$0x0], $0xffff  }
0x285: {  	v4 =	vld [tilespmem:$0x1FEE0];
	_ =	sdelay $0x3  }
0x286: {  	v3 =	vor.u32 s28, v15  }
0x287: {  	v4 =	vor.u32 v4, v1;
	_ =	sdelay $0x3  }
0x288: {  	[tilespmem:v3+s22+$0x0] =	vst.idx.msk $0xffff, v2  }
0x289: {  	v2 =	vld.idx.msk [tilespmem:v4+s15+$0x0], $0xffff  }
0x28a: {  	v4 =	vld [tilespmem:$0x1FED0];
	_ =	sdelay $0x3  }
0x28b: {  	v3 =	vor.u32 s28, v16  }
0x28c: {  	v4 =	vor.u32 v4, v1;
	_ =	sdelay $0x3  }
0x28d: {  	[tilespmem:v3+s22+$0x0] =	vst.idx.msk $0xffff, v2  }
0x28e: {  	v2 =	vld.idx.msk [tilespmem:v4+s15+$0x0], $0xffff  }
0x28f: {  	v4 =	vld [tilespmem:$0x1FEF0];
	_ =	sdelay $0x3  }
0x290: {  	v3 =	vor.u32 s28, v17  }
0x291: {  	v4 =	vor.u32 v4, v1;
	_ =	sdelay $0x3  }
0x292: {  	[tilespmem:v3+s22+$0x0] =	vst.idx.msk $0xffff, v2  }
0x293: {  	v3 =	vor.u32 s28, v18;
	v2 =	vld.idx.msk [tilespmem:v4+s15+$0x0], $0xffff  }
0x294: {  	v4 =	vor.u32 v51, v1;
	_ =	sdelay $0x3  }
0x295: {  	[tilespmem:v3+s22+$0x0] =	vst.idx.msk $0xffff, v2  }
0x296: {  	v3 =	vor.u32 s28, v19;
	v2 =	vld.idx.msk [tilespmem:v4+s15+$0x0], $0xffff  }
0x297: {  	v4 =	vor.u32 v55, v1;
	_ =	sdelay $0x3  }
0x298: {  	[tilespmem:v3+s22+$0x0] =	vst.idx.msk $0xffff, v2  }
0x299: {  	v3 =	vor.u32 s28, v20;
	v2 =	vld.idx.msk [tilespmem:v4+s15+$0x0], $0xffff  }
0x29a: {  	v4 =	vor.u32 v59, v1;
	_ =	sdelay $0x3  }
0x29b: {  	[tilespmem:v3+s22+$0x0] =	vst.idx.msk $0xffff, v2  }
0x29c: {  	v3 =	vor.u32 s28, v21;
	v2 =	vld.idx.msk [tilespmem:v4+s15+$0x0], $0xffff  }
0x29d: {  	v4 =	vor.u32 v61, v1;
	_ =	sdelay $0x3  }
0x29e: {  	[tilespmem:v3+s22+$0x0] =	vst.idx.msk $0xffff, v2  }
0x29f: {  	v3 =	vor.u32 s28, v22;
	v2 =	vld.idx.msk [tilespmem:v4+s15+$0x0], $0xffff  }
0x2a0: {  	v4 =	vor.u32 v38, v1;
	_ =	sdelay $0x3  }
0x2a1: {  	[tilespmem:v3+s22+$0x0] =	vst.idx.msk $0xffff, v2  }
0x2a2: {  	v3 =	vor.u32 s28, v23;
	v2 =	vld.idx.msk [tilespmem:v4+s15+$0x0], $0xffff  }
0x2a3: {  	v4 =	vor.u32 v41, v1;
	_ =	sdelay $0x3  }
0x2a4: {  	[tilespmem:v3+s22+$0x0] =	vst.idx.msk $0xffff, v2  }
0x2a5: {  	v3 =	vor.u32 s28, v24;
	v2 =	vld.idx.msk [tilespmem:v4+s15+$0x0], $0xffff  }
0x2a6: {  	v4 =	vor.u32 v43, v1;
	_ =	sdelay $0x3  }
0x2a7: {  	[tilespmem:v3+s22+$0x0] =	vst.idx.msk $0xffff, v2  }
0x2a8: {  	v3 =	vor.u32 s28, v25;
	v2 =	vld.idx.msk [tilespmem:v4+s15+$0x0], $0xffff  }
0x2a9: {  	v4 =	vor.u32 v58, v1;
	_ =	sdelay $0x3  }
0x2aa: {  	[tilespmem:v3+s22+$0x0] =	vst.idx.msk $0xffff, v2  }
0x2ab: {  	v3 =	vor.u32 s28, v26;
	v2 =	vld.idx.msk [tilespmem:v4+s15+$0x0], $0xffff  }
0x2ac: {  	v4 =	vor.u32 v63, v1;
	_ =	sdelay $0x3  }
0x2ad: {  	[tilespmem:v3+s22+$0x0] =	vst.idx.msk $0xffff, v2  }
0x2ae: {  	v3 =	vor.u32 s28, v27;
	v2 =	vld.idx.msk [tilespmem:v4+s15+$0x0], $0xffff  }
0x2af: {  	v4 =	vor.u32 v0, v1;
	_ =	sdelay $0x3  }
0x2b0: {  	[tilespmem:v3+s22+$0x0] =	vst.idx.msk $0xffff, v2  }
0x2b1: {  	v3 =	vor.u32 s28, v28;
	v2 =	vld.idx.msk [tilespmem:v4+s15+$0x0], $0xffff;
	_ =	sdelay $0x4  }
0x2b2: {  	v4 =	vor.u32 v52, v1;
	[tilespmem:v3+s22+$0x0] =	vst.idx.msk $0xffff, v2;
	v3 =	vld [tilespmem:$0x1FB70];
	_ =	sdelay $0x4  }
0x2b3: {  	v2 =	vld.idx.msk [tilespmem:v4+s15+$0x0], $0xffff;
	v3 =	vor.u32 s28, v3;
	_ =	sdelay $0x4  }
0x2b4: {  	v4 =	vor.u32 v53, v1;
	[tilespmem:v3+s22+$0x0] =	vst.idx.msk $0xffff, v2;
	v3 =	vld [tilespmem:$0x1FB80];
	_ =	sdelay $0x4  }
0x2b5: {  	v2 =	vld.idx.msk [tilespmem:v4+s15+$0x0], $0xffff;
	v3 =	vor.u32 s28, v3  }
0x2b6: {  	v4 =	vor.u32 v54, v1;
	_ =	sdelay $0x3  }
0x2b7: {  	[tilespmem:v3+s22+$0x0] =	vst.idx.msk $0xffff, v2  }
0x2b8: {  	v3 =	vor.u32 s28, v29;
	v2 =	vld.idx.msk [tilespmem:v4+s15+$0x0], $0xffff  }
0x2b9: {  	v4 =	vor.u32 v56, v1;
	_ =	sdelay $0x3  }
0x2ba: {  	[tilespmem:v3+s22+$0x0] =	vst.idx.msk $0xffff, v2  }
0x2bb: {  	v3 =	vor.u32 s28, v32;
	v2 =	vld.idx.msk [tilespmem:v4+s15+$0x0], $0xffff  }
0x2bc: {  	v4 =	vor.u32 v57, v1;
	_ =	sdelay $0x3  }
0x2bd: {  	[tilespmem:v3+s22+$0x0] =	vst.idx.msk $0xffff, v2  }
0x2be: {  	v3 =	vor.u32 s28, v30;
	v2 =	vld.idx.msk [tilespmem:v4+s15+$0x0], $0xffff;
	_ =	sdelay $0x4  }
0x2bf: {  	v4 =	vor.u32 v60, v1;
	[tilespmem:v3+s22+$0x0] =	vst.idx.msk $0xffff, v2;
	v3 =	vld [tilespmem:$0x1FB90];
	_ =	sdelay $0x4  }
0x2c0: {  	v2 =	vld.idx.msk [tilespmem:v4+s15+$0x0], $0xffff;
	v3 =	vor.u32 s28, v3  }
0x2c1: {  	v4 =	vor.u32 v62, v1;
	_ =	sdelay $0x3  }
0x2c2: {  	[tilespmem:v3+s22+$0x0] =	vst.idx.msk $0xffff, v2  }
0x2c3: {  	v3 =	vor.u32 s28, v34;
	v2 =	vld.idx.msk [tilespmem:v4+s15+$0x0], $0xffff;
	_ =	sdelay $0x4  }
0x2c4: {  	v4 =	vor.u32 v39, v1;
	[tilespmem:v3+s22+$0x0] =	vst.idx.msk $0xffff, v2;
	v3 =	vld [tilespmem:$0x1FBA0];
	_ =	sdelay $0x4  }
0x2c5: {  	v2 =	vld.idx.msk [tilespmem:v4+s15+$0x0], $0xffff;
	v3 =	vor.u32 s28, v3  }
0x2c6: {  	v4 =	vor.u32 v6, v1;
	_ =	sdelay $0x3  }
0x2c7: {  	[tilespmem:v3+s22+$0x0] =	vst.idx.msk $0xffff, v2  }
0x2c8: {  	v3 =	vor.u32 s28, v35;
	v2 =	vld.idx.msk [tilespmem:v4+s15+$0x0], $0xffff  }
0x2c9: {  	v4 =	vor.u32 v7, v1;
	_ =	sdelay $0x3  }
0x2ca: {  	[tilespmem:v3+s22+$0x0] =	vst.idx.msk $0xffff, v2  }
0x2cb: {  	v3 =	vor.u32 s28, v36;
	v2 =	vld.idx.msk [tilespmem:v4+s15+$0x0], $0xffff  }
0x2cc: {  	v4 =	vor.u32 v8, v1;
	_ =	sdelay $0x3  }
0x2cd: {  	[tilespmem:v3+s22+$0x0] =	vst.idx.msk $0xffff, v2  }
0x2ce: {  	s29 =	simm.s32 $0x10;
	s0 =	simm.s32 $0x0;
	s1 =	simm.s32 $0x2;
	v1 =	vor.u32 v9, v1;
	v3 =	vor.u32 s28, v40;
	v2 =	vld.idx.msk [tilespmem:v4+s15+$0x0], $0xffff  }
.LBB2_4:
0x2cf: {  	_ = 	snop  }
0x2d0: {  	s12 =	sshll.u32 s0, $0x7;
	s30 =	sand.u32 $0x70, s29  }
0x2d1: {  	s12 =	sor.u32 s30, s12  }
0x2d2: {  	v4 =	vmov s12  }
0x2d3: {  	[tilespmem:v3+s22+$0x0] =	vst.idx.msk $0xffff, v2;
	v2 =	vshll.u32 v4, $0x5  }
0x2d4: {  	v4 =	vlaneseq.u32;
	v3 =	vld.idx.msk [tilespmem:v1+s15+$0x0], $0xffff;
	v1 =	vor.u32 v42, v2;
	v2 =	vor.u32 s28, v31  }
0x2d5: {  	v4 =	vor.u32 v4, v1;
	_ =	sdelay $0x2  }
0x2d6: {  	s31 =	sshll.u32 s0, $0xA  }
0x2d7: {  	s28 =	sor.u32 s30, s31;
	[tilespmem:v2+s22+$0x0] =	vst.idx.msk $0xffff, v3  }
0x2d8: {  	v3 =	vor.u32 s28, v5;
	v2 =	vld.idx.msk [tilespmem:v4+s15+$0x0], $0xffff  }
0x2d9: {  	v4 =	vor.u32 v44, v1;
	_ =	sdelay $0x3  }
0x2da: {  	[tilespmem:v3+s22+$0x0] =	vst.idx.msk $0xffff, v2  }
0x2db: {  	v3 =	vor.u32 s28, v10;
	v2 =	vld.idx.msk [tilespmem:v4+s15+$0x0], $0xffff  }
0x2dc: {  	v4 =	vor.u32 v45, v1;
	_ =	sdelay $0x3  }
0x2dd: {  	[tilespmem:v3+s22+$0x0] =	vst.idx.msk $0xffff, v2  }
0x2de: {  	v3 =	vor.u32 s28, v11;
	v2 =	vld.idx.msk [tilespmem:v4+s15+$0x0], $0xffff  }
0x2df: {  	v4 =	vor.u32 v47, v1;
	_ =	sdelay $0x3  }
0x2e0: {  	[tilespmem:v3+s22+$0x0] =	vst.idx.msk $0xffff, v2  }
0x2e1: {  	v3 =	vor.u32 s28, v12;
	v2 =	vld.idx.msk [tilespmem:v4+s15+$0x0], $0xffff  }
0x2e2: {  	v4 =	vor.u32 v46, v1;
	_ =	sdelay $0x3  }
0x2e3: {  	[tilespmem:v3+s22+$0x0] =	vst.idx.msk $0xffff, v2  }
0x2e4: {  	v3 =	vor.u32 s28, v13;
	v2 =	vld.idx.msk [tilespmem:v4+s15+$0x0], $0xffff  }
0x2e5: {  	v4 =	vor.u32 v49, v1;
	_ =	sdelay $0x3  }
0x2e6: {  	[tilespmem:v3+s22+$0x0] =	vst.idx.msk $0xffff, v2  }
0x2e7: {  	v3 =	vor.u32 s28, v14;
	v2 =	vld.idx.msk [tilespmem:v4+s15+$0x0], $0xffff  }
0x2e8: {  	v4 =	vor.u32 v48, v1;
	_ =	sdelay $0x3  }
0x2e9: {  	[tilespmem:v3+s22+$0x0] =	vst.idx.msk $0xffff, v2  }
0x2ea: {  	v3 =	vor.u32 s28, v15;
	v2 =	vld.idx.msk [tilespmem:v4+s15+$0x0], $0xffff  }
0x2eb: {  	v4 =	vor.u32 v50, v1;
	_ =	sdelay $0x3  }
0x2ec: {  	[tilespmem:v3+s22+$0x0] =	vst.idx.msk $0xffff, v2  }
0x2ed: {  	v3 =	vor.u32 s28, v16;
	v2 =	vld.idx.msk [tilespmem:v4+s15+$0x0], $0xffff  }
0x2ee: {  	v4 =	vor.u32 v37, v1;
	_ =	sdelay $0x3  }
0x2ef: {  	[tilespmem:v3+s22+$0x0] =	vst.idx.msk $0xffff, v2  }
0x2f0: {  	v3 =	vor.u32 s28, v17;
	v2 =	vld.idx.msk [tilespmem:v4+s15+$0x0], $0xffff  }
0x2f1: {  	v4 =	vor.u32 v33, v1;
	_ =	sdelay $0x3  }
0x2f2: {  	[tilespmem:v3+s22+$0x0] =	vst.idx.msk $0xffff, v2  }
0x2f3: {  	v3 =	vor.u32 s28, v18;
	v2 =	vld.idx.msk [tilespmem:v4+s15+$0x0], $0xffff  }
0x2f4: {  	v4 =	vor.u32 v51, v1;
	_ =	sdelay $0x3  }
0x2f5: {  	[tilespmem:v3+s22+$0x0] =	vst.idx.msk $0xffff, v2  }
0x2f6: {  	v3 =	vor.u32 s28, v19;
	v2 =	vld.idx.msk [tilespmem:v4+s15+$0x0], $0xffff  }
0x2f7: {  	v4 =	vor.u32 v55, v1;
	_ =	sdelay $0x3  }
0x2f8: {  	[tilespmem:v3+s22+$0x0] =	vst.idx.msk $0xffff, v2  }
0x2f9: {  	v3 =	vor.u32 s28, v20;
	v2 =	vld.idx.msk [tilespmem:v4+s15+$0x0], $0xffff  }
0x2fa: {  	v4 =	vor.u32 v59, v1;
	_ =	sdelay $0x3  }
0x2fb: {  	[tilespmem:v3+s22+$0x0] =	vst.idx.msk $0xffff, v2  }
0x2fc: {  	v3 =	vor.u32 s28, v21;
	v2 =	vld.idx.msk [tilespmem:v4+s15+$0x0], $0xffff  }
0x2fd: {  	v4 =	vor.u32 v61, v1;
	_ =	sdelay $0x3  }
0x2fe: {  	[tilespmem:v3+s22+$0x0] =	vst.idx.msk $0xffff, v2  }
0x2ff: {  	v3 =	vor.u32 s28, v22;
	v2 =	vld.idx.msk [tilespmem:v4+s15+$0x0], $0xffff  }
0x300: {  	v4 =	vor.u32 v38, v1;
	_ =	sdelay $0x3  }
0x301: {  	[tilespmem:v3+s22+$0x0] =	vst.idx.msk $0xffff, v2  }
0x302: {  	v3 =	vor.u32 s28, v23;
	v2 =	vld.idx.msk [tilespmem:v4+s15+$0x0], $0xffff  }
0x303: {  	v4 =	vor.u32 v41, v1;
	_ =	sdelay $0x3  }
0x304: {  	[tilespmem:v3+s22+$0x0] =	vst.idx.msk $0xffff, v2  }
0x305: {  	v3 =	vor.u32 s28, v24;
	v2 =	vld.idx.msk [tilespmem:v4+s15+$0x0], $0xffff  }
0x306: {  	v4 =	vor.u32 v43, v1;
	_ =	sdelay $0x3  }
0x307: {  	[tilespmem:v3+s22+$0x0] =	vst.idx.msk $0xffff, v2  }
0x308: {  	v3 =	vor.u32 s28, v25;
	v2 =	vld.idx.msk [tilespmem:v4+s15+$0x0], $0xffff  }
0x309: {  	v4 =	vor.u32 v58, v1;
	_ =	sdelay $0x3  }
0x30a: {  	[tilespmem:v3+s22+$0x0] =	vst.idx.msk $0xffff, v2  }
0x30b: {  	v3 =	vor.u32 s28, v26;
	v2 =	vld.idx.msk [tilespmem:v4+s15+$0x0], $0xffff  }
0x30c: {  	v4 =	vor.u32 v63, v1;
	_ =	sdelay $0x3  }
0x30d: {  	[tilespmem:v3+s22+$0x0] =	vst.idx.msk $0xffff, v2  }
0x30e: {  	v3 =	vor.u32 s28, v27;
	v2 =	vld.idx.msk [tilespmem:v4+s15+$0x0], $0xffff  }
0x30f: {  	v4 =	vor.u32 v0, v1;
	_ =	sdelay $0x3  }
0x310: {  	[tilespmem:v3+s22+$0x0] =	vst.idx.msk $0xffff, v2  }
0x311: {  	v3 =	vor.u32 s28, v28;
	v2 =	vld.idx.msk [tilespmem:v4+s15+$0x0], $0xffff;
	_ =	sdelay $0x4  }
0x312: {  	v4 =	vor.u32 v52, v1;
	[tilespmem:v3+s22+$0x0] =	vst.idx.msk $0xffff, v2;
	v3 =	vld [tilespmem:$0x1FB70];
	_ =	sdelay $0x4  }
0x313: {  	v2 =	vld.idx.msk [tilespmem:v4+s15+$0x0], $0xffff;
	v3 =	vor.u32 s28, v3;
	_ =	sdelay $0x4  }
0x314: {  	v4 =	vor.u32 v53, v1;
	[tilespmem:v3+s22+$0x0] =	vst.idx.msk $0xffff, v2;
	v3 =	vld [tilespmem:$0x1FB80];
	_ =	sdelay $0x4  }
0x315: {  	v2 =	vld.idx.msk [tilespmem:v4+s15+$0x0], $0xffff;
	v3 =	vor.u32 s28, v3  }
0x316: {  	v4 =	vor.u32 v54, v1;
	_ =	sdelay $0x3  }
0x317: {  	[tilespmem:v3+s22+$0x0] =	vst.idx.msk $0xffff, v2  }
0x318: {  	v3 =	vor.u32 s28, v29;
	v2 =	vld.idx.msk [tilespmem:v4+s15+$0x0], $0xffff  }
0x319: {  	v4 =	vor.u32 v56, v1;
	_ =	sdelay $0x3  }
0x31a: {  	[tilespmem:v3+s22+$0x0] =	vst.idx.msk $0xffff, v2  }
0x31b: {  	v3 =	vor.u32 s28, v32;
	v2 =	vld.idx.msk [tilespmem:v4+s15+$0x0], $0xffff  }
0x31c: {  	v4 =	vor.u32 v57, v1;
	_ =	sdelay $0x3  }
0x31d: {  	[tilespmem:v3+s22+$0x0] =	vst.idx.msk $0xffff, v2  }
0x31e: {  	v3 =	vor.u32 s28, v30;
	v2 =	vld.idx.msk [tilespmem:v4+s15+$0x0], $0xffff;
	_ =	sdelay $0x4  }
0x31f: {  	v4 =	vor.u32 v60, v1;
	[tilespmem:v3+s22+$0x0] =	vst.idx.msk $0xffff, v2;
	v3 =	vld [tilespmem:$0x1FB90];
	_ =	sdelay $0x4  }
0x320: {  	v2 =	vld.idx.msk [tilespmem:v4+s15+$0x0], $0xffff;
	v3 =	vor.u32 s28, v3  }
0x321: {  	v4 =	vor.u32 v62, v1;
	_ =	sdelay $0x3  }
0x322: {  	[tilespmem:v3+s22+$0x0] =	vst.idx.msk $0xffff, v2  }
0x323: {  	v3 =	vor.u32 s28, v34;
	v2 =	vld.idx.msk [tilespmem:v4+s15+$0x0], $0xffff;
	_ =	sdelay $0x4  }
0x324: {  	v4 =	vor.u32 v39, v1;
	[tilespmem:v3+s22+$0x0] =	vst.idx.msk $0xffff, v2;
	v3 =	vld [tilespmem:$0x1FBA0];
	_ =	sdelay $0x4  }
0x325: {  	v2 =	vld.idx.msk [tilespmem:v4+s15+$0x0], $0xffff;
	v3 =	vor.u32 s28, v3  }
0x326: {  	v4 =	vor.u32 v6, v1;
	_ =	sdelay $0x3  }
0x327: {  	[tilespmem:v3+s22+$0x0] =	vst.idx.msk $0xffff, v2  }
0x328: {  	v3 =	vor.u32 s28, v35;
	v2 =	vld.idx.msk [tilespmem:v4+s15+$0x0], $0xffff  }
0x329: {  	v4 =	vor.u32 v7, v1;
	_ =	sdelay $0x3  }
0x32a: {  	[tilespmem:v3+s22+$0x0] =	vst.idx.msk $0xffff, v2  }
0x32b: {  	v3 =	vor.u32 s28, v36;
	v2 =	vld.idx.msk [tilespmem:v4+s15+$0x0], $0xffff  }
0x32c: {  	p0 =	sne.s32 s1, $0x1F;
	v4 =	vor.u32 v8, v1  }
.Ltmp3:
0x32d: {  	_ = 	snop;
	(pc) =	sbr.rel @p0 .LBB2_4-.Ltmp3, $3  }
0x32e: {  	_ =	sdelay $0x1  }
0x32f: {  	[tilespmem:v3+s22+$0x0] =	vst.idx.msk $0xffff, v2  }
0x330: {  	s0 =	sshrl.u32 s1, $0x3;
	s1 =	sadd.s32 $0x1, s1;
	s29 =	sadd.s32 $0x10, s29;
	v1 =	vor.u32 v9, v1;
	v3 =	vor.u32 s28, v40;
	v2 =	vld.idx.msk [tilespmem:v4+s15+$0x0], $0xffff  }
0x331: {  	_ = 	snop  }
0x332: {  	s1 =	sshll.u32 s0, $0x7;
	s12 =	sand.u32 $0x70, s29  }
0x333: {  	s1 =	sor.u32 s12, s1  }
0x334: {  	v4 =	vmov s1  }
0x335: {  	[tilespmem:v3+s22+$0x0] =	vst.idx.msk $0xffff, v2;
	v2 =	vshll.u32 v4, $0x5  }
0x336: {  	v3 =	vor.u32 s28, v31;
	v4 =	vlaneseq.u32;
	v1 =	vld.idx.msk [tilespmem:v1+s15+$0x0], $0xffff;
	v2 =	vor.u32 v42, v2  }
0x337: {  	v4 =	vor.u32 v4, v2;
	_ =	sdelay $0x2  }
0x338: {  	s30 =	sshll.u32 s0, $0xA  }
0x339: {  	s0 =	sor.u32 s12, s30;
	[tilespmem:v3+s22+$0x0] =	vst.idx.msk $0xffff, v1  }
0x33a: {  	v3 =	vor.u32 s0, v5;
	v1 =	vld.idx.msk [tilespmem:v4+s15+$0x0], $0xffff  }
0x33b: {  	v4 =	vor.u32 v44, v2;
	_ =	sdelay $0x3  }
0x33c: {  	[tilespmem:v3+s22+$0x0] =	vst.idx.msk $0xffff, v1  }
0x33d: {  	v3 =	vor.u32 s0, v10;
	v1 =	vld.idx.msk [tilespmem:v4+s15+$0x0], $0xffff  }
0x33e: {  	v4 =	vor.u32 v45, v2;
	_ =	sdelay $0x3  }
0x33f: {  	[tilespmem:v3+s22+$0x0] =	vst.idx.msk $0xffff, v1  }
0x340: {  	v3 =	vor.u32 s0, v11;
	v1 =	vld.idx.msk [tilespmem:v4+s15+$0x0], $0xffff  }
0x341: {  	v4 =	vor.u32 v47, v2;
	_ =	sdelay $0x3  }
0x342: {  	[tilespmem:v3+s22+$0x0] =	vst.idx.msk $0xffff, v1  }
0x343: {  	v3 =	vor.u32 s0, v12;
	v1 =	vld.idx.msk [tilespmem:v4+s15+$0x0], $0xffff  }
0x344: {  	v4 =	vor.u32 v46, v2;
	_ =	sdelay $0x3  }
0x345: {  	[tilespmem:v3+s22+$0x0] =	vst.idx.msk $0xffff, v1  }
0x346: {  	v3 =	vor.u32 s0, v13;
	v1 =	vld.idx.msk [tilespmem:v4+s15+$0x0], $0xffff  }
0x347: {  	v4 =	vor.u32 v49, v2;
	_ =	sdelay $0x3  }
0x348: {  	[tilespmem:v3+s22+$0x0] =	vst.idx.msk $0xffff, v1  }
0x349: {  	v3 =	vor.u32 s0, v14;
	v1 =	vld.idx.msk [tilespmem:v4+s15+$0x0], $0xffff  }
0x34a: {  	v4 =	vor.u32 v48, v2;
	_ =	sdelay $0x3  }
0x34b: {  	[tilespmem:v3+s22+$0x0] =	vst.idx.msk $0xffff, v1  }
0x34c: {  	v3 =	vor.u32 s0, v15;
	v1 =	vld.idx.msk [tilespmem:v4+s15+$0x0], $0xffff  }
0x34d: {  	v4 =	vor.u32 v50, v2;
	_ =	sdelay $0x3  }
0x34e: {  	[tilespmem:v3+s22+$0x0] =	vst.idx.msk $0xffff, v1  }
0x34f: {  	v3 =	vor.u32 s0, v16;
	v1 =	vld.idx.msk [tilespmem:v4+s15+$0x0], $0xffff  }
0x350: {  	v4 =	vor.u32 v37, v2;
	_ =	sdelay $0x3  }
0x351: {  	[tilespmem:v3+s22+$0x0] =	vst.idx.msk $0xffff, v1  }
0x352: {  	v3 =	vor.u32 s0, v17;
	v1 =	vld.idx.msk [tilespmem:v4+s15+$0x0], $0xffff  }
0x353: {  	v4 =	vor.u32 v33, v2;
	_ =	sdelay $0x3  }
0x354: {  	[tilespmem:v3+s22+$0x0] =	vst.idx.msk $0xffff, v1  }
0x355: {  	v3 =	vor.u32 s0, v18;
	v1 =	vld.idx.msk [tilespmem:v4+s15+$0x0], $0xffff  }
0x356: {  	v4 =	vor.u32 v51, v2;
	_ =	sdelay $0x3  }
0x357: {  	[tilespmem:v3+s22+$0x0] =	vst.idx.msk $0xffff, v1  }
0x358: {  	v3 =	vor.u32 s0, v19;
	v1 =	vld.idx.msk [tilespmem:v4+s15+$0x0], $0xffff  }
0x359: {  	v4 =	vor.u32 v55, v2;
	_ =	sdelay $0x3  }
0x35a: {  	[tilespmem:v3+s22+$0x0] =	vst.idx.msk $0xffff, v1  }
0x35b: {  	v3 =	vor.u32 s0, v20;
	v1 =	vld.idx.msk [tilespmem:v4+s15+$0x0], $0xffff  }
0x35c: {  	v20 =	vor.u32 v59, v2;
	_ =	sdelay $0x3  }
0x35d: {  	[tilespmem:v3+s22+$0x0] =	vst.idx.msk $0xffff, v1  }
0x35e: {  	v3 =	vor.u32 s0, v21;
	v1 =	vld.idx.msk [tilespmem:v20+s15+$0x0], $0xffff  }
0x35f: {  	v21 =	vor.u32 v61, v2;
	_ =	sdelay $0x3  }
0x360: {  	[tilespmem:v3+s22+$0x0] =	vst.idx.msk $0xffff, v1  }
0x361: {  	v3 =	vor.u32 s0, v22;
	v1 =	vld.idx.msk [tilespmem:v21+s15+$0x0], $0xffff  }
0x362: {  	v22 =	vor.u32 v38, v2;
	_ =	sdelay $0x3  }
0x363: {  	[tilespmem:v3+s22+$0x0] =	vst.idx.msk $0xffff, v1  }
0x364: {  	v3 =	vor.u32 s0, v23;
	v1 =	vld.idx.msk [tilespmem:v22+s15+$0x0], $0xffff  }
0x365: {  	v23 =	vor.u32 v41, v2;
	_ =	sdelay $0x3  }
0x366: {  	[tilespmem:v3+s22+$0x0] =	vst.idx.msk $0xffff, v1  }
0x367: {  	v3 =	vor.u32 s0, v24;
	v1 =	vld.idx.msk [tilespmem:v23+s15+$0x0], $0xffff  }
0x368: {  	v24 =	vor.u32 v43, v2;
	_ =	sdelay $0x3  }
0x369: {  	[tilespmem:v3+s22+$0x0] =	vst.idx.msk $0xffff, v1  }
0x36a: {  	v3 =	vor.u32 s0, v25;
	v1 =	vld.idx.msk [tilespmem:v24+s15+$0x0], $0xffff  }
0x36b: {  	v20 =	vor.u32 v58, v2;
	_ =	sdelay $0x3  }
0x36c: {  	[tilespmem:v3+s22+$0x0] =	vst.idx.msk $0xffff, v1  }
0x36d: {  	v3 =	vor.u32 s0, v26;
	v1 =	vld.idx.msk [tilespmem:v20+s15+$0x0], $0xffff  }
0x36e: {  	v21 =	vor.u32 v63, v2;
	_ =	sdelay $0x3  }
0x36f: {  	[tilespmem:v3+s22+$0x0] =	vst.idx.msk $0xffff, v1  }
0x370: {  	v3 =	vor.u32 s0, v27;
	v1 =	vld.idx.msk [tilespmem:v21+s15+$0x0], $0xffff  }
0x371: {  	v22 =	vor.u32 v0, v2;
	_ =	sdelay $0x3  }
0x372: {  	[tilespmem:v3+s22+$0x0] =	vst.idx.msk $0xffff, v1  }
0x373: {  	v3 =	vor.u32 s0, v28;
	v1 =	vld.idx.msk [tilespmem:v22+s15+$0x0], $0xffff;
	_ =	sdelay $0x4  }
0x374: {  	v23 =	vor.u32 v52, v2;
	[tilespmem:v3+s22+$0x0] =	vst.idx.msk $0xffff, v1;
	v3 =	vld [tilespmem:$0x1FB70];
	_ =	sdelay $0x4  }
0x375: {  	v1 =	vld.idx.msk [tilespmem:v23+s15+$0x0], $0xffff;
	v3 =	vor.u32 s0, v3;
	_ =	sdelay $0x4  }
0x376: {  	v24 =	vor.u32 v53, v2;
	[tilespmem:v3+s22+$0x0] =	vst.idx.msk $0xffff, v1;
	v3 =	vld [tilespmem:$0x1FB80];
	_ =	sdelay $0x4  }
0x377: {  	v1 =	vld.idx.msk [tilespmem:v24+s15+$0x0], $0xffff;
	v3 =	vor.u32 s0, v3  }
0x378: {  	v25 =	vor.u32 v54, v2;
	_ =	sdelay $0x3  }
0x379: {  	[tilespmem:v3+s22+$0x0] =	vst.idx.msk $0xffff, v1  }
0x37a: {  	v3 =	vor.u32 s0, v29;
	v1 =	vld.idx.msk [tilespmem:v25+s15+$0x0], $0xffff  }
0x37b: {  	v26 =	vor.u32 v56, v2;
	_ =	sdelay $0x3  }
0x37c: {  	[tilespmem:v3+s22+$0x0] =	vst.idx.msk $0xffff, v1  }
0x37d: {  	v3 =	vor.u32 s0, v32;
	v1 =	vld.idx.msk [tilespmem:v26+s15+$0x0], $0xffff  }
0x37e: {  	v27 =	vor.u32 v57, v2;
	_ =	sdelay $0x3  }
0x37f: {  	[tilespmem:v3+s22+$0x0] =	vst.idx.msk $0xffff, v1  }
0x380: {  	v3 =	vor.u32 s0, v30;
	v1 =	vld.idx.msk [tilespmem:v27+s15+$0x0], $0xffff;
	_ =	sdelay $0x4  }
0x381: {  	v28 =	vor.u32 v60, v2;
	[tilespmem:v3+s22+$0x0] =	vst.idx.msk $0xffff, v1;
	v3 =	vld [tilespmem:$0x1FB90];
	_ =	sdelay $0x4  }
0x382: {  	v1 =	vld.idx.msk [tilespmem:v28+s15+$0x0], $0xffff;
	v3 =	vor.u32 s0, v3  }
0x383: {  	v29 =	vor.u32 v62, v2;
	_ =	sdelay $0x3  }
0x384: {  	[tilespmem:v3+s22+$0x0] =	vst.idx.msk $0xffff, v1  }
0x385: {  	v3 =	vor.u32 s0, v34;
	v1 =	vld.idx.msk [tilespmem:v29+s15+$0x0], $0xffff;
	_ =	sdelay $0x4  }
0x386: {  	v30 =	vor.u32 v39, v2;
	[tilespmem:v3+s22+$0x0] =	vst.idx.msk $0xffff, v1;
	v3 =	vld [tilespmem:$0x1FBA0];
	_ =	sdelay $0x4  }
0x387: {  	v1 =	vld.idx.msk [tilespmem:v30+s15+$0x0], $0xffff;
	v3 =	vor.u32 s0, v3  }
0x388: {  	v34 =	vor.u32 v6, v2;
	_ =	sdelay $0x3  }
0x389: {  	[tilespmem:v3+s22+$0x0] =	vst.idx.msk $0xffff, v1  }
0x38a: {  	v3 =	vor.u32 s0, v35;
	v1 =	vld.idx.msk [tilespmem:v34+s15+$0x0], $0xffff  }
0x38b: {  	v35 =	vor.u32 v7, v2;
	_ =	sdelay $0x3  }
0x38c: {  	[tilespmem:v3+s22+$0x0] =	vst.idx.msk $0xffff, v1  }
0x38d: {  	v3 =	vor.u32 s0, v36;
	v1 =	vld.idx.msk [tilespmem:v35+s15+$0x0], $0xffff  }
0x38e: {  	v36 =	vor.u32 v8, v2;
	_ =	sdelay $0x3  }
0x38f: {  	[tilespmem:v3+s22+$0x0] =	vst.idx.msk $0xffff, v1  }
0x390: {  	v3 =	vor.u32 s0, v40;
	v1 =	vld.idx.msk [tilespmem:v36+s15+$0x0], $0xffff  }
0x391: {  	v2 =	vor.u32 v9, v2;
	_ =	sdelay $0x3  }
0x392: {  	[tilespmem:v3+s22+$0x0] =	vst.idx.msk $0xffff, v1  }
0x393: {  	v1 =	vld.idx.msk [tilespmem:v2+s15+$0x0], $0xffff;
	v2 =	vor.u32 s0, v31;
	_ =	sdelay $0x4  }
0x394: {  	[tilespmem:v2+s22+$0x0] =	vst.idx.msk $0xffff, v1  }
0x395: {  	[hbm4b:s9+s18] =	stream.strided.scatter [tilespmem:s22], [sflag:$0x4], $0x4000, s19, s18, $0x38;
	[tilespmem:$0x16400] =	vst v63  }
0x396: {  	s31 =	simm.s32 $0x600;
	s28 =	simm.s32 $0x1  }
0x397: {  	v10 =	vmovc v5;
	v11 =	vmovc v38;
	v13 =	vmov v41;
	v15 =	vmov v39;
	v17 =	vmov v43;
	[tilespmem:s15], [sflag:$0x2] =	stream.indirect.gather [hbm4b:s4+s11], $0x20, s31, s11, $0xb8;
	[tilespmem:$0x16400] =	vst v63  }
.LBB2_6:
0x398: {  	s0 =	simm.s32 $0x0  }
0x399: {  	s1 =	simm.s32 $0x0;
	s0 =	sand.u32 $0x70, s0  }
0x39a: {  	s1 =	sor.u32 s0, s1  }
0x39b: {  	v1 =	vmov s1  }
0x39c: {  	v1 =	vshll.u32 v1, $0x5  }
0x39d: {  	_ =	swait.ge [sflag:s16], $0x4000;
	v2 =	vlaneseq.u32;
	v1 =	vor.u32 v42, v1  }
0x39e: {  	[sflag:s16] =	ssyncset.done $0x0;
	v2 =	vor.u32 v2, v1  }
0x39f: {  	[sflag:s16] =	ssyncadd.s32 $0xFFFFC000  }
0x3a0: {  	_ =	swait.ge [sflag:s24], $0x4000  }
0x3a1: {  	s31 =	simm.s32 $0x0;
	[sflag:s24] =	ssyncset.done $0x0  }
0x3a2: {  	s29 =	sor.u32 s0, s31;
	[sflag:s24] =	ssyncadd.s32 $0xFFFFC000  }
0x3a3: {  	v3 =	vor.u32 s29, v10;
	v2 =	vld.idx.msk [tilespmem:v2+s14+$0x0], $0xffff;
	_ =	sdelay $0x4  }
0x3a4: {  	v4 =	vor.u32 v44, v1;
	[tilespmem:v3+s17+$0x0] =	vst.idx.msk $0xffff, v2;
	v3 =	vld [tilespmem:$0x1FCB0];
	_ =	sdelay $0x4  }
0x3a5: {  	v2 =	vld.idx.msk [tilespmem:v4+s14+$0x0], $0xffff;
	v3 =	vor.u32 s29, v3  }
0x3a6: {  	v12 =	vld [tilespmem:$0x1FCC0];
	v4 =	vor.u32 v45, v1;
	_ =	sdelay $0x3  }
0x3a7: {  	[tilespmem:v3+s17+$0x0] =	vst.idx.msk $0xffff, v2  }
0x3a8: {  	v3 =	vor.u32 s29, v12;
	v2 =	vld.idx.msk [tilespmem:v4+s14+$0x0], $0xffff;
	_ =	sdelay $0x4  }
0x3a9: {  	v4 =	vor.u32 v47, v1;
	[tilespmem:v3+s17+$0x0] =	vst.idx.msk $0xffff, v2;
	v3 =	vld [tilespmem:$0x1FCD0];
	_ =	sdelay $0x4  }
0x3aa: {  	v2 =	vld.idx.msk [tilespmem:v4+s14+$0x0], $0xffff;
	v21 =	vmov v3;
	v3 =	vor.u32 s29, v3  }
0x3ab: {  	v14 =	vld [tilespmem:$0x1FCE0];
	v4 =	vor.u32 v46, v1;
	_ =	sdelay $0x3  }
0x3ac: {  	[tilespmem:v3+s17+$0x0] =	vst.idx.msk $0xffff, v2  }
0x3ad: {  	v3 =	vor.u32 s29, v14;
	v2 =	vld.idx.msk [tilespmem:v4+s14+$0x0], $0xffff;
	_ =	sdelay $0x4  }
0x3ae: {  	v4 =	vor.u32 v49, v1;
	[tilespmem:v3+s17+$0x0] =	vst.idx.msk $0xffff, v2;
	v3 =	vld [tilespmem:$0x1FCF0];
	_ =	sdelay $0x4  }
0x3af: {  	v2 =	vld.idx.msk [tilespmem:v4+s14+$0x0], $0xffff;
	v23 =	vmov v3;
	v3 =	vor.u32 s29, v3  }
0x3b0: {  	v16 =	vld [tilespmem:$0x1FD00];
	v4 =	vor.u32 v48, v1;
	_ =	sdelay $0x3  }
0x3b1: {  	[tilespmem:v3+s17+$0x0] =	vst.idx.msk $0xffff, v2  }
0x3b2: {  	v3 =	vor.u32 s29, v16;
	v2 =	vld.idx.msk [tilespmem:v4+s14+$0x0], $0xffff;
	_ =	sdelay $0x4  }
0x3b3: {  	v4 =	vor.u32 v50, v1;
	[tilespmem:v3+s17+$0x0] =	vst.idx.msk $0xffff, v2;
	v3 =	vld [tilespmem:$0x1FD10];
	_ =	sdelay $0x4  }
0x3b4: {  	v2 =	vld.idx.msk [tilespmem:v4+s14+$0x0], $0xffff;
	v25 =	vmov v3;
	v3 =	vor.u32 s29, v3  }
0x3b5: {  	v18 =	vld [tilespmem:$0x1FD20];
	v4 =	vor.u32 v37, v1;
	_ =	sdelay $0x3  }
0x3b6: {  	[tilespmem:v3+s17+$0x0] =	vst.idx.msk $0xffff, v2  }
0x3b7: {  	v3 =	vor.u32 s29, v18;
	v2 =	vld.idx.msk [tilespmem:v4+s14+$0x0], $0xffff;
	_ =	sdelay $0x4  }
0x3b8: {  	v4 =	vor.u32 v33, v1;
	[tilespmem:v3+s17+$0x0] =	vst.idx.msk $0xffff, v2;
	v3 =	vld [tilespmem:$0x1FD30];
	_ =	sdelay $0x4  }
0x3b9: {  	v2 =	vld.idx.msk [tilespmem:v4+s14+$0x0], $0xffff;
	v27 =	vmov v3;
	v3 =	vor.u32 s29, v3  }
0x3ba: {  	v20 =	vld [tilespmem:$0x1FD40];
	v4 =	vor.u32 v51, v1;
	_ =	sdelay $0x3  }
0x3bb: {  	[tilespmem:v3+s17+$0x0] =	vst.idx.msk $0xffff, v2  }
0x3bc: {  	v3 =	vor.u32 s29, v20;
	v2 =	vld.idx.msk [tilespmem:v4+s14+$0x0], $0xffff;
	_ =	sdelay $0x4  }
0x3bd: {  	v4 =	vor.u32 v55, v1;
	[tilespmem:v3+s17+$0x0] =	vst.idx.msk $0xffff, v2;
	v3 =	vld [tilespmem:$0x1FD50];
	_ =	sdelay $0x4  }
0x3be: {  	v2 =	vld.idx.msk [tilespmem:v4+s14+$0x0], $0xffff;
	v29 =	vmov v3;
	v3 =	vor.u32 s29, v3  }
0x3bf: {  	v22 =	vld [tilespmem:$0x1FD60];
	v4 =	vor.u32 v59, v1;
	_ =	sdelay $0x3  }
0x3c0: {  	[tilespmem:v3+s17+$0x0] =	vst.idx.msk $0xffff, v2  }
0x3c1: {  	v3 =	vor.u32 s29, v22;
	v2 =	vld.idx.msk [tilespmem:v4+s14+$0x0], $0xffff;
	_ =	sdelay $0x4  }
0x3c2: {  	v4 =	vor.u32 v61, v1;
	[tilespmem:v3+s17+$0x0] =	vst.idx.msk $0xffff, v2;
	v3 =	vld [tilespmem:$0x1FD70];
	_ =	sdelay $0x4  }
0x3c3: {  	v2 =	vld.idx.msk [tilespmem:v4+s14+$0x0], $0xffff;
	v34 =	vmov v3;
	v3 =	vor.u32 s29, v3  }
0x3c4: {  	v24 =	vld [tilespmem:$0x1FD80];
	v4 =	vor.u32 v11, v1;
	_ =	sdelay $0x3  }
0x3c5: {  	[tilespmem:v3+s17+$0x0] =	vst.idx.msk $0xffff, v2  }
0x3c6: {  	v3 =	vor.u32 s29, v24;
	v2 =	vld.idx.msk [tilespmem:v4+s14+$0x0], $0xffff;
	_ =	sdelay $0x4  }
0x3c7: {  	v4 =	vor.u32 v13, v1;
	[tilespmem:v3+s17+$0x0] =	vst.idx.msk $0xffff, v2;
	v3 =	vld [tilespmem:$0x1FD90];
	_ =	sdelay $0x3  }
0x3c8: {  	v41 =	vmov v42;
	v42 =	vmov v45  }
0x3c9: {  	v45 =	vmovc v46;
	v46 =	vmovc v48;
	v48 =	vmov v37;
	v2 =	vld.idx.msk [tilespmem:v4+s14+$0x0], $0xffff;
	v37 =	vmov v3;
	v3 =	vor.u32 s29, v3  }
0x3ca: {  	v26 =	vld [tilespmem:$0x1FDA0];
	v4 =	vor.u32 v17, v1;
	_ =	sdelay $0x3  }
0x3cb: {  	[tilespmem:v3+s17+$0x0] =	vst.idx.msk $0xffff, v2  }
0x3cc: {  	v3 =	vor.u32 s29, v26;
	v2 =	vld.idx.msk [tilespmem:v4+s14+$0x0], $0xffff;
	_ =	sdelay $0x4  }
0x3cd: {  	v4 =	vor.u32 v58, v1;
	[tilespmem:v3+s17+$0x0] =	vst.idx.msk $0xffff, v2;
	v3 =	vld [tilespmem:$0x1FDB0];
	_ =	sdelay $0x4  }
0x3ce: {  	v2 =	vld.idx.msk [tilespmem:v4+s14+$0x0], $0xffff;
	v3 =	vor.u32 s29, v3  }
0x3cf: {  	v28 =	vld [tilespmem:$0x1FDC0];
	v4 =	vor.u32 v63, v1;
	_ =	sdelay $0x3  }
0x3d0: {  	[tilespmem:v3+s17+$0x0] =	vst.idx.msk $0xffff, v2  }
0x3d1: {  	v3 =	vor.u32 s29, v28;
	v2 =	vld.idx.msk [tilespmem:v4+s14+$0x0], $0xffff;
	_ =	sdelay $0x4  }
0x3d2: {  	v4 =	vor.u32 v0, v1;
	[tilespmem:v3+s17+$0x0] =	vst.idx.msk $0xffff, v2;
	v3 =	vld [tilespmem:$0x1FDD0];
	_ =	sdelay $0x4  }
0x3d3: {  	v2 =	vld.idx.msk [tilespmem:v4+s14+$0x0], $0xffff;
	v3 =	vor.u32 s29, v3  }
0x3d4: {  	v31 =	vld [tilespmem:$0x1FB70];
	v4 =	vor.u32 v52, v1;
	_ =	sdelay $0x3  }
0x3d5: {  	[tilespmem:v3+s17+$0x0] =	vst.idx.msk $0xffff, v2  }
0x3d6: {  	v43 =	vmov v44;
	v3 =	vor.u32 s29, v31;
	v2 =	vld.idx.msk [tilespmem:v4+s14+$0x0], $0xffff  }
0x3d7: {  	v44 =	vmovc v47;
	v47 =	vmovc v49;
	v49 =	vmov v50;
	v50 =	vmov v33;
	v33 =	vld [tilespmem:$0x1FB80];
	v4 =	vor.u32 v53, v1;
	_ =	sdelay $0x3  }
0x3d8: {  	[tilespmem:v3+s17+$0x0] =	vst.idx.msk $0xffff, v2  }
0x3d9: {  	v3 =	vor.u32 s29, v33;
	v2 =	vld.idx.msk [tilespmem:v4+s14+$0x0], $0xffff  }
0x3da: {  	v5 =	vld [tilespmem:$0x1FDE0];
	v4 =	vor.u32 v54, v1;
	_ =	sdelay $0x3  }
0x3db: {  	[tilespmem:v3+s17+$0x0] =	vst.idx.msk $0xffff, v2  }
0x3dc: {  	v3 =	vor.u32 s29, v5;
	v2 =	vld.idx.msk [tilespmem:v4+s14+$0x0], $0xffff  }
0x3dd: {  	v4 =	vor.u32 v56, v1;
	_ =	sdelay $0x3  }
0x3de: {  	[tilespmem:v3+s17+$0x0] =	vst.idx.msk $0xffff, v2  }
0x3df: {  	v3 =	vor.u32 s29, v32;
	v2 =	vld.idx.msk [tilespmem:v4+s14+$0x0], $0xffff;
	_ =	sdelay $0x4  }
0x3e0: {  	v4 =	vor.u32 v57, v1;
	[tilespmem:v3+s17+$0x0] =	vst.idx.msk $0xffff, v2;
	v3 =	vld [tilespmem:$0x1FDF0];
	_ =	sdelay $0x4  }
0x3e1: {  	v2 =	vld.idx.msk [tilespmem:v4+s14+$0x0], $0xffff;
	v30 =	vmov v3;
	v3 =	vor.u32 s29, v3  }
0x3e2: {  	v36 =	vld [tilespmem:$0x1FB90];
	v4 =	vor.u32 v60, v1;
	_ =	sdelay $0x3  }
0x3e3: {  	[tilespmem:v3+s17+$0x0] =	vst.idx.msk $0xffff, v2  }
0x3e4: {  	v3 =	vor.u32 s29, v36;
	v2 =	vld.idx.msk [tilespmem:v4+s14+$0x0], $0xffff  }
0x3e5: {  	v35 =	vld [tilespmem:$0x1FE10];
	v4 =	vor.u32 v62, v1;
	_ =	sdelay $0x3  }
0x3e6: {  	[tilespmem:v3+s17+$0x0] =	vst.idx.msk $0xffff, v2  }
0x3e7: {  	v3 =	vor.u32 s29, v35;
	v2 =	vld.idx.msk [tilespmem:v4+s14+$0x0], $0xffff  }
0x3e8: {  	v38 =	vld [tilespmem:$0x1FBA0];
	v4 =	vor.u32 v15, v1;
	_ =	sdelay $0x3  }
0x3e9: {  	v6 =	vld [tilespmem:$0x1FB50];
	[tilespmem:v3+s17+$0x0] =	vst.idx.msk $0xffff, v2  }
0x3ea: {  	v3 =	vor.u32 s29, v38;
	v2 =	vld.idx.msk [tilespmem:v4+s14+$0x0], $0xffff;
	_ =	sdelay $0x4  }
0x3eb: {  	v4 =	vor.u32 v6, v1;
	[tilespmem:v3+s17+$0x0] =	vst.idx.msk $0xffff, v2;
	v3 =	vld [tilespmem:$0x1FE20]  }
0x3ec: {  	v7 =	vld [tilespmem:$0x1FB60];
	_ =	sdelay $0x3  }
0x3ed: {  	v2 =	vld.idx.msk [tilespmem:v4+s14+$0x0], $0xffff;
	v3 =	vor.u32 s29, v3  }
0x3ee: {  	v9 =	vld [tilespmem:$0x1FE40];
	v4 =	vor.u32 v7, v1  }
0x3ef: {  	v19 =	vld [tilespmem:$0x1FC90];
	_ =	sdelay $0x2  }
0x3f0: {  	[tilespmem:v3+s17+$0x0] =	vst.idx.msk $0xffff, v2  }
0x3f1: {  	v3 =	vor.u32 s29, v9;
	v2 =	vld.idx.msk [tilespmem:v4+s14+$0x0], $0xffff  }
0x3f2: {  	v4 =	vor.u32 v19, v1;
	_ =	sdelay $0x3  }
0x3f3: {  	[tilespmem:v3+s17+$0x0] =	vst.idx.msk $0xffff, v2;
	v3 =	vld [tilespmem:$0x1FE50]  }
0x3f4: {  	v2 =	vld.idx.msk [tilespmem:v4+s14+$0x0], $0xffff  }
0x3f5: {  	v4 =	vld [tilespmem:$0x1FCA0];
	_ =	sdelay $0x4  }
0x3f6: {  	s30 =	simm.s32 $0x10;
	s0 =	simm.s32 $0x0;
	s1 =	simm.s32 $0x2;
	v39 =	vld [tilespmem:$0x1FE30];
	v40 =	vmovc v3;
	v3 =	vor.u32 s29, v3;
	v8 =	vmov v4;
	v1 =	vor.u32 v4, v1  }
.LBB2_7:
0x3f7: {  	_ = 	snop  }
0x3f8: {  	s12 =	sshll.u32 s0, $0x7;
	s31 =	sand.u32 $0x70, s30  }
0x3f9: {  	s12 =	sor.u32 s31, s12  }
0x3fa: {  	v4 =	vmov s12  }
0x3fb: {  	[tilespmem:v3+s17+$0x0] =	vst.idx.msk $0xffff, v2;
	v2 =	vshll.u32 v4, $0x5  }
0x3fc: {  	v4 =	vlaneseq.u32;
	v3 =	vld.idx.msk [tilespmem:v1+s14+$0x0], $0xffff;
	v1 =	vor.u32 v41, v2;
	v2 =	vor.u32 s29, v39  }
0x3fd: {  	v4 =	vor.u32 v4, v1;
	_ =	sdelay $0x2  }
0x3fe: {  	s23 =	sshll.u32 s0, $0xA  }
0x3ff: {  	s29 =	sor.u32 s31, s23;
	[tilespmem:v2+s17+$0x0] =	vst.idx.msk $0xffff, v3  }
0x400: {  	v3 =	vor.u32 s29, v10;
	v2 =	vld.idx.msk [tilespmem:v4+s14+$0x0], $0xffff;
	_ =	sdelay $0x4  }
0x401: {  	v4 =	vor.u32 v43, v1;
	[tilespmem:v3+s17+$0x0] =	vst.idx.msk $0xffff, v2;
	v3 =	vld [tilespmem:$0x1FCB0];
	_ =	sdelay $0x4  }
0x402: {  	v2 =	vld.idx.msk [tilespmem:v4+s14+$0x0], $0xffff;
	v3 =	vor.u32 s29, v3  }
0x403: {  	v4 =	vor.u32 v42, v1;
	_ =	sdelay $0x3  }
0x404: {  	[tilespmem:v3+s17+$0x0] =	vst.idx.msk $0xffff, v2  }
0x405: {  	v3 =	vor.u32 s29, v12;
	v2 =	vld.idx.msk [tilespmem:v4+s14+$0x0], $0xffff  }
0x406: {  	v4 =	vor.u32 v44, v1;
	_ =	sdelay $0x3  }
0x407: {  	[tilespmem:v3+s17+$0x0] =	vst.idx.msk $0xffff, v2  }
0x408: {  	v3 =	vor.u32 s29, v21;
	v2 =	vld.idx.msk [tilespmem:v4+s14+$0x0], $0xffff  }
0x409: {  	v4 =	vor.u32 v45, v1;
	_ =	sdelay $0x3  }
0x40a: {  	[tilespmem:v3+s17+$0x0] =	vst.idx.msk $0xffff, v2  }
0x40b: {  	v3 =	vor.u32 s29, v14;
	v2 =	vld.idx.msk [tilespmem:v4+s14+$0x0], $0xffff  }
0x40c: {  	v4 =	vor.u32 v47, v1;
	_ =	sdelay $0x3  }
0x40d: {  	[tilespmem:v3+s17+$0x0] =	vst.idx.msk $0xffff, v2  }
0x40e: {  	v3 =	vor.u32 s29, v23;
	v2 =	vld.idx.msk [tilespmem:v4+s14+$0x0], $0xffff  }
0x40f: {  	v4 =	vor.u32 v46, v1;
	_ =	sdelay $0x3  }
0x410: {  	[tilespmem:v3+s17+$0x0] =	vst.idx.msk $0xffff, v2  }
0x411: {  	v3 =	vor.u32 s29, v16;
	v2 =	vld.idx.msk [tilespmem:v4+s14+$0x0], $0xffff  }
0x412: {  	v4 =	vor.u32 v49, v1;
	_ =	sdelay $0x3  }
0x413: {  	[tilespmem:v3+s17+$0x0] =	vst.idx.msk $0xffff, v2  }
0x414: {  	v3 =	vor.u32 s29, v25;
	v2 =	vld.idx.msk [tilespmem:v4+s14+$0x0], $0xffff  }
0x415: {  	v4 =	vor.u32 v48, v1;
	_ =	sdelay $0x3  }
0x416: {  	[tilespmem:v3+s17+$0x0] =	vst.idx.msk $0xffff, v2  }
0x417: {  	v3 =	vor.u32 s29, v18;
	v2 =	vld.idx.msk [tilespmem:v4+s14+$0x0], $0xffff  }
0x418: {  	v4 =	vor.u32 v50, v1;
	_ =	sdelay $0x3  }
0x419: {  	[tilespmem:v3+s17+$0x0] =	vst.idx.msk $0xffff, v2  }
0x41a: {  	v3 =	vor.u32 s29, v27;
	v2 =	vld.idx.msk [tilespmem:v4+s14+$0x0], $0xffff  }
0x41b: {  	v4 =	vor.u32 v51, v1;
	_ =	sdelay $0x3  }
0x41c: {  	[tilespmem:v3+s17+$0x0] =	vst.idx.msk $0xffff, v2  }
0x41d: {  	v3 =	vor.u32 s29, v20;
	v2 =	vld.idx.msk [tilespmem:v4+s14+$0x0], $0xffff  }
0x41e: {  	v4 =	vor.u32 v55, v1;
	_ =	sdelay $0x3  }
0x41f: {  	[tilespmem:v3+s17+$0x0] =	vst.idx.msk $0xffff, v2  }
0x420: {  	v3 =	vor.u32 s29, v29;
	v2 =	vld.idx.msk [tilespmem:v4+s14+$0x0], $0xffff  }
0x421: {  	v4 =	vor.u32 v59, v1;
	_ =	sdelay $0x3  }
0x422: {  	[tilespmem:v3+s17+$0x0] =	vst.idx.msk $0xffff, v2  }
0x423: {  	v3 =	vor.u32 s29, v22;
	v2 =	vld.idx.msk [tilespmem:v4+s14+$0x0], $0xffff  }
0x424: {  	v4 =	vor.u32 v61, v1;
	_ =	sdelay $0x3  }
0x425: {  	[tilespmem:v3+s17+$0x0] =	vst.idx.msk $0xffff, v2  }
0x426: {  	v3 =	vor.u32 s29, v34;
	v2 =	vld.idx.msk [tilespmem:v4+s14+$0x0], $0xffff  }
0x427: {  	v4 =	vor.u32 v11, v1;
	_ =	sdelay $0x3  }
0x428: {  	[tilespmem:v3+s17+$0x0] =	vst.idx.msk $0xffff, v2  }
0x429: {  	v3 =	vor.u32 s29, v24;
	v2 =	vld.idx.msk [tilespmem:v4+s14+$0x0], $0xffff  }
0x42a: {  	v4 =	vor.u32 v13, v1;
	_ =	sdelay $0x3  }
0x42b: {  	[tilespmem:v3+s17+$0x0] =	vst.idx.msk $0xffff, v2  }
0x42c: {  	v3 =	vor.u32 s29, v37;
	v2 =	vld.idx.msk [tilespmem:v4+s14+$0x0], $0xffff  }
0x42d: {  	v4 =	vor.u32 v17, v1;
	_ =	sdelay $0x3  }
0x42e: {  	[tilespmem:v3+s17+$0x0] =	vst.idx.msk $0xffff, v2  }
0x42f: {  	v3 =	vor.u32 s29, v26;
	v2 =	vld.idx.msk [tilespmem:v4+s14+$0x0], $0xffff;
	_ =	sdelay $0x4  }
0x430: {  	v4 =	vor.u32 v58, v1;
	[tilespmem:v3+s17+$0x0] =	vst.idx.msk $0xffff, v2;
	v3 =	vld [tilespmem:$0x1FDB0];
	_ =	sdelay $0x4  }
0x431: {  	v2 =	vld.idx.msk [tilespmem:v4+s14+$0x0], $0xffff;
	v3 =	vor.u32 s29, v3  }
0x432: {  	v4 =	vor.u32 v63, v1;
	_ =	sdelay $0x3  }
0x433: {  	[tilespmem:v3+s17+$0x0] =	vst.idx.msk $0xffff, v2  }
0x434: {  	v3 =	vor.u32 s29, v28;
	v2 =	vld.idx.msk [tilespmem:v4+s14+$0x0], $0xffff;
	_ =	sdelay $0x4  }
0x435: {  	v4 =	vor.u32 v0, v1;
	[tilespmem:v3+s17+$0x0] =	vst.idx.msk $0xffff, v2;
	v3 =	vld [tilespmem:$0x1FDD0];
	_ =	sdelay $0x4  }
0x436: {  	v2 =	vld.idx.msk [tilespmem:v4+s14+$0x0], $0xffff;
	v3 =	vor.u32 s29, v3  }
0x437: {  	v4 =	vor.u32 v52, v1;
	_ =	sdelay $0x3  }
0x438: {  	[tilespmem:v3+s17+$0x0] =	vst.idx.msk $0xffff, v2  }
0x439: {  	v3 =	vor.u32 s29, v31;
	v2 =	vld.idx.msk [tilespmem:v4+s14+$0x0], $0xffff  }
0x43a: {  	v4 =	vor.u32 v53, v1;
	_ =	sdelay $0x3  }
0x43b: {  	[tilespmem:v3+s17+$0x0] =	vst.idx.msk $0xffff, v2  }
0x43c: {  	v3 =	vor.u32 s29, v33;
	v2 =	vld.idx.msk [tilespmem:v4+s14+$0x0], $0xffff  }
0x43d: {  	v4 =	vor.u32 v54, v1;
	_ =	sdelay $0x3  }
0x43e: {  	[tilespmem:v3+s17+$0x0] =	vst.idx.msk $0xffff, v2  }
0x43f: {  	v3 =	vor.u32 s29, v5;
	v2 =	vld.idx.msk [tilespmem:v4+s14+$0x0], $0xffff  }
0x440: {  	v4 =	vor.u32 v56, v1;
	_ =	sdelay $0x3  }
0x441: {  	[tilespmem:v3+s17+$0x0] =	vst.idx.msk $0xffff, v2  }
0x442: {  	v3 =	vor.u32 s29, v32;
	v2 =	vld.idx.msk [tilespmem:v4+s14+$0x0], $0xffff  }
0x443: {  	v4 =	vor.u32 v57, v1;
	_ =	sdelay $0x3  }
0x444: {  	[tilespmem:v3+s17+$0x0] =	vst.idx.msk $0xffff, v2  }
0x445: {  	v3 =	vor.u32 s29, v30;
	v2 =	vld.idx.msk [tilespmem:v4+s14+$0x0], $0xffff  }
0x446: {  	v4 =	vor.u32 v60, v1;
	_ =	sdelay $0x3  }
0x447: {  	[tilespmem:v3+s17+$0x0] =	vst.idx.msk $0xffff, v2  }
0x448: {  	v3 =	vor.u32 s29, v36;
	v2 =	vld.idx.msk [tilespmem:v4+s14+$0x0], $0xffff  }
0x449: {  	v4 =	vor.u32 v62, v1;
	_ =	sdelay $0x3  }
0x44a: {  	[tilespmem:v3+s17+$0x0] =	vst.idx.msk $0xffff, v2  }
0x44b: {  	v3 =	vor.u32 s29, v35;
	v2 =	vld.idx.msk [tilespmem:v4+s14+$0x0], $0xffff  }
0x44c: {  	v4 =	vor.u32 v15, v1;
	_ =	sdelay $0x3  }
0x44d: {  	[tilespmem:v3+s17+$0x0] =	vst.idx.msk $0xffff, v2  }
0x44e: {  	v3 =	vor.u32 s29, v38;
	v2 =	vld.idx.msk [tilespmem:v4+s14+$0x0], $0xffff;
	_ =	sdelay $0x4  }
0x44f: {  	v4 =	vor.u32 v6, v1;
	[tilespmem:v3+s17+$0x0] =	vst.idx.msk $0xffff, v2;
	v3 =	vld [tilespmem:$0x1FE20];
	_ =	sdelay $0x4  }
0x450: {  	v2 =	vld.idx.msk [tilespmem:v4+s14+$0x0], $0xffff;
	v3 =	vor.u32 s29, v3  }
0x451: {  	v4 =	vor.u32 v7, v1;
	_ =	sdelay $0x3  }
0x452: {  	[tilespmem:v3+s17+$0x0] =	vst.idx.msk $0xffff, v2  }
0x453: {  	v3 =	vor.u32 s29, v9;
	v2 =	vld.idx.msk [tilespmem:v4+s14+$0x0], $0xffff  }
0x454: {  	p0 =	sne.s32 s1, $0x1F;
	v4 =	vor.u32 v19, v1  }
.Ltmp4:
0x455: {  	_ = 	snop;
	(pc) =	sbr.rel @p0 .LBB2_7-.Ltmp4, $3  }
0x456: {  	_ =	sdelay $0x1  }
0x457: {  	[tilespmem:v3+s17+$0x0] =	vst.idx.msk $0xffff, v2  }
0x458: {  	s0 =	sshrl.u32 s1, $0x3;
	s1 =	sadd.s32 $0x1, s1;
	s30 =	sadd.s32 $0x10, s30;
	v1 =	vor.u32 v8, v1;
	v3 =	vor.u32 s29, v40;
	v2 =	vld.idx.msk [tilespmem:v4+s14+$0x0], $0xffff  }
0x459: {  	_ = 	snop  }
0x45a: {  	s1 =	sshll.u32 s0, $0x7;
	s12 =	sand.u32 $0x70, s30  }
0x45b: {  	s1 =	sor.u32 s12, s1  }
0x45c: {  	v4 =	vmov s1  }
0x45d: {  	[tilespmem:v3+s17+$0x0] =	vst.idx.msk $0xffff, v2;
	v2 =	vshll.u32 v4, $0x5  }
0x45e: {  	v3 =	vor.u32 s29, v39;
	v4 =	vlaneseq.u32;
	v1 =	vld.idx.msk [tilespmem:v1+s14+$0x0], $0xffff;
	v2 =	vor.u32 v41, v2  }
0x45f: {  	v4 =	vor.u32 v4, v2;
	_ =	sdelay $0x2  }
0x460: {  	s23 =	sshll.u32 s0, $0xA  }
0x461: {  	s0 =	sor.u32 s12, s23;
	[tilespmem:v3+s17+$0x0] =	vst.idx.msk $0xffff, v1  }
0x462: {  	v3 =	vor.u32 s0, v10;
	v1 =	vld.idx.msk [tilespmem:v4+s14+$0x0], $0xffff;
	_ =	sdelay $0x4  }
0x463: {  	v4 =	vor.u32 v43, v2;
	[tilespmem:v3+s17+$0x0] =	vst.idx.msk $0xffff, v1;
	v3 =	vld [tilespmem:$0x1FCB0];
	_ =	sdelay $0x4  }
0x464: {  	v1 =	vld.idx.msk [tilespmem:v4+s14+$0x0], $0xffff;
	v3 =	vor.u32 s0, v3  }
0x465: {  	v4 =	vor.u32 v42, v2;
	_ =	sdelay $0x3  }
0x466: {  	[tilespmem:v3+s17+$0x0] =	vst.idx.msk $0xffff, v1  }
0x467: {  	v3 =	vor.u32 s0, v12;
	v1 =	vld.idx.msk [tilespmem:v4+s14+$0x0], $0xffff  }
0x468: {  	v4 =	vor.u32 v44, v2;
	_ =	sdelay $0x3  }
0x469: {  	[tilespmem:v3+s17+$0x0] =	vst.idx.msk $0xffff, v1  }
0x46a: {  	v3 =	vor.u32 s0, v21;
	v1 =	vld.idx.msk [tilespmem:v4+s14+$0x0], $0xffff  }
0x46b: {  	v4 =	vor.u32 v45, v2;
	_ =	sdelay $0x3  }
0x46c: {  	[tilespmem:v3+s17+$0x0] =	vst.idx.msk $0xffff, v1  }
0x46d: {  	v3 =	vor.u32 s0, v14;
	v1 =	vld.idx.msk [tilespmem:v4+s14+$0x0], $0xffff  }
0x46e: {  	v4 =	vor.u32 v47, v2;
	_ =	sdelay $0x3  }
0x46f: {  	[tilespmem:v3+s17+$0x0] =	vst.idx.msk $0xffff, v1  }
0x470: {  	v3 =	vor.u32 s0, v23;
	v1 =	vld.idx.msk [tilespmem:v4+s14+$0x0], $0xffff  }
0x471: {  	v4 =	vor.u32 v46, v2;
	_ =	sdelay $0x3  }
0x472: {  	[tilespmem:v3+s17+$0x0] =	vst.idx.msk $0xffff, v1  }
0x473: {  	v3 =	vor.u32 s0, v16;
	v1 =	vld.idx.msk [tilespmem:v4+s14+$0x0], $0xffff  }
0x474: {  	v4 =	vor.u32 v49, v2;
	_ =	sdelay $0x3  }
0x475: {  	[tilespmem:v3+s17+$0x0] =	vst.idx.msk $0xffff, v1  }
0x476: {  	v3 =	vor.u32 s0, v25;
	v1 =	vld.idx.msk [tilespmem:v4+s14+$0x0], $0xffff  }
0x477: {  	v4 =	vor.u32 v48, v2;
	_ =	sdelay $0x3  }
0x478: {  	[tilespmem:v3+s17+$0x0] =	vst.idx.msk $0xffff, v1  }
0x479: {  	v3 =	vor.u32 s0, v18;
	v1 =	vld.idx.msk [tilespmem:v4+s14+$0x0], $0xffff  }
0x47a: {  	v4 =	vor.u32 v50, v2;
	_ =	sdelay $0x3  }
0x47b: {  	[tilespmem:v3+s17+$0x0] =	vst.idx.msk $0xffff, v1  }
0x47c: {  	v3 =	vor.u32 s0, v27;
	v1 =	vld.idx.msk [tilespmem:v4+s14+$0x0], $0xffff  }
0x47d: {  	v4 =	vor.u32 v51, v2;
	_ =	sdelay $0x3  }
0x47e: {  	[tilespmem:v3+s17+$0x0] =	vst.idx.msk $0xffff, v1  }
0x47f: {  	v3 =	vor.u32 s0, v20;
	v1 =	vld.idx.msk [tilespmem:v4+s14+$0x0], $0xffff  }
0x480: {  	v4 =	vor.u32 v55, v2;
	_ =	sdelay $0x3  }
0x481: {  	[tilespmem:v3+s17+$0x0] =	vst.idx.msk $0xffff, v1  }
0x482: {  	v3 =	vor.u32 s0, v29;
	v1 =	vld.idx.msk [tilespmem:v4+s14+$0x0], $0xffff  }
0x483: {  	v4 =	vor.u32 v59, v2;
	_ =	sdelay $0x3  }
0x484: {  	[tilespmem:v3+s17+$0x0] =	vst.idx.msk $0xffff, v1  }
0x485: {  	v3 =	vor.u32 s0, v22;
	v1 =	vld.idx.msk [tilespmem:v4+s14+$0x0], $0xffff  }
0x486: {  	v4 =	vor.u32 v61, v2;
	_ =	sdelay $0x3  }
0x487: {  	[tilespmem:v3+s17+$0x0] =	vst.idx.msk $0xffff, v1  }
0x488: {  	v3 =	vor.u32 s0, v34;
	v1 =	vld.idx.msk [tilespmem:v4+s14+$0x0], $0xffff  }
0x489: {  	v4 =	vor.u32 v11, v2;
	_ =	sdelay $0x3  }
0x48a: {  	[tilespmem:v3+s17+$0x0] =	vst.idx.msk $0xffff, v1  }
0x48b: {  	v3 =	vor.u32 s0, v24;
	v1 =	vld.idx.msk [tilespmem:v4+s14+$0x0], $0xffff  }
0x48c: {  	v4 =	vor.u32 v13, v2;
	_ =	sdelay $0x3  }
0x48d: {  	[tilespmem:v3+s17+$0x0] =	vst.idx.msk $0xffff, v1  }
0x48e: {  	v3 =	vor.u32 s0, v37;
	v1 =	vld.idx.msk [tilespmem:v4+s14+$0x0], $0xffff  }
0x48f: {  	v4 =	vor.u32 v17, v2;
	_ =	sdelay $0x3  }
0x490: {  	[tilespmem:v3+s17+$0x0] =	vst.idx.msk $0xffff, v1  }
0x491: {  	v3 =	vor.u32 s0, v26;
	v1 =	vld.idx.msk [tilespmem:v4+s14+$0x0], $0xffff;
	_ =	sdelay $0x4  }
0x492: {  	v4 =	vor.u32 v58, v2;
	[tilespmem:v3+s17+$0x0] =	vst.idx.msk $0xffff, v1;
	v3 =	vld [tilespmem:$0x1FDB0];
	_ =	sdelay $0x4  }
0x493: {  	v1 =	vld.idx.msk [tilespmem:v4+s14+$0x0], $0xffff;
	v3 =	vor.u32 s0, v3  }
0x494: {  	v4 =	vor.u32 v63, v2;
	_ =	sdelay $0x3  }
0x495: {  	[tilespmem:v3+s17+$0x0] =	vst.idx.msk $0xffff, v1  }
0x496: {  	v3 =	vor.u32 s0, v28;
	v1 =	vld.idx.msk [tilespmem:v4+s14+$0x0], $0xffff;
	_ =	sdelay $0x4  }
0x497: {  	v4 =	vor.u32 v0, v2;
	[tilespmem:v3+s17+$0x0] =	vst.idx.msk $0xffff, v1;
	v3 =	vld [tilespmem:$0x1FDD0];
	_ =	sdelay $0x4  }
0x498: {  	v1 =	vld.idx.msk [tilespmem:v4+s14+$0x0], $0xffff;
	v3 =	vor.u32 s0, v3  }
0x499: {  	v4 =	vor.u32 v52, v2;
	_ =	sdelay $0x3  }
0x49a: {  	[tilespmem:v3+s17+$0x0] =	vst.idx.msk $0xffff, v1  }
0x49b: {  	v3 =	vor.u32 s0, v31;
	v1 =	vld.idx.msk [tilespmem:v4+s14+$0x0], $0xffff  }
0x49c: {  	v4 =	vor.u32 v53, v2;
	_ =	sdelay $0x3  }
0x49d: {  	[tilespmem:v3+s17+$0x0] =	vst.idx.msk $0xffff, v1  }
0x49e: {  	v3 =	vor.u32 s0, v33;
	v1 =	vld.idx.msk [tilespmem:v4+s14+$0x0], $0xffff  }
0x49f: {  	v4 =	vor.u32 v54, v2;
	_ =	sdelay $0x3  }
0x4a0: {  	[tilespmem:v3+s17+$0x0] =	vst.idx.msk $0xffff, v1  }
0x4a1: {  	v3 =	vor.u32 s0, v5;
	v1 =	vld.idx.msk [tilespmem:v4+s14+$0x0], $0xffff  }
0x4a2: {  	v4 =	vor.u32 v56, v2;
	_ =	sdelay $0x3  }
0x4a3: {  	[tilespmem:v3+s17+$0x0] =	vst.idx.msk $0xffff, v1  }
0x4a4: {  	v3 =	vor.u32 s0, v32;
	v1 =	vld.idx.msk [tilespmem:v4+s14+$0x0], $0xffff  }
0x4a5: {  	v4 =	vor.u32 v57, v2;
	_ =	sdelay $0x3  }
0x4a6: {  	[tilespmem:v3+s17+$0x0] =	vst.idx.msk $0xffff, v1  }
0x4a7: {  	v3 =	vor.u32 s0, v30;
	v1 =	vld.idx.msk [tilespmem:v4+s14+$0x0], $0xffff  }
0x4a8: {  	v4 =	vor.u32 v60, v2;
	_ =	sdelay $0x3  }
0x4a9: {  	[tilespmem:v3+s17+$0x0] =	vst.idx.msk $0xffff, v1  }
0x4aa: {  	v3 =	vor.u32 s0, v36;
	v1 =	vld.idx.msk [tilespmem:v4+s14+$0x0], $0xffff  }
0x4ab: {  	v4 =	vor.u32 v62, v2;
	_ =	sdelay $0x3  }
0x4ac: {  	[tilespmem:v3+s17+$0x0] =	vst.idx.msk $0xffff, v1  }
0x4ad: {  	v3 =	vor.u32 s0, v35;
	v1 =	vld.idx.msk [tilespmem:v4+s14+$0x0], $0xffff  }
0x4ae: {  	v4 =	vor.u32 v15, v2;
	_ =	sdelay $0x3  }
0x4af: {  	[tilespmem:v3+s17+$0x0] =	vst.idx.msk $0xffff, v1  }
0x4b0: {  	v3 =	vor.u32 s0, v38;
	v1 =	vld.idx.msk [tilespmem:v4+s14+$0x0], $0xffff;
	_ =	sdelay $0x4  }
0x4b1: {  	v4 =	vor.u32 v6, v2;
	[tilespmem:v3+s17+$0x0] =	vst.idx.msk $0xffff, v1;
	v3 =	vld [tilespmem:$0x1FE20];
	_ =	sdelay $0x4  }
0x4b2: {  	v1 =	vld.idx.msk [tilespmem:v4+s14+$0x0], $0xffff;
	v3 =	vor.u32 s0, v3  }
0x4b3: {  	v4 =	vor.u32 v7, v2;
	_ =	sdelay $0x3  }
0x4b4: {  	[tilespmem:v3+s17+$0x0] =	vst.idx.msk $0xffff, v1  }
0x4b5: {  	v3 =	vor.u32 s0, v9;
	v1 =	vld.idx.msk [tilespmem:v4+s14+$0x0], $0xffff  }
0x4b6: {  	v4 =	vor.u32 v19, v2;
	_ =	sdelay $0x3  }
0x4b7: {  	[tilespmem:v3+s17+$0x0] =	vst.idx.msk $0xffff, v1  }
0x4b8: {  	v3 =	vor.u32 s0, v40;
	v1 =	vld.idx.msk [tilespmem:v4+s14+$0x0], $0xffff  }
0x4b9: {  	v2 =	vor.u32 v8, v2;
	_ =	sdelay $0x3  }
0x4ba: {  	[tilespmem:v3+s17+$0x0] =	vst.idx.msk $0xffff, v1  }
0x4bb: {  	v1 =	vld.idx.msk [tilespmem:v2+s14+$0x0], $0xffff;
	v2 =	vor.u32 s0, v39;
	_ =	sdelay $0x2  }
0x4bc: {  	s1 =	sshll.u32 s28, $0x11  }
0x4bd: {  	s30 =	sor.u32 s5, s1  }
0x4be: {  	p0 =	seq.s32 s28, $0x18;
	s12 =	simm.s32 $0x0;
	s0 =	sadd.s32 s2, s30;
	[tilespmem:v2+s17+$0x0] =	vst.idx.msk $0xffff, v1  }
0x4bf: {  	[hbm4b:s0+s18] =	stream.strided.scatter [tilespmem:s17], [sflag:$0x3], $0x4000, s19, s18, $0x38;
	[tilespmem:$0x16400] =	vst v63  }
0x4c0: {  	s20 =	simm.s32 $0x0;
	s29 =	sshll.u32 s28, $0xC;
	s0 =	sand.u32 $0x70, s12  }
0x4c1: {  	s12 =	sshrl.u32 @!p0 s29, $0x2;
	s1 =	sor.u32 s0, s20  }
0x4c2: {  	s31 =	simm.s32 @!p0 $0x200;
	s12 =	sadd.s32 @!p0 $0x400, s12;
	v1 =	vmov s1;
	s1 =	simm.s32 @!p0 $0x6400  }
0x4c3: {  	[tilespmem:s1], [sflag:$0x1] =	stream.indirect.gather @!p0 [hbm4b:s4+s31], $0x20, s12, s31, $0xb8;
	v1 =	vshll.u32 v1, $0x5;
	[tilespmem:$0x16400] =	vst v63  }
0x4c4: {  	v2 =	vlaneseq.u32;
	_ =	swait.ge [sflag:s21], $0x4000;
	v1 =	vor.u32 v41, v1  }
0x4c5: {  	[sflag:s21] =	ssyncset.done $0x0;
	v2 =	vor.u32 v2, v1  }
0x4c6: {  	[sflag:s21] =	ssyncadd.s32 $0xFFFFC000  }
0x4c7: {  	_ =	swait.ge [sflag:s25], $0x4000  }
0x4c8: {  	s23 =	simm.s32 $0x0;
	[sflag:s25] =	ssyncset.done $0x0  }
0x4c9: {  	s31 =	sor.u32 s0, s23;
	[sflag:s25] =	ssyncadd.s32 $0xFFFFC000  }
0x4ca: {  	v3 =	vor.u32 s31, v10;
	v2 =	vld.idx.msk [tilespmem:v2+s15+$0x0], $0xffff;
	_ =	sdelay $0x4  }
0x4cb: {  	v4 =	vor.u32 v43, v1;
	[tilespmem:v3+s22+$0x0] =	vst.idx.msk $0xffff, v2;
	v3 =	vld [tilespmem:$0x1FCB0];
	_ =	sdelay $0x4  }
0x4cc: {  	v2 =	vld.idx.msk [tilespmem:v4+s15+$0x0], $0xffff;
	v3 =	vor.u32 s31, v3  }
0x4cd: {  	v4 =	vor.u32 v42, v1;
	_ =	sdelay $0x3  }
0x4ce: {  	[tilespmem:v3+s22+$0x0] =	vst.idx.msk $0xffff, v2  }
0x4cf: {  	v3 =	vor.u32 s31, v12;
	v2 =	vld.idx.msk [tilespmem:v4+s15+$0x0], $0xffff;
	_ =	sdelay $0x4  }
0x4d0: {  	v4 =	vor.u32 v44, v1;
	[tilespmem:v3+s22+$0x0] =	vst.idx.msk $0xffff, v2;
	v3 =	vld [tilespmem:$0x1FCD0];
	_ =	sdelay $0x4  }
0x4d1: {  	v2 =	vld.idx.msk [tilespmem:v4+s15+$0x0], $0xffff;
	v3 =	vor.u32 s31, v3  }
0x4d2: {  	v4 =	vor.u32 v45, v1;
	_ =	sdelay $0x3  }
0x4d3: {  	[tilespmem:v3+s22+$0x0] =	vst.idx.msk $0xffff, v2  }
0x4d4: {  	v3 =	vor.u32 s31, v14;
	v2 =	vld.idx.msk [tilespmem:v4+s15+$0x0], $0xffff;
	_ =	sdelay $0x4  }
0x4d5: {  	v4 =	vor.u32 v47, v1;
	[tilespmem:v3+s22+$0x0] =	vst.idx.msk $0xffff, v2;
	v3 =	vld [tilespmem:$0x1FCF0];
	_ =	sdelay $0x4  }
0x4d6: {  	v2 =	vld.idx.msk [tilespmem:v4+s15+$0x0], $0xffff;
	v3 =	vor.u32 s31, v3  }
0x4d7: {  	v4 =	vor.u32 v46, v1;
	_ =	sdelay $0x3  }
0x4d8: {  	[tilespmem:v3+s22+$0x0] =	vst.idx.msk $0xffff, v2  }
0x4d9: {  	v3 =	vor.u32 s31, v16;
	v2 =	vld.idx.msk [tilespmem:v4+s15+$0x0], $0xffff;
	_ =	sdelay $0x4  }
0x4da: {  	v4 =	vor.u32 v49, v1;
	[tilespmem:v3+s22+$0x0] =	vst.idx.msk $0xffff, v2;
	v3 =	vld [tilespmem:$0x1FD10];
	_ =	sdelay $0x4  }
0x4db: {  	v2 =	vld.idx.msk [tilespmem:v4+s15+$0x0], $0xffff;
	v3 =	vor.u32 s31, v3  }
0x4dc: {  	v4 =	vor.u32 v48, v1;
	_ =	sdelay $0x3  }
0x4dd: {  	[tilespmem:v3+s22+$0x0] =	vst.idx.msk $0xffff, v2  }
0x4de: {  	v3 =	vor.u32 s31, v18;
	v2 =	vld.idx.msk [tilespmem:v4+s15+$0x0], $0xffff;
	_ =	sdelay $0x4  }
0x4df: {  	v4 =	vor.u32 v50, v1;
	[tilespmem:v3+s22+$0x0] =	vst.idx.msk $0xffff, v2;
	v3 =	vld [tilespmem:$0x1FD30];
	_ =	sdelay $0x4  }
0x4e0: {  	v2 =	vld.idx.msk [tilespmem:v4+s15+$0x0], $0xffff;
	v3 =	vor.u32 s31, v3  }
0x4e1: {  	v4 =	vor.u32 v51, v1;
	_ =	sdelay $0x3  }
0x4e2: {  	[tilespmem:v3+s22+$0x0] =	vst.idx.msk $0xffff, v2  }
0x4e3: {  	v3 =	vor.u32 s31, v20;
	v2 =	vld.idx.msk [tilespmem:v4+s15+$0x0], $0xffff;
	_ =	sdelay $0x4  }
0x4e4: {  	v4 =	vor.u32 v55, v1;
	[tilespmem:v3+s22+$0x0] =	vst.idx.msk $0xffff, v2;
	v3 =	vld [tilespmem:$0x1FD50];
	_ =	sdelay $0x4  }
0x4e5: {  	v2 =	vld.idx.msk [tilespmem:v4+s15+$0x0], $0xffff;
	v3 =	vor.u32 s31, v3  }
0x4e6: {  	v4 =	vor.u32 v59, v1;
	_ =	sdelay $0x3  }
0x4e7: {  	[tilespmem:v3+s22+$0x0] =	vst.idx.msk $0xffff, v2  }
0x4e8: {  	v3 =	vor.u32 s31, v22;
	v2 =	vld.idx.msk [tilespmem:v4+s15+$0x0], $0xffff;
	_ =	sdelay $0x4  }
0x4e9: {  	v4 =	vor.u32 v61, v1;
	[tilespmem:v3+s22+$0x0] =	vst.idx.msk $0xffff, v2;
	v3 =	vld [tilespmem:$0x1FD70];
	_ =	sdelay $0x4  }
0x4ea: {  	v2 =	vld.idx.msk [tilespmem:v4+s15+$0x0], $0xffff;
	v3 =	vor.u32 s31, v3  }
0x4eb: {  	v4 =	vor.u32 v11, v1;
	_ =	sdelay $0x3  }
0x4ec: {  	[tilespmem:v3+s22+$0x0] =	vst.idx.msk $0xffff, v2  }
0x4ed: {  	v3 =	vor.u32 s31, v24;
	v2 =	vld.idx.msk [tilespmem:v4+s15+$0x0], $0xffff;
	_ =	sdelay $0x4  }
0x4ee: {  	v4 =	vor.u32 v13, v1;
	[tilespmem:v3+s22+$0x0] =	vst.idx.msk $0xffff, v2;
	v3 =	vld [tilespmem:$0x1FD90];
	_ =	sdelay $0x4  }
0x4ef: {  	v2 =	vld.idx.msk [tilespmem:v4+s15+$0x0], $0xffff;
	v3 =	vor.u32 s31, v3  }
0x4f0: {  	v4 =	vor.u32 v17, v1;
	_ =	sdelay $0x3  }
0x4f1: {  	[tilespmem:v3+s22+$0x0] =	vst.idx.msk $0xffff, v2  }
0x4f2: {  	v3 =	vor.u32 s31, v26;
	v2 =	vld.idx.msk [tilespmem:v4+s15+$0x0], $0xffff;
	_ =	sdelay $0x4  }
0x4f3: {  	v4 =	vor.u32 v58, v1;
	[tilespmem:v3+s22+$0x0] =	vst.idx.msk $0xffff, v2;
	v3 =	vld [tilespmem:$0x1FDB0];
	_ =	sdelay $0x4  }
0x4f4: {  	v2 =	vld.idx.msk [tilespmem:v4+s15+$0x0], $0xffff;
	v3 =	vor.u32 s31, v3  }
0x4f5: {  	v4 =	vor.u32 v63, v1;
	_ =	sdelay $0x3  }
0x4f6: {  	[tilespmem:v3+s22+$0x0] =	vst.idx.msk $0xffff, v2  }
0x4f7: {  	v3 =	vor.u32 s31, v28;
	v2 =	vld.idx.msk [tilespmem:v4+s15+$0x0], $0xffff;
	_ =	sdelay $0x4  }
0x4f8: {  	v4 =	vor.u32 v0, v1;
	[tilespmem:v3+s22+$0x0] =	vst.idx.msk $0xffff, v2;
	v3 =	vld [tilespmem:$0x1FDD0];
	_ =	sdelay $0x4  }
0x4f9: {  	v2 =	vld.idx.msk [tilespmem:v4+s15+$0x0], $0xffff;
	v3 =	vor.u32 s31, v3  }
0x4fa: {  	v4 =	vor.u32 v52, v1;
	_ =	sdelay $0x3  }
0x4fb: {  	[tilespmem:v3+s22+$0x0] =	vst.idx.msk $0xffff, v2  }
0x4fc: {  	v3 =	vor.u32 s31, v31;
	v2 =	vld.idx.msk [tilespmem:v4+s15+$0x0], $0xffff  }
0x4fd: {  	v4 =	vor.u32 v53, v1;
	_ =	sdelay $0x3  }
0x4fe: {  	[tilespmem:v3+s22+$0x0] =	vst.idx.msk $0xffff, v2  }
0x4ff: {  	v3 =	vor.u32 s31, v33;
	v2 =	vld.idx.msk [tilespmem:v4+s15+$0x0], $0xffff  }
0x500: {  	v4 =	vor.u32 v54, v1;
	_ =	sdelay $0x3  }
0x501: {  	[tilespmem:v3+s22+$0x0] =	vst.idx.msk $0xffff, v2  }
0x502: {  	v3 =	vor.u32 s31, v5;
	v2 =	vld.idx.msk [tilespmem:v4+s15+$0x0], $0xffff  }
0x503: {  	v4 =	vor.u32 v56, v1;
	_ =	sdelay $0x3  }
0x504: {  	[tilespmem:v3+s22+$0x0] =	vst.idx.msk $0xffff, v2  }
0x505: {  	v3 =	vor.u32 s31, v32;
	v2 =	vld.idx.msk [tilespmem:v4+s15+$0x0], $0xffff;
	_ =	sdelay $0x4  }
0x506: {  	v4 =	vor.u32 v57, v1;
	[tilespmem:v3+s22+$0x0] =	vst.idx.msk $0xffff, v2;
	v3 =	vld [tilespmem:$0x1FDF0];
	_ =	sdelay $0x4  }
0x507: {  	v2 =	vld.idx.msk [tilespmem:v4+s15+$0x0], $0xffff;
	v3 =	vor.u32 s31, v3  }
0x508: {  	v4 =	vor.u32 v60, v1;
	_ =	sdelay $0x3  }
0x509: {  	[tilespmem:v3+s22+$0x0] =	vst.idx.msk $0xffff, v2  }
0x50a: {  	v3 =	vor.u32 s31, v36;
	v2 =	vld.idx.msk [tilespmem:v4+s15+$0x0], $0xffff  }
0x50b: {  	v4 =	vor.u32 v62, v1;
	_ =	sdelay $0x3  }
0x50c: {  	[tilespmem:v3+s22+$0x0] =	vst.idx.msk $0xffff, v2  }
0x50d: {  	v3 =	vor.u32 s31, v35;
	v2 =	vld.idx.msk [tilespmem:v4+s15+$0x0], $0xffff  }
0x50e: {  	v4 =	vor.u32 v15, v1;
	_ =	sdelay $0x3  }
0x50f: {  	[tilespmem:v3+s22+$0x0] =	vst.idx.msk $0xffff, v2  }
0x510: {  	v3 =	vor.u32 s31, v38;
	v2 =	vld.idx.msk [tilespmem:v4+s15+$0x0], $0xffff;
	_ =	sdelay $0x4  }
0x511: {  	v4 =	vor.u32 v6, v1;
	[tilespmem:v3+s22+$0x0] =	vst.idx.msk $0xffff, v2;
	v3 =	vld [tilespmem:$0x1FE20];
	_ =	sdelay $0x4  }
0x512: {  	v2 =	vld.idx.msk [tilespmem:v4+s15+$0x0], $0xffff;
	v3 =	vor.u32 s31, v3  }
0x513: {  	v4 =	vor.u32 v7, v1;
	_ =	sdelay $0x3  }
0x514: {  	[tilespmem:v3+s22+$0x0] =	vst.idx.msk $0xffff, v2  }
0x515: {  	v3 =	vor.u32 s31, v9;
	v2 =	vld.idx.msk [tilespmem:v4+s15+$0x0], $0xffff  }
0x516: {  	v4 =	vor.u32 v19, v1;
	_ =	sdelay $0x3  }
0x517: {  	[tilespmem:v3+s22+$0x0] =	vst.idx.msk $0xffff, v2;
	v3 =	vld [tilespmem:$0x1FE50]  }
0x518: {  	v2 =	vld.idx.msk [tilespmem:v4+s15+$0x0], $0xffff  }
0x519: {  	v4 =	vld [tilespmem:$0x1FCA0];
	_ =	sdelay $0x4  }
0x51a: {  	s12 =	simm.s32 $0x0;
	s0 =	simm.s32 $0x2;
	s1 =	simm.s32 $0x10;
	v3 =	vor.u32 s31, v3;
	v1 =	vor.u32 v4, v1  }
.LBB2_9:
0x51b: {  	_ = 	snop  }
0x51c: {  	s20 =	sshll.u32 s12, $0x7;
	s23 =	sand.u32 $0x70, s1  }
0x51d: {  	s20 =	sor.u32 s23, s20  }
0x51e: {  	v4 =	vmov s20  }
0x51f: {  	[tilespmem:v3+s22+$0x0] =	vst.idx.msk $0xffff, v2;
	v2 =	vshll.u32 v4, $0x5  }
0x520: {  	v4 =	vlaneseq.u32;
	v3 =	vld.idx.msk [tilespmem:v1+s15+$0x0], $0xffff;
	v1 =	vor.u32 v41, v2;
	v2 =	vor.u32 s31, v39  }
0x521: {  	v4 =	vor.u32 v4, v1;
	_ =	sdelay $0x2  }
0x522: {  	s20 =	sshll.u32 s12, $0xA  }
0x523: {  	s31 =	sor.u32 s23, s20;
	[tilespmem:v2+s22+$0x0] =	vst.idx.msk $0xffff, v3  }
0x524: {  	v3 =	vor.u32 s31, v10;
	v2 =	vld.idx.msk [tilespmem:v4+s15+$0x0], $0xffff;
	_ =	sdelay $0x4  }
0x525: {  	v4 =	vor.u32 v43, v1;
	[tilespmem:v3+s22+$0x0] =	vst.idx.msk $0xffff, v2;
	v3 =	vld [tilespmem:$0x1FCB0];
	_ =	sdelay $0x4  }
0x526: {  	v2 =	vld.idx.msk [tilespmem:v4+s15+$0x0], $0xffff;
	v3 =	vor.u32 s31, v3  }
0x527: {  	v4 =	vor.u32 v42, v1;
	_ =	sdelay $0x3  }
0x528: {  	[tilespmem:v3+s22+$0x0] =	vst.idx.msk $0xffff, v2  }
0x529: {  	v3 =	vor.u32 s31, v12;
	v2 =	vld.idx.msk [tilespmem:v4+s15+$0x0], $0xffff  }
0x52a: {  	v4 =	vor.u32 v44, v1;
	_ =	sdelay $0x3  }
0x52b: {  	[tilespmem:v3+s22+$0x0] =	vst.idx.msk $0xffff, v2  }
0x52c: {  	v3 =	vor.u32 s31, v21;
	v2 =	vld.idx.msk [tilespmem:v4+s15+$0x0], $0xffff  }
0x52d: {  	v4 =	vor.u32 v45, v1;
	_ =	sdelay $0x3  }
0x52e: {  	[tilespmem:v3+s22+$0x0] =	vst.idx.msk $0xffff, v2  }
0x52f: {  	v3 =	vor.u32 s31, v14;
	v2 =	vld.idx.msk [tilespmem:v4+s15+$0x0], $0xffff  }
0x530: {  	v4 =	vor.u32 v47, v1;
	_ =	sdelay $0x3  }
0x531: {  	[tilespmem:v3+s22+$0x0] =	vst.idx.msk $0xffff, v2  }
0x532: {  	v3 =	vor.u32 s31, v23;
	v2 =	vld.idx.msk [tilespmem:v4+s15+$0x0], $0xffff  }
0x533: {  	v4 =	vor.u32 v46, v1;
	_ =	sdelay $0x3  }
0x534: {  	[tilespmem:v3+s22+$0x0] =	vst.idx.msk $0xffff, v2  }
0x535: {  	v3 =	vor.u32 s31, v16;
	v2 =	vld.idx.msk [tilespmem:v4+s15+$0x0], $0xffff  }
0x536: {  	v4 =	vor.u32 v49, v1;
	_ =	sdelay $0x3  }
0x537: {  	[tilespmem:v3+s22+$0x0] =	vst.idx.msk $0xffff, v2  }
0x538: {  	v3 =	vor.u32 s31, v25;
	v2 =	vld.idx.msk [tilespmem:v4+s15+$0x0], $0xffff  }
0x539: {  	v4 =	vor.u32 v48, v1;
	_ =	sdelay $0x3  }
0x53a: {  	[tilespmem:v3+s22+$0x0] =	vst.idx.msk $0xffff, v2  }
0x53b: {  	v3 =	vor.u32 s31, v18;
	v2 =	vld.idx.msk [tilespmem:v4+s15+$0x0], $0xffff  }
0x53c: {  	v4 =	vor.u32 v50, v1;
	_ =	sdelay $0x3  }
0x53d: {  	[tilespmem:v3+s22+$0x0] =	vst.idx.msk $0xffff, v2  }
0x53e: {  	v3 =	vor.u32 s31, v27;
	v2 =	vld.idx.msk [tilespmem:v4+s15+$0x0], $0xffff  }
0x53f: {  	v4 =	vor.u32 v51, v1;
	_ =	sdelay $0x3  }
0x540: {  	[tilespmem:v3+s22+$0x0] =	vst.idx.msk $0xffff, v2  }
0x541: {  	v3 =	vor.u32 s31, v20;
	v2 =	vld.idx.msk [tilespmem:v4+s15+$0x0], $0xffff  }
0x542: {  	v4 =	vor.u32 v55, v1;
	_ =	sdelay $0x3  }
0x543: {  	[tilespmem:v3+s22+$0x0] =	vst.idx.msk $0xffff, v2  }
0x544: {  	v3 =	vor.u32 s31, v29;
	v2 =	vld.idx.msk [tilespmem:v4+s15+$0x0], $0xffff  }
0x545: {  	v4 =	vor.u32 v59, v1;
	_ =	sdelay $0x3  }
0x546: {  	[tilespmem:v3+s22+$0x0] =	vst.idx.msk $0xffff, v2  }
0x547: {  	v3 =	vor.u32 s31, v22;
	v2 =	vld.idx.msk [tilespmem:v4+s15+$0x0], $0xffff  }
0x548: {  	v4 =	vor.u32 v61, v1;
	_ =	sdelay $0x3  }
0x549: {  	[tilespmem:v3+s22+$0x0] =	vst.idx.msk $0xffff, v2  }
0x54a: {  	v3 =	vor.u32 s31, v34;
	v2 =	vld.idx.msk [tilespmem:v4+s15+$0x0], $0xffff  }
0x54b: {  	v4 =	vor.u32 v11, v1;
	_ =	sdelay $0x3  }
0x54c: {  	[tilespmem:v3+s22+$0x0] =	vst.idx.msk $0xffff, v2  }
0x54d: {  	v3 =	vor.u32 s31, v24;
	v2 =	vld.idx.msk [tilespmem:v4+s15+$0x0], $0xffff  }
0x54e: {  	v4 =	vor.u32 v13, v1;
	_ =	sdelay $0x3  }
0x54f: {  	[tilespmem:v3+s22+$0x0] =	vst.idx.msk $0xffff, v2  }
0x550: {  	v3 =	vor.u32 s31, v37;
	v2 =	vld.idx.msk [tilespmem:v4+s15+$0x0], $0xffff  }
0x551: {  	v4 =	vor.u32 v17, v1;
	_ =	sdelay $0x3  }
0x552: {  	[tilespmem:v3+s22+$0x0] =	vst.idx.msk $0xffff, v2  }
0x553: {  	v3 =	vor.u32 s31, v26;
	v2 =	vld.idx.msk [tilespmem:v4+s15+$0x0], $0xffff;
	_ =	sdelay $0x4  }
0x554: {  	v4 =	vor.u32 v58, v1;
	[tilespmem:v3+s22+$0x0] =	vst.idx.msk $0xffff, v2;
	v3 =	vld [tilespmem:$0x1FDB0];
	_ =	sdelay $0x4  }
0x555: {  	v2 =	vld.idx.msk [tilespmem:v4+s15+$0x0], $0xffff;
	v3 =	vor.u32 s31, v3  }
0x556: {  	v4 =	vor.u32 v63, v1;
	_ =	sdelay $0x3  }
0x557: {  	[tilespmem:v3+s22+$0x0] =	vst.idx.msk $0xffff, v2  }
0x558: {  	v3 =	vor.u32 s31, v28;
	v2 =	vld.idx.msk [tilespmem:v4+s15+$0x0], $0xffff;
	_ =	sdelay $0x4  }
0x559: {  	v4 =	vor.u32 v0, v1;
	[tilespmem:v3+s22+$0x0] =	vst.idx.msk $0xffff, v2;
	v3 =	vld [tilespmem:$0x1FDD0];
	_ =	sdelay $0x4  }
0x55a: {  	v2 =	vld.idx.msk [tilespmem:v4+s15+$0x0], $0xffff;
	v3 =	vor.u32 s31, v3  }
0x55b: {  	v4 =	vor.u32 v52, v1;
	_ =	sdelay $0x3  }
0x55c: {  	[tilespmem:v3+s22+$0x0] =	vst.idx.msk $0xffff, v2  }
0x55d: {  	v3 =	vor.u32 s31, v31;
	v2 =	vld.idx.msk [tilespmem:v4+s15+$0x0], $0xffff  }
0x55e: {  	v4 =	vor.u32 v53, v1;
	_ =	sdelay $0x3  }
0x55f: {  	[tilespmem:v3+s22+$0x0] =	vst.idx.msk $0xffff, v2  }
0x560: {  	v3 =	vor.u32 s31, v33;
	v2 =	vld.idx.msk [tilespmem:v4+s15+$0x0], $0xffff  }
0x561: {  	v4 =	vor.u32 v54, v1;
	_ =	sdelay $0x3  }
0x562: {  	[tilespmem:v3+s22+$0x0] =	vst.idx.msk $0xffff, v2  }
0x563: {  	v3 =	vor.u32 s31, v5;
	v2 =	vld.idx.msk [tilespmem:v4+s15+$0x0], $0xffff  }
0x564: {  	v4 =	vor.u32 v56, v1;
	_ =	sdelay $0x3  }
0x565: {  	[tilespmem:v3+s22+$0x0] =	vst.idx.msk $0xffff, v2  }
0x566: {  	v3 =	vor.u32 s31, v32;
	v2 =	vld.idx.msk [tilespmem:v4+s15+$0x0], $0xffff  }
0x567: {  	v4 =	vor.u32 v57, v1;
	_ =	sdelay $0x3  }
0x568: {  	[tilespmem:v3+s22+$0x0] =	vst.idx.msk $0xffff, v2  }
0x569: {  	v3 =	vor.u32 s31, v30;
	v2 =	vld.idx.msk [tilespmem:v4+s15+$0x0], $0xffff  }
0x56a: {  	v4 =	vor.u32 v60, v1;
	_ =	sdelay $0x3  }
0x56b: {  	[tilespmem:v3+s22+$0x0] =	vst.idx.msk $0xffff, v2  }
0x56c: {  	v3 =	vor.u32 s31, v36;
	v2 =	vld.idx.msk [tilespmem:v4+s15+$0x0], $0xffff  }
0x56d: {  	v4 =	vor.u32 v62, v1;
	_ =	sdelay $0x3  }
0x56e: {  	[tilespmem:v3+s22+$0x0] =	vst.idx.msk $0xffff, v2  }
0x56f: {  	v3 =	vor.u32 s31, v35;
	v2 =	vld.idx.msk [tilespmem:v4+s15+$0x0], $0xffff  }
0x570: {  	v4 =	vor.u32 v15, v1;
	_ =	sdelay $0x3  }
0x571: {  	[tilespmem:v3+s22+$0x0] =	vst.idx.msk $0xffff, v2  }
0x572: {  	v3 =	vor.u32 s31, v38;
	v2 =	vld.idx.msk [tilespmem:v4+s15+$0x0], $0xffff;
	_ =	sdelay $0x4  }
0x573: {  	v4 =	vor.u32 v6, v1;
	[tilespmem:v3+s22+$0x0] =	vst.idx.msk $0xffff, v2;
	v3 =	vld [tilespmem:$0x1FE20];
	_ =	sdelay $0x4  }
0x574: {  	v2 =	vld.idx.msk [tilespmem:v4+s15+$0x0], $0xffff;
	v3 =	vor.u32 s31, v3  }
0x575: {  	v4 =	vor.u32 v7, v1;
	_ =	sdelay $0x3  }
0x576: {  	[tilespmem:v3+s22+$0x0] =	vst.idx.msk $0xffff, v2  }
0x577: {  	v3 =	vor.u32 s31, v9;
	v2 =	vld.idx.msk [tilespmem:v4+s15+$0x0], $0xffff  }
0x578: {  	p1 =	sne.s32 s0, $0x1F;
	v4 =	vor.u32 v19, v1  }
.Ltmp5:
0x579: {  	_ = 	snop;
	(pc) =	sbr.rel @p1 .LBB2_9-.Ltmp5, $3  }
0x57a: {  	_ =	sdelay $0x1  }
0x57b: {  	[tilespmem:v3+s22+$0x0] =	vst.idx.msk $0xffff, v2  }
0x57c: {  	s1 =	sadd.s32 $0x10, s1;
	s12 =	sshrl.u32 s0, $0x3;
	s0 =	sadd.s32 $0x1, s0;
	v1 =	vor.u32 v8, v1;
	v3 =	vor.u32 s31, v40;
	v2 =	vld.idx.msk [tilespmem:v4+s15+$0x0], $0xffff  }
0x57d: {  	_ = 	snop  }
0x57e: {  	s0 =	sshll.u32 s12, $0x7;
	s1 =	sand.u32 $0x70, s1  }
0x57f: {  	s0 =	sor.u32 s1, s0  }
0x580: {  	v4 =	vmov s0  }
0x581: {  	[tilespmem:v3+s22+$0x0] =	vst.idx.msk $0xffff, v2;
	v2 =	vshll.u32 v4, $0x5  }
0x582: {  	v3 =	vor.u32 s31, v39;
	v1 =	vld.idx.msk [tilespmem:v1+s15+$0x0], $0xffff;
	v2 =	vor.u32 v41, v2;
	v41 =	vlaneseq.u32  }
0x583: {  	v4 =	vor.u32 v41, v2;
	_ =	sdelay $0x2  }
0x584: {  	s23 =	sshll.u32 s12, $0xA  }
0x585: {  	s0 =	sor.u32 s1, s23;
	[tilespmem:v3+s22+$0x0] =	vst.idx.msk $0xffff, v1  }
0x586: {  	v3 =	vor.u32 s0, v10;
	v1 =	vld.idx.msk [tilespmem:v4+s15+$0x0], $0xffff  }
0x587: {  	v41 =	vor.u32 v43, v2;
	v10 =	vld [tilespmem:$0x1FCB0];
	_ =	sdelay $0x3  }
0x588: {  	[tilespmem:v3+s22+$0x0] =	vst.idx.msk $0xffff, v1  }
0x589: {  	v3 =	vor.u32 s0, v10;
	v1 =	vld.idx.msk [tilespmem:v41+s15+$0x0], $0xffff  }
0x58a: {  	v43 =	vor.u32 v42, v2;
	_ =	sdelay $0x3  }
0x58b: {  	[tilespmem:v3+s22+$0x0] =	vst.idx.msk $0xffff, v1  }
0x58c: {  	v3 =	vor.u32 s0, v12;
	v1 =	vld.idx.msk [tilespmem:v43+s15+$0x0], $0xffff  }
0x58d: {  	v44 =	vor.u32 v44, v2;
	_ =	sdelay $0x3  }
0x58e: {  	[tilespmem:v3+s22+$0x0] =	vst.idx.msk $0xffff, v1  }
0x58f: {  	v3 =	vor.u32 s0, v21;
	v1 =	vld.idx.msk [tilespmem:v44+s15+$0x0], $0xffff  }
0x590: {  	v45 =	vor.u32 v45, v2;
	_ =	sdelay $0x3  }
0x591: {  	[tilespmem:v3+s22+$0x0] =	vst.idx.msk $0xffff, v1  }
0x592: {  	v3 =	vor.u32 s0, v14;
	v1 =	vld.idx.msk [tilespmem:v45+s15+$0x0], $0xffff  }
0x593: {  	v47 =	vor.u32 v47, v2;
	_ =	sdelay $0x3  }
0x594: {  	[tilespmem:v3+s22+$0x0] =	vst.idx.msk $0xffff, v1  }
0x595: {  	v3 =	vor.u32 s0, v23;
	v1 =	vld.idx.msk [tilespmem:v47+s15+$0x0], $0xffff  }
0x596: {  	v12 =	vor.u32 v46, v2;
	_ =	sdelay $0x3  }
0x597: {  	[tilespmem:v3+s22+$0x0] =	vst.idx.msk $0xffff, v1  }
0x598: {  	v3 =	vor.u32 s0, v16;
	v1 =	vld.idx.msk [tilespmem:v12+s15+$0x0], $0xffff  }
0x599: {  	v14 =	vor.u32 v49, v2;
	_ =	sdelay $0x3  }
0x59a: {  	[tilespmem:v3+s22+$0x0] =	vst.idx.msk $0xffff, v1  }
0x59b: {  	v3 =	vor.u32 s0, v25;
	v1 =	vld.idx.msk [tilespmem:v14+s15+$0x0], $0xffff  }
0x59c: {  	v16 =	vor.u32 v48, v2;
	_ =	sdelay $0x3  }
0x59d: {  	[tilespmem:v3+s22+$0x0] =	vst.idx.msk $0xffff, v1  }
0x59e: {  	v3 =	vor.u32 s0, v18;
	v1 =	vld.idx.msk [tilespmem:v16+s15+$0x0], $0xffff  }
0x59f: {  	v41 =	vor.u32 v50, v2;
	_ =	sdelay $0x3  }
0x5a0: {  	[tilespmem:v3+s22+$0x0] =	vst.idx.msk $0xffff, v1  }
0x5a1: {  	v3 =	vor.u32 s0, v27;
	v1 =	vld.idx.msk [tilespmem:v41+s15+$0x0], $0xffff  }
0x5a2: {  	v42 =	vor.u32 v51, v2;
	_ =	sdelay $0x3  }
0x5a3: {  	[tilespmem:v3+s22+$0x0] =	vst.idx.msk $0xffff, v1  }
0x5a4: {  	v3 =	vor.u32 s0, v20;
	v1 =	vld.idx.msk [tilespmem:v42+s15+$0x0], $0xffff  }
0x5a5: {  	v43 =	vor.u32 v55, v2;
	_ =	sdelay $0x3  }
0x5a6: {  	[tilespmem:v3+s22+$0x0] =	vst.idx.msk $0xffff, v1  }
0x5a7: {  	v3 =	vor.u32 s0, v29;
	v1 =	vld.idx.msk [tilespmem:v43+s15+$0x0], $0xffff  }
0x5a8: {  	v44 =	vor.u32 v59, v2;
	_ =	sdelay $0x3  }
0x5a9: {  	[tilespmem:v3+s22+$0x0] =	vst.idx.msk $0xffff, v1  }
0x5aa: {  	v3 =	vor.u32 s0, v22;
	v1 =	vld.idx.msk [tilespmem:v44+s15+$0x0], $0xffff  }
0x5ab: {  	v45 =	vor.u32 v61, v2;
	_ =	sdelay $0x3  }
0x5ac: {  	[tilespmem:v3+s22+$0x0] =	vst.idx.msk $0xffff, v1  }
0x5ad: {  	v3 =	vor.u32 s0, v34;
	v1 =	vld.idx.msk [tilespmem:v45+s15+$0x0], $0xffff  }
0x5ae: {  	v46 =	vor.u32 v11, v2;
	_ =	sdelay $0x3  }
0x5af: {  	[tilespmem:v3+s22+$0x0] =	vst.idx.msk $0xffff, v1  }
0x5b0: {  	v3 =	vor.u32 s0, v24;
	v1 =	vld.idx.msk [tilespmem:v46+s15+$0x0], $0xffff  }
0x5b1: {  	v47 =	vor.u32 v13, v2;
	_ =	sdelay $0x3  }
0x5b2: {  	[tilespmem:v3+s22+$0x0] =	vst.idx.msk $0xffff, v1  }
0x5b3: {  	v3 =	vor.u32 s0, v37;
	v1 =	vld.idx.msk [tilespmem:v47+s15+$0x0], $0xffff  }
0x5b4: {  	v48 =	vor.u32 v17, v2;
	_ =	sdelay $0x3  }
0x5b5: {  	[tilespmem:v3+s22+$0x0] =	vst.idx.msk $0xffff, v1  }
0x5b6: {  	v3 =	vor.u32 s0, v26;
	v1 =	vld.idx.msk [tilespmem:v48+s15+$0x0], $0xffff  }
0x5b7: {  	v49 =	vor.u32 v58, v2;
	v26 =	vld [tilespmem:$0x1FDB0];
	_ =	sdelay $0x3  }
0x5b8: {  	[tilespmem:v3+s22+$0x0] =	vst.idx.msk $0xffff, v1  }
0x5b9: {  	v3 =	vor.u32 s0, v26;
	v1 =	vld.idx.msk [tilespmem:v49+s15+$0x0], $0xffff  }
0x5ba: {  	v50 =	vor.u32 v63, v2;
	_ =	sdelay $0x3  }
0x5bb: {  	[tilespmem:v3+s22+$0x0] =	vst.idx.msk $0xffff, v1  }
0x5bc: {  	v3 =	vor.u32 s0, v28;
	v1 =	vld.idx.msk [tilespmem:v50+s15+$0x0], $0xffff  }
0x5bd: {  	v51 =	vor.u32 v0, v2;
	v28 =	vld [tilespmem:$0x1FDD0];
	_ =	sdelay $0x3  }
0x5be: {  	[tilespmem:v3+s22+$0x0] =	vst.idx.msk $0xffff, v1  }
0x5bf: {  	v3 =	vor.u32 s0, v28;
	v1 =	vld.idx.msk [tilespmem:v51+s15+$0x0], $0xffff  }
0x5c0: {  	v52 =	vor.u32 v52, v2;
	_ =	sdelay $0x3  }
0x5c1: {  	[tilespmem:v3+s22+$0x0] =	vst.idx.msk $0xffff, v1  }
0x5c2: {  	v3 =	vor.u32 s0, v31;
	v1 =	vld.idx.msk [tilespmem:v52+s15+$0x0], $0xffff  }
0x5c3: {  	v53 =	vor.u32 v53, v2;
	_ =	sdelay $0x3  }
0x5c4: {  	[tilespmem:v3+s22+$0x0] =	vst.idx.msk $0xffff, v1  }
0x5c5: {  	v3 =	vor.u32 s0, v33;
	v1 =	vld.idx.msk [tilespmem:v53+s15+$0x0], $0xffff  }
0x5c6: {  	v55 =	vor.u32 v54, v2;
	_ =	sdelay $0x3  }
0x5c7: {  	[tilespmem:v3+s22+$0x0] =	vst.idx.msk $0xffff, v1  }
0x5c8: {  	v3 =	vor.u32 s0, v5;
	v1 =	vld.idx.msk [tilespmem:v55+s15+$0x0], $0xffff  }
0x5c9: {  	v56 =	vor.u32 v56, v2;
	_ =	sdelay $0x3  }
0x5ca: {  	[tilespmem:v3+s22+$0x0] =	vst.idx.msk $0xffff, v1  }
0x5cb: {  	v3 =	vor.u32 s0, v32;
	v1 =	vld.idx.msk [tilespmem:v56+s15+$0x0], $0xffff  }
0x5cc: {  	v57 =	vor.u32 v57, v2;
	_ =	sdelay $0x3  }
0x5cd: {  	[tilespmem:v3+s22+$0x0] =	vst.idx.msk $0xffff, v1  }
0x5ce: {  	v3 =	vor.u32 s0, v30;
	v1 =	vld.idx.msk [tilespmem:v57+s15+$0x0], $0xffff  }
0x5cf: {  	v58 =	vor.u32 v60, v2;
	_ =	sdelay $0x3  }
0x5d0: {  	[tilespmem:v3+s22+$0x0] =	vst.idx.msk $0xffff, v1  }
0x5d1: {  	v3 =	vor.u32 s0, v36;
	v1 =	vld.idx.msk [tilespmem:v58+s15+$0x0], $0xffff  }
0x5d2: {  	v59 =	vor.u32 v62, v2;
	_ =	sdelay $0x3  }
0x5d3: {  	[tilespmem:v3+s22+$0x0] =	vst.idx.msk $0xffff, v1  }
0x5d4: {  	v3 =	vor.u32 s0, v35;
	v1 =	vld.idx.msk [tilespmem:v59+s15+$0x0], $0xffff  }
0x5d5: {  	v60 =	vor.u32 v15, v2;
	_ =	sdelay $0x3  }
0x5d6: {  	[tilespmem:v3+s22+$0x0] =	vst.idx.msk $0xffff, v1  }
0x5d7: {  	v3 =	vor.u32 s0, v38;
	v1 =	vld.idx.msk [tilespmem:v60+s15+$0x0], $0xffff  }
0x5d8: {  	v61 =	vor.u32 v6, v2;
	v35 =	vld [tilespmem:$0x1FE20];
	_ =	sdelay $0x3  }
0x5d9: {  	[tilespmem:v3+s22+$0x0] =	vst.idx.msk $0xffff, v1  }
0x5da: {  	v3 =	vor.u32 s0, v35;
	v1 =	vld.idx.msk [tilespmem:v61+s15+$0x0], $0xffff  }
0x5db: {  	v62 =	vor.u32 v7, v2;
	_ =	sdelay $0x3  }
0x5dc: {  	[tilespmem:v3+s22+$0x0] =	vst.idx.msk $0xffff, v1  }
0x5dd: {  	v3 =	vor.u32 s0, v9;
	v1 =	vld.idx.msk [tilespmem:v62+s15+$0x0], $0xffff  }
0x5de: {  	v63 =	vor.u32 v19, v2;
	_ =	sdelay $0x3  }
0x5df: {  	[tilespmem:v3+s22+$0x0] =	vst.idx.msk $0xffff, v1  }
0x5e0: {  	v3 =	vor.u32 s0, v40;
	v1 =	vld.idx.msk [tilespmem:v63+s15+$0x0], $0xffff  }
0x5e1: {  	v2 =	vor.u32 v8, v2;
	_ =	sdelay $0x3  }
0x5e2: {  	[tilespmem:v3+s22+$0x0] =	vst.idx.msk $0xffff, v1  }
0x5e3: {  	v1 =	vld.idx.msk [tilespmem:v2+s15+$0x0], $0xffff;
	v2 =	vor.u32 s0, v39;
	_ =	sdelay $0x1  }
.Ltmp6:
0x5e4: {  	_ = 	snop;
	(pc) =	sbr.rel @p0 .LBB2_12-.Ltmp6, $3  }
0x5e5: {  	_ =	sdelay $0x1  }
0x5e6: {  	s31 =	sadd.s32 s30, s8;
	[tilespmem:v2+s22+$0x0] =	vst.idx.msk $0xffff, v1  }
0x5e7: {  	v0 =	vmov v32;
	v41 =	vmov v15;
	v43 =	vmov v17;
	[hbm4b:s31+s18] =	stream.strided.scatter [tilespmem:s22], [sflag:$0x4], $0x4000, s19, s18, $0x38;
	[tilespmem:$0x16400] =	vst v63  }
0x5e8: {  	v10 =	vld [tilespmem:$0x1FE00]  }
0x5e9: {  	v42 =	vld [tilespmem:$0x1FE60]  }
0x5ea: {  	v45 =	vld [tilespmem:$0x1FE70]  }
0x5eb: {  	v44 =	vld [tilespmem:$0x1FE80]  }
0x5ec: {  	v47 =	vld [tilespmem:$0x1FE90]  }
0x5ed: {  	v46 =	vld [tilespmem:$0x1FEA0]  }
0x5ee: {  	v48 =	vld [tilespmem:$0x1FEB0]  }
0x5ef: {  	v49 =	vld [tilespmem:$0x1FEC0]  }
0x5f0: {  	v37 =	vld [tilespmem:$0x1FED0]  }
0x5f1: {  	v50 =	vld [tilespmem:$0x1FEE0]  }
0x5f2: {  	v33 =	vld [tilespmem:$0x1FEF0]  }
0x5f3: {  	v51 =	vld [tilespmem:$0x1FF00]  }
0x5f4: {  	v52 =	vld [tilespmem:$0x1FF10]  }
0x5f5: {  	v53 =	vld [tilespmem:$0x1FF20]  }
0x5f6: {  	v54 =	vld [tilespmem:$0x1FF30]  }
0x5f7: {  	v55 =	vld [tilespmem:$0x1FF40]  }
0x5f8: {  	v56 =	vld [tilespmem:$0x1FF50]  }
0x5f9: {  	v57 =	vld [tilespmem:$0x1FF60]  }
0x5fa: {  	v58 =	vld [tilespmem:$0x1FF70]  }
0x5fb: {  	v59 =	vld [tilespmem:$0x1FF80]  }
0x5fc: {  	v60 =	vld [tilespmem:$0x1FF90]  }
0x5fd: {  	v61 =	vld [tilespmem:$0x1FFA0]  }
.Ltmp7:
0x5fe: {  	v62 =	vld [tilespmem:$0x1FFB0];
	(pc) =	sbr.rel .LBB2_6-.Ltmp7, $4  }
0x5ff: {  	v63 =	vld [tilespmem:$0x1FFC0]  }
0x600: {  	s0 =	sshrl.u32 s29, $0x2;
	v32 =	vmov v0;
	v0 =	vld [tilespmem:$0x1FFD0]  }
0x601: {  	s28 =	sadd.s32 $0x1, s28;
	v11 =	vld [tilespmem:$0x1FFE0];
	s0 =	sadd.s32 $0x600, s0  }
0x602: {  	v13 =	vld [tilespmem:$0x1FFF0];
	v15 =	vmov v41;
	v17 =	vmov v43;
	[tilespmem:s15], [sflag:$0x2] =	stream.indirect.gather [hbm4b:s4+s11], $0x20, s0, s11, $0xb8  }
.LBB2_13:
0x603: {  	_ =	sfence.sel $0x180000  }
0x604: {  	[bflag:$0x0] =	sbarrier.arrive $0xFFFF  }
0x605: {  	_ =	strace $0x90000047  }
0x606: {  	s0 =	stileid.u32;
	[bflag:$0x2] =	sbarrier.arrive $0xFFFF  }
0x607: {  	p0 =	sne.s32 s0, $0x0;
	s0 =	rddreg [dreg:$0x2]  }
0x608: {  	s0 =	sadd.s32 @!p0 $0x100000, s0  }
0x609: {  	[sflag:s0] =	ssyncadd.tile.s32 @!p0 $0x1;
	_ =	shalt  }
.Lfunc_end2:
_tile_overlayer_lowered:
.L_overlay_start_2:
0x60a: {  	(tag) =	ssettag $0x2  }
0x60b: {  	s0 =	rddreg [dreg:$0x0];
	s2 =	stileid.u32  }
0x60c: {  	s1 =	rddreg [dreg:$0x1];
	p0 =	sne.s32 s2, $0x0  }
0x60d: {  	s3 =	rddreg [dreg:$0x2];
	[bflag:$0x3] =	sbarrier.arrive $0xFFFF;
	s2 =	simm.s32 @!p0 $0x1C05  }
0x60e: {  	[timem:s3], [sflag:s2] =	dma.local @!p0 [hbm:s0], s1  }
0x60f: {  	s0 =	simm.s32 @!p0 $0x5  }
0x610: {  	_ =	swait.ge @!p0 [sflag:s0], s1  }
0x611: {  	s1 =	ssub.s32 @!p0 $0x0, s1;
	[sflag:s0] =	ssyncset.done @!p0 $0x0  }
0x612: {  	[sflag:s0] =	ssyncadd.s32 @!p0 s1  }
0x613: {  	[bflag:$0x3] =	sbarrier.arrive $0xFFFF  }
0x614: {  	_ =	shalt  }

</sc_bundles>
